<compile_context>
chip_gen: v7x
topology: tpu7x:2x2x1
jax: 0.10.2.dev20260603
libtpu: 0.0.44.dev20260713+nightly
codegen_flags: <defaults>
</compile_context>

<pallas_src>
import functools

import jax
import jax.numpy as jnp
import numpy as np
from jax import lax
from jax.experimental import pallas as pl
from jax.experimental.pallas import tpu as pltpu
from jax.experimental.pallas import tpu_sc as plsc

B, V, D, NF, L, ND = 4096, 100000, 64, 26, 50, 3
OUTW = (NF + 1) * D + ND
NC, NS = 2, 16
NW = NC * NS
BPW = B // NW
NVR = D // 16


def _sc_body(table, sparse_idx, seq_idx, dense_vals, out,
             spv, spvT, sqv, dv, fr0, fr1, fr2, fr3, q0, q1, q2, q3, pool_v,
             gs0, gs1, gs2, gs3, qs0, qs1, qs2, qs3):
    c = lax.axis_index("c")
    s = lax.axis_index("s")
    w = s * NC + c
    base = w * BPW

    pltpu.sync_copy(sparse_idx.at[pl.ds(base, BPW)], spv)
    pltpu.sync_copy(seq_idx.at[pl.ds(base, BPW)], sqv)
    pltpu.sync_copy(dense_vals.at[pl.ds(base, BPW)], dv)

    lanes = lax.iota(jnp.int32, 16)

    def tstep(i, carry):
        f = i // (BPW // 16)
        r0 = (i % (BPW // 16)) * 16
        vals = plsc.load_gather(spv, [r0 + lanes, jnp.full((16,), f, jnp.int32)])
        spvT[f, pl.ds(r0, 16)] = vals
        return carry

    lax.fori_loop(0, NF * BPW // 16, tstep, 0)

    def g_start(f, buf, sem):
        pltpu.async_copy(table.at[spvT.at[f]], buf, sem)

    def g_wait(f, buf, sem):
        pltpu.make_async_copy(table.at[spvT.at[f]], buf, sem).wait()

    def f_write(f, buf):
        pltpu.sync_copy(buf, out.at[pl.ds(base, BPW), pl.ds(f * D, D)])

    frs = (fr0, fr1, fr2, fr3)
    gss = (gs0, gs1, gs2, gs3)
    for b in range(4):
        g_start(b, frs[b], gss[b])

    def squad(p, carry):
        for b in range(4):
            f = 4 * p + b

            @pl.when(f < NF)
            def _():
                g_wait(f, frs[b], gss[b])
                f_write(f, frs[b])

                @pl.when(f + 4 < NF)
                def _():
                    g_start(f + 4, frs[b], gss[b])
        return carry

    lax.fori_loop(0, (NF + 3) // 4, squad, 0)

    scale = jnp.full((16,), np.float32(1.0 / L), jnp.float32)

    def q_start(j, buf, sem):
        pltpu.async_copy(table.at[sqv.at[j]], buf, sem)

    def q_wait(j, buf, sem):
        pltpu.make_async_copy(table.at[sqv.at[j]], buf, sem).wait()

    def reduce_row(j, buf):
        accs = [buf[0, pl.ds(d * 16, 16)] for d in range(NVR)]
        for k in range(1, L):
            for d in range(NVR):
                accs[d] = accs[d] + buf[k, pl.ds(d * 16, 16)]
        for d in range(NVR):
            pool_v[j, pl.ds(d * 16, 16)] = accs[d] * scale

    qs = (q0, q1, q2, q3)
    qss = (qs0, qs1, qs2, qs3)
    for b in range(4):
        q_start(b, qs[b], qss[b])

    def qquad(p, carry):
        for b in range(4):
            j = 4 * p + b
            q_wait(j, qs[b], qss[b])
            reduce_row(j, qs[b])

            @pl.when(j + 4 < BPW)
            def _():
                q_start(j + 4, qs[b], qss[b])
        return carry

    lax.fori_loop(0, BPW // 4, qquad, 0)
    pltpu.sync_copy(pool_v, out.at[pl.ds(base, BPW), pl.ds(NF * D, D)])
    pltpu.sync_copy(dv, out.at[pl.ds(base, BPW), pl.ds((NF + 1) * D, ND)])


@jax.jit
def kernel(sparse_idx, seq_idx, dense_vals, table):
    mesh = plsc.VectorSubcoreMesh(core_axis_name="c", subcore_axis_name="s")
    sc = functools.partial(
        pl.kernel,
        mesh=mesh,
        compiler_params=pltpu.CompilerParams(
            use_tc_tiling_on_sc=False, needs_layout_passes=False),
        out_type=jax.ShapeDtypeStruct((B, OUTW), jnp.float32),
        scratch_types=[
            pltpu.VMEM((BPW, NF), jnp.int32),
            pltpu.VMEM((NF, BPW), jnp.int32),
            pltpu.VMEM((BPW, L), jnp.int32),
            pltpu.VMEM((BPW, ND), jnp.float32),
            pltpu.VMEM((BPW, D), jnp.float32),
            pltpu.VMEM((BPW, D), jnp.float32),
            pltpu.VMEM((BPW, D), jnp.float32),
            pltpu.VMEM((BPW, D), jnp.float32),
            pltpu.VMEM((L, D), jnp.float32),
            pltpu.VMEM((L, D), jnp.float32),
            pltpu.VMEM((L, D), jnp.float32),
            pltpu.VMEM((L, D), jnp.float32),
            pltpu.VMEM((BPW, D), jnp.float32),
        ] + [pltpu.SemaphoreType.DMA] * 8,
    )(_sc_body)
    return sc(table, sparse_idx, seq_idx, dense_vals)

# --- scband reference (transcript-rebuilt; emitter-appended) ---
"""Pipeline reference for scband-embedding-layer-5205500363295 (READ-ONLY COPY).

The authoritative reference and input builder live on the scoring server;
editing this copy changes nothing except your own understanding.
"""

import jax, jax.numpy as jnp
import numpy as np

B = 4096
V = 100000
D = 64
NF = 26
L = 50
ND = 3


def setup_inputs(seed: int = 0) -> dict:
    key = jax.random.key(seed)
    k1, k2, k3, k4 = jax.random.split(key, 4)
    sparse_idx = jax.random.randint(k1, (B, NF), 0, V, dtype=jnp.int32)
    seq_idx = jax.random.randint(k2, (B, L), 0, V, dtype=jnp.int32)
    dense_vals = jax.random.normal(k3, (B, ND), dtype=jnp.float32)
    # shared embedding table (all sparse fields + sequence feature share cat_0's table)
    table = jax.random.normal(k4, (V, D), dtype=jnp.float32) * 0.01
    return {"sparse_idx": sparse_idx, "seq_idx": seq_idx, "dense_vals": dense_vals, "table": table}


def reference(sparse_idx, seq_idx, dense_vals, table):
    # --- sparse feature lookups: each field -> [B, 1, D], concatenated -> [B, NF, D]
    sparse_emb = jnp.take(table, sparse_idx, axis=0)  # [B, NF, D]

    # --- sequence feature lookup with mean pooling (AveragePooling + InputMask)
    seq_emb = jnp.take(table, seq_idx, axis=0)  # [B, L, D]
    # padding_idx is None -> mask = (idx != -1), shape [B, 1, L]
    mask = (seq_idx != -1).astype(jnp.float32)[:, None, :]
    sum_pooling_matrix = jnp.matmul(mask, seq_emb)[:, 0, :]  # bmm(mask, x).squeeze(1) -> [B, D]
    non_padding_length = jnp.sum(mask, axis=-1)  # [B, 1]
    pooled = sum_pooling_matrix / (non_padding_length + 1e-16)  # [B, D]

    # --- concat sparse + pooled sequence -> [B, NF+1, D]
    emb = jnp.concatenate([sparse_emb, pooled[:, None, :]], axis=1)

    # --- squeeze_dim=True with dense features present:
    # cat(sparse_emb.flatten(start_dim=1), dense_values) -> [B, (NF+1)*D + ND]
    out = jnp.concatenate([emb.reshape(emb.shape[0], -1), dense_vals], axis=1)
    return out

if __name__ == "__main__":
    import jax
    _d = setup_inputs()
    print(jax.jit(kernel)(*tuple(_d.values())))

</pallas_src>

<mosaic_0001>
#map = affine_map<(d0, d1) -> (0, 0)>
module attributes {stable_mosaic.version = 14 : i64} {
  func.func @_sc_body(%arg0: i32, %arg1: i32, %arg2: memref<100000x64xf32, #tpu.memory_space<hbm>>, %arg3: memref<4096x26xi32, #tpu.memory_space<hbm>>, %arg4: memref<4096x50xi32, #tpu.memory_space<hbm>>, %arg5: memref<4096x3xf32, #tpu.memory_space<hbm>>, %arg6: memref<4096x1731xf32, #tpu.memory_space<hbm>>, %arg7: memref<128x26xi32, #tpu.memory_space<vmem>>, %arg8: memref<26x128xi32, #tpu.memory_space<vmem>>, %arg9: memref<128x50xi32, #tpu.memory_space<vmem>>, %arg10: memref<128x3xf32, #tpu.memory_space<vmem>>, %arg11: memref<128x64xf32, #tpu.memory_space<vmem>>, %arg12: memref<128x64xf32, #tpu.memory_space<vmem>>, %arg13: memref<128x64xf32, #tpu.memory_space<vmem>>, %arg14: memref<128x64xf32, #tpu.memory_space<vmem>>, %arg15: memref<50x64xf32, #tpu.memory_space<vmem>>, %arg16: memref<50x64xf32, #tpu.memory_space<vmem>>, %arg17: memref<50x64xf32, #tpu.memory_space<vmem>>, %arg18: memref<50x64xf32, #tpu.memory_space<vmem>>, %arg19: memref<128x64xf32, #tpu.memory_space<vmem>>, %arg20: memref<!tpu.dma_semaphore, #tpu.memory_space<semaphore_mem>>, %arg21: memref<!tpu.dma_semaphore, #tpu.memory_space<semaphore_mem>>, %arg22: memref<!tpu.dma_semaphore, #tpu.memory_space<semaphore_mem>>, %arg23: memref<!tpu.dma_semaphore, #tpu.memory_space<semaphore_mem>>, %arg24: memref<!tpu.dma_semaphore, #tpu.memory_space<semaphore_mem>>, %arg25: memref<!tpu.dma_semaphore, #tpu.memory_space<semaphore_mem>>, %arg26: memref<!tpu.dma_semaphore, #tpu.memory_space<semaphore_mem>>, %arg27: memref<!tpu.dma_semaphore, #tpu.memory_space<semaphore_mem>>) attributes {dimension_semantics = [#tpu.dimension_semantics<core_parallel>, #tpu.dimension_semantics<subcore_parallel>], iteration_bounds = array<i64: 2, 16>, scalar_prefetch = 0 : i64, scratch_operands = 21 : i64, tpu.core_type = #tpu.core_type<sc_vector_subcore>, window_params = [{transform_indices = #map}, {transform_indices = #map}, {transform_indices = #map}, {transform_indices = #map}, {transform_indices = #map}]} {
    %mul3A = arith.constant 2 : i32
    %mul3A_0 = arith.muli %arg1, %mul3A : i32
    %add3A = arith.addi %mul3A_0, %arg0 : i32
    %mul3A_1 = arith.constant 128 : i32
    %mul3A_2 = arith.muli %add3A, %mul3A_1 : i32
    "tpu.region"() ({
      %run_scoped3A = tpu.sem_alloc : memref<!tpu.dma_semaphore, #tpu.memory_space<semaphore_mem>>
      %dma_start3A_76 = arith.constant 0 : i32
      %dma_start3A_77 = tpu.memref_slice %arg3[%mul3A_2, %dma_start3A_76] : memref<4096x26xi32, #tpu.memory_space<hbm>> -> memref<128x26xi32, #tpu.memory_space<hbm>>
      %dma_start3A_78 = arith.constant 0 : i32
      %dma_start3A_79 = tpu.memref_slice %arg3[%mul3A_2, %dma_start3A_78] : memref<4096x26xi32, #tpu.memory_space<hbm>> -> memref<128x26xi32, #tpu.memory_space<hbm>>
      tpu.enqueue_dma source(%dma_start3A_79 : memref<128x26xi32, #tpu.memory_space<hbm>>) target(%arg7 : memref<128x26xi32, #tpu.memory_space<vmem>>) target_semaphore(%run_scoped3A : memref<!tpu.dma_semaphore, #tpu.memory_space<semaphore_mem>>)
      %dma_wait3A = arith.constant 0 : i32
      %dma_wait3A_80 = tpu.memref_slice %arg3[%mul3A_2, %dma_wait3A] : memref<4096x26xi32, #tpu.memory_space<hbm>> -> memref<128x26xi32, #tpu.memory_space<hbm>>
      %dma_wait3A_81 = arith.constant 0 : i32
      %dma_wait3A_82 = tpu.memref_slice %arg3[%mul3A_2, %dma_wait3A_81] : memref<4096x26xi32, #tpu.memory_space<hbm>> -> memref<128x26xi32, #tpu.memory_space<hbm>>
      tpu.wait_dma2 semaphore(%run_scoped3A : memref<!tpu.dma_semaphore, #tpu.memory_space<semaphore_mem>>) src(%dma_wait3A_82 : memref<128x26xi32, #tpu.memory_space<hbm>>) dst(%arg7 : memref<128x26xi32, #tpu.memory_space<vmem>>)
      tpu.yield
    }) : () -> ()
    "tpu.region"() ({
      %run_scoped3A = tpu.sem_alloc : memref<!tpu.dma_semaphore, #tpu.memory_space<semaphore_mem>>
      %dma_start3A_76 = arith.constant 0 : i32
      %dma_start3A_77 = tpu.memref_slice %arg4[%mul3A_2, %dma_start3A_76] : memref<4096x50xi32, #tpu.memory_space<hbm>> -> memref<128x50xi32, #tpu.memory_space<hbm>>
      %dma_start3A_78 = arith.constant 0 : i32
      %dma_start3A_79 = tpu.memref_slice %arg4[%mul3A_2, %dma_start3A_78] : memref<4096x50xi32, #tpu.memory_space<hbm>> -> memref<128x50xi32, #tpu.memory_space<hbm>>
      tpu.enqueue_dma source(%dma_start3A_79 : memref<128x50xi32, #tpu.memory_space<hbm>>) target(%arg9 : memref<128x50xi32, #tpu.memory_space<vmem>>) target_semaphore(%run_scoped3A : memref<!tpu.dma_semaphore, #tpu.memory_space<semaphore_mem>>)
      %dma_wait3A = arith.constant 0 : i32
      %dma_wait3A_80 = tpu.memref_slice %arg4[%mul3A_2, %dma_wait3A] : memref<4096x50xi32, #tpu.memory_space<hbm>> -> memref<128x50xi32, #tpu.memory_space<hbm>>
      %dma_wait3A_81 = arith.constant 0 : i32
      %dma_wait3A_82 = tpu.memref_slice %arg4[%mul3A_2, %dma_wait3A_81] : memref<4096x50xi32, #tpu.memory_space<hbm>> -> memref<128x50xi32, #tpu.memory_space<hbm>>
      tpu.wait_dma2 semaphore(%run_scoped3A : memref<!tpu.dma_semaphore, #tpu.memory_space<semaphore_mem>>) src(%dma_wait3A_82 : memref<128x50xi32, #tpu.memory_space<hbm>>) dst(%arg9 : memref<128x50xi32, #tpu.memory_space<vmem>>)
      tpu.yield
    }) : () -> ()
    "tpu.region"() ({
      %run_scoped3A = tpu.sem_alloc : memref<!tpu.dma_semaphore, #tpu.memory_space<semaphore_mem>>
      %dma_start3A_76 = arith.constant 0 : i32
      %dma_start3A_77 = tpu.memref_slice %arg5[%mul3A_2, %dma_start3A_76] : memref<4096x3xf32, #tpu.memory_space<hbm>> -> memref<128x3xf32, #tpu.memory_space<hbm>>
      %dma_start3A_78 = arith.constant 0 : i32
      %dma_start3A_79 = tpu.memref_slice %arg5[%mul3A_2, %dma_start3A_78] : memref<4096x3xf32, #tpu.memory_space<hbm>> -> memref<128x3xf32, #tpu.memory_space<hbm>>
      tpu.enqueue_dma source(%dma_start3A_79 : memref<128x3xf32, #tpu.memory_space<hbm>>) target(%arg10 : memref<128x3xf32, #tpu.memory_space<vmem>>) target_semaphore(%run_scoped3A : memref<!tpu.dma_semaphore, #tpu.memory_space<semaphore_mem>>)
      %dma_wait3A = arith.constant 0 : i32
      %dma_wait3A_80 = tpu.memref_slice %arg5[%mul3A_2, %dma_wait3A] : memref<4096x3xf32, #tpu.memory_space<hbm>> -> memref<128x3xf32, #tpu.memory_space<hbm>>
      %dma_wait3A_81 = arith.constant 0 : i32
      %dma_wait3A_82 = tpu.memref_slice %arg5[%mul3A_2, %dma_wait3A_81] : memref<4096x3xf32, #tpu.memory_space<hbm>> -> memref<128x3xf32, #tpu.memory_space<hbm>>
      tpu.wait_dma2 semaphore(%run_scoped3A : memref<!tpu.dma_semaphore, #tpu.memory_space<semaphore_mem>>) src(%dma_wait3A_82 : memref<128x3xf32, #tpu.memory_space<hbm>>) dst(%arg10 : memref<128x3xf32, #tpu.memory_space<vmem>>)
      tpu.yield
    }) : () -> ()
    %iota3A = tpu.iota {dimensions = array<i32: 0>} : vector<16xi32>
    %scan3A = arith.constant 0 : i32
    %scan3A_3 = arith.constant 0 : i32
    %scan3A_4 = arith.constant 208 : i32
    %scan3A_5 = arith.addi %scan3A_3, %scan3A_4 : i32
    %scan3A_6 = arith.constant 1 : i32
    scf.for %scan3A_76 = %scan3A_3 to %scan3A_5 step %scan3A_6  : i32 {
      %jit3A = arith.constant 8 : i32
      %div3A = arith.divsi %scan3A_76, %jit3A : i32
      %sign3A = arith.constant 0 : i32
      %sign3A_77 = arith.cmpi sgt, %scan3A_76, %sign3A : i32
      %sign3A_78 = arith.extui %sign3A_77 : i1 to i32
      %sign3A_79 = arith.constant 0 : i32
      %sign3A_80 = arith.cmpi slt, %scan3A_76, %sign3A_79 : i32
      %sign3A_81 = arith.extui %sign3A_80 : i1 to i32
      %sign3A_82 = arith.subi %sign3A_78, %sign3A_81 : i32
      %sign3A_83 = arith.constant 0 : i32
      %sign3A_84 = arith.cmpi sgt, %jit3A, %sign3A_83 : i32
      %sign3A_85 = arith.extui %sign3A_84 : i1 to i32
      %sign3A_86 = arith.constant 0 : i32
      %sign3A_87 = arith.cmpi slt, %jit3A, %sign3A_86 : i32
      %sign3A_88 = arith.extui %sign3A_87 : i1 to i32
      %sign3A_89 = arith.subi %sign3A_85, %sign3A_88 : i32
      %ne3A = arith.cmpi ne, %sign3A_82, %sign3A_89 : i32
      %rem3A = arith.remsi %scan3A_76, %jit3A : i32
      %ne3A_90 = arith.constant 0 : i32
      %ne3A_91 = arith.cmpi ne, %rem3A, %ne3A_90 : i32
      %and3A = arith.andi %ne3A, %ne3A_91 : i1
      %sub3A = arith.constant 1 : i32
      %sub3A_92 = arith.subi %div3A, %sub3A : i32
      %select_n3A = arith.select %and3A, %sub3A_92, %div3A : i32
      %jit3A_93 = arith.constant 8 : i32
      %eq3A = arith.constant 0 : i32
      %eq3A_94 = arith.cmpi eq, %jit3A_93, %eq3A : i32
      %jit3A_95 = arith.constant 1 : i32
      %select_n3A_96 = arith.select %eq3A_94, %jit3A_95, %jit3A_93 : i32
      %rem3A_97 = arith.remsi %scan3A_76, %select_n3A_96 : i32
      %ne3A_98 = arith.constant 0 : i32
      %ne3A_99 = arith.cmpi ne, %rem3A_97, %ne3A_98 : i32
      %lt3A = arith.constant 0 : i32
      %lt3A_100 = arith.cmpi slt, %rem3A_97, %lt3A : i32
      %lt3A_101 = arith.constant 0 : i32
      %lt3A_102 = arith.cmpi slt, %select_n3A_96, %lt3A_101 : i32
      %ne3A_103 = arith.xori %lt3A_100, %lt3A_102 : i1
      %and3A_104 = arith.andi %ne3A_103, %ne3A_99 : i1
      %add3A_105 = arith.addi %rem3A_97, %select_n3A_96 : i32
      %select_n3A_106 = arith.select %and3A_104, %add3A_105, %rem3A_97 : i32
      %mul3A_107 = arith.constant 16 : i32
      %mul3A_108 = arith.muli %select_n3A_106, %mul3A_107 : i32
      %add3A_109 = vector.broadcast %mul3A_108 : i32 to vector<16xi32>
      %add3A_110 = arith.addi %add3A_109, %iota3A : vector<16xi32>
      %broadcast_in_dim3A_111 = vector.broadcast %select_n3A : i32 to vector<16xi32>
      %gather3A = tpu.vector_load_idx %arg7[%add3A_110, %broadcast_in_dim3A_111] : memref<128x26xi32, #tpu.memory_space<vmem>>[vector<16xi32>, vector<16xi32>], vector<16xi32>,
      %swap3A = arith.index_cast %select_n3A : i32 to index
      %swap3A_112 = arith.index_cast %mul3A_108 : i32 to index
      %swap3A_113 = tpu.vector_load %arg8[%swap3A, %swap3A_112] {strides = array<i32>} : memref<26x128xi32, #tpu.memory_space<vmem>>, vector<16xi32>,
      tpu.vector_store %arg8[%swap3A, %swap3A_112], %gather3A {strides = array<i32>} : memref<26x128xi32, #tpu.memory_space<vmem>>, vector<16xi32>,
    }
    %scan3A_7 = arith.constant 208 : i32
    %dma_start3A = arith.constant 0 : i32
    %dma_start3A_8 = arith.constant 0 : i32
    %dma_start3A_9 = tpu.memref_slice %arg8[%dma_start3A, %dma_start3A_8] : memref<26x128xi32, #tpu.memory_space<vmem>> -> memref<1x128xi32, #tpu.memory_space<vmem>>
    %dma_start3A_10 = tpu.memref_squeeze %dma_start3A_9 : memref<1x128xi32, #tpu.memory_space<vmem>> -> memref<128xi32, #tpu.memory_space<vmem>>
    %dma_start3A_11 = arith.constant 0 : i32
    %dma_start3A_12 = arith.constant 0 : i32
    %dma_start3A_13 = tpu.memref_slice %arg2[%dma_start3A_11, %dma_start3A_12] : memref<100000x64xf32, #tpu.memory_space<hbm>> -> memref<100000x64xf32, #tpu.memory_space<hbm>>
    tpu.enqueue_indirect_dma source(%dma_start3A_13 : memref<100000x64xf32, #tpu.memory_space<hbm>>) target(%arg11 : memref<128x64xf32, #tpu.memory_space<vmem>>) offsets(%dma_start3A_10 : memref<128xi32, #tpu.memory_space<vmem>>) semaphore(%arg20 : memref<!tpu.dma_semaphore, #tpu.memory_space<semaphore_mem>>)
    %dma_start3A_14 = arith.constant 1 : i32
    %dma_start3A_15 = arith.constant 0 : i32
    %dma_start3A_16 = tpu.memref_slice %arg8[%dma_start3A_14, %dma_start3A_15] : memref<26x128xi32, #tpu.memory_space<vmem>> -> memref<1x128xi32, #tpu.memory_space<vmem>>
    %dma_start3A_17 = tpu.memref_squeeze %dma_start3A_16 : memref<1x128xi32, #tpu.memory_space<vmem>> -> memref<128xi32, #tpu.memory_space<vmem>>
    %dma_start3A_18 = arith.constant 0 : i32
    %dma_start3A_19 = arith.constant 0 : i32
    %dma_start3A_20 = tpu.memref_slice %arg2[%dma_start3A_18, %dma_start3A_19] : memref<100000x64xf32, #tpu.memory_space<hbm>> -> memref<100000x64xf32, #tpu.memory_space<hbm>>
    tpu.enqueue_indirect_dma source(%dma_start3A_20 : memref<100000x64xf32, #tpu.memory_space<hbm>>) target(%arg12 : memref<128x64xf32, #tpu.memory_space<vmem>>) offsets(%dma_start3A_17 : memref<128xi32, #tpu.memory_space<vmem>>) semaphore(%arg21 : memref<!tpu.dma_semaphore, #tpu.memory_space<semaphore_mem>>)
    %dma_start3A_21 = arith.constant 2 : i32
    %dma_start3A_22 = arith.constant 0 : i32
    %dma_start3A_23 = tpu.memref_slice %arg8[%dma_start3A_21, %dma_start3A_22] : memref<26x128xi32, #tpu.memory_space<vmem>> -> memref<1x128xi32, #tpu.memory_space<vmem>>
    %dma_start3A_24 = tpu.memref_squeeze %dma_start3A_23 : memref<1x128xi32, #tpu.memory_space<vmem>> -> memref<128xi32, #tpu.memory_space<vmem>>
    %dma_start3A_25 = arith.constant 0 : i32
    %dma_start3A_26 = arith.constant 0 : i32
    %dma_start3A_27 = tpu.memref_slice %arg2[%dma_start3A_25, %dma_start3A_26] : memref<100000x64xf32, #tpu.memory_space<hbm>> -> memref<100000x64xf32, #tpu.memory_space<hbm>>
    tpu.enqueue_indirect_dma source(%dma_start3A_27 : memref<100000x64xf32, #tpu.memory_space<hbm>>) target(%arg13 : memref<128x64xf32, #tpu.memory_space<vmem>>) offsets(%dma_start3A_24 : memref<128xi32, #tpu.memory_space<vmem>>) semaphore(%arg22 : memref<!tpu.dma_semaphore, #tpu.memory_space<semaphore_mem>>)
    %dma_start3A_28 = arith.constant 3 : i32
    %dma_start3A_29 = arith.constant 0 : i32
    %dma_start3A_30 = tpu.memref_slice %arg8[%dma_start3A_28, %dma_start3A_29] : memref<26x128xi32, #tpu.memory_space<vmem>> -> memref<1x128xi32, #tpu.memory_space<vmem>>
    %dma_start3A_31 = tpu.memref_squeeze %dma_start3A_30 : memref<1x128xi32, #tpu.memory_space<vmem>> -> memref<128xi32, #tpu.memory_space<vmem>>
    %dma_start3A_32 = arith.constant 0 : i32
    %dma_start3A_33 = arith.constant 0 : i32
    %dma_start3A_34 = tpu.memref_slice %arg2[%dma_start3A_32, %dma_start3A_33] : memref<100000x64xf32, #tpu.memory_space<hbm>> -> memref<100000x64xf32, #tpu.memory_space<hbm>>
    tpu.enqueue_indirect_dma source(%dma_start3A_34 : memref<100000x64xf32, #tpu.memory_space<hbm>>) target(%arg14 : memref<128x64xf32, #tpu.memory_space<vmem>>) offsets(%dma_start3A_31 : memref<128xi32, #tpu.memory_space<vmem>>) semaphore(%arg23 : memref<!tpu.dma_semaphore, #tpu.memory_space<semaphore_mem>>)
    %scan3A_35 = arith.constant 0 : i32
    %scan3A_36 = arith.constant 0 : i32
    %scan3A_37 = arith.constant 7 : i32
    %scan3A_38 = arith.addi %scan3A_36, %scan3A_37 : i32
    %scan3A_39 = arith.constant 1 : i32
    scf.for %scan3A_76 = %scan3A_36 to %scan3A_38 step %scan3A_39  : i32 {
      %mul3A_77 = arith.constant 4 : i32
      %mul3A_78 = arith.muli %mul3A_77, %scan3A_76 : i32
      %add3A_79 = arith.constant 0 : i32
      %add3A_80 = arith.addi %mul3A_78, %add3A_79 : i32
      %lt3A = arith.constant 26 : i32
      %lt3A_81 = arith.cmpi slt, %add3A_80, %lt3A : i32
      %convert_element_type3A = arith.extui %lt3A_81 : i1 to i32
      %cond3A = arith.constant 0 : i32
      %cond3A_82 = arith.cmpi ne, %convert_element_type3A, %cond3A : i32
      scf.if %cond3A_82 {
        %dma_wait3A = arith.constant 0 : i32
        %dma_wait3A_110 = tpu.memref_slice %arg8[%add3A_80, %dma_wait3A] : memref<26x128xi32, #tpu.memory_space<vmem>> -> memref<1x128xi32, #tpu.memory_space<vmem>>
        %dma_wait3A_111 = tpu.memref_squeeze %dma_wait3A_110 : memref<1x128xi32, #tpu.memory_space<vmem>> -> memref<128xi32, #tpu.memory_space<vmem>>
        %dma_wait3A_112 = arith.constant 0 : i32
        %dma_wait3A_113 = arith.constant 0 : i32
        %dma_wait3A_114 = tpu.memref_slice %arg2[%dma_wait3A_112, %dma_wait3A_113] : memref<100000x64xf32, #tpu.memory_space<hbm>> -> memref<100000x64xf32, #tpu.memory_space<hbm>>
        tpu.wait_indirect_dma semaphore(%arg20 : memref<!tpu.dma_semaphore, #tpu.memory_space<semaphore_mem>>) src(%dma_wait3A_114 : memref<100000x64xf32, #tpu.memory_space<hbm>>) dst(%arg11 : memref<128x64xf32, #tpu.memory_space<vmem>>)
        %mul3A_115 = arith.constant 64 : i32
        %mul3A_116 = arith.muli %add3A_80, %mul3A_115 : i32
        "tpu.region"() ({
          %run_scoped3A = tpu.sem_alloc : memref<!tpu.dma_semaphore, #tpu.memory_space<semaphore_mem>>
          %dma_start3A_124 = tpu.memref_slice %arg6[%mul3A_2, %mul3A_116] : memref<4096x1731xf32, #tpu.memory_space<hbm>> -> memref<128x64xf32, #tpu.memory_space<hbm>>
          %dma_start3A_125 = tpu.memref_slice %arg6[%mul3A_2, %mul3A_116] : memref<4096x1731xf32, #tpu.memory_space<hbm>> -> memref<128x64xf32, #tpu.memory_space<hbm>>
          tpu.enqueue_dma source(%arg11 : memref<128x64xf32, #tpu.memory_space<vmem>>) target(%dma_start3A_125 : memref<128x64xf32, #tpu.memory_space<hbm>>) target_semaphore(%run_scoped3A : memref<!tpu.dma_semaphore, #tpu.memory_space<semaphore_mem>>)
          %dma_wait3A_126 = tpu.memref_slice %arg6[%mul3A_2, %mul3A_116] : memref<4096x1731xf32, #tpu.memory_space<hbm>> -> memref<128x64xf32, #tpu.memory_space<hbm>>
          %dma_wait3A_127 = tpu.memref_slice %arg6[%mul3A_2, %mul3A_116] : memref<4096x1731xf32, #tpu.memory_space<hbm>> -> memref<128x64xf32, #tpu.memory_space<hbm>>
          tpu.wait_dma2 semaphore(%run_scoped3A : memref<!tpu.dma_semaphore, #tpu.memory_space<semaphore_mem>>) src(%arg11 : memref<128x64xf32, #tpu.memory_space<vmem>>) dst(%dma_wait3A_127 : memref<128x64xf32, #tpu.memory_space<hbm>>)
          tpu.yield
        }) : () -> ()
        %add3A_117 = arith.constant 4 : i32
        %add3A_118 = arith.addi %add3A_80, %add3A_117 : i32
        %lt3A_119 = arith.constant 26 : i32
        %lt3A_120 = arith.cmpi slt, %add3A_118, %lt3A_119 : i32
        %convert_element_type3A_121 = arith.extui %lt3A_120 : i1 to i32
        %cond3A_122 = arith.constant 0 : i32
        %cond3A_123 = arith.cmpi ne, %convert_element_type3A_121, %cond3A_122 : i32
        scf.if %cond3A_123 {
          %add3A_124 = arith.constant 4 : i32
          %add3A_125 = arith.addi %add3A_80, %add3A_124 : i32
          %dma_start3A_126 = arith.constant 0 : i32
          %dma_start3A_127 = tpu.memref_slice %arg8[%add3A_125, %dma_start3A_126] : memref<26x128xi32, #tpu.memory_space<vmem>> -> memref<1x128xi32, #tpu.memory_space<vmem>>
          %dma_start3A_128 = tpu.memref_squeeze %dma_start3A_127 : memref<1x128xi32, #tpu.memory_space<vmem>> -> memref<128xi32, #tpu.memory_space<vmem>>
          %dma_start3A_129 = arith.constant 0 : i32
          %dma_start3A_130 = arith.constant 0 : i32
          %dma_start3A_131 = tpu.memref_slice %arg2[%dma_start3A_129, %dma_start3A_130] : memref<100000x64xf32, #tpu.memory_space<hbm>> -> memref<100000x64xf32, #tpu.memory_space<hbm>>
          tpu.enqueue_indirect_dma source(%dma_start3A_131 : memref<100000x64xf32, #tpu.memory_space<hbm>>) target(%arg11 : memref<128x64xf32, #tpu.memory_space<vmem>>) offsets(%dma_start3A_128 : memref<128xi32, #tpu.memory_space<vmem>>) semaphore(%arg20 : memref<!tpu.dma_semaphore, #tpu.memory_space<semaphore_mem>>)
        } else {
        }
      } else {
      }
      %mul3A_83 = arith.constant 4 : i32
      %mul3A_84 = arith.muli %mul3A_83, %scan3A_76 : i32
      %add3A_85 = arith.constant 1 : i32
      %add3A_86 = arith.addi %mul3A_84, %add3A_85 : i32
      %lt3A_87 = arith.constant 26 : i32
      %lt3A_88 = arith.cmpi slt, %add3A_86, %lt3A_87 : i32
      %convert_element_type3A_89 = arith.extui %lt3A_88 : i1 to i32
      %cond3A_90 = arith.constant 0 : i32
      %cond3A_91 = arith.cmpi ne, %convert_element_type3A_89, %cond3A_90 : i32
      scf.if %cond3A_91 {
        %dma_wait3A = arith.constant 0 : i32
        %dma_wait3A_110 = tpu.memref_slice %arg8[%add3A_86, %dma_wait3A] : memref<26x128xi32, #tpu.memory_space<vmem>> -> memref<1x128xi32, #tpu.memory_space<vmem>>
        %dma_wait3A_111 = tpu.memref_squeeze %dma_wait3A_110 : memref<1x128xi32, #tpu.memory_space<vmem>> -> memref<128xi32, #tpu.memory_space<vmem>>
        %dma_wait3A_112 = arith.constant 0 : i32
        %dma_wait3A_113 = arith.constant 0 : i32
        %dma_wait3A_114 = tpu.memref_slice %arg2[%dma_wait3A_112, %dma_wait3A_113] : memref<100000x64xf32, #tpu.memory_space<hbm>> -> memref<100000x64xf32, #tpu.memory_space<hbm>>
        tpu.wait_indirect_dma semaphore(%arg21 : memref<!tpu.dma_semaphore, #tpu.memory_space<semaphore_mem>>) src(%dma_wait3A_114 : memref<100000x64xf32, #tpu.memory_space<hbm>>) dst(%arg12 : memref<128x64xf32, #tpu.memory_space<vmem>>)
        %mul3A_115 = arith.constant 64 : i32
        %mul3A_116 = arith.muli %add3A_86, %mul3A_115 : i32
        "tpu.region"() ({
          %run_scoped3A = tpu.sem_alloc : memref<!tpu.dma_semaphore, #tpu.memory_space<semaphore_mem>>
          %dma_start3A_124 = tpu.memref_slice %arg6[%mul3A_2, %mul3A_116] : memref<4096x1731xf32, #tpu.memory_space<hbm>> -> memref<128x64xf32, #tpu.memory_space<hbm>>
          %dma_start3A_125 = tpu.memref_slice %arg6[%mul3A_2, %mul3A_116] : memref<4096x1731xf32, #tpu.memory_space<hbm>> -> memref<128x64xf32, #tpu.memory_space<hbm>>
          tpu.enqueue_dma source(%arg12 : memref<128x64xf32, #tpu.memory_space<vmem>>) target(%dma_start3A_125 : memref<128x64xf32, #tpu.memory_space<hbm>>) target_semaphore(%run_scoped3A : memref<!tpu.dma_semaphore, #tpu.memory_space<semaphore_mem>>)
          %dma_wait3A_126 = tpu.memref_slice %arg6[%mul3A_2, %mul3A_116] : memref<4096x1731xf32, #tpu.memory_space<hbm>> -> memref<128x64xf32, #tpu.memory_space<hbm>>
          %dma_wait3A_127 = tpu.memref_slice %arg6[%mul3A_2, %mul3A_116] : memref<4096x1731xf32, #tpu.memory_space<hbm>> -> memref<128x64xf32, #tpu.memory_space<hbm>>
          tpu.wait_dma2 semaphore(%run_scoped3A : memref<!tpu.dma_semaphore, #tpu.memory_space<semaphore_mem>>) src(%arg12 : memref<128x64xf32, #tpu.memory_space<vmem>>) dst(%dma_wait3A_127 : memref<128x64xf32, #tpu.memory_space<hbm>>)
          tpu.yield
        }) : () -> ()
        %add3A_117 = arith.constant 4 : i32
        %add3A_118 = arith.addi %add3A_86, %add3A_117 : i32
        %lt3A_119 = arith.constant 26 : i32
        %lt3A_120 = arith.cmpi slt, %add3A_118, %lt3A_119 : i32
        %convert_element_type3A_121 = arith.extui %lt3A_120 : i1 to i32
        %cond3A_122 = arith.constant 0 : i32
        %cond3A_123 = arith.cmpi ne, %convert_element_type3A_121, %cond3A_122 : i32
        scf.if %cond3A_123 {
          %add3A_124 = arith.constant 4 : i32
          %add3A_125 = arith.addi %add3A_86, %add3A_124 : i32
          %dma_start3A_126 = arith.constant 0 : i32
          %dma_start3A_127 = tpu.memref_slice %arg8[%add3A_125, %dma_start3A_126] : memref<26x128xi32, #tpu.memory_space<vmem>> -> memref<1x128xi32, #tpu.memory_space<vmem>>
          %dma_start3A_128 = tpu.memref_squeeze %dma_start3A_127 : memref<1x128xi32, #tpu.memory_space<vmem>> -> memref<128xi32, #tpu.memory_space<vmem>>
          %dma_start3A_129 = arith.constant 0 : i32
          %dma_start3A_130 = arith.constant 0 : i32
          %dma_start3A_131 = tpu.memref_slice %arg2[%dma_start3A_129, %dma_start3A_130] : memref<100000x64xf32, #tpu.memory_space<hbm>> -> memref<100000x64xf32, #tpu.memory_space<hbm>>
          tpu.enqueue_indirect_dma source(%dma_start3A_131 : memref<100000x64xf32, #tpu.memory_space<hbm>>) target(%arg12 : memref<128x64xf32, #tpu.memory_space<vmem>>) offsets(%dma_start3A_128 : memref<128xi32, #tpu.memory_space<vmem>>) semaphore(%arg21 : memref<!tpu.dma_semaphore, #tpu.memory_space<semaphore_mem>>)
        } else {
        }
      } else {
      }
      %mul3A_92 = arith.constant 4 : i32
      %mul3A_93 = arith.muli %mul3A_92, %scan3A_76 : i32
      %add3A_94 = arith.constant 2 : i32
      %add3A_95 = arith.addi %mul3A_93, %add3A_94 : i32
      %lt3A_96 = arith.constant 26 : i32
      %lt3A_97 = arith.cmpi slt, %add3A_95, %lt3A_96 : i32
      %convert_element_type3A_98 = arith.extui %lt3A_97 : i1 to i32
      %cond3A_99 = arith.constant 0 : i32
      %cond3A_100 = arith.cmpi ne, %convert_element_type3A_98, %cond3A_99 : i32
      scf.if %cond3A_100 {
        %dma_wait3A = arith.constant 0 : i32
        %dma_wait3A_110 = tpu.memref_slice %arg8[%add3A_95, %dma_wait3A] : memref<26x128xi32, #tpu.memory_space<vmem>> -> memref<1x128xi32, #tpu.memory_space<vmem>>
        %dma_wait3A_111 = tpu.memref_squeeze %dma_wait3A_110 : memref<1x128xi32, #tpu.memory_space<vmem>> -> memref<128xi32, #tpu.memory_space<vmem>>
        %dma_wait3A_112 = arith.constant 0 : i32
        %dma_wait3A_113 = arith.constant 0 : i32
        %dma_wait3A_114 = tpu.memref_slice %arg2[%dma_wait3A_112, %dma_wait3A_113] : memref<100000x64xf32, #tpu.memory_space<hbm>> -> memref<100000x64xf32, #tpu.memory_space<hbm>>
        tpu.wait_indirect_dma semaphore(%arg22 : memref<!tpu.dma_semaphore, #tpu.memory_space<semaphore_mem>>) src(%dma_wait3A_114 : memref<100000x64xf32, #tpu.memory_space<hbm>>) dst(%arg13 : memref<128x64xf32, #tpu.memory_space<vmem>>)
        %mul3A_115 = arith.constant 64 : i32
        %mul3A_116 = arith.muli %add3A_95, %mul3A_115 : i32
        "tpu.region"() ({
          %run_scoped3A = tpu.sem_alloc : memref<!tpu.dma_semaphore, #tpu.memory_space<semaphore_mem>>
          %dma_start3A_124 = tpu.memref_slice %arg6[%mul3A_2, %mul3A_116] : memref<4096x1731xf32, #tpu.memory_space<hbm>> -> memref<128x64xf32, #tpu.memory_space<hbm>>
          %dma_start3A_125 = tpu.memref_slice %arg6[%mul3A_2, %mul3A_116] : memref<4096x1731xf32, #tpu.memory_space<hbm>> -> memref<128x64xf32, #tpu.memory_space<hbm>>
          tpu.enqueue_dma source(%arg13 : memref<128x64xf32, #tpu.memory_space<vmem>>) target(%dma_start3A_125 : memref<128x64xf32, #tpu.memory_space<hbm>>) target_semaphore(%run_scoped3A : memref<!tpu.dma_semaphore, #tpu.memory_space<semaphore_mem>>)
          %dma_wait3A_126 = tpu.memref_slice %arg6[%mul3A_2, %mul3A_116] : memref<4096x1731xf32, #tpu.memory_space<hbm>> -> memref<128x64xf32, #tpu.memory_space<hbm>>
          %dma_wait3A_127 = tpu.memref_slice %arg6[%mul3A_2, %mul3A_116] : memref<4096x1731xf32, #tpu.memory_space<hbm>> -> memref<128x64xf32, #tpu.memory_space<hbm>>
          tpu.wait_dma2 semaphore(%run_scoped3A : memref<!tpu.dma_semaphore, #tpu.memory_space<semaphore_mem>>) src(%arg13 : memref<128x64xf32, #tpu.memory_space<vmem>>) dst(%dma_wait3A_127 : memref<128x64xf32, #tpu.memory_space<hbm>>)
          tpu.yield
        }) : () -> ()
        %add3A_117 = arith.constant 4 : i32
        %add3A_118 = arith.addi %add3A_95, %add3A_117 : i32
        %lt3A_119 = arith.constant 26 : i32
        %lt3A_120 = arith.cmpi slt, %add3A_118, %lt3A_119 : i32
        %convert_element_type3A_121 = arith.extui %lt3A_120 : i1 to i32
        %cond3A_122 = arith.constant 0 : i32
        %cond3A_123 = arith.cmpi ne, %convert_element_type3A_121, %cond3A_122 : i32
        scf.if %cond3A_123 {
          %add3A_124 = arith.constant 4 : i32
          %add3A_125 = arith.addi %add3A_95, %add3A_124 : i32
          %dma_start3A_126 = arith.constant 0 : i32
          %dma_start3A_127 = tpu.memref_slice %arg8[%add3A_125, %dma_start3A_126] : memref<26x128xi32, #tpu.memory_space<vmem>> -> memref<1x128xi32, #tpu.memory_space<vmem>>
          %dma_start3A_128 = tpu.memref_squeeze %dma_start3A_127 : memref<1x128xi32, #tpu.memory_space<vmem>> -> memref<128xi32, #tpu.memory_space<vmem>>
          %dma_start3A_129 = arith.constant 0 : i32
          %dma_start3A_130 = arith.constant 0 : i32
          %dma_start3A_131 = tpu.memref_slice %arg2[%dma_start3A_129, %dma_start3A_130] : memref<100000x64xf32, #tpu.memory_space<hbm>> -> memref<100000x64xf32, #tpu.memory_space<hbm>>
          tpu.enqueue_indirect_dma source(%dma_start3A_131 : memref<100000x64xf32, #tpu.memory_space<hbm>>) target(%arg13 : memref<128x64xf32, #tpu.memory_space<vmem>>) offsets(%dma_start3A_128 : memref<128xi32, #tpu.memory_space<vmem>>) semaphore(%arg22 : memref<!tpu.dma_semaphore, #tpu.memory_space<semaphore_mem>>)
        } else {
        }
      } else {
      }
      %mul3A_101 = arith.constant 4 : i32
      %mul3A_102 = arith.muli %mul3A_101, %scan3A_76 : i32
      %add3A_103 = arith.constant 3 : i32
      %add3A_104 = arith.addi %mul3A_102, %add3A_103 : i32
      %lt3A_105 = arith.constant 26 : i32
      %lt3A_106 = arith.cmpi slt, %add3A_104, %lt3A_105 : i32
      %convert_element_type3A_107 = arith.extui %lt3A_106 : i1 to i32
      %cond3A_108 = arith.constant 0 : i32
      %cond3A_109 = arith.cmpi ne, %convert_element_type3A_107, %cond3A_108 : i32
      scf.if %cond3A_109 {
        %dma_wait3A = arith.constant 0 : i32
        %dma_wait3A_110 = tpu.memref_slice %arg8[%add3A_104, %dma_wait3A] : memref<26x128xi32, #tpu.memory_space<vmem>> -> memref<1x128xi32, #tpu.memory_space<vmem>>
        %dma_wait3A_111 = tpu.memref_squeeze %dma_wait3A_110 : memref<1x128xi32, #tpu.memory_space<vmem>> -> memref<128xi32, #tpu.memory_space<vmem>>
        %dma_wait3A_112 = arith.constant 0 : i32
        %dma_wait3A_113 = arith.constant 0 : i32
        %dma_wait3A_114 = tpu.memref_slice %arg2[%dma_wait3A_112, %dma_wait3A_113] : memref<100000x64xf32, #tpu.memory_space<hbm>> -> memref<100000x64xf32, #tpu.memory_space<hbm>>
        tpu.wait_indirect_dma semaphore(%arg23 : memref<!tpu.dma_semaphore, #tpu.memory_space<semaphore_mem>>) src(%dma_wait3A_114 : memref<100000x64xf32, #tpu.memory_space<hbm>>) dst(%arg14 : memref<128x64xf32, #tpu.memory_space<vmem>>)
        %mul3A_115 = arith.constant 64 : i32
        %mul3A_116 = arith.muli %add3A_104, %mul3A_115 : i32
        "tpu.region"() ({
          %run_scoped3A = tpu.sem_alloc : memref<!tpu.dma_semaphore, #tpu.memory_space<semaphore_mem>>
          %dma_start3A_124 = tpu.memref_slice %arg6[%mul3A_2, %mul3A_116] : memref<4096x1731xf32, #tpu.memory_space<hbm>> -> memref<128x64xf32, #tpu.memory_space<hbm>>
          %dma_start3A_125 = tpu.memref_slice %arg6[%mul3A_2, %mul3A_116] : memref<4096x1731xf32, #tpu.memory_space<hbm>> -> memref<128x64xf32, #tpu.memory_space<hbm>>
          tpu.enqueue_dma source(%arg14 : memref<128x64xf32, #tpu.memory_space<vmem>>) target(%dma_start3A_125 : memref<128x64xf32, #tpu.memory_space<hbm>>) target_semaphore(%run_scoped3A : memref<!tpu.dma_semaphore, #tpu.memory_space<semaphore_mem>>)
          %dma_wait3A_126 = tpu.memref_slice %arg6[%mul3A_2, %mul3A_116] : memref<4096x1731xf32, #tpu.memory_space<hbm>> -> memref<128x64xf32, #tpu.memory_space<hbm>>
          %dma_wait3A_127 = tpu.memref_slice %arg6[%mul3A_2, %mul3A_116] : memref<4096x1731xf32, #tpu.memory_space<hbm>> -> memref<128x64xf32, #tpu.memory_space<hbm>>
          tpu.wait_dma2 semaphore(%run_scoped3A : memref<!tpu.dma_semaphore, #tpu.memory_space<semaphore_mem>>) src(%arg14 : memref<128x64xf32, #tpu.memory_space<vmem>>) dst(%dma_wait3A_127 : memref<128x64xf32, #tpu.memory_space<hbm>>)
          tpu.yield
        }) : () -> ()
        %add3A_117 = arith.constant 4 : i32
        %add3A_118 = arith.addi %add3A_104, %add3A_117 : i32
        %lt3A_119 = arith.constant 26 : i32
        %lt3A_120 = arith.cmpi slt, %add3A_118, %lt3A_119 : i32
        %convert_element_type3A_121 = arith.extui %lt3A_120 : i1 to i32
        %cond3A_122 = arith.constant 0 : i32
        %cond3A_123 = arith.cmpi ne, %convert_element_type3A_121, %cond3A_122 : i32
        scf.if %cond3A_123 {
          %add3A_124 = arith.constant 4 : i32
          %add3A_125 = arith.addi %add3A_104, %add3A_124 : i32
          %dma_start3A_126 = arith.constant 0 : i32
          %dma_start3A_127 = tpu.memref_slice %arg8[%add3A_125, %dma_start3A_126] : memref<26x128xi32, #tpu.memory_space<vmem>> -> memref<1x128xi32, #tpu.memory_space<vmem>>
          %dma_start3A_128 = tpu.memref_squeeze %dma_start3A_127 : memref<1x128xi32, #tpu.memory_space<vmem>> -> memref<128xi32, #tpu.memory_space<vmem>>
          %dma_start3A_129 = arith.constant 0 : i32
          %dma_start3A_130 = arith.constant 0 : i32
          %dma_start3A_131 = tpu.memref_slice %arg2[%dma_start3A_129, %dma_start3A_130] : memref<100000x64xf32, #tpu.memory_space<hbm>> -> memref<100000x64xf32, #tpu.memory_space<hbm>>
          tpu.enqueue_indirect_dma source(%dma_start3A_131 : memref<100000x64xf32, #tpu.memory_space<hbm>>) target(%arg14 : memref<128x64xf32, #tpu.memory_space<vmem>>) offsets(%dma_start3A_128 : memref<128xi32, #tpu.memory_space<vmem>>) semaphore(%arg23 : memref<!tpu.dma_semaphore, #tpu.memory_space<semaphore_mem>>)
        } else {
        }
      } else {
      }
    }
    %scan3A_40 = arith.constant 7 : i32
    %broadcast_in_dim3A = arith.constant 2.000000e-02 : f32
    %broadcast_in_dim3A_41 = vector.broadcast %broadcast_in_dim3A : f32 to vector<16xf32>
    %dma_start3A_42 = arith.constant 0 : i32
    %dma_start3A_43 = arith.constant 0 : i32
    %dma_start3A_44 = tpu.memref_slice %arg9[%dma_start3A_42, %dma_start3A_43] : memref<128x50xi32, #tpu.memory_space<vmem>> -> memref<1x50xi32, #tpu.memory_space<vmem>>
    %dma_start3A_45 = tpu.memref_squeeze %dma_start3A_44 : memref<1x50xi32, #tpu.memory_space<vmem>> -> memref<50xi32, #tpu.memory_space<vmem>>
    %dma_start3A_46 = arith.constant 0 : i32
    %dma_start3A_47 = arith.constant 0 : i32
    %dma_start3A_48 = tpu.memref_slice %arg2[%dma_start3A_46, %dma_start3A_47] : memref<100000x64xf32, #tpu.memory_space<hbm>> -> memref<100000x64xf32, #tpu.memory_space<hbm>>
    tpu.enqueue_indirect_dma source(%dma_start3A_48 : memref<100000x64xf32, #tpu.memory_space<hbm>>) target(%arg15 : memref<50x64xf32, #tpu.memory_space<vmem>>) offsets(%dma_start3A_45 : memref<50xi32, #tpu.memory_space<vmem>>) semaphore(%arg24 : memref<!tpu.dma_semaphore, #tpu.memory_space<semaphore_mem>>)
    %dma_start3A_49 = arith.constant 1 : i32
    %dma_start3A_50 = arith.constant 0 : i32
    %dma_start3A_51 = tpu.memref_slice %arg9[%dma_start3A_49, %dma_start3A_50] : memref<128x50xi32, #tpu.memory_space<vmem>> -> memref<1x50xi32, #tpu.memory_space<vmem>>
    %dma_start3A_52 = tpu.memref_squeeze %dma_start3A_51 : memref<1x50xi32, #tpu.memory_space<vmem>> -> memref<50xi32, #tpu.memory_space<vmem>>
    %dma_start3A_53 = arith.constant 0 : i32
    %dma_start3A_54 = arith.constant 0 : i32
    %dma_start3A_55 = tpu.memref_slice %arg2[%dma_start3A_53, %dma_start3A_54] : memref<100000x64xf32, #tpu.memory_space<hbm>> -> memref<100000x64xf32, #tpu.memory_space<hbm>>
    tpu.enqueue_indirect_dma source(%dma_start3A_55 : memref<100000x64xf32, #tpu.memory_space<hbm>>) target(%arg16 : memref<50x64xf32, #tpu.memory_space<vmem>>) offsets(%dma_start3A_52 : memref<50xi32, #tpu.memory_space<vmem>>) semaphore(%arg25 : memref<!tpu.dma_semaphore, #tpu.memory_space<semaphore_mem>>)
    %dma_start3A_56 = arith.constant 2 : i32
    %dma_start3A_57 = arith.constant 0 : i32
    %dma_start3A_58 = tpu.memref_slice %arg9[%dma_start3A_56, %dma_start3A_57] : memref<128x50xi32, #tpu.memory_space<vmem>> -> memref<1x50xi32, #tpu.memory_space<vmem>>
    %dma_start3A_59 = tpu.memref_squeeze %dma_start3A_58 : memref<1x50xi32, #tpu.memory_space<vmem>> -> memref<50xi32, #tpu.memory_space<vmem>>
    %dma_start3A_60 = arith.constant 0 : i32
    %dma_start3A_61 = arith.constant 0 : i32
    %dma_start3A_62 = tpu.memref_slice %arg2[%dma_start3A_60, %dma_start3A_61] : memref<100000x64xf32, #tpu.memory_space<hbm>> -> memref<100000x64xf32, #tpu.memory_space<hbm>>
    tpu.enqueue_indirect_dma source(%dma_start3A_62 : memref<100000x64xf32, #tpu.memory_space<hbm>>) target(%arg17 : memref<50x64xf32, #tpu.memory_space<vmem>>) offsets(%dma_start3A_59 : memref<50xi32, #tpu.memory_space<vmem>>) semaphore(%arg26 : memref<!tpu.dma_semaphore, #tpu.memory_space<semaphore_mem>>)
    %dma_start3A_63 = arith.constant 3 : i32
    %dma_start3A_64 = arith.constant 0 : i32
    %dma_start3A_65 = tpu.memref_slice %arg9[%dma_start3A_63, %dma_start3A_64] : memref<128x50xi32, #tpu.memory_space<vmem>> -> memref<1x50xi32, #tpu.memory_space<vmem>>
    %dma_start3A_66 = tpu.memref_squeeze %dma_start3A_65 : memref<1x50xi32, #tpu.memory_space<vmem>> -> memref<50xi32, #tpu.memory_space<vmem>>
    %dma_start3A_67 = arith.constant 0 : i32
    %dma_start3A_68 = arith.constant 0 : i32
    %dma_start3A_69 = tpu.memref_slice %arg2[%dma_start3A_67, %dma_start3A_68] : memref<100000x64xf32, #tpu.memory_space<hbm>> -> memref<100000x64xf32, #tpu.memory_space<hbm>>
    tpu.enqueue_indirect_dma source(%dma_start3A_69 : memref<100000x64xf32, #tpu.memory_space<hbm>>) target(%arg18 : memref<50x64xf32, #tpu.memory_space<vmem>>) offsets(%dma_start3A_66 : memref<50xi32, #tpu.memory_space<vmem>>) semaphore(%arg27 : memref<!tpu.dma_semaphore, #tpu.memory_space<semaphore_mem>>)
    %scan3A_70 = arith.constant 0 : i32
    %scan3A_71 = arith.constant 0 : i32
    %scan3A_72 = arith.constant 32 : i32
    %scan3A_73 = arith.addi %scan3A_71, %scan3A_72 : i32
    %scan3A_74 = arith.constant 1 : i32
    scf.for %scan3A_76 = %scan3A_71 to %scan3A_73 step %scan3A_74  : i32 {
      %mul3A_77 = arith.constant 4 : i32
      %mul3A_78 = arith.muli %mul3A_77, %scan3A_76 : i32
      %add3A_79 = arith.constant 0 : i32
      %add3A_80 = arith.addi %mul3A_78, %add3A_79 : i32
      %dma_wait3A = arith.constant 0 : i32
      %dma_wait3A_81 = tpu.memref_slice %arg9[%add3A_80, %dma_wait3A] : memref<128x50xi32, #tpu.memory_space<vmem>> -> memref<1x50xi32, #tpu.memory_space<vmem>>
      %dma_wait3A_82 = tpu.memref_squeeze %dma_wait3A_81 : memref<1x50xi32, #tpu.memory_space<vmem>> -> memref<50xi32, #tpu.memory_space<vmem>>
      %dma_wait3A_83 = arith.constant 0 : i32
      %dma_wait3A_84 = arith.constant 0 : i32
      %dma_wait3A_85 = tpu.memref_slice %arg2[%dma_wait3A_83, %dma_wait3A_84] : memref<100000x64xf32, #tpu.memory_space<hbm>> -> memref<100000x64xf32, #tpu.memory_space<hbm>>
      tpu.wait_indirect_dma semaphore(%arg24 : memref<!tpu.dma_semaphore, #tpu.memory_space<semaphore_mem>>) src(%dma_wait3A_85 : memref<100000x64xf32, #tpu.memory_space<hbm>>) dst(%arg15 : memref<50x64xf32, #tpu.memory_space<vmem>>)
      %get3A = arith.constant 0 : i32
      %get3A_86 = arith.index_cast %get3A : i32 to index
      %get3A_87 = arith.constant 0 : index
      %get3A_88 = tpu.vector_load %arg15[%get3A_86, %get3A_87] {strides = array<i32>} : memref<50x64xf32, #tpu.memory_space<vmem>>, vector<16xf32>,
      %get3A_89 = arith.constant 0 : i32
      %get3A_90 = arith.index_cast %get3A_89 : i32 to index
      %get3A_91 = arith.constant 16 : index
      %get3A_92 = tpu.vector_load %arg15[%get3A_90, %get3A_91] {strides = array<i32>} : memref<50x64xf32, #tpu.memory_space<vmem>>, vector<16xf32>,
      %get3A_93 = arith.constant 0 : i32
      %get3A_94 = arith.index_cast %get3A_93 : i32 to index
      %get3A_95 = arith.constant 32 : index
      %get3A_96 = tpu.vector_load %arg15[%get3A_94, %get3A_95] {strides = array<i32>} : memref<50x64xf32, #tpu.memory_space<vmem>>, vector<16xf32>,
      %get3A_97 = arith.constant 0 : i32
      %get3A_98 = arith.index_cast %get3A_97 : i32 to index
      %get3A_99 = arith.constant 48 : index
      %get3A_100 = tpu.vector_load %arg15[%get3A_98, %get3A_99] {strides = array<i32>} : memref<50x64xf32, #tpu.memory_space<vmem>>, vector<16xf32>,
      %get3A_101 = arith.constant 1 : i32
      %get3A_102 = arith.index_cast %get3A_101 : i32 to index
      %get3A_103 = arith.constant 0 : index
      %get3A_104 = tpu.vector_load %arg15[%get3A_102, %get3A_103] {strides = array<i32>} : memref<50x64xf32, #tpu.memory_space<vmem>>, vector<16xf32>,
      %add3A_105 = arith.addf %get3A_88, %get3A_104 : vector<16xf32>
      %get3A_106 = arith.constant 1 : i32
      %get3A_107 = arith.index_cast %get3A_106 : i32 to index
      %get3A_108 = arith.constant 16 : index
      %get3A_109 = tpu.vector_load %arg15[%get3A_107, %get3A_108] {strides = array<i32>} : memref<50x64xf32, #tpu.memory_space<vmem>>, vector<16xf32>,
      %add3A_110 = arith.addf %get3A_92, %get3A_109 : vector<16xf32>
      %get3A_111 = arith.constant 1 : i32
      %get3A_112 = arith.index_cast %get3A_111 : i32 to index
      %get3A_113 = arith.constant 32 : index
      %get3A_114 = tpu.vector_load %arg15[%get3A_112, %get3A_113] {strides = array<i32>} : memref<50x64xf32, #tpu.memory_space<vmem>>, vector<16xf32>,
      %add3A_115 = arith.addf %get3A_96, %get3A_114 : vector<16xf32>
      %get3A_116 = arith.constant 1 : i32
      %get3A_117 = arith.index_cast %get3A_116 : i32 to index
      %get3A_118 = arith.constant 48 : index
      %get3A_119 = tpu.vector_load %arg15[%get3A_117, %get3A_118] {strides = array<i32>} : memref<50x64xf32, #tpu.memory_space<vmem>>, vector<16xf32>,
      %add3A_120 = arith.addf %get3A_100, %get3A_119 : vector<16xf32>
      %get3A_121 = arith.constant 2 : i32
      %get3A_122 = arith.index_cast %get3A_121 : i32 to index
      %get3A_123 = arith.constant 0 : index
      %get3A_124 = tpu.vector_load %arg15[%get3A_122, %get3A_123] {strides = array<i32>} : memref<50x64xf32, #tpu.memory_space<vmem>>, vector<16xf32>,
      %add3A_125 = arith.addf %add3A_105, %get3A_124 : vector<16xf32>
      %get3A_126 = arith.constant 2 : i32
      %get3A_127 = arith.index_cast %get3A_126 : i32 to index
      %get3A_128 = arith.constant 16 : index
      %get3A_129 = tpu.vector_load %arg15[%get3A_127, %get3A_128] {strides = array<i32>} : memref<50x64xf32, #tpu.memory_space<vmem>>, vector<16xf32>,
      %add3A_130 = arith.addf %add3A_110, %get3A_129 : vector<16xf32>
      %get3A_131 = arith.constant 2 : i32
      %get3A_132 = arith.index_cast %get3A_131 : i32 to index
      %get3A_133 = arith.constant 32 : index
      %get3A_134 = tpu.vector_load %arg15[%get3A_132, %get3A_133] {strides = array<i32>} : memref<50x64xf32, #tpu.memory_space<vmem>>, vector<16xf32>,
      %add3A_135 = arith.addf %add3A_115, %get3A_134 : vector<16xf32>
      %get3A_136 = arith.constant 2 : i32
      %get3A_137 = arith.index_cast %get3A_136 : i32 to index
      %get3A_138 = arith.constant 48 : index
      %get3A_139 = tpu.vector_load %arg15[%get3A_137, %get3A_138] {strides = array<i32>} : memref<50x64xf32, #tpu.memory_space<vmem>>, vector<16xf32>,
      %add3A_140 = arith.addf %add3A_120, %get3A_139 : vector<16xf32>
      %get3A_141 = arith.constant 3 : i32
      %get3A_142 = arith.index_cast %get3A_141 : i32 to index
      %get3A_143 = arith.constant 0 : index
      %get3A_144 = tpu.vector_load %arg15[%get3A_142, %get3A_143] {strides = array<i32>} : memref<50x64xf32, #tpu.memory_space<vmem>>, vector<16xf32>,
      %add3A_145 = arith.addf %add3A_125, %get3A_144 : vector<16xf32>
      %get3A_146 = arith.constant 3 : i32
      %get3A_147 = arith.index_cast %get3A_146 : i32 to index
      %get3A_148 = arith.constant 16 : index
      %get3A_149 = tpu.vector_load %arg15[%get3A_147, %get3A_148] {strides = array<i32>} : memref<50x64xf32, #tpu.memory_space<vmem>>, vector<16xf32>,
      %add3A_150 = arith.addf %add3A_130, %get3A_149 : vector<16xf32>
      %get3A_151 = arith.constant 3 : i32
      %get3A_152 = arith.index_cast %get3A_151 : i32 to index
      %get3A_153 = arith.constant 32 : index
      %get3A_154 = tpu.vector_load %arg15[%get3A_152, %get3A_153] {strides = array<i32>} : memref<50x64xf32, #tpu.memory_space<vmem>>, vector<16xf32>,
      %add3A_155 = arith.addf %add3A_135, %get3A_154 : vector<16xf32>
      %get3A_156 = arith.constant 3 : i32
      %get3A_157 = arith.index_cast %get3A_156 : i32 to index
      %get3A_158 = arith.constant 48 : index
      %get3A_159 = tpu.vector_load %arg15[%get3A_157, %get3A_158] {strides = array<i32>} : memref<50x64xf32, #tpu.memory_space<vmem>>, vector<16xf32>,
      %add3A_160 = arith.addf %add3A_140, %get3A_159 : vector<16xf32>
      %get3A_161 = arith.constant 4 : i32
      %get3A_162 = arith.index_cast %get3A_161 : i32 to index
      %get3A_163 = arith.constant 0 : index
      %get3A_164 = tpu.vector_load %arg15[%get3A_162, %get3A_163] {strides = array<i32>} : memref<50x64xf32, #tpu.memory_space<vmem>>, vector<16xf32>,
      %add3A_165 = arith.addf %add3A_145, %get3A_164 : vector<16xf32>
      %get3A_166 = arith.constant 4 : i32
      %get3A_167 = arith.index_cast %get3A_166 : i32 to index
      %get3A_168 = arith.constant 16 : index
      %get3A_169 = tpu.vector_load %arg15[%get3A_167, %get3A_168] {strides = array<i32>} : memref<50x64xf32, #tpu.memory_space<vmem>>, vector<16xf32>,
      %add3A_170 = arith.addf %add3A_150, %get3A_169 : vector<16xf32>
      %get3A_171 = arith.constant 4 : i32
      %get3A_172 = arith.index_cast %get3A_171 : i32 to index
      %get3A_173 = arith.constant 32 : index
      %get3A_174 = tpu.vector_load %arg15[%get3A_172, %get3A_173] {strides = array<i32>} : memref<50x64xf32, #tpu.memory_space<vmem>>, vector<16xf32>,
      %add3A_175 = arith.addf %add3A_155, %get3A_174 : vector<16xf32>
      %get3A_176 = arith.constant 4 : i32
      %get3A_177 = arith.index_cast %get3A_176 : i32 to index
      %get3A_178 = arith.constant 48 : index
      %get3A_179 = tpu.vector_load %arg15[%get3A_177, %get3A_178] {strides = array<i32>} : memref<50x64xf32, #tpu.memory_space<vmem>>, vector<16xf32>,
      %add3A_180 = arith.addf %add3A_160, %get3A_179 : vector<16xf32>
      %get3A_181 = arith.constant 5 : i32
      %get3A_182 = arith.index_cast %get3A_181 : i32 to index
      %get3A_183 = arith.constant 0 : index
      %get3A_184 = tpu.vector_load %arg15[%get3A_182, %get3A_183] {strides = array<i32>} : memref<50x64xf32, #tpu.memory_space<vmem>>, vector<16xf32>,
      %add3A_185 = arith.addf %add3A_165, %get3A_184 : vector<16xf32>
      %get3A_186 = arith.constant 5 : i32
      %get3A_187 = arith.index_cast %get3A_186 : i32 to index
      %get3A_188 = arith.constant 16 : index
      %get3A_189 = tpu.vector_load %arg15[%get3A_187, %get3A_188] {strides = array<i32>} : memref<50x64xf32, #tpu.memory_space<vmem>>, vector<16xf32>,
      %add3A_190 = arith.addf %add3A_170, %get3A_189 : vector<16xf32>
      %get3A_191 = arith.constant 5 : i32
      %get3A_192 = arith.index_cast %get3A_191 : i32 to index
      %get3A_193 = arith.constant 32 : index
      %get3A_194 = tpu.vector_load %arg15[%get3A_192, %get3A_193] {strides = array<i32>} : memref<50x64xf32, #tpu.memory_space<vmem>>, vector<16xf32>,
      %add3A_195 = arith.addf %add3A_175, %get3A_194 : vector<16xf32>
      %get3A_196 = arith.constant 5 : i32
      %get3A_197 = arith.index_cast %get3A_196 : i32 to index
      %get3A_198 = arith.constant 48 : index
      %get3A_199 = tpu.vector_load %arg15[%get3A_197, %get3A_198] {strides = array<i32>} : memref<50x64xf32, #tpu.memory_space<vmem>>, vector<16xf32>,
      %add3A_200 = arith.addf %add3A_180, %get3A_199 : vector<16xf32>
      %get3A_201 = arith.constant 6 : i32
      %get3A_202 = arith.index_cast %get3A_201 : i32 to index
      %get3A_203 = arith.constant 0 : index
      %get3A_204 = tpu.vector_load %arg15[%get3A_202, %get3A_203] {strides = array<i32>} : memref<50x64xf32, #tpu.memory_space<vmem>>, vector<16xf32>,
      %add3A_205 = arith.addf %add3A_185, %get3A_204 : vector<16xf32>
      %get3A_206 = arith.constant 6 : i32
      %get3A_207 = arith.index_cast %get3A_206 : i32 to index
      %get3A_208 = arith.constant 16 : index
      %get3A_209 = tpu.vector_load %arg15[%get3A_207, %get3A_208] {strides = array<i32>} : memref<50x64xf32, #tpu.memory_space<vmem>>, vector<16xf32>,
      %add3A_210 = arith.addf %add3A_190, %get3A_209 : vector<16xf32>
      %get3A_211 = arith.constant 6 : i32
      %get3A_212 = arith.index_cast %get3A_211 : i32 to index
      %get3A_213 = arith.constant 32 : index
      %get3A_214 = tpu.vector_load %arg15[%get3A_212, %get3A_213] {strides = array<i32>} : memref<50x64xf32, #tpu.memory_space<vmem>>, vector<16xf32>,
      %add3A_215 = arith.addf %add3A_195, %get3A_214 : vector<16xf32>
      %get3A_216 = arith.constant 6 : i32
      %get3A_217 = arith.index_cast %get3A_216 : i32 to index
      %get3A_218 = arith.constant 48 : index
      %get3A_219 = tpu.vector_load %arg15[%get3A_217, %get3A_218] {strides = array<i32>} : memref<50x64xf32, #tpu.memory_space<vmem>>, vector<16xf32>,
      %add3A_220 = arith.addf %add3A_200, %get3A_219 : vector<16xf32>
      %get3A_221 = arith.constant 7 : i32
      %get3A_222 = arith.index_cast %get3A_221 : i32 to index
      %get3A_223 = arith.constant 0 : index
      %get3A_224 = tpu.vector_load %arg15[%get3A_222, %get3A_223] {strides = array<i32>} : memref<50x64xf32, #tpu.memory_space<vmem>>, vector<16xf32>,
      %add3A_225 = arith.addf %add3A_205, %get3A_224 : vector<16xf32>
      %get3A_226 = arith.constant 7 : i32
      %get3A_227 = arith.index_cast %get3A_226 : i32 to index
      %get3A_228 = arith.constant 16 : index
      %get3A_229 = tpu.vector_load %arg15[%get3A_227, %get3A_228] {strides = array<i32>} : memref<50x64xf32, #tpu.memory_space<vmem>>, vector<16xf32>,
      %add3A_230 = arith.addf %add3A_210, %get3A_229 : vector<16xf32>
      %get3A_231 = arith.constant 7 : i32
      %get3A_232 = arith.index_cast %get3A_231 : i32 to index
      %get3A_233 = arith.constant 32 : index
      %get3A_234 = tpu.vector_load %arg15[%get3A_232, %get3A_233] {strides = array<i32>} : memref<50x64xf32, #tpu.memory_space<vmem>>, vector<16xf32>,
      %add3A_235 = arith.addf %add3A_215, %get3A_234 : vector<16xf32>
      %get3A_236 = arith.constant 7 : i32
      %get3A_237 = arith.index_cast %get3A_236 : i32 to index
      %get3A_238 = arith.constant 48 : index
      %get3A_239 = tpu.vector_load %arg15[%get3A_237, %get3A_238] {strides = array<i32>} : memref<50x64xf32, #tpu.memory_space<vmem>>, vector<16xf32>,
      %add3A_240 = arith.addf %add3A_220, %get3A_239 : vector<16xf32>
      %get3A_241 = arith.constant 8 : i32
      %get3A_242 = arith.index_cast %get3A_241 : i32 to index
      %get3A_243 = arith.constant 0 : index
      %get3A_244 = tpu.vector_load %arg15[%get3A_242, %get3A_243] {strides = array<i32>} : memref<50x64xf32, #tpu.memory_space<vmem>>, vector<16xf32>,
      %add3A_245 = arith.addf %add3A_225, %get3A_244 : vector<16xf32>
      %get3A_246 = arith.constant 8 : i32
      %get3A_247 = arith.index_cast %get3A_246 : i32 to index
      %get3A_248 = arith.constant 16 : index
      %get3A_249 = tpu.vector_load %arg15[%get3A_247, %get3A_248] {strides = array<i32>} : memref<50x64xf32, #tpu.memory_space<vmem>>, vector<16xf32>,
      %add3A_250 = arith.addf %add3A_230, %get3A_249 : vector<16xf32>
      %get3A_251 = arith.constant 8 : i32
      %get3A_252 = arith.index_cast %get3A_251 : i32 to index
      %get3A_253 = arith.constant 32 : index
      %get3A_254 = tpu.vector_load %arg15[%get3A_252, %get3A_253] {strides = array<i32>} : memref<50x64xf32, #tpu.memory_space<vmem>>, vector<16xf32>,
      %add3A_255 = arith.addf %add3A_235, %get3A_254 : vector<16xf32>
      %get3A_256 = arith.constant 8 : i32
      %get3A_257 = arith.index_cast %get3A_256 : i32 to index
      %get3A_258 = arith.constant 48 : index
      %get3A_259 = tpu.vector_load %arg15[%get3A_257, %get3A_258] {strides = array<i32>} : memref<50x64xf32, #tpu.memory_space<vmem>>, vector<16xf32>,
      %add3A_260 = arith.addf %add3A_240, %get3A_259 : vector<16xf32>
      %get3A_261 = arith.constant 9 : i32
      %get3A_262 = arith.index_cast %get3A_261 : i32 to index
      %get3A_263 = arith.constant 0 : index
      %get3A_264 = tpu.vector_load %arg15[%get3A_262, %get3A_263] {strides = array<i32>} : memref<50x64xf32, #tpu.memory_space<vmem>>, vector<16xf32>,
      %add3A_265 = arith.addf %add3A_245, %get3A_264 : vector<16xf32>
      %get3A_266 = arith.constant 9 : i32
      %get3A_267 = arith.index_cast %get3A_266 : i32 to index
      %get3A_268 = arith.constant 16 : index
      %get3A_269 = tpu.vector_load %arg15[%get3A_267, %get3A_268] {strides = array<i32>} : memref<50x64xf32, #tpu.memory_space<vmem>>, vector<16xf32>,
      %add3A_270 = arith.addf %add3A_250, %get3A_269 : vector<16xf32>
      %get3A_271 = arith.constant 9 : i32
      %get3A_272 = arith.index_cast %get3A_271 : i32 to index
      %get3A_273 = arith.constant 32 : index
      %get3A_274 = tpu.vector_load %arg15[%get3A_272, %get3A_273] {strides = array<i32>} : memref<50x64xf32, #tpu.memory_space<vmem>>, vector<16xf32>,
      %add3A_275 = arith.addf %add3A_255, %get3A_274 : vector<16xf32>
      %get3A_276 = arith.constant 9 : i32
      %get3A_277 = arith.index_cast %get3A_276 : i32 to index
      %get3A_278 = arith.constant 48 : index
      %get3A_279 = tpu.vector_load %arg15[%get3A_277, %get3A_278] {strides = array<i32>} : memref<50x64xf32, #tpu.memory_space<vmem>>, vector<16xf32>,
      %add3A_280 = arith.addf %add3A_260, %get3A_279 : vector<16xf32>
      %get3A_281 = arith.constant 10 : i32
      %get3A_282 = arith.index_cast %get3A_281 : i32 to index
      %get3A_283 = arith.constant 0 : index
      %get3A_284 = tpu.vector_load %arg15[%get3A_282, %get3A_283] {strides = array<i32>} : memref<50x64xf32, #tpu.memory_space<vmem>>, vector<16xf32>,
      %add3A_285 = arith.addf %add3A_265, %get3A_284 : vector<16xf32>
      %get3A_286 = arith.constant 10 : i32
      %get3A_287 = arith.index_cast %get3A_286 : i32 to index
      %get3A_288 = arith.constant 16 : index
      %get3A_289 = tpu.vector_load %arg15[%get3A_287, %get3A_288] {strides = array<i32>} : memref<50x64xf32, #tpu.memory_space<vmem>>, vector<16xf32>,
      %add3A_290 = arith.addf %add3A_270, %get3A_289 : vector<16xf32>
      %get3A_291 = arith.constant 10 : i32
      %get3A_292 = arith.index_cast %get3A_291 : i32 to index
      %get3A_293 = arith.constant 32 : index
      %get3A_294 = tpu.vector_load %arg15[%get3A_292, %get3A_293] {strides = array<i32>} : memref<50x64xf32, #tpu.memory_space<vmem>>, vector<16xf32>,
      %add3A_295 = arith.addf %add3A_275, %get3A_294 : vector<16xf32>
      %get3A_296 = arith.constant 10 : i32
      %get3A_297 = arith.index_cast %get3A_296 : i32 to index
      %get3A_298 = arith.constant 48 : index
      %get3A_299 = tpu.vector_load %arg15[%get3A_297, %get3A_298] {strides = array<i32>} : memref<50x64xf32, #tpu.memory_space<vmem>>, vector<16xf32>,
      %add3A_300 = arith.addf %add3A_280, %get3A_299 : vector<16xf32>
      %get3A_301 = arith.constant 11 : i32
      %get3A_302 = arith.index_cast %get3A_301 : i32 to index
      %get3A_303 = arith.constant 0 : index
      %get3A_304 = tpu.vector_load %arg15[%get3A_302, %get3A_303] {strides = array<i32>} : memref<50x64xf32, #tpu.memory_space<vmem>>, vector<16xf32>,
      %add3A_305 = arith.addf %add3A_285, %get3A_304 : vector<16xf32>
      %get3A_306 = arith.constant 11 : i32
      %get3A_307 = arith.index_cast %get3A_306 : i32 to index
      %get3A_308 = arith.constant 16 : index
      %get3A_309 = tpu.vector_load %arg15[%get3A_307, %get3A_308] {strides = array<i32>} : memref<50x64xf32, #tpu.memory_space<vmem>>, vector<16xf32>,
      %add3A_310 = arith.addf %add3A_290, %get3A_309 : vector<16xf32>
      %get3A_311 = arith.constant 11 : i32
      %get3A_312 = arith.index_cast %get3A_311 : i32 to index
      %get3A_313 = arith.constant 32 : index
      %get3A_314 = tpu.vector_load %arg15[%get3A_312, %get3A_313] {strides = array<i32>} : memref<50x64xf32, #tpu.memory_space<vmem>>, vector<16xf32>,
      %add3A_315 = arith.addf %add3A_295, %get3A_314 : vector<16xf32>
      %get3A_316 = arith.constant 11 : i32
      %get3A_317 = arith.index_cast %get3A_316 : i32 to index
      %get3A_318 = arith.constant 48 : index
      %get3A_319 = tpu.vector_load %arg15[%get3A_317, %get3A_318] {strides = array<i32>} : memref<50x64xf32, #tpu.memory_space<vmem>>, vector<16xf32>,
      %add3A_320 = arith.addf %add3A_300, %get3A_319 : vector<16xf32>
      %get3A_321 = arith.constant 12 : i32
      %get3A_322 = arith.index_cast %get3A_321 : i32 to index
      %get3A_323 = arith.constant 0 : index
      %get3A_324 = tpu.vector_load %arg15[%get3A_322, %get3A_323] {strides = array<i32>} : memref<50x64xf32, #tpu.memory_space<vmem>>, vector<16xf32>,
      %add3A_325 = arith.addf %add3A_305, %get3A_324 : vector<16xf32>
      %get3A_326 = arith.constant 12 : i32
      %get3A_327 = arith.index_cast %get3A_326 : i32 to index
      %get3A_328 = arith.constant 16 : index
      %get3A_329 = tpu.vector_load %arg15[%get3A_327, %get3A_328] {strides = array<i32>} : memref<50x64xf32, #tpu.memory_space<vmem>>, vector<16xf32>,
      %add3A_330 = arith.addf %add3A_310, %get3A_329 : vector<16xf32>
      %get3A_331 = arith.constant 12 : i32
      %get3A_332 = arith.index_cast %get3A_331 : i32 to index
      %get3A_333 = arith.constant 32 : index
      %get3A_334 = tpu.vector_load %arg15[%get3A_332, %get3A_333] {strides = array<i32>} : memref<50x64xf32, #tpu.memory_space<vmem>>, vector<16xf32>,
      %add3A_335 = arith.addf %add3A_315, %get3A_334 : vector<16xf32>
      %get3A_336 = arith.constant 12 : i32
      %get3A_337 = arith.index_cast %get3A_336 : i32 to index
      %get3A_338 = arith.constant 48 : index
      %get3A_339 = tpu.vector_load %arg15[%get3A_337, %get3A_338] {strides = array<i32>} : memref<50x64xf32, #tpu.memory_space<vmem>>, vector<16xf32>,
      %add3A_340 = arith.addf %add3A_320, %get3A_339 : vector<16xf32>
      %get3A_341 = arith.constant 13 : i32
      %get3A_342 = arith.index_cast %get3A_341 : i32 to index
      %get3A_343 = arith.constant 0 : index
      %get3A_344 = tpu.vector_load %arg15[%get3A_342, %get3A_343] {strides = array<i32>} : memref<50x64xf32, #tpu.memory_space<vmem>>, vector<16xf32>,
      %add3A_345 = arith.addf %add3A_325, %get3A_344 : vector<16xf32>
      %get3A_346 = arith.constant 13 : i32
      %get3A_347 = arith.index_cast %get3A_346 : i32 to index
      %get3A_348 = arith.constant 16 : index
      %get3A_349 = tpu.vector_load %arg15[%get3A_347, %get3A_348] {strides = array<i32>} : memref<50x64xf32, #tpu.memory_space<vmem>>, vector<16xf32>,
      %add3A_350 = arith.addf %add3A_330, %get3A_349 : vector<16xf32>
      %get3A_351 = arith.constant 13 : i32
      %get3A_352 = arith.index_cast %get3A_351 : i32 to index
      %get3A_353 = arith.constant 32 : index
      %get3A_354 = tpu.vector_load %arg15[%get3A_352, %get3A_353] {strides = array<i32>} : memref<50x64xf32, #tpu.memory_space<vmem>>, vector<16xf32>,
      %add3A_355 = arith.addf %add3A_335, %get3A_354 : vector<16xf32>
      %get3A_356 = arith.constant 13 : i32
      %get3A_357 = arith.index_cast %get3A_356 : i32 to index
      %get3A_358 = arith.constant 48 : index
      %get3A_359 = tpu.vector_load %arg15[%get3A_357, %get3A_358] {strides = array<i32>} : memref<50x64xf32, #tpu.memory_space<vmem>>, vector<16xf32>,
      %add3A_360 = arith.addf %add3A_340, %get3A_359 : vector<16xf32>
      %get3A_361 = arith.constant 14 : i32
      %get3A_362 = arith.index_cast %get3A_361 : i32 to index
      %get3A_363 = arith.constant 0 : index
      %get3A_364 = tpu.vector_load %arg15[%get3A_362, %get3A_363] {strides = array<i32>} : memref<50x64xf32, #tpu.memory_space<vmem>>, vector<16xf32>,
      %add3A_365 = arith.addf %add3A_345, %get3A_364 : vector<16xf32>
      %get3A_366 = arith.constant 14 : i32
      %get3A_367 = arith.index_cast %get3A_366 : i32 to index
      %get3A_368 = arith.constant 16 : index
      %get3A_369 = tpu.vector_load %arg15[%get3A_367, %get3A_368] {strides = array<i32>} : memref<50x64xf32, #tpu.memory_space<vmem>>, vector<16xf32>,
      %add3A_370 = arith.addf %add3A_350, %get3A_369 : vector<16xf32>
      %get3A_371 = arith.constant 14 : i32
      %get3A_372 = arith.index_cast %get3A_371 : i32 to index
      %get3A_373 = arith.constant 32 : index
      %get3A_374 = tpu.vector_load %arg15[%get3A_372, %get3A_373] {strides = array<i32>} : memref<50x64xf32, #tpu.memory_space<vmem>>, vector<16xf32>,
      %add3A_375 = arith.addf %add3A_355, %get3A_374 : vector<16xf32>
      %get3A_376 = arith.constant 14 : i32
      %get3A_377 = arith.index_cast %get3A_376 : i32 to index
      %get3A_378 = arith.constant 48 : index
      %get3A_379 = tpu.vector_load %arg15[%get3A_377, %get3A_378] {strides = array<i32>} : memref<50x64xf32, #tpu.memory_space<vmem>>, vector<16xf32>,
      %add3A_380 = arith.addf %add3A_360, %get3A_379 : vector<16xf32>
      %get3A_381 = arith.constant 15 : i32
      %get3A_382 = arith.index_cast %get3A_381 : i32 to index
      %get3A_383 = arith.constant 0 : index
      %get3A_384 = tpu.vector_load %arg15[%get3A_382, %get3A_383] {strides = array<i32>} : memref<50x64xf32, #tpu.memory_space<vmem>>, vector<16xf32>,
      %add3A_385 = arith.addf %add3A_365, %get3A_384 : vector<16xf32>
      %get3A_386 = arith.constant 15 : i32
      %get3A_387 = arith.index_cast %get3A_386 : i32 to index
      %get3A_388 = arith.constant 16 : index
      %get3A_389 = tpu.vector_load %arg15[%get3A_387, %get3A_388] {strides = array<i32>} : memref<50x64xf32, #tpu.memory_space<vmem>>, vector<16xf32>,
      %add3A_390 = arith.addf %add3A_370, %get3A_389 : vector<16xf32>
      %get3A_391 = arith.constant 15 : i32
      %get3A_392 = arith.index_cast %get3A_391 : i32 to index
      %get3A_393 = arith.constant 32 : index
      %get3A_394 = tpu.vector_load %arg15[%get3A_392, %get3A_393] {strides = array<i32>} : memref<50x64xf32, #tpu.memory_space<vmem>>, vector<16xf32>,
      %add3A_395 = arith.addf %add3A_375, %get3A_394 : vector<16xf32>
      %get3A_396 = arith.constant 15 : i32
      %get3A_397 = arith.index_cast %get3A_396 : i32 to index
      %get3A_398 = arith.constant 48 : index
      %get3A_399 = tpu.vector_load %arg15[%get3A_397, %get3A_398] {strides = array<i32>} : memref<50x64xf32, #tpu.memory_space<vmem>>, vector<16xf32>,
      %add3A_400 = arith.addf %add3A_380, %get3A_399 : vector<16xf32>
      %get3A_401 = arith.constant 16 : i32
      %get3A_402 = arith.index_cast %get3A_401 : i32 to index
      %get3A_403 = arith.constant 0 : index
      %get3A_404 = tpu.vector_load %arg15[%get3A_402, %get3A_403] {strides = array<i32>} : memref<50x64xf32, #tpu.memory_space<vmem>>, vector<16xf32>,
      %add3A_405 = arith.addf %add3A_385, %get3A_404 : vector<16xf32>
      %get3A_406 = arith.constant 16 : i32
      %get3A_407 = arith.index_cast %get3A_406 : i32 to index
      %get3A_408 = arith.constant 16 : index
      %get3A_409 = tpu.vector_load %arg15[%get3A_407, %get3A_408] {strides = array<i32>} : memref<50x64xf32, #tpu.memory_space<vmem>>, vector<16xf32>,
      %add3A_410 = arith.addf %add3A_390, %get3A_409 : vector<16xf32>
      %get3A_411 = arith.constant 16 : i32
      %get3A_412 = arith.index_cast %get3A_411 : i32 to index
      %get3A_413 = arith.constant 32 : index
      %get3A_414 = tpu.vector_load %arg15[%get3A_412, %get3A_413] {strides = array<i32>} : memref<50x64xf32, #tpu.memory_space<vmem>>, vector<16xf32>,
      %add3A_415 = arith.addf %add3A_395, %get3A_414 : vector<16xf32>
      %get3A_416 = arith.constant 16 : i32
      %get3A_417 = arith.index_cast %get3A_416 : i32 to index
      %get3A_418 = arith.constant 48 : index
      %get3A_419 = tpu.vector_load %arg15[%get3A_417, %get3A_418] {strides = array<i32>} : memref<50x64xf32, #tpu.memory_space<vmem>>, vector<16xf32>,
      %add3A_420 = arith.addf %add3A_400, %get3A_419 : vector<16xf32>
      %get3A_421 = arith.constant 17 : i32
      %get3A_422 = arith.index_cast %get3A_421 : i32 to index
      %get3A_423 = arith.constant 0 : index
      %get3A_424 = tpu.vector_load %arg15[%get3A_422, %get3A_423] {strides = array<i32>} : memref<50x64xf32, #tpu.memory_space<vmem>>, vector<16xf32>,
      %add3A_425 = arith.addf %add3A_405, %get3A_424 : vector<16xf32>
      %get3A_426 = arith.constant 17 : i32
      %get3A_427 = arith.index_cast %get3A_426 : i32 to index
      %get3A_428 = arith.constant 16 : index
      %get3A_429 = tpu.vector_load %arg15[%get3A_427, %get3A_428] {strides = array<i32>} : memref<50x64xf32, #tpu.memory_space<vmem>>, vector<16xf32>,
      %add3A_430 = arith.addf %add3A_410, %get3A_429 : vector<16xf32>
      %get3A_431 = arith.constant 17 : i32
      %get3A_432 = arith.index_cast %get3A_431 : i32 to index
      %get3A_433 = arith.constant 32 : index
      %get3A_434 = tpu.vector_load %arg15[%get3A_432, %get3A_433] {strides = array<i32>} : memref<50x64xf32, #tpu.memory_space<vmem>>, vector<16xf32>,
      %add3A_435 = arith.addf %add3A_415, %get3A_434 : vector<16xf32>
      %get3A_436 = arith.constant 17 : i32
      %get3A_437 = arith.index_cast %get3A_436 : i32 to index
      %get3A_438 = arith.constant 48 : index
      %get3A_439 = tpu.vector_load %arg15[%get3A_437, %get3A_438] {strides = array<i32>} : memref<50x64xf32, #tpu.memory_space<vmem>>, vector<16xf32>,
      %add3A_440 = arith.addf %add3A_420, %get3A_439 : vector<16xf32>
      %get3A_441 = arith.constant 18 : i32
      %get3A_442 = arith.index_cast %get3A_441 : i32 to index
      %get3A_443 = arith.constant 0 : index
      %get3A_444 = tpu.vector_load %arg15[%get3A_442, %get3A_443] {strides = array<i32>} : memref<50x64xf32, #tpu.memory_space<vmem>>, vector<16xf32>,
      %add3A_445 = arith.addf %add3A_425, %get3A_444 : vector<16xf32>
      %get3A_446 = arith.constant 18 : i32
      %get3A_447 = arith.index_cast %get3A_446 : i32 to index
      %get3A_448 = arith.constant 16 : index
      %get3A_449 = tpu.vector_load %arg15[%get3A_447, %get3A_448] {strides = array<i32>} : memref<50x64xf32, #tpu.memory_space<vmem>>, vector<16xf32>,
      %add3A_450 = arith.addf %add3A_430, %get3A_449 : vector<16xf32>
      %get3A_451 = arith.constant 18 : i32
      %get3A_452 = arith.index_cast %get3A_451 : i32 to index
      %get3A_453 = arith.constant 32 : index
      %get3A_454 = tpu.vector_load %arg15[%get3A_452, %get3A_453] {strides = array<i32>} : memref<50x64xf32, #tpu.memory_space<vmem>>, vector<16xf32>,
      %add3A_455 = arith.addf %add3A_435, %get3A_454 : vector<16xf32>
      %get3A_456 = arith.constant 18 : i32
      %get3A_457 = arith.index_cast %get3A_456 : i32 to index
      %get3A_458 = arith.constant 48 : index
      %get3A_459 = tpu.vector_load %arg15[%get3A_457, %get3A_458] {strides = array<i32>} : memref<50x64xf32, #tpu.memory_space<vmem>>, vector<16xf32>,
      %add3A_460 = arith.addf %add3A_440, %get3A_459 : vector<16xf32>
      %get3A_461 = arith.constant 19 : i32
      %get3A_462 = arith.index_cast %get3A_461 : i32 to index
      %get3A_463 = arith.constant 0 : index
      %get3A_464 = tpu.vector_load %arg15[%get3A_462, %get3A_463] {strides = array<i32>} : memref<50x64xf32, #tpu.memory_space<vmem>>, vector<16xf32>,
      %add3A_465 = arith.addf %add3A_445, %get3A_464 : vector<16xf32>
      %get3A_466 = arith.constant 19 : i32
      %get3A_467 = arith.index_cast %get3A_466 : i32 to index
      %get3A_468 = arith.constant 16 : index
      %get3A_469 = tpu.vector_load %arg15[%get3A_467, %get3A_468] {strides = array<i32>} : memref<50x64xf32, #tpu.memory_space<vmem>>, vector<16xf32>,
      %add3A_470 = arith.addf %add3A_450, %get3A_469 : vector<16xf32>
      %get3A_471 = arith.constant 19 : i32
      %get3A_472 = arith.index_cast %get3A_471 : i32 to index
      %get3A_473 = arith.constant 32 : index
      %get3A_474 = tpu.vector_load %arg15[%get3A_472, %get3A_473] {strides = array<i32>} : memref<50x64xf32, #tpu.memory_space<vmem>>, vector<16xf32>,
      %add3A_475 = arith.addf %add3A_455, %get3A_474 : vector<16xf32>
      %get3A_476 = arith.constant 19 : i32
      %get3A_477 = arith.index_cast %get3A_476 : i32 to index
      %get3A_478 = arith.constant 48 : index
      %get3A_479 = tpu.vector_load %arg15[%get3A_477, %get3A_478] {strides = array<i32>} : memref<50x64xf32, #tpu.memory_space<vmem>>, vector<16xf32>,
      %add3A_480 = arith.addf %add3A_460, %get3A_479 : vector<16xf32>
      %get3A_481 = arith.constant 20 : i32
      %get3A_482 = arith.index_cast %get3A_481 : i32 to index
      %get3A_483 = arith.constant 0 : index
      %get3A_484 = tpu.vector_load %arg15[%get3A_482, %get3A_483] {strides = array<i32>} : memref<50x64xf32, #tpu.memory_space<vmem>>, vector<16xf32>,
      %add3A_485 = arith.addf %add3A_465, %get3A_484 : vector<16xf32>
      %get3A_486 = arith.constant 20 : i32
      %get3A_487 = arith.index_cast %get3A_486 : i32 to index
      %get3A_488 = arith.constant 16 : index
      %get3A_489 = tpu.vector_load %arg15[%get3A_487, %get3A_488] {strides = array<i32>} : memref<50x64xf32, #tpu.memory_space<vmem>>, vector<16xf32>,
      %add3A_490 = arith.addf %add3A_470, %get3A_489 : vector<16xf32>
      %get3A_491 = arith.constant 20 : i32
      %get3A_492 = arith.index_cast %get3A_491 : i32 to index
      %get3A_493 = arith.constant 32 : index
      %get3A_494 = tpu.vector_load %arg15[%get3A_492, %get3A_493] {strides = array<i32>} : memref<50x64xf32, #tpu.memory_space<vmem>>, vector<16xf32>,
      %add3A_495 = arith.addf %add3A_475, %get3A_494 : vector<16xf32>
      %get3A_496 = arith.constant 20 : i32
      %get3A_497 = arith.index_cast %get3A_496 : i32 to index
      %get3A_498 = arith.constant 48 : index
      %get3A_499 = tpu.vector_load %arg15[%get3A_497, %get3A_498] {strides = array<i32>} : memref<50x64xf32, #tpu.memory_space<vmem>>, vector<16xf32>,
      %add3A_500 = arith.addf %add3A_480, %get3A_499 : vector<16xf32>
      %get3A_501 = arith.constant 21 : i32
      %get3A_502 = arith.index_cast %get3A_501 : i32 to index
      %get3A_503 = arith.constant 0 : index
      %get3A_504 = tpu.vector_load %arg15[%get3A_502, %get3A_503] {strides = array<i32>} : memref<50x64xf32, #tpu.memory_space<vmem>>, vector<16xf32>,
      %add3A_505 = arith.addf %add3A_485, %get3A_504 : vector<16xf32>
      %get3A_506 = arith.constant 21 : i32
      %get3A_507 = arith.index_cast %get3A_506 : i32 to index
      %get3A_508 = arith.constant 16 : index
      %get3A_509 = tpu.vector_load %arg15[%get3A_507, %get3A_508] {strides = array<i32>} : memref<50x64xf32, #tpu.memory_space<vmem>>, vector<16xf32>,
      %add3A_510 = arith.addf %add3A_490, %get3A_509 : vector<16xf32>
      %get3A_511 = arith.constant 21 : i32
      %get3A_512 = arith.index_cast %get3A_511 : i32 to index
      %get3A_513 = arith.constant 32 : index
      %get3A_514 = tpu.vector_load %arg15[%get3A_512, %get3A_513] {strides = array<i32>} : memref<50x64xf32, #tpu.memory_space<vmem>>, vector<16xf32>,
      %add3A_515 = arith.addf %add3A_495, %get3A_514 : vector<16xf32>
      %get3A_516 = arith.constant 21 : i32
      %get3A_517 = arith.index_cast %get3A_516 : i32 to index
      %get3A_518 = arith.constant 48 : index
      %get3A_519 = tpu.vector_load %arg15[%get3A_517, %get3A_518] {strides = array<i32>} : memref<50x64xf32, #tpu.memory_space<vmem>>, vector<16xf32>,
      %add3A_520 = arith.addf %add3A_500, %get3A_519 : vector<16xf32>
      %get3A_521 = arith.constant 22 : i32
      %get3A_522 = arith.index_cast %get3A_521 : i32 to index
      %get3A_523 = arith.constant 0 : index
      %get3A_524 = tpu.vector_load %arg15[%get3A_522, %get3A_523] {strides = array<i32>} : memref<50x64xf32, #tpu.memory_space<vmem>>, vector<16xf32>,
      %add3A_525 = arith.addf %add3A_505, %get3A_524 : vector<16xf32>
      %get3A_526 = arith.constant 22 : i32
      %get3A_527 = arith.index_cast %get3A_526 : i32 to index
      %get3A_528 = arith.constant 16 : index
      %get3A_529 = tpu.vector_load %arg15[%get3A_527, %get3A_528] {strides = array<i32>} : memref<50x64xf32, #tpu.memory_space<vmem>>, vector<16xf32>,
      %add3A_530 = arith.addf %add3A_510, %get3A_529 : vector<16xf32>
      %get3A_531 = arith.constant 22 : i32
      %get3A_532 = arith.index_cast %get3A_531 : i32 to index
      %get3A_533 = arith.constant 32 : index
      %get3A_534 = tpu.vector_load %arg15[%get3A_532, %get3A_533] {strides = array<i32>} : memref<50x64xf32, #tpu.memory_space<vmem>>, vector<16xf32>,
      %add3A_535 = arith.addf %add3A_515, %get3A_534 : vector<16xf32>
      %get3A_536 = arith.constant 22 : i32
      %get3A_537 = arith.index_cast %get3A_536 : i32 to index
      %get3A_538 = arith.constant 48 : index
      %get3A_539 = tpu.vector_load %arg15[%get3A_537, %get3A_538] {strides = array<i32>} : memref<50x64xf32, #tpu.memory_space<vmem>>, vector<16xf32>,
      %add3A_540 = arith.addf %add3A_520, %get3A_539 : vector<16xf32>
      %get3A_541 = arith.constant 23 : i32
      %get3A_542 = arith.index_cast %get3A_541 : i32 to index
      %get3A_543 = arith.constant 0 : index
      %get3A_544 = tpu.vector_load %arg15[%get3A_542, %get3A_543] {strides = array<i32>} : memref<50x64xf32, #tpu.memory_space<vmem>>, vector<16xf32>,
      %add3A_545 = arith.addf %add3A_525, %get3A_544 : vector<16xf32>
      %get3A_546 = arith.constant 23 : i32
      %get3A_547 = arith.index_cast %get3A_546 : i32 to index
      %get3A_548 = arith.constant 16 : index
      %get3A_549 = tpu.vector_load %arg15[%get3A_547, %get3A_548] {strides = array<i32>} : memref<50x64xf32, #tpu.memory_space<vmem>>, vector<16xf32>,
      %add3A_550 = arith.addf %add3A_530, %get3A_549 : vector<16xf32>
      %get3A_551 = arith.constant 23 : i32
      %get3A_552 = arith.index_cast %get3A_551 : i32 to index
      %get3A_553 = arith.constant 32 : index
      %get3A_554 = tpu.vector_load %arg15[%get3A_552, %get3A_553] {strides = array<i32>} : memref<50x64xf32, #tpu.memory_space<vmem>>, vector<16xf32>,
      %add3A_555 = arith.addf %add3A_535, %get3A_554 : vector<16xf32>
      %get3A_556 = arith.constant 23 : i32
      %get3A_557 = arith.index_cast %get3A_556 : i32 to index
      %get3A_558 = arith.constant 48 : index
      %get3A_559 = tpu.vector_load %arg15[%get3A_557, %get3A_558] {strides = array<i32>} : memref<50x64xf32, #tpu.memory_space<vmem>>, vector<16xf32>,
      %add3A_560 = arith.addf %add3A_540, %get3A_559 : vector<16xf32>
      %get3A_561 = arith.constant 24 : i32
      %get3A_562 = arith.index_cast %get3A_561 : i32 to index
      %get3A_563 = arith.constant 0 : index
      %get3A_564 = tpu.vector_load %arg15[%get3A_562, %get3A_563] {strides = array<i32>} : memref<50x64xf32, #tpu.memory_space<vmem>>, vector<16xf32>,
      %add3A_565 = arith.addf %add3A_545, %get3A_564 : vector<16xf32>
      %get3A_566 = arith.constant 24 : i32
      %get3A_567 = arith.index_cast %get3A_566 : i32 to index
      %get3A_568 = arith.constant 16 : index
      %get3A_569 = tpu.vector_load %arg15[%get3A_567, %get3A_568] {strides = array<i32>} : memref<50x64xf32, #tpu.memory_space<vmem>>, vector<16xf32>,
      %add3A_570 = arith.addf %add3A_550, %get3A_569 : vector<16xf32>
      %get3A_571 = arith.constant 24 : i32
      %get3A_572 = arith.index_cast %get3A_571 : i32 to index
      %get3A_573 = arith.constant 32 : index
      %get3A_574 = tpu.vector_load %arg15[%get3A_572, %get3A_573] {strides = array<i32>} : memref<50x64xf32, #tpu.memory_space<vmem>>, vector<16xf32>,
      %add3A_575 = arith.addf %add3A_555, %get3A_574 : vector<16xf32>
      %get3A_576 = arith.constant 24 : i32
      %get3A_577 = arith.index_cast %get3A_576 : i32 to index
      %get3A_578 = arith.constant 48 : index
      %get3A_579 = tpu.vector_load %arg15[%get3A_577, %get3A_578] {strides = array<i32>} : memref<50x64xf32, #tpu.memory_space<vmem>>, vector<16xf32>,
      %add3A_580 = arith.addf %add3A_560, %get3A_579 : vector<16xf32>
      %get3A_581 = arith.constant 25 : i32
      %get3A_582 = arith.index_cast %get3A_581 : i32 to index
      %get3A_583 = arith.constant 0 : index
      %get3A_584 = tpu.vector_load %arg15[%get3A_582, %get3A_583] {strides = array<i32>} : memref<50x64xf32, #tpu.memory_space<vmem>>, vector<16xf32>,
      %add3A_585 = arith.addf %add3A_565, %get3A_584 : vector<16xf32>
      %get3A_586 = arith.constant 25 : i32
      %get3A_587 = arith.index_cast %get3A_586 : i32 to index
      %get3A_588 = arith.constant 16 : index
      %get3A_589 = tpu.vector_load %arg15[%get3A_587, %get3A_588] {strides = array<i32>} : memref<50x64xf32, #tpu.memory_space<vmem>>, vector<16xf32>,
      %add3A_590 = arith.addf %add3A_570, %get3A_589 : vector<16xf32>
      %get3A_591 = arith.constant 25 : i32
      %get3A_592 = arith.index_cast %get3A_591 : i32 to index
      %get3A_593 = arith.constant 32 : index
      %get3A_594 = tpu.vector_load %arg15[%get3A_592, %get3A_593] {strides = array<i32>} : memref<50x64xf32, #tpu.memory_space<vmem>>, vector<16xf32>,
      %add3A_595 = arith.addf %add3A_575, %get3A_594 : vector<16xf32>
      %get3A_596 = arith.constant 25 : i32
      %get3A_597 = arith.index_cast %get3A_596 : i32 to index
      %get3A_598 = arith.constant 48 : index
      %get3A_599 = tpu.vector_load %arg15[%get3A_597, %get3A_598] {strides = array<i32>} : memref<50x64xf32, #tpu.memory_space<vmem>>, vector<16xf32>,
      %add3A_600 = arith.addf %add3A_580, %get3A_599 : vector<16xf32>
      %get3A_601 = arith.constant 26 : i32
      %get3A_602 = arith.index_cast %get3A_601 : i32 to index
      %get3A_603 = arith.constant 0 : index
      %get3A_604 = tpu.vector_load %arg15[%get3A_602, %get3A_603] {strides = array<i32>} : memref<50x64xf32, #tpu.memory_space<vmem>>, vector<16xf32>,
      %add3A_605 = arith.addf %add3A_585, %get3A_604 : vector<16xf32>
      %get3A_606 = arith.constant 26 : i32
      %get3A_607 = arith.index_cast %get3A_606 : i32 to index
      %get3A_608 = arith.constant 16 : index
      %get3A_609 = tpu.vector_load %arg15[%get3A_607, %get3A_608] {strides = array<i32>} : memref<50x64xf32, #tpu.memory_space<vmem>>, vector<16xf32>,
      %add3A_610 = arith.addf %add3A_590, %get3A_609 : vector<16xf32>
      %get3A_611 = arith.constant 26 : i32
      %get3A_612 = arith.index_cast %get3A_611 : i32 to index
      %get3A_613 = arith.constant 32 : index
      %get3A_614 = tpu.vector_load %arg15[%get3A_612, %get3A_613] {strides = array<i32>} : memref<50x64xf32, #tpu.memory_space<vmem>>, vector<16xf32>,
      %add3A_615 = arith.addf %add3A_595, %get3A_614 : vector<16xf32>
      %get3A_616 = arith.constant 26 : i32
      %get3A_617 = arith.index_cast %get3A_616 : i32 to index
      %get3A_618 = arith.constant 48 : index
      %get3A_619 = tpu.vector_load %arg15[%get3A_617, %get3A_618] {strides = array<i32>} : memref<50x64xf32, #tpu.memory_space<vmem>>, vector<16xf32>,
      %add3A_620 = arith.addf %add3A_600, %get3A_619 : vector<16xf32>
      %get3A_621 = arith.constant 27 : i32
      %get3A_622 = arith.index_cast %get3A_621 : i32 to index
      %get3A_623 = arith.constant 0 : index
      %get3A_624 = tpu.vector_load %arg15[%get3A_622, %get3A_623] {strides = array<i32>} : memref<50x64xf32, #tpu.memory_space<vmem>>, vector<16xf32>,
      %add3A_625 = arith.addf %add3A_605, %get3A_624 : vector<16xf32>
      %get3A_626 = arith.constant 27 : i32
      %get3A_627 = arith.index_cast %get3A_626 : i32 to index
      %get3A_628 = arith.constant 16 : index
      %get3A_629 = tpu.vector_load %arg15[%get3A_627, %get3A_628] {strides = array<i32>} : memref<50x64xf32, #tpu.memory_space<vmem>>, vector<16xf32>,
      %add3A_630 = arith.addf %add3A_610, %get3A_629 : vector<16xf32>
      %get3A_631 = arith.constant 27 : i32
      %get3A_632 = arith.index_cast %get3A_631 : i32 to index
      %get3A_633 = arith.constant 32 : index
      %get3A_634 = tpu.vector_load %arg15[%get3A_632, %get3A_633] {strides = array<i32>} : memref<50x64xf32, #tpu.memory_space<vmem>>, vector<16xf32>,
      %add3A_635 = arith.addf %add3A_615, %get3A_634 : vector<16xf32>
      %get3A_636 = arith.constant 27 : i32
      %get3A_637 = arith.index_cast %get3A_636 : i32 to index
      %get3A_638 = arith.constant 48 : index
      %get3A_639 = tpu.vector_load %arg15[%get3A_637, %get3A_638] {strides = array<i32>} : memref<50x64xf32, #tpu.memory_space<vmem>>, vector<16xf32>,
      %add3A_640 = arith.addf %add3A_620, %get3A_639 : vector<16xf32>
      %get3A_641 = arith.constant 28 : i32
      %get3A_642 = arith.index_cast %get3A_641 : i32 to index
      %get3A_643 = arith.constant 0 : index
      %get3A_644 = tpu.vector_load %arg15[%get3A_642, %get3A_643] {strides = array<i32>} : memref<50x64xf32, #tpu.memory_space<vmem>>, vector<16xf32>,
      %add3A_645 = arith.addf %add3A_625, %get3A_644 : vector<16xf32>
      %get3A_646 = arith.constant 28 : i32
      %get3A_647 = arith.index_cast %get3A_646 : i32 to index
      %get3A_648 = arith.constant 16 : index
      %get3A_649 = tpu.vector_load %arg15[%get3A_647, %get3A_648] {strides = array<i32>} : memref<50x64xf32, #tpu.memory_space<vmem>>, vector<16xf32>,
      %add3A_650 = arith.addf %add3A_630, %get3A_649 : vector<16xf32>
      %get3A_651 = arith.constant 28 : i32
      %get3A_652 = arith.index_cast %get3A_651 : i32 to index
      %get3A_653 = arith.constant 32 : index
      %get3A_654 = tpu.vector_load %arg15[%get3A_652, %get3A_653] {strides = array<i32>} : memref<50x64xf32, #tpu.memory_space<vmem>>, vector<16xf32>,
      %add3A_655 = arith.addf %add3A_635, %get3A_654 : vector<16xf32>
      %get3A_656 = arith.constant 28 : i32
      %get3A_657 = arith.index_cast %get3A_656 : i32 to index
      %get3A_658 = arith.constant 48 : index
      %get3A_659 = tpu.vector_load %arg15[%get3A_657, %get3A_658] {strides = array<i32>} : memref<50x64xf32, #tpu.memory_space<vmem>>, vector<16xf32>,
      %add3A_660 = arith.addf %add3A_640, %get3A_659 : vector<16xf32>
      %get3A_661 = arith.constant 29 : i32
      %get3A_662 = arith.index_cast %get3A_661 : i32 to index
      %get3A_663 = arith.constant 0 : index
      %get3A_664 = tpu.vector_load %arg15[%get3A_662, %get3A_663] {strides = array<i32>} : memref<50x64xf32, #tpu.memory_space<vmem>>, vector<16xf32>,
      %add3A_665 = arith.addf %add3A_645, %get3A_664 : vector<16xf32>
      %get3A_666 = arith.constant 29 : i32
      %get3A_667 = arith.index_cast %get3A_666 : i32 to index
      %get3A_668 = arith.constant 16 : index
      %get3A_669 = tpu.vector_load %arg15[%get3A_667, %get3A_668] {strides = array<i32>} : memref<50x64xf32, #tpu.memory_space<vmem>>, vector<16xf32>,
      %add3A_670 = arith.addf %add3A_650, %get3A_669 : vector<16xf32>
      %get3A_671 = arith.constant 29 : i32
      %get3A_672 = arith.index_cast %get3A_671 : i32 to index
      %get3A_673 = arith.constant 32 : index
      %get3A_674 = tpu.vector_load %arg15[%get3A_672, %get3A_673] {strides = array<i32>} : memref<50x64xf32, #tpu.memory_space<vmem>>, vector<16xf32>,
      %add3A_675 = arith.addf %add3A_655, %get3A_674 : vector<16xf32>
      %get3A_676 = arith.constant 29 : i32
      %get3A_677 = arith.index_cast %get3A_676 : i32 to index
      %get3A_678 = arith.constant 48 : index
      %get3A_679 = tpu.vector_load %arg15[%get3A_677, %get3A_678] {strides = array<i32>} : memref<50x64xf32, #tpu.memory_space<vmem>>, vector<16xf32>,
      %add3A_680 = arith.addf %add3A_660, %get3A_679 : vector<16xf32>
      %get3A_681 = arith.constant 30 : i32
      %get3A_682 = arith.index_cast %get3A_681 : i32 to index
      %get3A_683 = arith.constant 0 : index
      %get3A_684 = tpu.vector_load %arg15[%get3A_682, %get3A_683] {strides = array<i32>} : memref<50x64xf32, #tpu.memory_space<vmem>>, vector<16xf32>,
      %add3A_685 = arith.addf %add3A_665, %get3A_684 : vector<16xf32>
      %get3A_686 = arith.constant 30 : i32
      %get3A_687 = arith.index_cast %get3A_686 : i32 to index
      %get3A_688 = arith.constant 16 : index
      %get3A_689 = tpu.vector_load %arg15[%get3A_687, %get3A_688] {strides = array<i32>} : memref<50x64xf32, #tpu.memory_space<vmem>>, vector<16xf32>,
      %add3A_690 = arith.addf %add3A_670, %get3A_689 : vector<16xf32>
      %get3A_691 = arith.constant 30 : i32
      %get3A_692 = arith.index_cast %get3A_691 : i32 to index
      %get3A_693 = arith.constant 32 : index
      %get3A_694 = tpu.vector_load %arg15[%get3A_692, %get3A_693] {strides = array<i32>} : memref<50x64xf32, #tpu.memory_space<vmem>>, vector<16xf32>,
      %add3A_695 = arith.addf %add3A_675, %get3A_694 : vector<16xf32>
      %get3A_696 = arith.constant 30 : i32
      %get3A_697 = arith.index_cast %get3A_696 : i32 to index
      %get3A_698 = arith.constant 48 : index
      %get3A_699 = tpu.vector_load %arg15[%get3A_697, %get3A_698] {strides = array<i32>} : memref<50x64xf32, #tpu.memory_space<vmem>>, vector<16xf32>,
      %add3A_700 = arith.addf %add3A_680, %get3A_699 : vector<16xf32>
      %get3A_701 = arith.constant 31 : i32
      %get3A_702 = arith.index_cast %get3A_701 : i32 to index
      %get3A_703 = arith.constant 0 : index
      %get3A_704 = tpu.vector_load %arg15[%get3A_702, %get3A_703] {strides = array<i32>} : memref<50x64xf32, #tpu.memory_space<vmem>>, vector<16xf32>,
      %add3A_705 = arith.addf %add3A_685, %get3A_704 : vector<16xf32>
      %get3A_706 = arith.constant 31 : i32
      %get3A_707 = arith.index_cast %get3A_706 : i32 to index
      %get3A_708 = arith.constant 16 : index
      %get3A_709 = tpu.vector_load %arg15[%get3A_707, %get3A_708] {strides = array<i32>} : memref<50x64xf32, #tpu.memory_space<vmem>>, vector<16xf32>,
      %add3A_710 = arith.addf %add3A_690, %get3A_709 : vector<16xf32>
      %get3A_711 = arith.constant 31 : i32
      %get3A_712 = arith.index_cast %get3A_711 : i32 to index
      %get3A_713 = arith.constant 32 : index
      %get3A_714 = tpu.vector_load %arg15[%get3A_712, %get3A_713] {strides = array<i32>} : memref<50x64xf32, #tpu.memory_space<vmem>>, vector<16xf32>,
      %add3A_715 = arith.addf %add3A_695, %get3A_714 : vector<16xf32>
      %get3A_716 = arith.constant 31 : i32
      %get3A_717 = arith.index_cast %get3A_716 : i32 to index
      %get3A_718 = arith.constant 48 : index
      %get3A_719 = tpu.vector_load %arg15[%get3A_717, %get3A_718] {strides = array<i32>} : memref<50x64xf32, #tpu.memory_space<vmem>>, vector<16xf32>,
      %add3A_720 = arith.addf %add3A_700, %get3A_719 : vector<16xf32>
      %get3A_721 = arith.constant 32 : i32
      %get3A_722 = arith.index_cast %get3A_721 : i32 to index
      %get3A_723 = arith.constant 0 : index
      %get3A_724 = tpu.vector_load %arg15[%get3A_722, %get3A_723] {strides = array<i32>} : memref<50x64xf32, #tpu.memory_space<vmem>>, vector<16xf32>,
      %add3A_725 = arith.addf %add3A_705, %get3A_724 : vector<16xf32>
      %get3A_726 = arith.constant 32 : i32
      %get3A_727 = arith.index_cast %get3A_726 : i32 to index
      %get3A_728 = arith.constant 16 : index
      %get3A_729 = tpu.vector_load %arg15[%get3A_727, %get3A_728] {strides = array<i32>} : memref<50x64xf32, #tpu.memory_space<vmem>>, vector<16xf32>,
      %add3A_730 = arith.addf %add3A_710, %get3A_729 : vector<16xf32>
      %get3A_731 = arith.constant 32 : i32
      %get3A_732 = arith.index_cast %get3A_731 : i32 to index
      %get3A_733 = arith.constant 32 : index
      %get3A_734 = tpu.vector_load %arg15[%get3A_732, %get3A_733] {strides = array<i32>} : memref<50x64xf32, #tpu.memory_space<vmem>>, vector<16xf32>,
      %add3A_735 = arith.addf %add3A_715, %get3A_734 : vector<16xf32>
      %get3A_736 = arith.constant 32 : i32
      %get3A_737 = arith.index_cast %get3A_736 : i32 to index
      %get3A_738 = arith.constant 48 : index
      %get3A_739 = tpu.vector_load %arg15[%get3A_737, %get3A_738] {strides = array<i32>} : memref<50x64xf32, #tpu.memory_space<vmem>>, vector<16xf32>,
      %add3A_740 = arith.addf %add3A_720, %get3A_739 : vector<16xf32>
      %get3A_741 = arith.constant 33 : i32
      %get3A_742 = arith.index_cast %get3A_741 : i32 to index
      %get3A_743 = arith.constant 0 : index
      %get3A_744 = tpu.vector_load %arg15[%get3A_742, %get3A_743] {strides = array<i32>} : memref<50x64xf32, #tpu.memory_space<vmem>>, vector<16xf32>,
      %add3A_745 = arith.addf %add3A_725, %get3A_744 : vector<16xf32>
      %get3A_746 = arith.constant 33 : i32
      %get3A_747 = arith.index_cast %get3A_746 : i32 to index
      %get3A_748 = arith.constant 16 : index
      %get3A_749 = tpu.vector_load %arg15[%get3A_747, %get3A_748] {strides = array<i32>} : memref<50x64xf32, #tpu.memory_space<vmem>>, vector<16xf32>,
      %add3A_750 = arith.addf %add3A_730, %get3A_749 : vector<16xf32>
      %get3A_751 = arith.constant 33 : i32
      %get3A_752 = arith.index_cast %get3A_751 : i32 to index
      %get3A_753 = arith.constant 32 : index
      %get3A_754 = tpu.vector_load %arg15[%get3A_752, %get3A_753] {strides = array<i32>} : memref<50x64xf32, #tpu.memory_space<vmem>>, vector<16xf32>,
      %add3A_755 = arith.addf %add3A_735, %get3A_754 : vector<16xf32>
      %get3A_756 = arith.constant 33 : i32
      %get3A_757 = arith.index_cast %get3A_756 : i32 to index
      %get3A_758 = arith.constant 48 : index
      %get3A_759 = tpu.vector_load %arg15[%get3A_757, %get3A_758] {strides = array<i32>} : memref<50x64xf32, #tpu.memory_space<vmem>>, vector<16xf32>,
      %add3A_760 = arith.addf %add3A_740, %get3A_759 : vector<16xf32>
      %get3A_761 = arith.constant 34 : i32
      %get3A_762 = arith.index_cast %get3A_761 : i32 to index
      %get3A_763 = arith.constant 0 : index
      %get3A_764 = tpu.vector_load %arg15[%get3A_762, %get3A_763] {strides = array<i32>} : memref<50x64xf32, #tpu.memory_space<vmem>>, vector<16xf32>,
      %add3A_765 = arith.addf %add3A_745, %get3A_764 : vector<16xf32>
      %get3A_766 = arith.constant 34 : i32
      %get3A_767 = arith.index_cast %get3A_766 : i32 to index
      %get3A_768 = arith.constant 16 : index
      %get3A_769 = tpu.vector_load %arg15[%get3A_767, %get3A_768] {strides = array<i32>} : memref<50x64xf32, #tpu.memory_space<vmem>>, vector<16xf32>,
      %add3A_770 = arith.addf %add3A_750, %get3A_769 : vector<16xf32>
      %get3A_771 = arith.constant 34 : i32
      %get3A_772 = arith.index_cast %get3A_771 : i32 to index
      %get3A_773 = arith.constant 32 : index
      %get3A_774 = tpu.vector_load %arg15[%get3A_772, %get3A_773] {strides = array<i32>} : memref<50x64xf32, #tpu.memory_space<vmem>>, vector<16xf32>,
      %add3A_775 = arith.addf %add3A_755, %get3A_774 : vector<16xf32>
      %get3A_776 = arith.constant 34 : i32
      %get3A_777 = arith.index_cast %get3A_776 : i32 to index
      %get3A_778 = arith.constant 48 : index
      %get3A_779 = tpu.vector_load %arg15[%get3A_777, %get3A_778] {strides = array<i32>} : memref<50x64xf32, #tpu.memory_space<vmem>>, vector<16xf32>,
      %add3A_780 = arith.addf %add3A_760, %get3A_779 : vector<16xf32>
      %get3A_781 = arith.constant 35 : i32
      %get3A_782 = arith.index_cast %get3A_781 : i32 to index
      %get3A_783 = arith.constant 0 : index
      %get3A_784 = tpu.vector_load %arg15[%get3A_782, %get3A_783] {strides = array<i32>} : memref<50x64xf32, #tpu.memory_space<vmem>>, vector<16xf32>,
      %add3A_785 = arith.addf %add3A_765, %get3A_784 : vector<16xf32>
      %get3A_786 = arith.constant 35 : i32
      %get3A_787 = arith.index_cast %get3A_786 : i32 to index
      %get3A_788 = arith.constant 16 : index
      %get3A_789 = tpu.vector_load %arg15[%get3A_787, %get3A_788] {strides = array<i32>} : memref<50x64xf32, #tpu.memory_space<vmem>>, vector<16xf32>,
      %add3A_790 = arith.addf %add3A_770, %get3A_789 : vector<16xf32>
      %get3A_791 = arith.constant 35 : i32
      %get3A_792 = arith.index_cast %get3A_791 : i32 to index
      %get3A_793 = arith.constant 32 : index
      %get3A_794 = tpu.vector_load %arg15[%get3A_792, %get3A_793] {strides = array<i32>} : memref<50x64xf32, #tpu.memory_space<vmem>>, vector<16xf32>,
      %add3A_795 = arith.addf %add3A_775, %get3A_794 : vector<16xf32>
      %get3A_796 = arith.constant 35 : i32
      %get3A_797 = arith.index_cast %get3A_796 : i32 to index
      %get3A_798 = arith.constant 48 : index
      %get3A_799 = tpu.vector_load %arg15[%get3A_797, %get3A_798] {strides = array<i32>} : memref<50x64xf32, #tpu.memory_space<vmem>>, vector<16xf32>,
      %add3A_800 = arith.addf %add3A_780, %get3A_799 : vector<16xf32>
      %get3A_801 = arith.constant 36 : i32
      %get3A_802 = arith.index_cast %get3A_801 : i32 to index
      %get3A_803 = arith.constant 0 : index
      %get3A_804 = tpu.vector_load %arg15[%get3A_802, %get3A_803] {strides = array<i32>} : memref<50x64xf32, #tpu.memory_space<vmem>>, vector<16xf32>,
      %add3A_805 = arith.addf %add3A_785, %get3A_804 : vector<16xf32>
      %get3A_806 = arith.constant 36 : i32
      %get3A_807 = arith.index_cast %get3A_806 : i32 to index
      %get3A_808 = arith.constant 16 : index
      %get3A_809 = tpu.vector_load %arg15[%get3A_807, %get3A_808] {strides = array<i32>} : memref<50x64xf32, #tpu.memory_space<vmem>>, vector<16xf32>,
      %add3A_810 = arith.addf %add3A_790, %get3A_809 : vector<16xf32>
      %get3A_811 = arith.constant 36 : i32
      %get3A_812 = arith.index_cast %get3A_811 : i32 to index
      %get3A_813 = arith.constant 32 : index
      %get3A_814 = tpu.vector_load %arg15[%get3A_812, %get3A_813] {strides = array<i32>} : memref<50x64xf32, #tpu.memory_space<vmem>>, vector<16xf32>,
      %add3A_815 = arith.addf %add3A_795, %get3A_814 : vector<16xf32>
      %get3A_816 = arith.constant 36 : i32
      %get3A_817 = arith.index_cast %get3A_816 : i32 to index
      %get3A_818 = arith.constant 48 : index
      %get3A_819 = tpu.vector_load %arg15[%get3A_817, %get3A_818] {strides = array<i32>} : memref<50x64xf32, #tpu.memory_space<vmem>>, vector<16xf32>,
      %add3A_820 = arith.addf %add3A_800, %get3A_819 : vector<16xf32>
      %get3A_821 = arith.constant 37 : i32
      %get3A_822 = arith.index_cast %get3A_821 : i32 to index
      %get3A_823 = arith.constant 0 : index
      %get3A_824 = tpu.vector_load %arg15[%get3A_822, %get3A_823] {strides = array<i32>} : memref<50x64xf32, #tpu.memory_space<vmem>>, vector<16xf32>,
      %add3A_825 = arith.addf %add3A_805, %get3A_824 : vector<16xf32>
      %get3A_826 = arith.constant 37 : i32
      %get3A_827 = arith.index_cast %get3A_826 : i32 to index
      %get3A_828 = arith.constant 16 : index
      %get3A_829 = tpu.vector_load %arg15[%get3A_827, %get3A_828] {strides = array<i32>} : memref<50x64xf32, #tpu.memory_space<vmem>>, vector<16xf32>,
      %add3A_830 = arith.addf %add3A_810, %get3A_829 : vector<16xf32>
      %get3A_831 = arith.constant 37 : i32
      %get3A_832 = arith.index_cast %get3A_831 : i32 to index
      %get3A_833 = arith.constant 32 : index
      %get3A_834 = tpu.vector_load %arg15[%get3A_832, %get3A_833] {strides = array<i32>} : memref<50x64xf32, #tpu.memory_space<vmem>>, vector<16xf32>,
      %add3A_835 = arith.addf %add3A_815, %get3A_834 : vector<16xf32>
      %get3A_836 = arith.constant 37 : i32
      %get3A_837 = arith.index_cast %get3A_836 : i32 to index
      %get3A_838 = arith.constant 48 : index
      %get3A_839 = tpu.vector_load %arg15[%get3A_837, %get3A_838] {strides = array<i32>} : memref<50x64xf32, #tpu.memory_space<vmem>>, vector<16xf32>,
      %add3A_840 = arith.addf %add3A_820, %get3A_839 : vector<16xf32>
      %get3A_841 = arith.constant 38 : i32
      %get3A_842 = arith.index_cast %get3A_841 : i32 to index
      %get3A_843 = arith.constant 0 : index
      %get3A_844 = tpu.vector_load %arg15[%get3A_842, %get3A_843] {strides = array<i32>} : memref<50x64xf32, #tpu.memory_space<vmem>>, vector<16xf32>,
      %add3A_845 = arith.addf %add3A_825, %get3A_844 : vector<16xf32>
      %get3A_846 = arith.constant 38 : i32
      %get3A_847 = arith.index_cast %get3A_846 : i32 to index
      %get3A_848 = arith.constant 16 : index
      %get3A_849 = tpu.vector_load %arg15[%get3A_847, %get3A_848] {strides = array<i32>} : memref<50x64xf32, #tpu.memory_space<vmem>>, vector<16xf32>,
      %add3A_850 = arith.addf %add3A_830, %get3A_849 : vector<16xf32>
      %get3A_851 = arith.constant 38 : i32
      %get3A_852 = arith.index_cast %get3A_851 : i32 to index
      %get3A_853 = arith.constant 32 : index
      %get3A_854 = tpu.vector_load %arg15[%get3A_852, %get3A_853] {strides = array<i32>} : memref<50x64xf32, #tpu.memory_space<vmem>>, vector<16xf32>,
      %add3A_855 = arith.addf %add3A_835, %get3A_854 : vector<16xf32>
      %get3A_856 = arith.constant 38 : i32
      %get3A_857 = arith.index_cast %get3A_856 : i32 to index
      %get3A_858 = arith.constant 48 : index
      %get3A_859 = tpu.vector_load %arg15[%get3A_857, %get3A_858] {strides = array<i32>} : memref<50x64xf32, #tpu.memory_space<vmem>>, vector<16xf32>,
      %add3A_860 = arith.addf %add3A_840, %get3A_859 : vector<16xf32>
      %get3A_861 = arith.constant 39 : i32
      %get3A_862 = arith.index_cast %get3A_861 : i32 to index
      %get3A_863 = arith.constant 0 : index
      %get3A_864 = tpu.vector_load %arg15[%get3A_862, %get3A_863] {strides = array<i32>} : memref<50x64xf32, #tpu.memory_space<vmem>>, vector<16xf32>,
      %add3A_865 = arith.addf %add3A_845, %get3A_864 : vector<16xf32>
      %get3A_866 = arith.constant 39 : i32
      %get3A_867 = arith.index_cast %get3A_866 : i32 to index
      %get3A_868 = arith.constant 16 : index
      %get3A_869 = tpu.vector_load %arg15[%get3A_867, %get3A_868] {strides = array<i32>} : memref<50x64xf32, #tpu.memory_space<vmem>>, vector<16xf32>,
      %add3A_870 = arith.addf %add3A_850, %get3A_869 : vector<16xf32>
      %get3A_871 = arith.constant 39 : i32
      %get3A_872 = arith.index_cast %get3A_871 : i32 to index
      %get3A_873 = arith.constant 32 : index
      %get3A_874 = tpu.vector_load %arg15[%get3A_872, %get3A_873] {strides = array<i32>} : memref<50x64xf32, #tpu.memory_space<vmem>>, vector<16xf32>,
      %add3A_875 = arith.addf %add3A_855, %get3A_874 : vector<16xf32>
      %get3A_876 = arith.constant 39 : i32
      %get3A_877 = arith.index_cast %get3A_876 : i32 to index
      %get3A_878 = arith.constant 48 : index
      %get3A_879 = tpu.vector_load %arg15[%get3A_877, %get3A_878] {strides = array<i32>} : memref<50x64xf32, #tpu.memory_space<vmem>>, vector<16xf32>,
      %add3A_880 = arith.addf %add3A_860, %get3A_879 : vector<16xf32>
      %get3A_881 = arith.constant 40 : i32
      %get3A_882 = arith.index_cast %get3A_881 : i32 to index
      %get3A_883 = arith.constant 0 : index
      %get3A_884 = tpu.vector_load %arg15[%get3A_882, %get3A_883] {strides = array<i32>} : memref<50x64xf32, #tpu.memory_space<vmem>>, vector<16xf32>,
      %add3A_885 = arith.addf %add3A_865, %get3A_884 : vector<16xf32>
      %get3A_886 = arith.constant 40 : i32
      %get3A_887 = arith.index_cast %get3A_886 : i32 to index
      %get3A_888 = arith.constant 16 : index
      %get3A_889 = tpu.vector_load %arg15[%get3A_887, %get3A_888] {strides = array<i32>} : memref<50x64xf32, #tpu.memory_space<vmem>>, vector<16xf32>,
      %add3A_890 = arith.addf %add3A_870, %get3A_889 : vector<16xf32>
      %get3A_891 = arith.constant 40 : i32
      %get3A_892 = arith.index_cast %get3A_891 : i32 to index
      %get3A_893 = arith.constant 32 : index
      %get3A_894 = tpu.vector_load %arg15[%get3A_892, %get3A_893] {strides = array<i32>} : memref<50x64xf32, #tpu.memory_space<vmem>>, vector<16xf32>,
      %add3A_895 = arith.addf %add3A_875, %get3A_894 : vector<16xf32>
      %get3A_896 = arith.constant 40 : i32
      %get3A_897 = arith.index_cast %get3A_896 : i32 to index
      %get3A_898 = arith.constant 48 : index
      %get3A_899 = tpu.vector_load %arg15[%get3A_897, %get3A_898] {strides = array<i32>} : memref<50x64xf32, #tpu.memory_space<vmem>>, vector<16xf32>,
      %add3A_900 = arith.addf %add3A_880, %get3A_899 : vector<16xf32>
      %get3A_901 = arith.constant 41 : i32
      %get3A_902 = arith.index_cast %get3A_901 : i32 to index
      %get3A_903 = arith.constant 0 : index
      %get3A_904 = tpu.vector_load %arg15[%get3A_902, %get3A_903] {strides = array<i32>} : memref<50x64xf32, #tpu.memory_space<vmem>>, vector<16xf32>,
      %add3A_905 = arith.addf %add3A_885, %get3A_904 : vector<16xf32>
      %get3A_906 = arith.constant 41 : i32
      %get3A_907 = arith.index_cast %get3A_906 : i32 to index
      %get3A_908 = arith.constant 16 : index
      %get3A_909 = tpu.vector_load %arg15[%get3A_907, %get3A_908] {strides = array<i32>} : memref<50x64xf32, #tpu.memory_space<vmem>>, vector<16xf32>,
      %add3A_910 = arith.addf %add3A_890, %get3A_909 : vector<16xf32>
      %get3A_911 = arith.constant 41 : i32
      %get3A_912 = arith.index_cast %get3A_911 : i32 to index
      %get3A_913 = arith.constant 32 : index
      %get3A_914 = tpu.vector_load %arg15[%get3A_912, %get3A_913] {strides = array<i32>} : memref<50x64xf32, #tpu.memory_space<vmem>>, vector<16xf32>,
      %add3A_915 = arith.addf %add3A_895, %get3A_914 : vector<16xf32>
      %get3A_916 = arith.constant 41 : i32
      %get3A_917 = arith.index_cast %get3A_916 : i32 to index
      %get3A_918 = arith.constant 48 : index
      %get3A_919 = tpu.vector_load %arg15[%get3A_917, %get3A_918] {strides = array<i32>} : memref<50x64xf32, #tpu.memory_space<vmem>>, vector<16xf32>,
      %add3A_920 = arith.addf %add3A_900, %get3A_919 : vector<16xf32>
      %get3A_921 = arith.constant 42 : i32
      %get3A_922 = arith.index_cast %get3A_921 : i32 to index
      %get3A_923 = arith.constant 0 : index
      %get3A_924 = tpu.vector_load %arg15[%get3A_922, %get3A_923] {strides = array<i32>} : memref<50x64xf32, #tpu.memory_space<vmem>>, vector<16xf32>,
      %add3A_925 = arith.addf %add3A_905, %get3A_924 : vector<16xf32>
      %get3A_926 = arith.constant 42 : i32
      %get3A_927 = arith.index_cast %get3A_926 : i32 to index
      %get3A_928 = arith.constant 16 : index
      %get3A_929 = tpu.vector_load %arg15[%get3A_927, %get3A_928] {strides = array<i32>} : memref<50x64xf32, #tpu.memory_space<vmem>>, vector<16xf32>,
      %add3A_930 = arith.addf %add3A_910, %get3A_929 : vector<16xf32>
      %get3A_931 = arith.constant 42 : i32
      %get3A_932 = arith.index_cast %get3A_931 : i32 to index
      %get3A_933 = arith.constant 32 : index
      %get3A_934 = tpu.vector_load %arg15[%get3A_932, %get3A_933] {strides = array<i32>} : memref<50x64xf32, #tpu.memory_space<vmem>>, vector<16xf32>,
      %add3A_935 = arith.addf %add3A_915, %get3A_934 : vector<16xf32>
      %get3A_936 = arith.constant 42 : i32
      %get3A_937 = arith.index_cast %get3A_936 : i32 to index
      %get3A_938 = arith.constant 48 : index
      %get3A_939 = tpu.vector_load %arg15[%get3A_937, %get3A_938] {strides = array<i32>} : memref<50x64xf32, #tpu.memory_space<vmem>>, vector<16xf32>,
      %add3A_940 = arith.addf %add3A_920, %get3A_939 : vector<16xf32>
      %get3A_941 = arith.constant 43 : i32
      %get3A_942 = arith.index_cast %get3A_941 : i32 to index
      %get3A_943 = arith.constant 0 : index
      %get3A_944 = tpu.vector_load %arg15[%get3A_942, %get3A_943] {strides = array<i32>} : memref<50x64xf32, #tpu.memory_space<vmem>>, vector<16xf32>,
      %add3A_945 = arith.addf %add3A_925, %get3A_944 : vector<16xf32>
      %get3A_946 = arith.constant 43 : i32
      %get3A_947 = arith.index_cast %get3A_946 : i32 to index
      %get3A_948 = arith.constant 16 : index
      %get3A_949 = tpu.vector_load %arg15[%get3A_947, %get3A_948] {strides = array<i32>} : memref<50x64xf32, #tpu.memory_space<vmem>>, vector<16xf32>,
      %add3A_950 = arith.addf %add3A_930, %get3A_949 : vector<16xf32>
      %get3A_951 = arith.constant 43 : i32
      %get3A_952 = arith.index_cast %get3A_951 : i32 to index
      %get3A_953 = arith.constant 32 : index
      %get3A_954 = tpu.vector_load %arg15[%get3A_952, %get3A_953] {strides = array<i32>} : memref<50x64xf32, #tpu.memory_space<vmem>>, vector<16xf32>,
      %add3A_955 = arith.addf %add3A_935, %get3A_954 : vector<16xf32>
      %get3A_956 = arith.constant 43 : i32
      %get3A_957 = arith.index_cast %get3A_956 : i32 to index
      %get3A_958 = arith.constant 48 : index
      %get3A_959 = tpu.vector_load %arg15[%get3A_957, %get3A_958] {strides = array<i32>} : memref<50x64xf32, #tpu.memory_space<vmem>>, vector<16xf32>,
      %add3A_960 = arith.addf %add3A_940, %get3A_959 : vector<16xf32>
      %get3A_961 = arith.constant 44 : i32
      %get3A_962 = arith.index_cast %get3A_961 : i32 to index
      %get3A_963 = arith.constant 0 : index
      %get3A_964 = tpu.vector_load %arg15[%get3A_962, %get3A_963] {strides = array<i32>} : memref<50x64xf32, #tpu.memory_space<vmem>>, vector<16xf32>,
      %add3A_965 = arith.addf %add3A_945, %get3A_964 : vector<16xf32>
      %get3A_966 = arith.constant 44 : i32
      %get3A_967 = arith.index_cast %get3A_966 : i32 to index
      %get3A_968 = arith.constant 16 : index
      %get3A_969 = tpu.vector_load %arg15[%get3A_967, %get3A_968] {strides = array<i32>} : memref<50x64xf32, #tpu.memory_space<vmem>>, vector<16xf32>,
      %add3A_970 = arith.addf %add3A_950, %get3A_969 : vector<16xf32>
      %get3A_971 = arith.constant 44 : i32
      %get3A_972 = arith.index_cast %get3A_971 : i32 to index
      %get3A_973 = arith.constant 32 : index
      %get3A_974 = tpu.vector_load %arg15[%get3A_972, %get3A_973] {strides = array<i32>} : memref<50x64xf32, #tpu.memory_space<vmem>>, vector<16xf32>,
      %add3A_975 = arith.addf %add3A_955, %get3A_974 : vector<16xf32>
      %get3A_976 = arith.constant 44 : i32
      %get3A_977 = arith.index_cast %get3A_976 : i32 to index
      %get3A_978 = arith.constant 48 : index
      %get3A_979 = tpu.vector_load %arg15[%get3A_977, %get3A_978] {strides = array<i32>} : memref<50x64xf32, #tpu.memory_space<vmem>>, vector<16xf32>,
      %add3A_980 = arith.addf %add3A_960, %get3A_979 : vector<16xf32>
      %get3A_981 = arith.constant 45 : i32
      %get3A_982 = arith.index_cast %get3A_981 : i32 to index
      %get3A_983 = arith.constant 0 : index
      %get3A_984 = tpu.vector_load %arg15[%get3A_982, %get3A_983] {strides = array<i32>} : memref<50x64xf32, #tpu.memory_space<vmem>>, vector<16xf32>,
      %add3A_985 = arith.addf %add3A_965, %get3A_984 : vector<16xf32>
      %get3A_986 = arith.constant 45 : i32
      %get3A_987 = arith.index_cast %get3A_986 : i32 to index
      %get3A_988 = arith.constant 16 : index
      %get3A_989 = tpu.vector_load %arg15[%get3A_987, %get3A_988] {strides = array<i32>} : memref<50x64xf32, #tpu.memory_space<vmem>>, vector<16xf32>,
      %add3A_990 = arith.addf %add3A_970, %get3A_989 : vector<16xf32>
      %get3A_991 = arith.constant 45 : i32
      %get3A_992 = arith.index_cast %get3A_991 : i32 to index
      %get3A_993 = arith.constant 32 : index
      %get3A_994 = tpu.vector_load %arg15[%get3A_992, %get3A_993] {strides = array<i32>} : memref<50x64xf32, #tpu.memory_space<vmem>>, vector<16xf32>,
      %add3A_995 = arith.addf %add3A_975, %get3A_994 : vector<16xf32>
      %get3A_996 = arith.constant 45 : i32
      %get3A_997 = arith.index_cast %get3A_996 : i32 to index
      %get3A_998 = arith.constant 48 : index
      %get3A_999 = tpu.vector_load %arg15[%get3A_997, %get3A_998] {strides = array<i32>} : memref<50x64xf32, #tpu.memory_space<vmem>>, vector<16xf32>,
      %add3A_1000 = arith.addf %add3A_980, %get3A_999 : vector<16xf32>
      %get3A_1001 = arith.constant 46 : i32
      %get3A_1002 = arith.index_cast %get3A_1001 : i32 to index
      %get3A_1003 = arith.constant 0 : index
      %get3A_1004 = tpu.vector_load %arg15[%get3A_1002, %get3A_1003] {strides = array<i32>} : memref<50x64xf32, #tpu.memory_space<vmem>>, vector<16xf32>,
      %add3A_1005 = arith.addf %add3A_985, %get3A_1004 : vector<16xf32>
      %get3A_1006 = arith.constant 46 : i32
      %get3A_1007 = arith.index_cast %get3A_1006 : i32 to index
      %get3A_1008 = arith.constant 16 : index
      %get3A_1009 = tpu.vector_load %arg15[%get3A_1007, %get3A_1008] {strides = array<i32>} : memref<50x64xf32, #tpu.memory_space<vmem>>, vector<16xf32>,
      %add3A_1010 = arith.addf %add3A_990, %get3A_1009 : vector<16xf32>
      %get3A_1011 = arith.constant 46 : i32
      %get3A_1012 = arith.index_cast %get3A_1011 : i32 to index
      %get3A_1013 = arith.constant 32 : index
      %get3A_1014 = tpu.vector_load %arg15[%get3A_1012, %get3A_1013] {strides = array<i32>} : memref<50x64xf32, #tpu.memory_space<vmem>>, vector<16xf32>,
      %add3A_1015 = arith.addf %add3A_995, %get3A_1014 : vector<16xf32>
      %get3A_1016 = arith.constant 46 : i32
      %get3A_1017 = arith.index_cast %get3A_1016 : i32 to index
      %get3A_1018 = arith.constant 48 : index
      %get3A_1019 = tpu.vector_load %arg15[%get3A_1017, %get3A_1018] {strides = array<i32>} : memref<50x64xf32, #tpu.memory_space<vmem>>, vector<16xf32>,
      %add3A_1020 = arith.addf %add3A_1000, %get3A_1019 : vector<16xf32>
      %get3A_1021 = arith.constant 47 : i32
      %get3A_1022 = arith.index_cast %get3A_1021 : i32 to index
      %get3A_1023 = arith.constant 0 : index
      %get3A_1024 = tpu.vector_load %arg15[%get3A_1022, %get3A_1023] {strides = array<i32>} : memref<50x64xf32, #tpu.memory_space<vmem>>, vector<16xf32>,
      %add3A_1025 = arith.addf %add3A_1005, %get3A_1024 : vector<16xf32>
      %get3A_1026 = arith.constant 47 : i32
      %get3A_1027 = arith.index_cast %get3A_1026 : i32 to index
      %get3A_1028 = arith.constant 16 : index
      %get3A_1029 = tpu.vector_load %arg15[%get3A_1027, %get3A_1028] {strides = array<i32>} : memref<50x64xf32, #tpu.memory_space<vmem>>, vector<16xf32>,
      %add3A_1030 = arith.addf %add3A_1010, %get3A_1029 : vector<16xf32>
      %get3A_1031 = arith.constant 47 : i32
      %get3A_1032 = arith.index_cast %get3A_1031 : i32 to index
      %get3A_1033 = arith.constant 32 : index
      %get3A_1034 = tpu.vector_load %arg15[%get3A_1032, %get3A_1033] {strides = array<i32>} : memref<50x64xf32, #tpu.memory_space<vmem>>, vector<16xf32>,
      %add3A_1035 = arith.addf %add3A_1015, %get3A_1034 : vector<16xf32>
      %get3A_1036 = arith.constant 47 : i32
      %get3A_1037 = arith.index_cast %get3A_1036 : i32 to index
      %get3A_1038 = arith.constant 48 : index
      %get3A_1039 = tpu.vector_load %arg15[%get3A_1037, %get3A_1038] {strides = array<i32>} : memref<50x64xf32, #tpu.memory_space<vmem>>, vector<16xf32>,
      %add3A_1040 = arith.addf %add3A_1020, %get3A_1039 : vector<16xf32>
      %get3A_1041 = arith.constant 48 : i32
      %get3A_1042 = arith.index_cast %get3A_1041 : i32 to index
      %get3A_1043 = arith.constant 0 : index
      %get3A_1044 = tpu.vector_load %arg15[%get3A_1042, %get3A_1043] {strides = array<i32>} : memref<50x64xf32, #tpu.memory_space<vmem>>, vector<16xf32>,
      %add3A_1045 = arith.addf %add3A_1025, %get3A_1044 : vector<16xf32>
      %get3A_1046 = arith.constant 48 : i32
      %get3A_1047 = arith.index_cast %get3A_1046 : i32 to index
      %get3A_1048 = arith.constant 16 : index
      %get3A_1049 = tpu.vector_load %arg15[%get3A_1047, %get3A_1048] {strides = array<i32>} : memref<50x64xf32, #tpu.memory_space<vmem>>, vector<16xf32>,
      %add3A_1050 = arith.addf %add3A_1030, %get3A_1049 : vector<16xf32>
      %get3A_1051 = arith.constant 48 : i32
      %get3A_1052 = arith.index_cast %get3A_1051 : i32 to index
      %get3A_1053 = arith.constant 32 : index
      %get3A_1054 = tpu.vector_load %arg15[%get3A_1052, %get3A_1053] {strides = array<i32>} : memref<50x64xf32, #tpu.memory_space<vmem>>, vector<16xf32>,
      %add3A_1055 = arith.addf %add3A_1035, %get3A_1054 : vector<16xf32>
      %get3A_1056 = arith.constant 48 : i32
      %get3A_1057 = arith.index_cast %get3A_1056 : i32 to index
      %get3A_1058 = arith.constant 48 : index
      %get3A_1059 = tpu.vector_load %arg15[%get3A_1057, %get3A_1058] {strides = array<i32>} : memref<50x64xf32, #tpu.memory_space<vmem>>, vector<16xf32>,
      %add3A_1060 = arith.addf %add3A_1040, %get3A_1059 : vector<16xf32>
      %get3A_1061 = arith.constant 49 : i32
      %get3A_1062 = arith.index_cast %get3A_1061 : i32 to index
      %get3A_1063 = arith.constant 0 : index
      %get3A_1064 = tpu.vector_load %arg15[%get3A_1062, %get3A_1063] {strides = array<i32>} : memref<50x64xf32, #tpu.memory_space<vmem>>, vector<16xf32>,
      %add3A_1065 = arith.addf %add3A_1045, %get3A_1064 : vector<16xf32>
      %get3A_1066 = arith.constant 49 : i32
      %get3A_1067 = arith.index_cast %get3A_1066 : i32 to index
      %get3A_1068 = arith.constant 16 : index
      %get3A_1069 = tpu.vector_load %arg15[%get3A_1067, %get3A_1068] {strides = array<i32>} : memref<50x64xf32, #tpu.memory_space<vmem>>, vector<16xf32>,
      %add3A_1070 = arith.addf %add3A_1050, %get3A_1069 : vector<16xf32>
      %get3A_1071 = arith.constant 49 : i32
      %get3A_1072 = arith.index_cast %get3A_1071 : i32 to index
      %get3A_1073 = arith.constant 32 : index
      %get3A_1074 = tpu.vector_load %arg15[%get3A_1072, %get3A_1073] {strides = array<i32>} : memref<50x64xf32, #tpu.memory_space<vmem>>, vector<16xf32>,
      %add3A_1075 = arith.addf %add3A_1055, %get3A_1074 : vector<16xf32>
      %get3A_1076 = arith.constant 49 : i32
      %get3A_1077 = arith.index_cast %get3A_1076 : i32 to index
      %get3A_1078 = arith.constant 48 : index
      %get3A_1079 = tpu.vector_load %arg15[%get3A_1077, %get3A_1078] {strides = array<i32>} : memref<50x64xf32, #tpu.memory_space<vmem>>, vector<16xf32>,
      %add3A_1080 = arith.addf %add3A_1060, %get3A_1079 : vector<16xf32>
      %mul3A_1081 = arith.mulf %add3A_1065, %broadcast_in_dim3A_41 : vector<16xf32>
      %swap3A = arith.index_cast %add3A_80 : i32 to index
      %swap3A_1082 = arith.constant 0 : index
      %swap3A_1083 = tpu.vector_load %arg19[%swap3A, %swap3A_1082] {strides = array<i32>} : memref<128x64xf32, #tpu.memory_space<vmem>>, vector<16xf32>,
      tpu.vector_store %arg19[%swap3A, %swap3A_1082], %mul3A_1081 {strides = array<i32>} : memref<128x64xf32, #tpu.memory_space<vmem>>, vector<16xf32>,
      %mul3A_1084 = arith.mulf %add3A_1070, %broadcast_in_dim3A_41 : vector<16xf32>
      %swap3A_1085 = arith.index_cast %add3A_80 : i32 to index
      %swap3A_1086 = arith.constant 16 : index
      %swap3A_1087 = tpu.vector_load %arg19[%swap3A_1085, %swap3A_1086] {strides = array<i32>} : memref<128x64xf32, #tpu.memory_space<vmem>>, vector<16xf32>,
      tpu.vector_store %arg19[%swap3A_1085, %swap3A_1086], %mul3A_1084 {strides = array<i32>} : memref<128x64xf32, #tpu.memory_space<vmem>>, vector<16xf32>,
      %mul3A_1088 = arith.mulf %add3A_1075, %broadcast_in_dim3A_41 : vector<16xf32>
      %swap3A_1089 = arith.index_cast %add3A_80 : i32 to index
      %swap3A_1090 = arith.constant 32 : index
      %swap3A_1091 = tpu.vector_load %arg19[%swap3A_1089, %swap3A_1090] {strides = array<i32>} : memref<128x64xf32, #tpu.memory_space<vmem>>, vector<16xf32>,
      tpu.vector_store %arg19[%swap3A_1089, %swap3A_1090], %mul3A_1088 {strides = array<i32>} : memref<128x64xf32, #tpu.memory_space<vmem>>, vector<16xf32>,
      %mul3A_1092 = arith.mulf %add3A_1080, %broadcast_in_dim3A_41 : vector<16xf32>
      %swap3A_1093 = arith.index_cast %add3A_80 : i32 to index
      %swap3A_1094 = arith.constant 48 : index
      %swap3A_1095 = tpu.vector_load %arg19[%swap3A_1093, %swap3A_1094] {strides = array<i32>} : memref<128x64xf32, #tpu.memory_space<vmem>>, vector<16xf32>,
      tpu.vector_store %arg19[%swap3A_1093, %swap3A_1094], %mul3A_1092 {strides = array<i32>} : memref<128x64xf32, #tpu.memory_space<vmem>>, vector<16xf32>,
      %add3A_1096 = arith.constant 4 : i32
      %add3A_1097 = arith.addi %add3A_80, %add3A_1096 : i32
      %lt3A = arith.constant 128 : i32
      %lt3A_1098 = arith.cmpi slt, %add3A_1097, %lt3A : i32
      %convert_element_type3A = arith.extui %lt3A_1098 : i1 to i32
      %cond3A = arith.constant 0 : i32
      %cond3A_1099 = arith.cmpi ne, %convert_element_type3A, %cond3A : i32
      scf.if %cond3A_1099 {
        %add3A_4187 = arith.constant 4 : i32
        %add3A_4188 = arith.addi %add3A_80, %add3A_4187 : i32
        %dma_start3A_4189 = arith.constant 0 : i32
        %dma_start3A_4190 = tpu.memref_slice %arg9[%add3A_4188, %dma_start3A_4189] : memref<128x50xi32, #tpu.memory_space<vmem>> -> memref<1x50xi32, #tpu.memory_space<vmem>>
        %dma_start3A_4191 = tpu.memref_squeeze %dma_start3A_4190 : memref<1x50xi32, #tpu.memory_space<vmem>> -> memref<50xi32, #tpu.memory_space<vmem>>
        %dma_start3A_4192 = arith.constant 0 : i32
        %dma_start3A_4193 = arith.constant 0 : i32
        %dma_start3A_4194 = tpu.memref_slice %arg2[%dma_start3A_4192, %dma_start3A_4193] : memref<100000x64xf32, #tpu.memory_space<hbm>> -> memref<100000x64xf32, #tpu.memory_space<hbm>>
        tpu.enqueue_indirect_dma source(%dma_start3A_4194 : memref<100000x64xf32, #tpu.memory_space<hbm>>) target(%arg15 : memref<50x64xf32, #tpu.memory_space<vmem>>) offsets(%dma_start3A_4191 : memref<50xi32, #tpu.memory_space<vmem>>) semaphore(%arg24 : memref<!tpu.dma_semaphore, #tpu.memory_space<semaphore_mem>>)
      } else {
      }
      %mul3A_1100 = arith.constant 4 : i32
      %mul3A_1101 = arith.muli %mul3A_1100, %scan3A_76 : i32
      %add3A_1102 = arith.constant 1 : i32
      %add3A_1103 = arith.addi %mul3A_1101, %add3A_1102 : i32
      %dma_wait3A_1104 = arith.constant 0 : i32
      %dma_wait3A_1105 = tpu.memref_slice %arg9[%add3A_1103, %dma_wait3A_1104] : memref<128x50xi32, #tpu.memory_space<vmem>> -> memref<1x50xi32, #tpu.memory_space<vmem>>
      %dma_wait3A_1106 = tpu.memref_squeeze %dma_wait3A_1105 : memref<1x50xi32, #tpu.memory_space<vmem>> -> memref<50xi32, #tpu.memory_space<vmem>>
      %dma_wait3A_1107 = arith.constant 0 : i32
      %dma_wait3A_1108 = arith.constant 0 : i32
      %dma_wait3A_1109 = tpu.memref_slice %arg2[%dma_wait3A_1107, %dma_wait3A_1108] : memref<100000x64xf32, #tpu.memory_space<hbm>> -> memref<100000x64xf32, #tpu.memory_space<hbm>>
      tpu.wait_indirect_dma semaphore(%arg25 : memref<!tpu.dma_semaphore, #tpu.memory_space<semaphore_mem>>) src(%dma_wait3A_1109 : memref<100000x64xf32, #tpu.memory_space<hbm>>) dst(%arg16 : memref<50x64xf32, #tpu.memory_space<vmem>>)
      %get3A_1110 = arith.constant 0 : i32
      %get3A_1111 = arith.index_cast %get3A_1110 : i32 to index
      %get3A_1112 = arith.constant 0 : index
      %get3A_1113 = tpu.vector_load %arg16[%get3A_1111, %get3A_1112] {strides = array<i32>} : memref<50x64xf32, #tpu.memory_space<vmem>>, vector<16xf32>,
      %get3A_1114 = arith.constant 0 : i32
      %get3A_1115 = arith.index_cast %get3A_1114 : i32 to index
      %get3A_1116 = arith.constant 16 : index
      %get3A_1117 = tpu.vector_load %arg16[%get3A_1115, %get3A_1116] {strides = array<i32>} : memref<50x64xf32, #tpu.memory_space<vmem>>, vector<16xf32>,
      %get3A_1118 = arith.constant 0 : i32
      %get3A_1119 = arith.index_cast %get3A_1118 : i32 to index
      %get3A_1120 = arith.constant 32 : index
      %get3A_1121 = tpu.vector_load %arg16[%get3A_1119, %get3A_1120] {strides = array<i32>} : memref<50x64xf32, #tpu.memory_space<vmem>>, vector<16xf32>,
      %get3A_1122 = arith.constant 0 : i32
      %get3A_1123 = arith.index_cast %get3A_1122 : i32 to index
      %get3A_1124 = arith.constant 48 : index
      %get3A_1125 = tpu.vector_load %arg16[%get3A_1123, %get3A_1124] {strides = array<i32>} : memref<50x64xf32, #tpu.memory_space<vmem>>, vector<16xf32>,
      %get3A_1126 = arith.constant 1 : i32
      %get3A_1127 = arith.index_cast %get3A_1126 : i32 to index
      %get3A_1128 = arith.constant 0 : index
      %get3A_1129 = tpu.vector_load %arg16[%get3A_1127, %get3A_1128] {strides = array<i32>} : memref<50x64xf32, #tpu.memory_space<vmem>>, vector<16xf32>,
      %add3A_1130 = arith.addf %get3A_1113, %get3A_1129 : vector<16xf32>
      %get3A_1131 = arith.constant 1 : i32
      %get3A_1132 = arith.index_cast %get3A_1131 : i32 to index
      %get3A_1133 = arith.constant 16 : index
      %get3A_1134 = tpu.vector_load %arg16[%get3A_1132, %get3A_1133] {strides = array<i32>} : memref<50x64xf32, #tpu.memory_space<vmem>>, vector<16xf32>,
      %add3A_1135 = arith.addf %get3A_1117, %get3A_1134 : vector<16xf32>
      %get3A_1136 = arith.constant 1 : i32
      %get3A_1137 = arith.index_cast %get3A_1136 : i32 to index
      %get3A_1138 = arith.constant 32 : index
      %get3A_1139 = tpu.vector_load %arg16[%get3A_1137, %get3A_1138] {strides = array<i32>} : memref<50x64xf32, #tpu.memory_space<vmem>>, vector<16xf32>,
      %add3A_1140 = arith.addf %get3A_1121, %get3A_1139 : vector<16xf32>
      %get3A_1141 = arith.constant 1 : i32
      %get3A_1142 = arith.index_cast %get3A_1141 : i32 to index
      %get3A_1143 = arith.constant 48 : index
      %get3A_1144 = tpu.vector_load %arg16[%get3A_1142, %get3A_1143] {strides = array<i32>} : memref<50x64xf32, #tpu.memory_space<vmem>>, vector<16xf32>,
      %add3A_1145 = arith.addf %get3A_1125, %get3A_1144 : vector<16xf32>
      %get3A_1146 = arith.constant 2 : i32
      %get3A_1147 = arith.index_cast %get3A_1146 : i32 to index
      %get3A_1148 = arith.constant 0 : index
      %get3A_1149 = tpu.vector_load %arg16[%get3A_1147, %get3A_1148] {strides = array<i32>} : memref<50x64xf32, #tpu.memory_space<vmem>>, vector<16xf32>,
      %add3A_1150 = arith.addf %add3A_1130, %get3A_1149 : vector<16xf32>
      %get3A_1151 = arith.constant 2 : i32
      %get3A_1152 = arith.index_cast %get3A_1151 : i32 to index
      %get3A_1153 = arith.constant 16 : index
      %get3A_1154 = tpu.vector_load %arg16[%get3A_1152, %get3A_1153] {strides = array<i32>} : memref<50x64xf32, #tpu.memory_space<vmem>>, vector<16xf32>,
      %add3A_1155 = arith.addf %add3A_1135, %get3A_1154 : vector<16xf32>
      %get3A_1156 = arith.constant 2 : i32
      %get3A_1157 = arith.index_cast %get3A_1156 : i32 to index
      %get3A_1158 = arith.constant 32 : index
      %get3A_1159 = tpu.vector_load %arg16[%get3A_1157, %get3A_1158] {strides = array<i32>} : memref<50x64xf32, #tpu.memory_space<vmem>>, vector<16xf32>,
      %add3A_1160 = arith.addf %add3A_1140, %get3A_1159 : vector<16xf32>
      %get3A_1161 = arith.constant 2 : i32
      %get3A_1162 = arith.index_cast %get3A_1161 : i32 to index
      %get3A_1163 = arith.constant 48 : index
      %get3A_1164 = tpu.vector_load %arg16[%get3A_1162, %get3A_1163] {strides = array<i32>} : memref<50x64xf32, #tpu.memory_space<vmem>>, vector<16xf32>,
      %add3A_1165 = arith.addf %add3A_1145, %get3A_1164 : vector<16xf32>
      %get3A_1166 = arith.constant 3 : i32
      %get3A_1167 = arith.index_cast %get3A_1166 : i32 to index
      %get3A_1168 = arith.constant 0 : index
      %get3A_1169 = tpu.vector_load %arg16[%get3A_1167, %get3A_1168] {strides = array<i32>} : memref<50x64xf32, #tpu.memory_space<vmem>>, vector<16xf32>,
      %add3A_1170 = arith.addf %add3A_1150, %get3A_1169 : vector<16xf32>
      %get3A_1171 = arith.constant 3 : i32
      %get3A_1172 = arith.index_cast %get3A_1171 : i32 to index
      %get3A_1173 = arith.constant 16 : index
      %get3A_1174 = tpu.vector_load %arg16[%get3A_1172, %get3A_1173] {strides = array<i32>} : memref<50x64xf32, #tpu.memory_space<vmem>>, vector<16xf32>,
      %add3A_1175 = arith.addf %add3A_1155, %get3A_1174 : vector<16xf32>
      %get3A_1176 = arith.constant 3 : i32
      %get3A_1177 = arith.index_cast %get3A_1176 : i32 to index
      %get3A_1178 = arith.constant 32 : index
      %get3A_1179 = tpu.vector_load %arg16[%get3A_1177, %get3A_1178] {strides = array<i32>} : memref<50x64xf32, #tpu.memory_space<vmem>>, vector<16xf32>,
      %add3A_1180 = arith.addf %add3A_1160, %get3A_1179 : vector<16xf32>
      %get3A_1181 = arith.constant 3 : i32
      %get3A_1182 = arith.index_cast %get3A_1181 : i32 to index
      %get3A_1183 = arith.constant 48 : index
      %get3A_1184 = tpu.vector_load %arg16[%get3A_1182, %get3A_1183] {strides = array<i32>} : memref<50x64xf32, #tpu.memory_space<vmem>>, vector<16xf32>,
      %add3A_1185 = arith.addf %add3A_1165, %get3A_1184 : vector<16xf32>
      %get3A_1186 = arith.constant 4 : i32
      %get3A_1187 = arith.index_cast %get3A_1186 : i32 to index
      %get3A_1188 = arith.constant 0 : index
      %get3A_1189 = tpu.vector_load %arg16[%get3A_1187, %get3A_1188] {strides = array<i32>} : memref<50x64xf32, #tpu.memory_space<vmem>>, vector<16xf32>,
      %add3A_1190 = arith.addf %add3A_1170, %get3A_1189 : vector<16xf32>
      %get3A_1191 = arith.constant 4 : i32
      %get3A_1192 = arith.index_cast %get3A_1191 : i32 to index
      %get3A_1193 = arith.constant 16 : index
      %get3A_1194 = tpu.vector_load %arg16[%get3A_1192, %get3A_1193] {strides = array<i32>} : memref<50x64xf32, #tpu.memory_space<vmem>>, vector<16xf32>,
      %add3A_1195 = arith.addf %add3A_1175, %get3A_1194 : vector<16xf32>
      %get3A_1196 = arith.constant 4 : i32
      %get3A_1197 = arith.index_cast %get3A_1196 : i32 to index
      %get3A_1198 = arith.constant 32 : index
      %get3A_1199 = tpu.vector_load %arg16[%get3A_1197, %get3A_1198] {strides = array<i32>} : memref<50x64xf32, #tpu.memory_space<vmem>>, vector<16xf32>,
      %add3A_1200 = arith.addf %add3A_1180, %get3A_1199 : vector<16xf32>
      %get3A_1201 = arith.constant 4 : i32
      %get3A_1202 = arith.index_cast %get3A_1201 : i32 to index
      %get3A_1203 = arith.constant 48 : index
      %get3A_1204 = tpu.vector_load %arg16[%get3A_1202, %get3A_1203] {strides = array<i32>} : memref<50x64xf32, #tpu.memory_space<vmem>>, vector<16xf32>,
      %add3A_1205 = arith.addf %add3A_1185, %get3A_1204 : vector<16xf32>
      %get3A_1206 = arith.constant 5 : i32
      %get3A_1207 = arith.index_cast %get3A_1206 : i32 to index
      %get3A_1208 = arith.constant 0 : index
      %get3A_1209 = tpu.vector_load %arg16[%get3A_1207, %get3A_1208] {strides = array<i32>} : memref<50x64xf32, #tpu.memory_space<vmem>>, vector<16xf32>,
      %add3A_1210 = arith.addf %add3A_1190, %get3A_1209 : vector<16xf32>
      %get3A_1211 = arith.constant 5 : i32
      %get3A_1212 = arith.index_cast %get3A_1211 : i32 to index
      %get3A_1213 = arith.constant 16 : index
      %get3A_1214 = tpu.vector_load %arg16[%get3A_1212, %get3A_1213] {strides = array<i32>} : memref<50x64xf32, #tpu.memory_space<vmem>>, vector<16xf32>,
      %add3A_1215 = arith.addf %add3A_1195, %get3A_1214 : vector<16xf32>
      %get3A_1216 = arith.constant 5 : i32
      %get3A_1217 = arith.index_cast %get3A_1216 : i32 to index
      %get3A_1218 = arith.constant 32 : index
      %get3A_1219 = tpu.vector_load %arg16[%get3A_1217, %get3A_1218] {strides = array<i32>} : memref<50x64xf32, #tpu.memory_space<vmem>>, vector<16xf32>,
      %add3A_1220 = arith.addf %add3A_1200, %get3A_1219 : vector<16xf32>
      %get3A_1221 = arith.constant 5 : i32
      %get3A_1222 = arith.index_cast %get3A_1221 : i32 to index
      %get3A_1223 = arith.constant 48 : index
      %get3A_1224 = tpu.vector_load %arg16[%get3A_1222, %get3A_1223] {strides = array<i32>} : memref<50x64xf32, #tpu.memory_space<vmem>>, vector<16xf32>,
      %add3A_1225 = arith.addf %add3A_1205, %get3A_1224 : vector<16xf32>
      %get3A_1226 = arith.constant 6 : i32
      %get3A_1227 = arith.index_cast %get3A_1226 : i32 to index
      %get3A_1228 = arith.constant 0 : index
      %get3A_1229 = tpu.vector_load %arg16[%get3A_1227, %get3A_1228] {strides = array<i32>} : memref<50x64xf32, #tpu.memory_space<vmem>>, vector<16xf32>,
      %add3A_1230 = arith.addf %add3A_1210, %get3A_1229 : vector<16xf32>
      %get3A_1231 = arith.constant 6 : i32
      %get3A_1232 = arith.index_cast %get3A_1231 : i32 to index
      %get3A_1233 = arith.constant 16 : index
      %get3A_1234 = tpu.vector_load %arg16[%get3A_1232, %get3A_1233] {strides = array<i32>} : memref<50x64xf32, #tpu.memory_space<vmem>>, vector<16xf32>,
      %add3A_1235 = arith.addf %add3A_1215, %get3A_1234 : vector<16xf32>
      %get3A_1236 = arith.constant 6 : i32
      %get3A_1237 = arith.index_cast %get3A_1236 : i32 to index
      %get3A_1238 = arith.constant 32 : index
      %get3A_1239 = tpu.vector_load %arg16[%get3A_1237, %get3A_1238] {strides = array<i32>} : memref<50x64xf32, #tpu.memory_space<vmem>>, vector<16xf32>,
      %add3A_1240 = arith.addf %add3A_1220, %get3A_1239 : vector<16xf32>
      %get3A_1241 = arith.constant 6 : i32
      %get3A_1242 = arith.index_cast %get3A_1241 : i32 to index
      %get3A_1243 = arith.constant 48 : index
      %get3A_1244 = tpu.vector_load %arg16[%get3A_1242, %get3A_1243] {strides = array<i32>} : memref<50x64xf32, #tpu.memory_space<vmem>>, vector<16xf32>,
      %add3A_1245 = arith.addf %add3A_1225, %get3A_1244 : vector<16xf32>
      %get3A_1246 = arith.constant 7 : i32
      %get3A_1247 = arith.index_cast %get3A_1246 : i32 to index
      %get3A_1248 = arith.constant 0 : index
      %get3A_1249 = tpu.vector_load %arg16[%get3A_1247, %get3A_1248] {strides = array<i32>} : memref<50x64xf32, #tpu.memory_space<vmem>>, vector<16xf32>,
      %add3A_1250 = arith.addf %add3A_1230, %get3A_1249 : vector<16xf32>
      %get3A_1251 = arith.constant 7 : i32
      %get3A_1252 = arith.index_cast %get3A_1251 : i32 to index
      %get3A_1253 = arith.constant 16 : index
      %get3A_1254 = tpu.vector_load %arg16[%get3A_1252, %get3A_1253] {strides = array<i32>} : memref<50x64xf32, #tpu.memory_space<vmem>>, vector<16xf32>,
      %add3A_1255 = arith.addf %add3A_1235, %get3A_1254 : vector<16xf32>
      %get3A_1256 = arith.constant 7 : i32
      %get3A_1257 = arith.index_cast %get3A_1256 : i32 to index
      %get3A_1258 = arith.constant 32 : index
      %get3A_1259 = tpu.vector_load %arg16[%get3A_1257, %get3A_1258] {strides = array<i32>} : memref<50x64xf32, #tpu.memory_space<vmem>>, vector<16xf32>,
      %add3A_1260 = arith.addf %add3A_1240, %get3A_1259 : vector<16xf32>
      %get3A_1261 = arith.constant 7 : i32
      %get3A_1262 = arith.index_cast %get3A_1261 : i32 to index
      %get3A_1263 = arith.constant 48 : index
      %get3A_1264 = tpu.vector_load %arg16[%get3A_1262, %get3A_1263] {strides = array<i32>} : memref<50x64xf32, #tpu.memory_space<vmem>>, vector<16xf32>,
      %add3A_1265 = arith.addf %add3A_1245, %get3A_1264 : vector<16xf32>
      %get3A_1266 = arith.constant 8 : i32
      %get3A_1267 = arith.index_cast %get3A_1266 : i32 to index
      %get3A_1268 = arith.constant 0 : index
      %get3A_1269 = tpu.vector_load %arg16[%get3A_1267, %get3A_1268] {strides = array<i32>} : memref<50x64xf32, #tpu.memory_space<vmem>>, vector<16xf32>,
      %add3A_1270 = arith.addf %add3A_1250, %get3A_1269 : vector<16xf32>
      %get3A_1271 = arith.constant 8 : i32
      %get3A_1272 = arith.index_cast %get3A_1271 : i32 to index
      %get3A_1273 = arith.constant 16 : index
      %get3A_1274 = tpu.vector_load %arg16[%get3A_1272, %get3A_1273] {strides = array<i32>} : memref<50x64xf32, #tpu.memory_space<vmem>>, vector<16xf32>,
      %add3A_1275 = arith.addf %add3A_1255, %get3A_1274 : vector<16xf32>
      %get3A_1276 = arith.constant 8 : i32
      %get3A_1277 = arith.index_cast %get3A_1276 : i32 to index
      %get3A_1278 = arith.constant 32 : index
      %get3A_1279 = tpu.vector_load %arg16[%get3A_1277, %get3A_1278] {strides = array<i32>} : memref<50x64xf32, #tpu.memory_space<vmem>>, vector<16xf32>,
      %add3A_1280 = arith.addf %add3A_1260, %get3A_1279 : vector<16xf32>
      %get3A_1281 = arith.constant 8 : i32
      %get3A_1282 = arith.index_cast %get3A_1281 : i32 to index
      %get3A_1283 = arith.constant 48 : index
      %get3A_1284 = tpu.vector_load %arg16[%get3A_1282, %get3A_1283] {strides = array<i32>} : memref<50x64xf32, #tpu.memory_space<vmem>>, vector<16xf32>,
      %add3A_1285 = arith.addf %add3A_1265, %get3A_1284 : vector<16xf32>
      %get3A_1286 = arith.constant 9 : i32
      %get3A_1287 = arith.index_cast %get3A_1286 : i32 to index
      %get3A_1288 = arith.constant 0 : index
      %get3A_1289 = tpu.vector_load %arg16[%get3A_1287, %get3A_1288] {strides = array<i32>} : memref<50x64xf32, #tpu.memory_space<vmem>>, vector<16xf32>,
      %add3A_1290 = arith.addf %add3A_1270, %get3A_1289 : vector<16xf32>
      %get3A_1291 = arith.constant 9 : i32
      %get3A_1292 = arith.index_cast %get3A_1291 : i32 to index
      %get3A_1293 = arith.constant 16 : index
      %get3A_1294 = tpu.vector_load %arg16[%get3A_1292, %get3A_1293] {strides = array<i32>} : memref<50x64xf32, #tpu.memory_space<vmem>>, vector<16xf32>,
      %add3A_1295 = arith.addf %add3A_1275, %get3A_1294 : vector<16xf32>
      %get3A_1296 = arith.constant 9 : i32
      %get3A_1297 = arith.index_cast %get3A_1296 : i32 to index
      %get3A_1298 = arith.constant 32 : index
      %get3A_1299 = tpu.vector_load %arg16[%get3A_1297, %get3A_1298] {strides = array<i32>} : memref<50x64xf32, #tpu.memory_space<vmem>>, vector<16xf32>,
      %add3A_1300 = arith.addf %add3A_1280, %get3A_1299 : vector<16xf32>
      %get3A_1301 = arith.constant 9 : i32
      %get3A_1302 = arith.index_cast %get3A_1301 : i32 to index
      %get3A_1303 = arith.constant 48 : index
      %get3A_1304 = tpu.vector_load %arg16[%get3A_1302, %get3A_1303] {strides = array<i32>} : memref<50x64xf32, #tpu.memory_space<vmem>>, vector<16xf32>,
      %add3A_1305 = arith.addf %add3A_1285, %get3A_1304 : vector<16xf32>
      %get3A_1306 = arith.constant 10 : i32
      %get3A_1307 = arith.index_cast %get3A_1306 : i32 to index
      %get3A_1308 = arith.constant 0 : index
      %get3A_1309 = tpu.vector_load %arg16[%get3A_1307, %get3A_1308] {strides = array<i32>} : memref<50x64xf32, #tpu.memory_space<vmem>>, vector<16xf32>,
      %add3A_1310 = arith.addf %add3A_1290, %get3A_1309 : vector<16xf32>
      %get3A_1311 = arith.constant 10 : i32
      %get3A_1312 = arith.index_cast %get3A_1311 : i32 to index
      %get3A_1313 = arith.constant 16 : index
      %get3A_1314 = tpu.vector_load %arg16[%get3A_1312, %get3A_1313] {strides = array<i32>} : memref<50x64xf32, #tpu.memory_space<vmem>>, vector<16xf32>,
      %add3A_1315 = arith.addf %add3A_1295, %get3A_1314 : vector<16xf32>
      %get3A_1316 = arith.constant 10 : i32
      %get3A_1317 = arith.index_cast %get3A_1316 : i32 to index
      %get3A_1318 = arith.constant 32 : index
      %get3A_1319 = tpu.vector_load %arg16[%get3A_1317, %get3A_1318] {strides = array<i32>} : memref<50x64xf32, #tpu.memory_space<vmem>>, vector<16xf32>,
      %add3A_1320 = arith.addf %add3A_1300, %get3A_1319 : vector<16xf32>
      %get3A_1321 = arith.constant 10 : i32
      %get3A_1322 = arith.index_cast %get3A_1321 : i32 to index
      %get3A_1323 = arith.constant 48 : index
      %get3A_1324 = tpu.vector_load %arg16[%get3A_1322, %get3A_1323] {strides = array<i32>} : memref<50x64xf32, #tpu.memory_space<vmem>>, vector<16xf32>,
      %add3A_1325 = arith.addf %add3A_1305, %get3A_1324 : vector<16xf32>
      %get3A_1326 = arith.constant 11 : i32
      %get3A_1327 = arith.index_cast %get3A_1326 : i32 to index
      %get3A_1328 = arith.constant 0 : index
      %get3A_1329 = tpu.vector_load %arg16[%get3A_1327, %get3A_1328] {strides = array<i32>} : memref<50x64xf32, #tpu.memory_space<vmem>>, vector<16xf32>,
      %add3A_1330 = arith.addf %add3A_1310, %get3A_1329 : vector<16xf32>
      %get3A_1331 = arith.constant 11 : i32
      %get3A_1332 = arith.index_cast %get3A_1331 : i32 to index
      %get3A_1333 = arith.constant 16 : index
      %get3A_1334 = tpu.vector_load %arg16[%get3A_1332, %get3A_1333] {strides = array<i32>} : memref<50x64xf32, #tpu.memory_space<vmem>>, vector<16xf32>,
      %add3A_1335 = arith.addf %add3A_1315, %get3A_1334 : vector<16xf32>
      %get3A_1336 = arith.constant 11 : i32
      %get3A_1337 = arith.index_cast %get3A_1336 : i32 to index
      %get3A_1338 = arith.constant 32 : index
      %get3A_1339 = tpu.vector_load %arg16[%get3A_1337, %get3A_1338] {strides = array<i32>} : memref<50x64xf32, #tpu.memory_space<vmem>>, vector<16xf32>,
      %add3A_1340 = arith.addf %add3A_1320, %get3A_1339 : vector<16xf32>
      %get3A_1341 = arith.constant 11 : i32
      %get3A_1342 = arith.index_cast %get3A_1341 : i32 to index
      %get3A_1343 = arith.constant 48 : index
      %get3A_1344 = tpu.vector_load %arg16[%get3A_1342, %get3A_1343] {strides = array<i32>} : memref<50x64xf32, #tpu.memory_space<vmem>>, vector<16xf32>,
      %add3A_1345 = arith.addf %add3A_1325, %get3A_1344 : vector<16xf32>
      %get3A_1346 = arith.constant 12 : i32
      %get3A_1347 = arith.index_cast %get3A_1346 : i32 to index
      %get3A_1348 = arith.constant 0 : index
      %get3A_1349 = tpu.vector_load %arg16[%get3A_1347, %get3A_1348] {strides = array<i32>} : memref<50x64xf32, #tpu.memory_space<vmem>>, vector<16xf32>,
      %add3A_1350 = arith.addf %add3A_1330, %get3A_1349 : vector<16xf32>
      %get3A_1351 = arith.constant 12 : i32
      %get3A_1352 = arith.index_cast %get3A_1351 : i32 to index
      %get3A_1353 = arith.constant 16 : index
      %get3A_1354 = tpu.vector_load %arg16[%get3A_1352, %get3A_1353] {strides = array<i32>} : memref<50x64xf32, #tpu.memory_space<vmem>>, vector<16xf32>,
      %add3A_1355 = arith.addf %add3A_1335, %get3A_1354 : vector<16xf32>
      %get3A_1356 = arith.constant 12 : i32
      %get3A_1357 = arith.index_cast %get3A_1356 : i32 to index
      %get3A_1358 = arith.constant 32 : index
      %get3A_1359 = tpu.vector_load %arg16[%get3A_1357, %get3A_1358] {strides = array<i32>} : memref<50x64xf32, #tpu.memory_space<vmem>>, vector<16xf32>,
      %add3A_1360 = arith.addf %add3A_1340, %get3A_1359 : vector<16xf32>
      %get3A_1361 = arith.constant 12 : i32
      %get3A_1362 = arith.index_cast %get3A_1361 : i32 to index
      %get3A_1363 = arith.constant 48 : index
      %get3A_1364 = tpu.vector_load %arg16[%get3A_1362, %get3A_1363] {strides = array<i32>} : memref<50x64xf32, #tpu.memory_space<vmem>>, vector<16xf32>,
      %add3A_1365 = arith.addf %add3A_1345, %get3A_1364 : vector<16xf32>
      %get3A_1366 = arith.constant 13 : i32
      %get3A_1367 = arith.index_cast %get3A_1366 : i32 to index
      %get3A_1368 = arith.constant 0 : index
      %get3A_1369 = tpu.vector_load %arg16[%get3A_1367, %get3A_1368] {strides = array<i32>} : memref<50x64xf32, #tpu.memory_space<vmem>>, vector<16xf32>,
      %add3A_1370 = arith.addf %add3A_1350, %get3A_1369 : vector<16xf32>
      %get3A_1371 = arith.constant 13 : i32
      %get3A_1372 = arith.index_cast %get3A_1371 : i32 to index
      %get3A_1373 = arith.constant 16 : index
      %get3A_1374 = tpu.vector_load %arg16[%get3A_1372, %get3A_1373] {strides = array<i32>} : memref<50x64xf32, #tpu.memory_space<vmem>>, vector<16xf32>,
      %add3A_1375 = arith.addf %add3A_1355, %get3A_1374 : vector<16xf32>
      %get3A_1376 = arith.constant 13 : i32
      %get3A_1377 = arith.index_cast %get3A_1376 : i32 to index
      %get3A_1378 = arith.constant 32 : index
      %get3A_1379 = tpu.vector_load %arg16[%get3A_1377, %get3A_1378] {strides = array<i32>} : memref<50x64xf32, #tpu.memory_space<vmem>>, vector<16xf32>,
      %add3A_1380 = arith.addf %add3A_1360, %get3A_1379 : vector<16xf32>
      %get3A_1381 = arith.constant 13 : i32
      %get3A_1382 = arith.index_cast %get3A_1381 : i32 to index
      %get3A_1383 = arith.constant 48 : index
      %get3A_1384 = tpu.vector_load %arg16[%get3A_1382, %get3A_1383] {strides = array<i32>} : memref<50x64xf32, #tpu.memory_space<vmem>>, vector<16xf32>,
      %add3A_1385 = arith.addf %add3A_1365, %get3A_1384 : vector<16xf32>
      %get3A_1386 = arith.constant 14 : i32
      %get3A_1387 = arith.index_cast %get3A_1386 : i32 to index
      %get3A_1388 = arith.constant 0 : index
      %get3A_1389 = tpu.vector_load %arg16[%get3A_1387, %get3A_1388] {strides = array<i32>} : memref<50x64xf32, #tpu.memory_space<vmem>>, vector<16xf32>,
      %add3A_1390 = arith.addf %add3A_1370, %get3A_1389 : vector<16xf32>
      %get3A_1391 = arith.constant 14 : i32
      %get3A_1392 = arith.index_cast %get3A_1391 : i32 to index
      %get3A_1393 = arith.constant 16 : index
      %get3A_1394 = tpu.vector_load %arg16[%get3A_1392, %get3A_1393] {strides = array<i32>} : memref<50x64xf32, #tpu.memory_space<vmem>>, vector<16xf32>,
      %add3A_1395 = arith.addf %add3A_1375, %get3A_1394 : vector<16xf32>
      %get3A_1396 = arith.constant 14 : i32
      %get3A_1397 = arith.index_cast %get3A_1396 : i32 to index
      %get3A_1398 = arith.constant 32 : index
      %get3A_1399 = tpu.vector_load %arg16[%get3A_1397, %get3A_1398] {strides = array<i32>} : memref<50x64xf32, #tpu.memory_space<vmem>>, vector<16xf32>,
      %add3A_1400 = arith.addf %add3A_1380, %get3A_1399 : vector<16xf32>
      %get3A_1401 = arith.constant 14 : i32
      %get3A_1402 = arith.index_cast %get3A_1401 : i32 to index
      %get3A_1403 = arith.constant 48 : index
      %get3A_1404 = tpu.vector_load %arg16[%get3A_1402, %get3A_1403] {strides = array<i32>} : memref<50x64xf32, #tpu.memory_space<vmem>>, vector<16xf32>,
      %add3A_1405 = arith.addf %add3A_1385, %get3A_1404 : vector<16xf32>
      %get3A_1406 = arith.constant 15 : i32
      %get3A_1407 = arith.index_cast %get3A_1406 : i32 to index
      %get3A_1408 = arith.constant 0 : index
      %get3A_1409 = tpu.vector_load %arg16[%get3A_1407, %get3A_1408] {strides = array<i32>} : memref<50x64xf32, #tpu.memory_space<vmem>>, vector<16xf32>,
      %add3A_1410 = arith.addf %add3A_1390, %get3A_1409 : vector<16xf32>
      %get3A_1411 = arith.constant 15 : i32
      %get3A_1412 = arith.index_cast %get3A_1411 : i32 to index
      %get3A_1413 = arith.constant 16 : index
      %get3A_1414 = tpu.vector_load %arg16[%get3A_1412, %get3A_1413] {strides = array<i32>} : memref<50x64xf32, #tpu.memory_space<vmem>>, vector<16xf32>,
      %add3A_1415 = arith.addf %add3A_1395, %get3A_1414 : vector<16xf32>
      %get3A_1416 = arith.constant 15 : i32
      %get3A_1417 = arith.index_cast %get3A_1416 : i32 to index
      %get3A_1418 = arith.constant 32 : index
      %get3A_1419 = tpu.vector_load %arg16[%get3A_1417, %get3A_1418] {strides = array<i32>} : memref<50x64xf32, #tpu.memory_space<vmem>>, vector<16xf32>,
      %add3A_1420 = arith.addf %add3A_1400, %get3A_1419 : vector<16xf32>
      %get3A_1421 = arith.constant 15 : i32
      %get3A_1422 = arith.index_cast %get3A_1421 : i32 to index
      %get3A_1423 = arith.constant 48 : index
      %get3A_1424 = tpu.vector_load %arg16[%get3A_1422, %get3A_1423] {strides = array<i32>} : memref<50x64xf32, #tpu.memory_space<vmem>>, vector<16xf32>,
      %add3A_1425 = arith.addf %add3A_1405, %get3A_1424 : vector<16xf32>
      %get3A_1426 = arith.constant 16 : i32
      %get3A_1427 = arith.index_cast %get3A_1426 : i32 to index
      %get3A_1428 = arith.constant 0 : index
      %get3A_1429 = tpu.vector_load %arg16[%get3A_1427, %get3A_1428] {strides = array<i32>} : memref<50x64xf32, #tpu.memory_space<vmem>>, vector<16xf32>,
      %add3A_1430 = arith.addf %add3A_1410, %get3A_1429 : vector<16xf32>
      %get3A_1431 = arith.constant 16 : i32
      %get3A_1432 = arith.index_cast %get3A_1431 : i32 to index
      %get3A_1433 = arith.constant 16 : index
      %get3A_1434 = tpu.vector_load %arg16[%get3A_1432, %get3A_1433] {strides = array<i32>} : memref<50x64xf32, #tpu.memory_space<vmem>>, vector<16xf32>,
      %add3A_1435 = arith.addf %add3A_1415, %get3A_1434 : vector<16xf32>
      %get3A_1436 = arith.constant 16 : i32
      %get3A_1437 = arith.index_cast %get3A_1436 : i32 to index
      %get3A_1438 = arith.constant 32 : index
      %get3A_1439 = tpu.vector_load %arg16[%get3A_1437, %get3A_1438] {strides = array<i32>} : memref<50x64xf32, #tpu.memory_space<vmem>>, vector<16xf32>,
      %add3A_1440 = arith.addf %add3A_1420, %get3A_1439 : vector<16xf32>
      %get3A_1441 = arith.constant 16 : i32
      %get3A_1442 = arith.index_cast %get3A_1441 : i32 to index
      %get3A_1443 = arith.constant 48 : index
      %get3A_1444 = tpu.vector_load %arg16[%get3A_1442, %get3A_1443] {strides = array<i32>} : memref<50x64xf32, #tpu.memory_space<vmem>>, vector<16xf32>,
      %add3A_1445 = arith.addf %add3A_1425, %get3A_1444 : vector<16xf32>
      %get3A_1446 = arith.constant 17 : i32
      %get3A_1447 = arith.index_cast %get3A_1446 : i32 to index
      %get3A_1448 = arith.constant 0 : index
      %get3A_1449 = tpu.vector_load %arg16[%get3A_1447, %get3A_1448] {strides = array<i32>} : memref<50x64xf32, #tpu.memory_space<vmem>>, vector<16xf32>,
      %add3A_1450 = arith.addf %add3A_1430, %get3A_1449 : vector<16xf32>
      %get3A_1451 = arith.constant 17 : i32
      %get3A_1452 = arith.index_cast %get3A_1451 : i32 to index
      %get3A_1453 = arith.constant 16 : index
      %get3A_1454 = tpu.vector_load %arg16[%get3A_1452, %get3A_1453] {strides = array<i32>} : memref<50x64xf32, #tpu.memory_space<vmem>>, vector<16xf32>,
      %add3A_1455 = arith.addf %add3A_1435, %get3A_1454 : vector<16xf32>
      %get3A_1456 = arith.constant 17 : i32
      %get3A_1457 = arith.index_cast %get3A_1456 : i32 to index
      %get3A_1458 = arith.constant 32 : index
      %get3A_1459 = tpu.vector_load %arg16[%get3A_1457, %get3A_1458] {strides = array<i32>} : memref<50x64xf32, #tpu.memory_space<vmem>>, vector<16xf32>,
      %add3A_1460 = arith.addf %add3A_1440, %get3A_1459 : vector<16xf32>
      %get3A_1461 = arith.constant 17 : i32
      %get3A_1462 = arith.index_cast %get3A_1461 : i32 to index
      %get3A_1463 = arith.constant 48 : index
      %get3A_1464 = tpu.vector_load %arg16[%get3A_1462, %get3A_1463] {strides = array<i32>} : memref<50x64xf32, #tpu.memory_space<vmem>>, vector<16xf32>,
      %add3A_1465 = arith.addf %add3A_1445, %get3A_1464 : vector<16xf32>
      %get3A_1466 = arith.constant 18 : i32
      %get3A_1467 = arith.index_cast %get3A_1466 : i32 to index
      %get3A_1468 = arith.constant 0 : index
      %get3A_1469 = tpu.vector_load %arg16[%get3A_1467, %get3A_1468] {strides = array<i32>} : memref<50x64xf32, #tpu.memory_space<vmem>>, vector<16xf32>,
      %add3A_1470 = arith.addf %add3A_1450, %get3A_1469 : vector<16xf32>
      %get3A_1471 = arith.constant 18 : i32
      %get3A_1472 = arith.index_cast %get3A_1471 : i32 to index
      %get3A_1473 = arith.constant 16 : index
      %get3A_1474 = tpu.vector_load %arg16[%get3A_1472, %get3A_1473] {strides = array<i32>} : memref<50x64xf32, #tpu.memory_space<vmem>>, vector<16xf32>,
      %add3A_1475 = arith.addf %add3A_1455, %get3A_1474 : vector<16xf32>
      %get3A_1476 = arith.constant 18 : i32
      %get3A_1477 = arith.index_cast %get3A_1476 : i32 to index
      %get3A_1478 = arith.constant 32 : index
      %get3A_1479 = tpu.vector_load %arg16[%get3A_1477, %get3A_1478] {strides = array<i32>} : memref<50x64xf32, #tpu.memory_space<vmem>>, vector<16xf32>,
      %add3A_1480 = arith.addf %add3A_1460, %get3A_1479 : vector<16xf32>
      %get3A_1481 = arith.constant 18 : i32
      %get3A_1482 = arith.index_cast %get3A_1481 : i32 to index
      %get3A_1483 = arith.constant 48 : index
      %get3A_1484 = tpu.vector_load %arg16[%get3A_1482, %get3A_1483] {strides = array<i32>} : memref<50x64xf32, #tpu.memory_space<vmem>>, vector<16xf32>,
      %add3A_1485 = arith.addf %add3A_1465, %get3A_1484 : vector<16xf32>
      %get3A_1486 = arith.constant 19 : i32
      %get3A_1487 = arith.index_cast %get3A_1486 : i32 to index
      %get3A_1488 = arith.constant 0 : index
      %get3A_1489 = tpu.vector_load %arg16[%get3A_1487, %get3A_1488] {strides = array<i32>} : memref<50x64xf32, #tpu.memory_space<vmem>>, vector<16xf32>,
      %add3A_1490 = arith.addf %add3A_1470, %get3A_1489 : vector<16xf32>
      %get3A_1491 = arith.constant 19 : i32
      %get3A_1492 = arith.index_cast %get3A_1491 : i32 to index
      %get3A_1493 = arith.constant 16 : index
      %get3A_1494 = tpu.vector_load %arg16[%get3A_1492, %get3A_1493] {strides = array<i32>} : memref<50x64xf32, #tpu.memory_space<vmem>>, vector<16xf32>,
      %add3A_1495 = arith.addf %add3A_1475, %get3A_1494 : vector<16xf32>
      %get3A_1496 = arith.constant 19 : i32
      %get3A_1497 = arith.index_cast %get3A_1496 : i32 to index
      %get3A_1498 = arith.constant 32 : index
      %get3A_1499 = tpu.vector_load %arg16[%get3A_1497, %get3A_1498] {strides = array<i32>} : memref<50x64xf32, #tpu.memory_space<vmem>>, vector<16xf32>,
      %add3A_1500 = arith.addf %add3A_1480, %get3A_1499 : vector<16xf32>
      %get3A_1501 = arith.constant 19 : i32
      %get3A_1502 = arith.index_cast %get3A_1501 : i32 to index
      %get3A_1503 = arith.constant 48 : index
      %get3A_1504 = tpu.vector_load %arg16[%get3A_1502, %get3A_1503] {strides = array<i32>} : memref<50x64xf32, #tpu.memory_space<vmem>>, vector<16xf32>,
      %add3A_1505 = arith.addf %add3A_1485, %get3A_1504 : vector<16xf32>
      %get3A_1506 = arith.constant 20 : i32
      %get3A_1507 = arith.index_cast %get3A_1506 : i32 to index
      %get3A_1508 = arith.constant 0 : index
      %get3A_1509 = tpu.vector_load %arg16[%get3A_1507, %get3A_1508] {strides = array<i32>} : memref<50x64xf32, #tpu.memory_space<vmem>>, vector<16xf32>,
      %add3A_1510 = arith.addf %add3A_1490, %get3A_1509 : vector<16xf32>
      %get3A_1511 = arith.constant 20 : i32
      %get3A_1512 = arith.index_cast %get3A_1511 : i32 to index
      %get3A_1513 = arith.constant 16 : index
      %get3A_1514 = tpu.vector_load %arg16[%get3A_1512, %get3A_1513] {strides = array<i32>} : memref<50x64xf32, #tpu.memory_space<vmem>>, vector<16xf32>,
      %add3A_1515 = arith.addf %add3A_1495, %get3A_1514 : vector<16xf32>
      %get3A_1516 = arith.constant 20 : i32
      %get3A_1517 = arith.index_cast %get3A_1516 : i32 to index
      %get3A_1518 = arith.constant 32 : index
      %get3A_1519 = tpu.vector_load %arg16[%get3A_1517, %get3A_1518] {strides = array<i32>} : memref<50x64xf32, #tpu.memory_space<vmem>>, vector<16xf32>,
      %add3A_1520 = arith.addf %add3A_1500, %get3A_1519 : vector<16xf32>
      %get3A_1521 = arith.constant 20 : i32
      %get3A_1522 = arith.index_cast %get3A_1521 : i32 to index
      %get3A_1523 = arith.constant 48 : index
      %get3A_1524 = tpu.vector_load %arg16[%get3A_1522, %get3A_1523] {strides = array<i32>} : memref<50x64xf32, #tpu.memory_space<vmem>>, vector<16xf32>,
      %add3A_1525 = arith.addf %add3A_1505, %get3A_1524 : vector<16xf32>
      %get3A_1526 = arith.constant 21 : i32
      %get3A_1527 = arith.index_cast %get3A_1526 : i32 to index
      %get3A_1528 = arith.constant 0 : index
      %get3A_1529 = tpu.vector_load %arg16[%get3A_1527, %get3A_1528] {strides = array<i32>} : memref<50x64xf32, #tpu.memory_space<vmem>>, vector<16xf32>,
      %add3A_1530 = arith.addf %add3A_1510, %get3A_1529 : vector<16xf32>
      %get3A_1531 = arith.constant 21 : i32
      %get3A_1532 = arith.index_cast %get3A_1531 : i32 to index
      %get3A_1533 = arith.constant 16 : index
      %get3A_1534 = tpu.vector_load %arg16[%get3A_1532, %get3A_1533] {strides = array<i32>} : memref<50x64xf32, #tpu.memory_space<vmem>>, vector<16xf32>,
      %add3A_1535 = arith.addf %add3A_1515, %get3A_1534 : vector<16xf32>
      %get3A_1536 = arith.constant 21 : i32
      %get3A_1537 = arith.index_cast %get3A_1536 : i32 to index
      %get3A_1538 = arith.constant 32 : index
      %get3A_1539 = tpu.vector_load %arg16[%get3A_1537, %get3A_1538] {strides = array<i32>} : memref<50x64xf32, #tpu.memory_space<vmem>>, vector<16xf32>,
      %add3A_1540 = arith.addf %add3A_1520, %get3A_1539 : vector<16xf32>
      %get3A_1541 = arith.constant 21 : i32
      %get3A_1542 = arith.index_cast %get3A_1541 : i32 to index
      %get3A_1543 = arith.constant 48 : index
      %get3A_1544 = tpu.vector_load %arg16[%get3A_1542, %get3A_1543] {strides = array<i32>} : memref<50x64xf32, #tpu.memory_space<vmem>>, vector<16xf32>,
      %add3A_1545 = arith.addf %add3A_1525, %get3A_1544 : vector<16xf32>
      %get3A_1546 = arith.constant 22 : i32
      %get3A_1547 = arith.index_cast %get3A_1546 : i32 to index
      %get3A_1548 = arith.constant 0 : index
      %get3A_1549 = tpu.vector_load %arg16[%get3A_1547, %get3A_1548] {strides = array<i32>} : memref<50x64xf32, #tpu.memory_space<vmem>>, vector<16xf32>,
      %add3A_1550 = arith.addf %add3A_1530, %get3A_1549 : vector<16xf32>
      %get3A_1551 = arith.constant 22 : i32
      %get3A_1552 = arith.index_cast %get3A_1551 : i32 to index
      %get3A_1553 = arith.constant 16 : index
      %get3A_1554 = tpu.vector_load %arg16[%get3A_1552, %get3A_1553] {strides = array<i32>} : memref<50x64xf32, #tpu.memory_space<vmem>>, vector<16xf32>,
      %add3A_1555 = arith.addf %add3A_1535, %get3A_1554 : vector<16xf32>
      %get3A_1556 = arith.constant 22 : i32
      %get3A_1557 = arith.index_cast %get3A_1556 : i32 to index
      %get3A_1558 = arith.constant 32 : index
      %get3A_1559 = tpu.vector_load %arg16[%get3A_1557, %get3A_1558] {strides = array<i32>} : memref<50x64xf32, #tpu.memory_space<vmem>>, vector<16xf32>,
      %add3A_1560 = arith.addf %add3A_1540, %get3A_1559 : vector<16xf32>
      %get3A_1561 = arith.constant 22 : i32
      %get3A_1562 = arith.index_cast %get3A_1561 : i32 to index
      %get3A_1563 = arith.constant 48 : index
      %get3A_1564 = tpu.vector_load %arg16[%get3A_1562, %get3A_1563] {strides = array<i32>} : memref<50x64xf32, #tpu.memory_space<vmem>>, vector<16xf32>,
      %add3A_1565 = arith.addf %add3A_1545, %get3A_1564 : vector<16xf32>
      %get3A_1566 = arith.constant 23 : i32
      %get3A_1567 = arith.index_cast %get3A_1566 : i32 to index
      %get3A_1568 = arith.constant 0 : index
      %get3A_1569 = tpu.vector_load %arg16[%get3A_1567, %get3A_1568] {strides = array<i32>} : memref<50x64xf32, #tpu.memory_space<vmem>>, vector<16xf32>,
      %add3A_1570 = arith.addf %add3A_1550, %get3A_1569 : vector<16xf32>
      %get3A_1571 = arith.constant 23 : i32
      %get3A_1572 = arith.index_cast %get3A_1571 : i32 to index
      %get3A_1573 = arith.constant 16 : index
      %get3A_1574 = tpu.vector_load %arg16[%get3A_1572, %get3A_1573] {strides = array<i32>} : memref<50x64xf32, #tpu.memory_space<vmem>>, vector<16xf32>,
      %add3A_1575 = arith.addf %add3A_1555, %get3A_1574 : vector<16xf32>
      %get3A_1576 = arith.constant 23 : i32
      %get3A_1577 = arith.index_cast %get3A_1576 : i32 to index
      %get3A_1578 = arith.constant 32 : index
      %get3A_1579 = tpu.vector_load %arg16[%get3A_1577, %get3A_1578] {strides = array<i32>} : memref<50x64xf32, #tpu.memory_space<vmem>>, vector<16xf32>,
      %add3A_1580 = arith.addf %add3A_1560, %get3A_1579 : vector<16xf32>
      %get3A_1581 = arith.constant 23 : i32
      %get3A_1582 = arith.index_cast %get3A_1581 : i32 to index
      %get3A_1583 = arith.constant 48 : index
      %get3A_1584 = tpu.vector_load %arg16[%get3A_1582, %get3A_1583] {strides = array<i32>} : memref<50x64xf32, #tpu.memory_space<vmem>>, vector<16xf32>,
      %add3A_1585 = arith.addf %add3A_1565, %get3A_1584 : vector<16xf32>
      %get3A_1586 = arith.constant 24 : i32
      %get3A_1587 = arith.index_cast %get3A_1586 : i32 to index
      %get3A_1588 = arith.constant 0 : index
      %get3A_1589 = tpu.vector_load %arg16[%get3A_1587, %get3A_1588] {strides = array<i32>} : memref<50x64xf32, #tpu.memory_space<vmem>>, vector<16xf32>,
      %add3A_1590 = arith.addf %add3A_1570, %get3A_1589 : vector<16xf32>
      %get3A_1591 = arith.constant 24 : i32
      %get3A_1592 = arith.index_cast %get3A_1591 : i32 to index
      %get3A_1593 = arith.constant 16 : index
      %get3A_1594 = tpu.vector_load %arg16[%get3A_1592, %get3A_1593] {strides = array<i32>} : memref<50x64xf32, #tpu.memory_space<vmem>>, vector<16xf32>,
      %add3A_1595 = arith.addf %add3A_1575, %get3A_1594 : vector<16xf32>
      %get3A_1596 = arith.constant 24 : i32
      %get3A_1597 = arith.index_cast %get3A_1596 : i32 to index
      %get3A_1598 = arith.constant 32 : index
      %get3A_1599 = tpu.vector_load %arg16[%get3A_1597, %get3A_1598] {strides = array<i32>} : memref<50x64xf32, #tpu.memory_space<vmem>>, vector<16xf32>,
      %add3A_1600 = arith.addf %add3A_1580, %get3A_1599 : vector<16xf32>
      %get3A_1601 = arith.constant 24 : i32
      %get3A_1602 = arith.index_cast %get3A_1601 : i32 to index
      %get3A_1603 = arith.constant 48 : index
      %get3A_1604 = tpu.vector_load %arg16[%get3A_1602, %get3A_1603] {strides = array<i32>} : memref<50x64xf32, #tpu.memory_space<vmem>>, vector<16xf32>,
      %add3A_1605 = arith.addf %add3A_1585, %get3A_1604 : vector<16xf32>
      %get3A_1606 = arith.constant 25 : i32
      %get3A_1607 = arith.index_cast %get3A_1606 : i32 to index
      %get3A_1608 = arith.constant 0 : index
      %get3A_1609 = tpu.vector_load %arg16[%get3A_1607, %get3A_1608] {strides = array<i32>} : memref<50x64xf32, #tpu.memory_space<vmem>>, vector<16xf32>,
      %add3A_1610 = arith.addf %add3A_1590, %get3A_1609 : vector<16xf32>
      %get3A_1611 = arith.constant 25 : i32
      %get3A_1612 = arith.index_cast %get3A_1611 : i32 to index
      %get3A_1613 = arith.constant 16 : index
      %get3A_1614 = tpu.vector_load %arg16[%get3A_1612, %get3A_1613] {strides = array<i32>} : memref<50x64xf32, #tpu.memory_space<vmem>>, vector<16xf32>,
      %add3A_1615 = arith.addf %add3A_1595, %get3A_1614 : vector<16xf32>
      %get3A_1616 = arith.constant 25 : i32
      %get3A_1617 = arith.index_cast %get3A_1616 : i32 to index
      %get3A_1618 = arith.constant 32 : index
      %get3A_1619 = tpu.vector_load %arg16[%get3A_1617, %get3A_1618] {strides = array<i32>} : memref<50x64xf32, #tpu.memory_space<vmem>>, vector<16xf32>,
      %add3A_1620 = arith.addf %add3A_1600, %get3A_1619 : vector<16xf32>
      %get3A_1621 = arith.constant 25 : i32
      %get3A_1622 = arith.index_cast %get3A_1621 : i32 to index
      %get3A_1623 = arith.constant 48 : index
      %get3A_1624 = tpu.vector_load %arg16[%get3A_1622, %get3A_1623] {strides = array<i32>} : memref<50x64xf32, #tpu.memory_space<vmem>>, vector<16xf32>,
      %add3A_1625 = arith.addf %add3A_1605, %get3A_1624 : vector<16xf32>
      %get3A_1626 = arith.constant 26 : i32
      %get3A_1627 = arith.index_cast %get3A_1626 : i32 to index
      %get3A_1628 = arith.constant 0 : index
      %get3A_1629 = tpu.vector_load %arg16[%get3A_1627, %get3A_1628] {strides = array<i32>} : memref<50x64xf32, #tpu.memory_space<vmem>>, vector<16xf32>,
      %add3A_1630 = arith.addf %add3A_1610, %get3A_1629 : vector<16xf32>
      %get3A_1631 = arith.constant 26 : i32
      %get3A_1632 = arith.index_cast %get3A_1631 : i32 to index
      %get3A_1633 = arith.constant 16 : index
      %get3A_1634 = tpu.vector_load %arg16[%get3A_1632, %get3A_1633] {strides = array<i32>} : memref<50x64xf32, #tpu.memory_space<vmem>>, vector<16xf32>,
      %add3A_1635 = arith.addf %add3A_1615, %get3A_1634 : vector<16xf32>
      %get3A_1636 = arith.constant 26 : i32
      %get3A_1637 = arith.index_cast %get3A_1636 : i32 to index
      %get3A_1638 = arith.constant 32 : index
      %get3A_1639 = tpu.vector_load %arg16[%get3A_1637, %get3A_1638] {strides = array<i32>} : memref<50x64xf32, #tpu.memory_space<vmem>>, vector<16xf32>,
      %add3A_1640 = arith.addf %add3A_1620, %get3A_1639 : vector<16xf32>
      %get3A_1641 = arith.constant 26 : i32
      %get3A_1642 = arith.index_cast %get3A_1641 : i32 to index
      %get3A_1643 = arith.constant 48 : index
      %get3A_1644 = tpu.vector_load %arg16[%get3A_1642, %get3A_1643] {strides = array<i32>} : memref<50x64xf32, #tpu.memory_space<vmem>>, vector<16xf32>,
      %add3A_1645 = arith.addf %add3A_1625, %get3A_1644 : vector<16xf32>
      %get3A_1646 = arith.constant 27 : i32
      %get3A_1647 = arith.index_cast %get3A_1646 : i32 to index
      %get3A_1648 = arith.constant 0 : index
      %get3A_1649 = tpu.vector_load %arg16[%get3A_1647, %get3A_1648] {strides = array<i32>} : memref<50x64xf32, #tpu.memory_space<vmem>>, vector<16xf32>,
      %add3A_1650 = arith.addf %add3A_1630, %get3A_1649 : vector<16xf32>
      %get3A_1651 = arith.constant 27 : i32
      %get3A_1652 = arith.index_cast %get3A_1651 : i32 to index
      %get3A_1653 = arith.constant 16 : index
      %get3A_1654 = tpu.vector_load %arg16[%get3A_1652, %get3A_1653] {strides = array<i32>} : memref<50x64xf32, #tpu.memory_space<vmem>>, vector<16xf32>,
      %add3A_1655 = arith.addf %add3A_1635, %get3A_1654 : vector<16xf32>
      %get3A_1656 = arith.constant 27 : i32
      %get3A_1657 = arith.index_cast %get3A_1656 : i32 to index
      %get3A_1658 = arith.constant 32 : index
      %get3A_1659 = tpu.vector_load %arg16[%get3A_1657, %get3A_1658] {strides = array<i32>} : memref<50x64xf32, #tpu.memory_space<vmem>>, vector<16xf32>,
      %add3A_1660 = arith.addf %add3A_1640, %get3A_1659 : vector<16xf32>
      %get3A_1661 = arith.constant 27 : i32
      %get3A_1662 = arith.index_cast %get3A_1661 : i32 to index
      %get3A_1663 = arith.constant 48 : index
      %get3A_1664 = tpu.vector_load %arg16[%get3A_1662, %get3A_1663] {strides = array<i32>} : memref<50x64xf32, #tpu.memory_space<vmem>>, vector<16xf32>,
      %add3A_1665 = arith.addf %add3A_1645, %get3A_1664 : vector<16xf32>
      %get3A_1666 = arith.constant 28 : i32
      %get3A_1667 = arith.index_cast %get3A_1666 : i32 to index
      %get3A_1668 = arith.constant 0 : index
      %get3A_1669 = tpu.vector_load %arg16[%get3A_1667, %get3A_1668] {strides = array<i32>} : memref<50x64xf32, #tpu.memory_space<vmem>>, vector<16xf32>,
      %add3A_1670 = arith.addf %add3A_1650, %get3A_1669 : vector<16xf32>
      %get3A_1671 = arith.constant 28 : i32
      %get3A_1672 = arith.index_cast %get3A_1671 : i32 to index
      %get3A_1673 = arith.constant 16 : index
      %get3A_1674 = tpu.vector_load %arg16[%get3A_1672, %get3A_1673] {strides = array<i32>} : memref<50x64xf32, #tpu.memory_space<vmem>>, vector<16xf32>,
      %add3A_1675 = arith.addf %add3A_1655, %get3A_1674 : vector<16xf32>
      %get3A_1676 = arith.constant 28 : i32
      %get3A_1677 = arith.index_cast %get3A_1676 : i32 to index
      %get3A_1678 = arith.constant 32 : index
      %get3A_1679 = tpu.vector_load %arg16[%get3A_1677, %get3A_1678] {strides = array<i32>} : memref<50x64xf32, #tpu.memory_space<vmem>>, vector<16xf32>,
      %add3A_1680 = arith.addf %add3A_1660, %get3A_1679 : vector<16xf32>
      %get3A_1681 = arith.constant 28 : i32
      %get3A_1682 = arith.index_cast %get3A_1681 : i32 to index
      %get3A_1683 = arith.constant 48 : index
      %get3A_1684 = tpu.vector_load %arg16[%get3A_1682, %get3A_1683] {strides = array<i32>} : memref<50x64xf32, #tpu.memory_space<vmem>>, vector<16xf32>,
      %add3A_1685 = arith.addf %add3A_1665, %get3A_1684 : vector<16xf32>
      %get3A_1686 = arith.constant 29 : i32
      %get3A_1687 = arith.index_cast %get3A_1686 : i32 to index
      %get3A_1688 = arith.constant 0 : index
      %get3A_1689 = tpu.vector_load %arg16[%get3A_1687, %get3A_1688] {strides = array<i32>} : memref<50x64xf32, #tpu.memory_space<vmem>>, vector<16xf32>,
      %add3A_1690 = arith.addf %add3A_1670, %get3A_1689 : vector<16xf32>
      %get3A_1691 = arith.constant 29 : i32
      %get3A_1692 = arith.index_cast %get3A_1691 : i32 to index
      %get3A_1693 = arith.constant 16 : index
      %get3A_1694 = tpu.vector_load %arg16[%get3A_1692, %get3A_1693] {strides = array<i32>} : memref<50x64xf32, #tpu.memory_space<vmem>>, vector<16xf32>,
      %add3A_1695 = arith.addf %add3A_1675, %get3A_1694 : vector<16xf32>
      %get3A_1696 = arith.constant 29 : i32
      %get3A_1697 = arith.index_cast %get3A_1696 : i32 to index
      %get3A_1698 = arith.constant 32 : index
      %get3A_1699 = tpu.vector_load %arg16[%get3A_1697, %get3A_1698] {strides = array<i32>} : memref<50x64xf32, #tpu.memory_space<vmem>>, vector<16xf32>,
      %add3A_1700 = arith.addf %add3A_1680, %get3A_1699 : vector<16xf32>
      %get3A_1701 = arith.constant 29 : i32
      %get3A_1702 = arith.index_cast %get3A_1701 : i32 to index
      %get3A_1703 = arith.constant 48 : index
      %get3A_1704 = tpu.vector_load %arg16[%get3A_1702, %get3A_1703] {strides = array<i32>} : memref<50x64xf32, #tpu.memory_space<vmem>>, vector<16xf32>,
      %add3A_1705 = arith.addf %add3A_1685, %get3A_1704 : vector<16xf32>
      %get3A_1706 = arith.constant 30 : i32
      %get3A_1707 = arith.index_cast %get3A_1706 : i32 to index
      %get3A_1708 = arith.constant 0 : index
      %get3A_1709 = tpu.vector_load %arg16[%get3A_1707, %get3A_1708] {strides = array<i32>} : memref<50x64xf32, #tpu.memory_space<vmem>>, vector<16xf32>,
      %add3A_1710 = arith.addf %add3A_1690, %get3A_1709 : vector<16xf32>
      %get3A_1711 = arith.constant 30 : i32
      %get3A_1712 = arith.index_cast %get3A_1711 : i32 to index
      %get3A_1713 = arith.constant 16 : index
      %get3A_1714 = tpu.vector_load %arg16[%get3A_1712, %get3A_1713] {strides = array<i32>} : memref<50x64xf32, #tpu.memory_space<vmem>>, vector<16xf32>,
      %add3A_1715 = arith.addf %add3A_1695, %get3A_1714 : vector<16xf32>
      %get3A_1716 = arith.constant 30 : i32
      %get3A_1717 = arith.index_cast %get3A_1716 : i32 to index
      %get3A_1718 = arith.constant 32 : index
      %get3A_1719 = tpu.vector_load %arg16[%get3A_1717, %get3A_1718] {strides = array<i32>} : memref<50x64xf32, #tpu.memory_space<vmem>>, vector<16xf32>,
      %add3A_1720 = arith.addf %add3A_1700, %get3A_1719 : vector<16xf32>
      %get3A_1721 = arith.constant 30 : i32
      %get3A_1722 = arith.index_cast %get3A_1721 : i32 to index
      %get3A_1723 = arith.constant 48 : index
      %get3A_1724 = tpu.vector_load %arg16[%get3A_1722, %get3A_1723] {strides = array<i32>} : memref<50x64xf32, #tpu.memory_space<vmem>>, vector<16xf32>,
      %add3A_1725 = arith.addf %add3A_1705, %get3A_1724 : vector<16xf32>
      %get3A_1726 = arith.constant 31 : i32
      %get3A_1727 = arith.index_cast %get3A_1726 : i32 to index
      %get3A_1728 = arith.constant 0 : index
      %get3A_1729 = tpu.vector_load %arg16[%get3A_1727, %get3A_1728] {strides = array<i32>} : memref<50x64xf32, #tpu.memory_space<vmem>>, vector<16xf32>,
      %add3A_1730 = arith.addf %add3A_1710, %get3A_1729 : vector<16xf32>
      %get3A_1731 = arith.constant 31 : i32
      %get3A_1732 = arith.index_cast %get3A_1731 : i32 to index
      %get3A_1733 = arith.constant 16 : index
      %get3A_1734 = tpu.vector_load %arg16[%get3A_1732, %get3A_1733] {strides = array<i32>} : memref<50x64xf32, #tpu.memory_space<vmem>>, vector<16xf32>,
      %add3A_1735 = arith.addf %add3A_1715, %get3A_1734 : vector<16xf32>
      %get3A_1736 = arith.constant 31 : i32
      %get3A_1737 = arith.index_cast %get3A_1736 : i32 to index
      %get3A_1738 = arith.constant 32 : index
      %get3A_1739 = tpu.vector_load %arg16[%get3A_1737, %get3A_1738] {strides = array<i32>} : memref<50x64xf32, #tpu.memory_space<vmem>>, vector<16xf32>,
      %add3A_1740 = arith.addf %add3A_1720, %get3A_1739 : vector<16xf32>
      %get3A_1741 = arith.constant 31 : i32
      %get3A_1742 = arith.index_cast %get3A_1741 : i32 to index
      %get3A_1743 = arith.constant 48 : index
      %get3A_1744 = tpu.vector_load %arg16[%get3A_1742, %get3A_1743] {strides = array<i32>} : memref<50x64xf32, #tpu.memory_space<vmem>>, vector<16xf32>,
      %add3A_1745 = arith.addf %add3A_1725, %get3A_1744 : vector<16xf32>
      %get3A_1746 = arith.constant 32 : i32
      %get3A_1747 = arith.index_cast %get3A_1746 : i32 to index
      %get3A_1748 = arith.constant 0 : index
      %get3A_1749 = tpu.vector_load %arg16[%get3A_1747, %get3A_1748] {strides = array<i32>} : memref<50x64xf32, #tpu.memory_space<vmem>>, vector<16xf32>,
      %add3A_1750 = arith.addf %add3A_1730, %get3A_1749 : vector<16xf32>
      %get3A_1751 = arith.constant 32 : i32
      %get3A_1752 = arith.index_cast %get3A_1751 : i32 to index
      %get3A_1753 = arith.constant 16 : index
      %get3A_1754 = tpu.vector_load %arg16[%get3A_1752, %get3A_1753] {strides = array<i32>} : memref<50x64xf32, #tpu.memory_space<vmem>>, vector<16xf32>,
      %add3A_1755 = arith.addf %add3A_1735, %get3A_1754 : vector<16xf32>
      %get3A_1756 = arith.constant 32 : i32
      %get3A_1757 = arith.index_cast %get3A_1756 : i32 to index
      %get3A_1758 = arith.constant 32 : index
      %get3A_1759 = tpu.vector_load %arg16[%get3A_1757, %get3A_1758] {strides = array<i32>} : memref<50x64xf32, #tpu.memory_space<vmem>>, vector<16xf32>,
      %add3A_1760 = arith.addf %add3A_1740, %get3A_1759 : vector<16xf32>
      %get3A_1761 = arith.constant 32 : i32
      %get3A_1762 = arith.index_cast %get3A_1761 : i32 to index
      %get3A_1763 = arith.constant 48 : index
      %get3A_1764 = tpu.vector_load %arg16[%get3A_1762, %get3A_1763] {strides = array<i32>} : memref<50x64xf32, #tpu.memory_space<vmem>>, vector<16xf32>,
      %add3A_1765 = arith.addf %add3A_1745, %get3A_1764 : vector<16xf32>
      %get3A_1766 = arith.constant 33 : i32
      %get3A_1767 = arith.index_cast %get3A_1766 : i32 to index
      %get3A_1768 = arith.constant 0 : index
      %get3A_1769 = tpu.vector_load %arg16[%get3A_1767, %get3A_1768] {strides = array<i32>} : memref<50x64xf32, #tpu.memory_space<vmem>>, vector<16xf32>,
      %add3A_1770 = arith.addf %add3A_1750, %get3A_1769 : vector<16xf32>
      %get3A_1771 = arith.constant 33 : i32
      %get3A_1772 = arith.index_cast %get3A_1771 : i32 to index
      %get3A_1773 = arith.constant 16 : index
      %get3A_1774 = tpu.vector_load %arg16[%get3A_1772, %get3A_1773] {strides = array<i32>} : memref<50x64xf32, #tpu.memory_space<vmem>>, vector<16xf32>,
      %add3A_1775 = arith.addf %add3A_1755, %get3A_1774 : vector<16xf32>
      %get3A_1776 = arith.constant 33 : i32
      %get3A_1777 = arith.index_cast %get3A_1776 : i32 to index
      %get3A_1778 = arith.constant 32 : index
      %get3A_1779 = tpu.vector_load %arg16[%get3A_1777, %get3A_1778] {strides = array<i32>} : memref<50x64xf32, #tpu.memory_space<vmem>>, vector<16xf32>,
      %add3A_1780 = arith.addf %add3A_1760, %get3A_1779 : vector<16xf32>
      %get3A_1781 = arith.constant 33 : i32
      %get3A_1782 = arith.index_cast %get3A_1781 : i32 to index
      %get3A_1783 = arith.constant 48 : index
      %get3A_1784 = tpu.vector_load %arg16[%get3A_1782, %get3A_1783] {strides = array<i32>} : memref<50x64xf32, #tpu.memory_space<vmem>>, vector<16xf32>,
      %add3A_1785 = arith.addf %add3A_1765, %get3A_1784 : vector<16xf32>
      %get3A_1786 = arith.constant 34 : i32
      %get3A_1787 = arith.index_cast %get3A_1786 : i32 to index
      %get3A_1788 = arith.constant 0 : index
      %get3A_1789 = tpu.vector_load %arg16[%get3A_1787, %get3A_1788] {strides = array<i32>} : memref<50x64xf32, #tpu.memory_space<vmem>>, vector<16xf32>,
      %add3A_1790 = arith.addf %add3A_1770, %get3A_1789 : vector<16xf32>
      %get3A_1791 = arith.constant 34 : i32
      %get3A_1792 = arith.index_cast %get3A_1791 : i32 to index
      %get3A_1793 = arith.constant 16 : index
      %get3A_1794 = tpu.vector_load %arg16[%get3A_1792, %get3A_1793] {strides = array<i32>} : memref<50x64xf32, #tpu.memory_space<vmem>>, vector<16xf32>,
      %add3A_1795 = arith.addf %add3A_1775, %get3A_1794 : vector<16xf32>
      %get3A_1796 = arith.constant 34 : i32
      %get3A_1797 = arith.index_cast %get3A_1796 : i32 to index
      %get3A_1798 = arith.constant 32 : index
      %get3A_1799 = tpu.vector_load %arg16[%get3A_1797, %get3A_1798] {strides = array<i32>} : memref<50x64xf32, #tpu.memory_space<vmem>>, vector<16xf32>,
      %add3A_1800 = arith.addf %add3A_1780, %get3A_1799 : vector<16xf32>
      %get3A_1801 = arith.constant 34 : i32
      %get3A_1802 = arith.index_cast %get3A_1801 : i32 to index
      %get3A_1803 = arith.constant 48 : index
      %get3A_1804 = tpu.vector_load %arg16[%get3A_1802, %get3A_1803] {strides = array<i32>} : memref<50x64xf32, #tpu.memory_space<vmem>>, vector<16xf32>,
      %add3A_1805 = arith.addf %add3A_1785, %get3A_1804 : vector<16xf32>
      %get3A_1806 = arith.constant 35 : i32
      %get3A_1807 = arith.index_cast %get3A_1806 : i32 to index
      %get3A_1808 = arith.constant 0 : index
      %get3A_1809 = tpu.vector_load %arg16[%get3A_1807, %get3A_1808] {strides = array<i32>} : memref<50x64xf32, #tpu.memory_space<vmem>>, vector<16xf32>,
      %add3A_1810 = arith.addf %add3A_1790, %get3A_1809 : vector<16xf32>
      %get3A_1811 = arith.constant 35 : i32
      %get3A_1812 = arith.index_cast %get3A_1811 : i32 to index
      %get3A_1813 = arith.constant 16 : index
      %get3A_1814 = tpu.vector_load %arg16[%get3A_1812, %get3A_1813] {strides = array<i32>} : memref<50x64xf32, #tpu.memory_space<vmem>>, vector<16xf32>,
      %add3A_1815 = arith.addf %add3A_1795, %get3A_1814 : vector<16xf32>
      %get3A_1816 = arith.constant 35 : i32
      %get3A_1817 = arith.index_cast %get3A_1816 : i32 to index
      %get3A_1818 = arith.constant 32 : index
      %get3A_1819 = tpu.vector_load %arg16[%get3A_1817, %get3A_1818] {strides = array<i32>} : memref<50x64xf32, #tpu.memory_space<vmem>>, vector<16xf32>,
      %add3A_1820 = arith.addf %add3A_1800, %get3A_1819 : vector<16xf32>
      %get3A_1821 = arith.constant 35 : i32
      %get3A_1822 = arith.index_cast %get3A_1821 : i32 to index
      %get3A_1823 = arith.constant 48 : index
      %get3A_1824 = tpu.vector_load %arg16[%get3A_1822, %get3A_1823] {strides = array<i32>} : memref<50x64xf32, #tpu.memory_space<vmem>>, vector<16xf32>,
      %add3A_1825 = arith.addf %add3A_1805, %get3A_1824 : vector<16xf32>
      %get3A_1826 = arith.constant 36 : i32
      %get3A_1827 = arith.index_cast %get3A_1826 : i32 to index
      %get3A_1828 = arith.constant 0 : index
      %get3A_1829 = tpu.vector_load %arg16[%get3A_1827, %get3A_1828] {strides = array<i32>} : memref<50x64xf32, #tpu.memory_space<vmem>>, vector<16xf32>,
      %add3A_1830 = arith.addf %add3A_1810, %get3A_1829 : vector<16xf32>
      %get3A_1831 = arith.constant 36 : i32
      %get3A_1832 = arith.index_cast %get3A_1831 : i32 to index
      %get3A_1833 = arith.constant 16 : index
      %get3A_1834 = tpu.vector_load %arg16[%get3A_1832, %get3A_1833] {strides = array<i32>} : memref<50x64xf32, #tpu.memory_space<vmem>>, vector<16xf32>,
      %add3A_1835 = arith.addf %add3A_1815, %get3A_1834 : vector<16xf32>
      %get3A_1836 = arith.constant 36 : i32
      %get3A_1837 = arith.index_cast %get3A_1836 : i32 to index
      %get3A_1838 = arith.constant 32 : index
      %get3A_1839 = tpu.vector_load %arg16[%get3A_1837, %get3A_1838] {strides = array<i32>} : memref<50x64xf32, #tpu.memory_space<vmem>>, vector<16xf32>,
      %add3A_1840 = arith.addf %add3A_1820, %get3A_1839 : vector<16xf32>
      %get3A_1841 = arith.constant 36 : i32
      %get3A_1842 = arith.index_cast %get3A_1841 : i32 to index
      %get3A_1843 = arith.constant 48 : index
      %get3A_1844 = tpu.vector_load %arg16[%get3A_1842, %get3A_1843] {strides = array<i32>} : memref<50x64xf32, #tpu.memory_space<vmem>>, vector<16xf32>,
      %add3A_1845 = arith.addf %add3A_1825, %get3A_1844 : vector<16xf32>
      %get3A_1846 = arith.constant 37 : i32
      %get3A_1847 = arith.index_cast %get3A_1846 : i32 to index
      %get3A_1848 = arith.constant 0 : index
      %get3A_1849 = tpu.vector_load %arg16[%get3A_1847, %get3A_1848] {strides = array<i32>} : memref<50x64xf32, #tpu.memory_space<vmem>>, vector<16xf32>,
      %add3A_1850 = arith.addf %add3A_1830, %get3A_1849 : vector<16xf32>
      %get3A_1851 = arith.constant 37 : i32
      %get3A_1852 = arith.index_cast %get3A_1851 : i32 to index
      %get3A_1853 = arith.constant 16 : index
      %get3A_1854 = tpu.vector_load %arg16[%get3A_1852, %get3A_1853] {strides = array<i32>} : memref<50x64xf32, #tpu.memory_space<vmem>>, vector<16xf32>,
      %add3A_1855 = arith.addf %add3A_1835, %get3A_1854 : vector<16xf32>
      %get3A_1856 = arith.constant 37 : i32
      %get3A_1857 = arith.index_cast %get3A_1856 : i32 to index
      %get3A_1858 = arith.constant 32 : index
      %get3A_1859 = tpu.vector_load %arg16[%get3A_1857, %get3A_1858] {strides = array<i32>} : memref<50x64xf32, #tpu.memory_space<vmem>>, vector<16xf32>,
      %add3A_1860 = arith.addf %add3A_1840, %get3A_1859 : vector<16xf32>
      %get3A_1861 = arith.constant 37 : i32
      %get3A_1862 = arith.index_cast %get3A_1861 : i32 to index
      %get3A_1863 = arith.constant 48 : index
      %get3A_1864 = tpu.vector_load %arg16[%get3A_1862, %get3A_1863] {strides = array<i32>} : memref<50x64xf32, #tpu.memory_space<vmem>>, vector<16xf32>,
      %add3A_1865 = arith.addf %add3A_1845, %get3A_1864 : vector<16xf32>
      %get3A_1866 = arith.constant 38 : i32
      %get3A_1867 = arith.index_cast %get3A_1866 : i32 to index
      %get3A_1868 = arith.constant 0 : index
      %get3A_1869 = tpu.vector_load %arg16[%get3A_1867, %get3A_1868] {strides = array<i32>} : memref<50x64xf32, #tpu.memory_space<vmem>>, vector<16xf32>,
      %add3A_1870 = arith.addf %add3A_1850, %get3A_1869 : vector<16xf32>
      %get3A_1871 = arith.constant 38 : i32
      %get3A_1872 = arith.index_cast %get3A_1871 : i32 to index
      %get3A_1873 = arith.constant 16 : index
      %get3A_1874 = tpu.vector_load %arg16[%get3A_1872, %get3A_1873] {strides = array<i32>} : memref<50x64xf32, #tpu.memory_space<vmem>>, vector<16xf32>,
      %add3A_1875 = arith.addf %add3A_1855, %get3A_1874 : vector<16xf32>
      %get3A_1876 = arith.constant 38 : i32
      %get3A_1877 = arith.index_cast %get3A_1876 : i32 to index
      %get3A_1878 = arith.constant 32 : index
      %get3A_1879 = tpu.vector_load %arg16[%get3A_1877, %get3A_1878] {strides = array<i32>} : memref<50x64xf32, #tpu.memory_space<vmem>>, vector<16xf32>,
      %add3A_1880 = arith.addf %add3A_1860, %get3A_1879 : vector<16xf32>
      %get3A_1881 = arith.constant 38 : i32
      %get3A_1882 = arith.index_cast %get3A_1881 : i32 to index
      %get3A_1883 = arith.constant 48 : index
      %get3A_1884 = tpu.vector_load %arg16[%get3A_1882, %get3A_1883] {strides = array<i32>} : memref<50x64xf32, #tpu.memory_space<vmem>>, vector<16xf32>,
      %add3A_1885 = arith.addf %add3A_1865, %get3A_1884 : vector<16xf32>
      %get3A_1886 = arith.constant 39 : i32
      %get3A_1887 = arith.index_cast %get3A_1886 : i32 to index
      %get3A_1888 = arith.constant 0 : index
      %get3A_1889 = tpu.vector_load %arg16[%get3A_1887, %get3A_1888] {strides = array<i32>} : memref<50x64xf32, #tpu.memory_space<vmem>>, vector<16xf32>,
      %add3A_1890 = arith.addf %add3A_1870, %get3A_1889 : vector<16xf32>
      %get3A_1891 = arith.constant 39 : i32
      %get3A_1892 = arith.index_cast %get3A_1891 : i32 to index
      %get3A_1893 = arith.constant 16 : index
      %get3A_1894 = tpu.vector_load %arg16[%get3A_1892, %get3A_1893] {strides = array<i32>} : memref<50x64xf32, #tpu.memory_space<vmem>>, vector<16xf32>,
      %add3A_1895 = arith.addf %add3A_1875, %get3A_1894 : vector<16xf32>
      %get3A_1896 = arith.constant 39 : i32
      %get3A_1897 = arith.index_cast %get3A_1896 : i32 to index
      %get3A_1898 = arith.constant 32 : index
      %get3A_1899 = tpu.vector_load %arg16[%get3A_1897, %get3A_1898] {strides = array<i32>} : memref<50x64xf32, #tpu.memory_space<vmem>>, vector<16xf32>,
      %add3A_1900 = arith.addf %add3A_1880, %get3A_1899 : vector<16xf32>
      %get3A_1901 = arith.constant 39 : i32
      %get3A_1902 = arith.index_cast %get3A_1901 : i32 to index
      %get3A_1903 = arith.constant 48 : index
      %get3A_1904 = tpu.vector_load %arg16[%get3A_1902, %get3A_1903] {strides = array<i32>} : memref<50x64xf32, #tpu.memory_space<vmem>>, vector<16xf32>,
      %add3A_1905 = arith.addf %add3A_1885, %get3A_1904 : vector<16xf32>
      %get3A_1906 = arith.constant 40 : i32
      %get3A_1907 = arith.index_cast %get3A_1906 : i32 to index
      %get3A_1908 = arith.constant 0 : index
      %get3A_1909 = tpu.vector_load %arg16[%get3A_1907, %get3A_1908] {strides = array<i32>} : memref<50x64xf32, #tpu.memory_space<vmem>>, vector<16xf32>,
      %add3A_1910 = arith.addf %add3A_1890, %get3A_1909 : vector<16xf32>
      %get3A_1911 = arith.constant 40 : i32
      %get3A_1912 = arith.index_cast %get3A_1911 : i32 to index
      %get3A_1913 = arith.constant 16 : index
      %get3A_1914 = tpu.vector_load %arg16[%get3A_1912, %get3A_1913] {strides = array<i32>} : memref<50x64xf32, #tpu.memory_space<vmem>>, vector<16xf32>,
      %add3A_1915 = arith.addf %add3A_1895, %get3A_1914 : vector<16xf32>
      %get3A_1916 = arith.constant 40 : i32
      %get3A_1917 = arith.index_cast %get3A_1916 : i32 to index
      %get3A_1918 = arith.constant 32 : index
      %get3A_1919 = tpu.vector_load %arg16[%get3A_1917, %get3A_1918] {strides = array<i32>} : memref<50x64xf32, #tpu.memory_space<vmem>>, vector<16xf32>,
      %add3A_1920 = arith.addf %add3A_1900, %get3A_1919 : vector<16xf32>
      %get3A_1921 = arith.constant 40 : i32
      %get3A_1922 = arith.index_cast %get3A_1921 : i32 to index
      %get3A_1923 = arith.constant 48 : index
      %get3A_1924 = tpu.vector_load %arg16[%get3A_1922, %get3A_1923] {strides = array<i32>} : memref<50x64xf32, #tpu.memory_space<vmem>>, vector<16xf32>,
      %add3A_1925 = arith.addf %add3A_1905, %get3A_1924 : vector<16xf32>
      %get3A_1926 = arith.constant 41 : i32
      %get3A_1927 = arith.index_cast %get3A_1926 : i32 to index
      %get3A_1928 = arith.constant 0 : index
      %get3A_1929 = tpu.vector_load %arg16[%get3A_1927, %get3A_1928] {strides = array<i32>} : memref<50x64xf32, #tpu.memory_space<vmem>>, vector<16xf32>,
      %add3A_1930 = arith.addf %add3A_1910, %get3A_1929 : vector<16xf32>
      %get3A_1931 = arith.constant 41 : i32
      %get3A_1932 = arith.index_cast %get3A_1931 : i32 to index
      %get3A_1933 = arith.constant 16 : index
      %get3A_1934 = tpu.vector_load %arg16[%get3A_1932, %get3A_1933] {strides = array<i32>} : memref<50x64xf32, #tpu.memory_space<vmem>>, vector<16xf32>,
      %add3A_1935 = arith.addf %add3A_1915, %get3A_1934 : vector<16xf32>
      %get3A_1936 = arith.constant 41 : i32
      %get3A_1937 = arith.index_cast %get3A_1936 : i32 to index
      %get3A_1938 = arith.constant 32 : index
      %get3A_1939 = tpu.vector_load %arg16[%get3A_1937, %get3A_1938] {strides = array<i32>} : memref<50x64xf32, #tpu.memory_space<vmem>>, vector<16xf32>,
      %add3A_1940 = arith.addf %add3A_1920, %get3A_1939 : vector<16xf32>
      %get3A_1941 = arith.constant 41 : i32
      %get3A_1942 = arith.index_cast %get3A_1941 : i32 to index
      %get3A_1943 = arith.constant 48 : index
      %get3A_1944 = tpu.vector_load %arg16[%get3A_1942, %get3A_1943] {strides = array<i32>} : memref<50x64xf32, #tpu.memory_space<vmem>>, vector<16xf32>,
      %add3A_1945 = arith.addf %add3A_1925, %get3A_1944 : vector<16xf32>
      %get3A_1946 = arith.constant 42 : i32
      %get3A_1947 = arith.index_cast %get3A_1946 : i32 to index
      %get3A_1948 = arith.constant 0 : index
      %get3A_1949 = tpu.vector_load %arg16[%get3A_1947, %get3A_1948] {strides = array<i32>} : memref<50x64xf32, #tpu.memory_space<vmem>>, vector<16xf32>,
      %add3A_1950 = arith.addf %add3A_1930, %get3A_1949 : vector<16xf32>
      %get3A_1951 = arith.constant 42 : i32
      %get3A_1952 = arith.index_cast %get3A_1951 : i32 to index
      %get3A_1953 = arith.constant 16 : index
      %get3A_1954 = tpu.vector_load %arg16[%get3A_1952, %get3A_1953] {strides = array<i32>} : memref<50x64xf32, #tpu.memory_space<vmem>>, vector<16xf32>,
      %add3A_1955 = arith.addf %add3A_1935, %get3A_1954 : vector<16xf32>
      %get3A_1956 = arith.constant 42 : i32
      %get3A_1957 = arith.index_cast %get3A_1956 : i32 to index
      %get3A_1958 = arith.constant 32 : index
      %get3A_1959 = tpu.vector_load %arg16[%get3A_1957, %get3A_1958] {strides = array<i32>} : memref<50x64xf32, #tpu.memory_space<vmem>>, vector<16xf32>,
      %add3A_1960 = arith.addf %add3A_1940, %get3A_1959 : vector<16xf32>
      %get3A_1961 = arith.constant 42 : i32
      %get3A_1962 = arith.index_cast %get3A_1961 : i32 to index
      %get3A_1963 = arith.constant 48 : index
      %get3A_1964 = tpu.vector_load %arg16[%get3A_1962, %get3A_1963] {strides = array<i32>} : memref<50x64xf32, #tpu.memory_space<vmem>>, vector<16xf32>,
      %add3A_1965 = arith.addf %add3A_1945, %get3A_1964 : vector<16xf32>
      %get3A_1966 = arith.constant 43 : i32
      %get3A_1967 = arith.index_cast %get3A_1966 : i32 to index
      %get3A_1968 = arith.constant 0 : index
      %get3A_1969 = tpu.vector_load %arg16[%get3A_1967, %get3A_1968] {strides = array<i32>} : memref<50x64xf32, #tpu.memory_space<vmem>>, vector<16xf32>,
      %add3A_1970 = arith.addf %add3A_1950, %get3A_1969 : vector<16xf32>
      %get3A_1971 = arith.constant 43 : i32
      %get3A_1972 = arith.index_cast %get3A_1971 : i32 to index
      %get3A_1973 = arith.constant 16 : index
      %get3A_1974 = tpu.vector_load %arg16[%get3A_1972, %get3A_1973] {strides = array<i32>} : memref<50x64xf32, #tpu.memory_space<vmem>>, vector<16xf32>,
      %add3A_1975 = arith.addf %add3A_1955, %get3A_1974 : vector<16xf32>
      %get3A_1976 = arith.constant 43 : i32
      %get3A_1977 = arith.index_cast %get3A_1976 : i32 to index
      %get3A_1978 = arith.constant 32 : index
      %get3A_1979 = tpu.vector_load %arg16[%get3A_1977, %get3A_1978] {strides = array<i32>} : memref<50x64xf32, #tpu.memory_space<vmem>>, vector<16xf32>,
      %add3A_1980 = arith.addf %add3A_1960, %get3A_1979 : vector<16xf32>
      %get3A_1981 = arith.constant 43 : i32
      %get3A_1982 = arith.index_cast %get3A_1981 : i32 to index
      %get3A_1983 = arith.constant 48 : index
      %get3A_1984 = tpu.vector_load %arg16[%get3A_1982, %get3A_1983] {strides = array<i32>} : memref<50x64xf32, #tpu.memory_space<vmem>>, vector<16xf32>,
      %add3A_1985 = arith.addf %add3A_1965, %get3A_1984 : vector<16xf32>
      %get3A_1986 = arith.constant 44 : i32
      %get3A_1987 = arith.index_cast %get3A_1986 : i32 to index
      %get3A_1988 = arith.constant 0 : index
      %get3A_1989 = tpu.vector_load %arg16[%get3A_1987, %get3A_1988] {strides = array<i32>} : memref<50x64xf32, #tpu.memory_space<vmem>>, vector<16xf32>,
      %add3A_1990 = arith.addf %add3A_1970, %get3A_1989 : vector<16xf32>
      %get3A_1991 = arith.constant 44 : i32
      %get3A_1992 = arith.index_cast %get3A_1991 : i32 to index
      %get3A_1993 = arith.constant 16 : index
      %get3A_1994 = tpu.vector_load %arg16[%get3A_1992, %get3A_1993] {strides = array<i32>} : memref<50x64xf32, #tpu.memory_space<vmem>>, vector<16xf32>,
      %add3A_1995 = arith.addf %add3A_1975, %get3A_1994 : vector<16xf32>
      %get3A_1996 = arith.constant 44 : i32
      %get3A_1997 = arith.index_cast %get3A_1996 : i32 to index
      %get3A_1998 = arith.constant 32 : index
      %get3A_1999 = tpu.vector_load %arg16[%get3A_1997, %get3A_1998] {strides = array<i32>} : memref<50x64xf32, #tpu.memory_space<vmem>>, vector<16xf32>,
      %add3A_2000 = arith.addf %add3A_1980, %get3A_1999 : vector<16xf32>
      %get3A_2001 = arith.constant 44 : i32
      %get3A_2002 = arith.index_cast %get3A_2001 : i32 to index
      %get3A_2003 = arith.constant 48 : index
      %get3A_2004 = tpu.vector_load %arg16[%get3A_2002, %get3A_2003] {strides = array<i32>} : memref<50x64xf32, #tpu.memory_space<vmem>>, vector<16xf32>,
      %add3A_2005 = arith.addf %add3A_1985, %get3A_2004 : vector<16xf32>
      %get3A_2006 = arith.constant 45 : i32
      %get3A_2007 = arith.index_cast %get3A_2006 : i32 to index
      %get3A_2008 = arith.constant 0 : index
      %get3A_2009 = tpu.vector_load %arg16[%get3A_2007, %get3A_2008] {strides = array<i32>} : memref<50x64xf32, #tpu.memory_space<vmem>>, vector<16xf32>,
      %add3A_2010 = arith.addf %add3A_1990, %get3A_2009 : vector<16xf32>
      %get3A_2011 = arith.constant 45 : i32
      %get3A_2012 = arith.index_cast %get3A_2011 : i32 to index
      %get3A_2013 = arith.constant 16 : index
      %get3A_2014 = tpu.vector_load %arg16[%get3A_2012, %get3A_2013] {strides = array<i32>} : memref<50x64xf32, #tpu.memory_space<vmem>>, vector<16xf32>,
      %add3A_2015 = arith.addf %add3A_1995, %get3A_2014 : vector<16xf32>
      %get3A_2016 = arith.constant 45 : i32
      %get3A_2017 = arith.index_cast %get3A_2016 : i32 to index
      %get3A_2018 = arith.constant 32 : index
      %get3A_2019 = tpu.vector_load %arg16[%get3A_2017, %get3A_2018] {strides = array<i32>} : memref<50x64xf32, #tpu.memory_space<vmem>>, vector<16xf32>,
      %add3A_2020 = arith.addf %add3A_2000, %get3A_2019 : vector<16xf32>
      %get3A_2021 = arith.constant 45 : i32
      %get3A_2022 = arith.index_cast %get3A_2021 : i32 to index
      %get3A_2023 = arith.constant 48 : index
      %get3A_2024 = tpu.vector_load %arg16[%get3A_2022, %get3A_2023] {strides = array<i32>} : memref<50x64xf32, #tpu.memory_space<vmem>>, vector<16xf32>,
      %add3A_2025 = arith.addf %add3A_2005, %get3A_2024 : vector<16xf32>
      %get3A_2026 = arith.constant 46 : i32
      %get3A_2027 = arith.index_cast %get3A_2026 : i32 to index
      %get3A_2028 = arith.constant 0 : index
      %get3A_2029 = tpu.vector_load %arg16[%get3A_2027, %get3A_2028] {strides = array<i32>} : memref<50x64xf32, #tpu.memory_space<vmem>>, vector<16xf32>,
      %add3A_2030 = arith.addf %add3A_2010, %get3A_2029 : vector<16xf32>
      %get3A_2031 = arith.constant 46 : i32
      %get3A_2032 = arith.index_cast %get3A_2031 : i32 to index
      %get3A_2033 = arith.constant 16 : index
      %get3A_2034 = tpu.vector_load %arg16[%get3A_2032, %get3A_2033] {strides = array<i32>} : memref<50x64xf32, #tpu.memory_space<vmem>>, vector<16xf32>,
      %add3A_2035 = arith.addf %add3A_2015, %get3A_2034 : vector<16xf32>
      %get3A_2036 = arith.constant 46 : i32
      %get3A_2037 = arith.index_cast %get3A_2036 : i32 to index
      %get3A_2038 = arith.constant 32 : index
      %get3A_2039 = tpu.vector_load %arg16[%get3A_2037, %get3A_2038] {strides = array<i32>} : memref<50x64xf32, #tpu.memory_space<vmem>>, vector<16xf32>,
      %add3A_2040 = arith.addf %add3A_2020, %get3A_2039 : vector<16xf32>
      %get3A_2041 = arith.constant 46 : i32
      %get3A_2042 = arith.index_cast %get3A_2041 : i32 to index
      %get3A_2043 = arith.constant 48 : index
      %get3A_2044 = tpu.vector_load %arg16[%get3A_2042, %get3A_2043] {strides = array<i32>} : memref<50x64xf32, #tpu.memory_space<vmem>>, vector<16xf32>,
      %add3A_2045 = arith.addf %add3A_2025, %get3A_2044 : vector<16xf32>
      %get3A_2046 = arith.constant 47 : i32
      %get3A_2047 = arith.index_cast %get3A_2046 : i32 to index
      %get3A_2048 = arith.constant 0 : index
      %get3A_2049 = tpu.vector_load %arg16[%get3A_2047, %get3A_2048] {strides = array<i32>} : memref<50x64xf32, #tpu.memory_space<vmem>>, vector<16xf32>,
      %add3A_2050 = arith.addf %add3A_2030, %get3A_2049 : vector<16xf32>
      %get3A_2051 = arith.constant 47 : i32
      %get3A_2052 = arith.index_cast %get3A_2051 : i32 to index
      %get3A_2053 = arith.constant 16 : index
      %get3A_2054 = tpu.vector_load %arg16[%get3A_2052, %get3A_2053] {strides = array<i32>} : memref<50x64xf32, #tpu.memory_space<vmem>>, vector<16xf32>,
      %add3A_2055 = arith.addf %add3A_2035, %get3A_2054 : vector<16xf32>
      %get3A_2056 = arith.constant 47 : i32
      %get3A_2057 = arith.index_cast %get3A_2056 : i32 to index
      %get3A_2058 = arith.constant 32 : index
      %get3A_2059 = tpu.vector_load %arg16[%get3A_2057, %get3A_2058] {strides = array<i32>} : memref<50x64xf32, #tpu.memory_space<vmem>>, vector<16xf32>,
      %add3A_2060 = arith.addf %add3A_2040, %get3A_2059 : vector<16xf32>
      %get3A_2061 = arith.constant 47 : i32
      %get3A_2062 = arith.index_cast %get3A_2061 : i32 to index
      %get3A_2063 = arith.constant 48 : index
      %get3A_2064 = tpu.vector_load %arg16[%get3A_2062, %get3A_2063] {strides = array<i32>} : memref<50x64xf32, #tpu.memory_space<vmem>>, vector<16xf32>,
      %add3A_2065 = arith.addf %add3A_2045, %get3A_2064 : vector<16xf32>
      %get3A_2066 = arith.constant 48 : i32
      %get3A_2067 = arith.index_cast %get3A_2066 : i32 to index
      %get3A_2068 = arith.constant 0 : index
      %get3A_2069 = tpu.vector_load %arg16[%get3A_2067, %get3A_2068] {strides = array<i32>} : memref<50x64xf32, #tpu.memory_space<vmem>>, vector<16xf32>,
      %add3A_2070 = arith.addf %add3A_2050, %get3A_2069 : vector<16xf32>
      %get3A_2071 = arith.constant 48 : i32
      %get3A_2072 = arith.index_cast %get3A_2071 : i32 to index
      %get3A_2073 = arith.constant 16 : index
      %get3A_2074 = tpu.vector_load %arg16[%get3A_2072, %get3A_2073] {strides = array<i32>} : memref<50x64xf32, #tpu.memory_space<vmem>>, vector<16xf32>,
      %add3A_2075 = arith.addf %add3A_2055, %get3A_2074 : vector<16xf32>
      %get3A_2076 = arith.constant 48 : i32
      %get3A_2077 = arith.index_cast %get3A_2076 : i32 to index
      %get3A_2078 = arith.constant 32 : index
      %get3A_2079 = tpu.vector_load %arg16[%get3A_2077, %get3A_2078] {strides = array<i32>} : memref<50x64xf32, #tpu.memory_space<vmem>>, vector<16xf32>,
      %add3A_2080 = arith.addf %add3A_2060, %get3A_2079 : vector<16xf32>
      %get3A_2081 = arith.constant 48 : i32
      %get3A_2082 = arith.index_cast %get3A_2081 : i32 to index
      %get3A_2083 = arith.constant 48 : index
      %get3A_2084 = tpu.vector_load %arg16[%get3A_2082, %get3A_2083] {strides = array<i32>} : memref<50x64xf32, #tpu.memory_space<vmem>>, vector<16xf32>,
      %add3A_2085 = arith.addf %add3A_2065, %get3A_2084 : vector<16xf32>
      %get3A_2086 = arith.constant 49 : i32
      %get3A_2087 = arith.index_cast %get3A_2086 : i32 to index
      %get3A_2088 = arith.constant 0 : index
      %get3A_2089 = tpu.vector_load %arg16[%get3A_2087, %get3A_2088] {strides = array<i32>} : memref<50x64xf32, #tpu.memory_space<vmem>>, vector<16xf32>,
      %add3A_2090 = arith.addf %add3A_2070, %get3A_2089 : vector<16xf32>
      %get3A_2091 = arith.constant 49 : i32
      %get3A_2092 = arith.index_cast %get3A_2091 : i32 to index
      %get3A_2093 = arith.constant 16 : index
      %get3A_2094 = tpu.vector_load %arg16[%get3A_2092, %get3A_2093] {strides = array<i32>} : memref<50x64xf32, #tpu.memory_space<vmem>>, vector<16xf32>,
      %add3A_2095 = arith.addf %add3A_2075, %get3A_2094 : vector<16xf32>
      %get3A_2096 = arith.constant 49 : i32
      %get3A_2097 = arith.index_cast %get3A_2096 : i32 to index
      %get3A_2098 = arith.constant 32 : index
      %get3A_2099 = tpu.vector_load %arg16[%get3A_2097, %get3A_2098] {strides = array<i32>} : memref<50x64xf32, #tpu.memory_space<vmem>>, vector<16xf32>,
      %add3A_2100 = arith.addf %add3A_2080, %get3A_2099 : vector<16xf32>
      %get3A_2101 = arith.constant 49 : i32
      %get3A_2102 = arith.index_cast %get3A_2101 : i32 to index
      %get3A_2103 = arith.constant 48 : index
      %get3A_2104 = tpu.vector_load %arg16[%get3A_2102, %get3A_2103] {strides = array<i32>} : memref<50x64xf32, #tpu.memory_space<vmem>>, vector<16xf32>,
      %add3A_2105 = arith.addf %add3A_2085, %get3A_2104 : vector<16xf32>
      %mul3A_2106 = arith.mulf %add3A_2090, %broadcast_in_dim3A_41 : vector<16xf32>
      %swap3A_2107 = arith.index_cast %add3A_1103 : i32 to index
      %swap3A_2108 = arith.constant 0 : index
      %swap3A_2109 = tpu.vector_load %arg19[%swap3A_2107, %swap3A_2108] {strides = array<i32>} : memref<128x64xf32, #tpu.memory_space<vmem>>, vector<16xf32>,
      tpu.vector_store %arg19[%swap3A_2107, %swap3A_2108], %mul3A_2106 {strides = array<i32>} : memref<128x64xf32, #tpu.memory_space<vmem>>, vector<16xf32>,
      %mul3A_2110 = arith.mulf %add3A_2095, %broadcast_in_dim3A_41 : vector<16xf32>
      %swap3A_2111 = arith.index_cast %add3A_1103 : i32 to index
      %swap3A_2112 = arith.constant 16 : index
      %swap3A_2113 = tpu.vector_load %arg19[%swap3A_2111, %swap3A_2112] {strides = array<i32>} : memref<128x64xf32, #tpu.memory_space<vmem>>, vector<16xf32>,
      tpu.vector_store %arg19[%swap3A_2111, %swap3A_2112], %mul3A_2110 {strides = array<i32>} : memref<128x64xf32, #tpu.memory_space<vmem>>, vector<16xf32>,
      %mul3A_2114 = arith.mulf %add3A_2100, %broadcast_in_dim3A_41 : vector<16xf32>
      %swap3A_2115 = arith.index_cast %add3A_1103 : i32 to index
      %swap3A_2116 = arith.constant 32 : index
      %swap3A_2117 = tpu.vector_load %arg19[%swap3A_2115, %swap3A_2116] {strides = array<i32>} : memref<128x64xf32, #tpu.memory_space<vmem>>, vector<16xf32>,
      tpu.vector_store %arg19[%swap3A_2115, %swap3A_2116], %mul3A_2114 {strides = array<i32>} : memref<128x64xf32, #tpu.memory_space<vmem>>, vector<16xf32>,
      %mul3A_2118 = arith.mulf %add3A_2105, %broadcast_in_dim3A_41 : vector<16xf32>
      %swap3A_2119 = arith.index_cast %add3A_1103 : i32 to index
      %swap3A_2120 = arith.constant 48 : index
      %swap3A_2121 = tpu.vector_load %arg19[%swap3A_2119, %swap3A_2120] {strides = array<i32>} : memref<128x64xf32, #tpu.memory_space<vmem>>, vector<16xf32>,
      tpu.vector_store %arg19[%swap3A_2119, %swap3A_2120], %mul3A_2118 {strides = array<i32>} : memref<128x64xf32, #tpu.memory_space<vmem>>, vector<16xf32>,
      %add3A_2122 = arith.constant 4 : i32
      %add3A_2123 = arith.addi %add3A_1103, %add3A_2122 : i32
      %lt3A_2124 = arith.constant 128 : i32
      %lt3A_2125 = arith.cmpi slt, %add3A_2123, %lt3A_2124 : i32
      %convert_element_type3A_2126 = arith.extui %lt3A_2125 : i1 to i32
      %cond3A_2127 = arith.constant 0 : i32
      %cond3A_2128 = arith.cmpi ne, %convert_element_type3A_2126, %cond3A_2127 : i32
      scf.if %cond3A_2128 {
        %add3A_4187 = arith.constant 4 : i32
        %add3A_4188 = arith.addi %add3A_1103, %add3A_4187 : i32
        %dma_start3A_4189 = arith.constant 0 : i32
        %dma_start3A_4190 = tpu.memref_slice %arg9[%add3A_4188, %dma_start3A_4189] : memref<128x50xi32, #tpu.memory_space<vmem>> -> memref<1x50xi32, #tpu.memory_space<vmem>>
        %dma_start3A_4191 = tpu.memref_squeeze %dma_start3A_4190 : memref<1x50xi32, #tpu.memory_space<vmem>> -> memref<50xi32, #tpu.memory_space<vmem>>
        %dma_start3A_4192 = arith.constant 0 : i32
        %dma_start3A_4193 = arith.constant 0 : i32
        %dma_start3A_4194 = tpu.memref_slice %arg2[%dma_start3A_4192, %dma_start3A_4193] : memref<100000x64xf32, #tpu.memory_space<hbm>> -> memref<100000x64xf32, #tpu.memory_space<hbm>>
        tpu.enqueue_indirect_dma source(%dma_start3A_4194 : memref<100000x64xf32, #tpu.memory_space<hbm>>) target(%arg16 : memref<50x64xf32, #tpu.memory_space<vmem>>) offsets(%dma_start3A_4191 : memref<50xi32, #tpu.memory_space<vmem>>) semaphore(%arg25 : memref<!tpu.dma_semaphore, #tpu.memory_space<semaphore_mem>>)
      } else {
      }
      %mul3A_2129 = arith.constant 4 : i32
      %mul3A_2130 = arith.muli %mul3A_2129, %scan3A_76 : i32
      %add3A_2131 = arith.constant 2 : i32
      %add3A_2132 = arith.addi %mul3A_2130, %add3A_2131 : i32
      %dma_wait3A_2133 = arith.constant 0 : i32
      %dma_wait3A_2134 = tpu.memref_slice %arg9[%add3A_2132, %dma_wait3A_2133] : memref<128x50xi32, #tpu.memory_space<vmem>> -> memref<1x50xi32, #tpu.memory_space<vmem>>
      %dma_wait3A_2135 = tpu.memref_squeeze %dma_wait3A_2134 : memref<1x50xi32, #tpu.memory_space<vmem>> -> memref<50xi32, #tpu.memory_space<vmem>>
      %dma_wait3A_2136 = arith.constant 0 : i32
      %dma_wait3A_2137 = arith.constant 0 : i32
      %dma_wait3A_2138 = tpu.memref_slice %arg2[%dma_wait3A_2136, %dma_wait3A_2137] : memref<100000x64xf32, #tpu.memory_space<hbm>> -> memref<100000x64xf32, #tpu.memory_space<hbm>>
      tpu.wait_indirect_dma semaphore(%arg26 : memref<!tpu.dma_semaphore, #tpu.memory_space<semaphore_mem>>) src(%dma_wait3A_2138 : memref<100000x64xf32, #tpu.memory_space<hbm>>) dst(%arg17 : memref<50x64xf32, #tpu.memory_space<vmem>>)
      %get3A_2139 = arith.constant 0 : i32
      %get3A_2140 = arith.index_cast %get3A_2139 : i32 to index
      %get3A_2141 = arith.constant 0 : index
      %get3A_2142 = tpu.vector_load %arg17[%get3A_2140, %get3A_2141] {strides = array<i32>} : memref<50x64xf32, #tpu.memory_space<vmem>>, vector<16xf32>,
      %get3A_2143 = arith.constant 0 : i32
      %get3A_2144 = arith.index_cast %get3A_2143 : i32 to index
      %get3A_2145 = arith.constant 16 : index
      %get3A_2146 = tpu.vector_load %arg17[%get3A_2144, %get3A_2145] {strides = array<i32>} : memref<50x64xf32, #tpu.memory_space<vmem>>, vector<16xf32>,
      %get3A_2147 = arith.constant 0 : i32
      %get3A_2148 = arith.index_cast %get3A_2147 : i32 to index
      %get3A_2149 = arith.constant 32 : index
      %get3A_2150 = tpu.vector_load %arg17[%get3A_2148, %get3A_2149] {strides = array<i32>} : memref<50x64xf32, #tpu.memory_space<vmem>>, vector<16xf32>,
      %get3A_2151 = arith.constant 0 : i32
      %get3A_2152 = arith.index_cast %get3A_2151 : i32 to index
      %get3A_2153 = arith.constant 48 : index
      %get3A_2154 = tpu.vector_load %arg17[%get3A_2152, %get3A_2153] {strides = array<i32>} : memref<50x64xf32, #tpu.memory_space<vmem>>, vector<16xf32>,
      %get3A_2155 = arith.constant 1 : i32
      %get3A_2156 = arith.index_cast %get3A_2155 : i32 to index
      %get3A_2157 = arith.constant 0 : index
      %get3A_2158 = tpu.vector_load %arg17[%get3A_2156, %get3A_2157] {strides = array<i32>} : memref<50x64xf32, #tpu.memory_space<vmem>>, vector<16xf32>,
      %add3A_2159 = arith.addf %get3A_2142, %get3A_2158 : vector<16xf32>
      %get3A_2160 = arith.constant 1 : i32
      %get3A_2161 = arith.index_cast %get3A_2160 : i32 to index
      %get3A_2162 = arith.constant 16 : index
      %get3A_2163 = tpu.vector_load %arg17[%get3A_2161, %get3A_2162] {strides = array<i32>} : memref<50x64xf32, #tpu.memory_space<vmem>>, vector<16xf32>,
      %add3A_2164 = arith.addf %get3A_2146, %get3A_2163 : vector<16xf32>
      %get3A_2165 = arith.constant 1 : i32
      %get3A_2166 = arith.index_cast %get3A_2165 : i32 to index
      %get3A_2167 = arith.constant 32 : index
      %get3A_2168 = tpu.vector_load %arg17[%get3A_2166, %get3A_2167] {strides = array<i32>} : memref<50x64xf32, #tpu.memory_space<vmem>>, vector<16xf32>,
      %add3A_2169 = arith.addf %get3A_2150, %get3A_2168 : vector<16xf32>
      %get3A_2170 = arith.constant 1 : i32
      %get3A_2171 = arith.index_cast %get3A_2170 : i32 to index
      %get3A_2172 = arith.constant 48 : index
      %get3A_2173 = tpu.vector_load %arg17[%get3A_2171, %get3A_2172] {strides = array<i32>} : memref<50x64xf32, #tpu.memory_space<vmem>>, vector<16xf32>,
      %add3A_2174 = arith.addf %get3A_2154, %get3A_2173 : vector<16xf32>
      %get3A_2175 = arith.constant 2 : i32
      %get3A_2176 = arith.index_cast %get3A_2175 : i32 to index
      %get3A_2177 = arith.constant 0 : index
      %get3A_2178 = tpu.vector_load %arg17[%get3A_2176, %get3A_2177] {strides = array<i32>} : memref<50x64xf32, #tpu.memory_space<vmem>>, vector<16xf32>,
      %add3A_2179 = arith.addf %add3A_2159, %get3A_2178 : vector<16xf32>
      %get3A_2180 = arith.constant 2 : i32
      %get3A_2181 = arith.index_cast %get3A_2180 : i32 to index
      %get3A_2182 = arith.constant 16 : index
      %get3A_2183 = tpu.vector_load %arg17[%get3A_2181, %get3A_2182] {strides = array<i32>} : memref<50x64xf32, #tpu.memory_space<vmem>>, vector<16xf32>,
      %add3A_2184 = arith.addf %add3A_2164, %get3A_2183 : vector<16xf32>
      %get3A_2185 = arith.constant 2 : i32
      %get3A_2186 = arith.index_cast %get3A_2185 : i32 to index
      %get3A_2187 = arith.constant 32 : index
      %get3A_2188 = tpu.vector_load %arg17[%get3A_2186, %get3A_2187] {strides = array<i32>} : memref<50x64xf32, #tpu.memory_space<vmem>>, vector<16xf32>,
      %add3A_2189 = arith.addf %add3A_2169, %get3A_2188 : vector<16xf32>
      %get3A_2190 = arith.constant 2 : i32
      %get3A_2191 = arith.index_cast %get3A_2190 : i32 to index
      %get3A_2192 = arith.constant 48 : index
      %get3A_2193 = tpu.vector_load %arg17[%get3A_2191, %get3A_2192] {strides = array<i32>} : memref<50x64xf32, #tpu.memory_space<vmem>>, vector<16xf32>,
      %add3A_2194 = arith.addf %add3A_2174, %get3A_2193 : vector<16xf32>
      %get3A_2195 = arith.constant 3 : i32
      %get3A_2196 = arith.index_cast %get3A_2195 : i32 to index
      %get3A_2197 = arith.constant 0 : index
      %get3A_2198 = tpu.vector_load %arg17[%get3A_2196, %get3A_2197] {strides = array<i32>} : memref<50x64xf32, #tpu.memory_space<vmem>>, vector<16xf32>,
      %add3A_2199 = arith.addf %add3A_2179, %get3A_2198 : vector<16xf32>
      %get3A_2200 = arith.constant 3 : i32
      %get3A_2201 = arith.index_cast %get3A_2200 : i32 to index
      %get3A_2202 = arith.constant 16 : index
      %get3A_2203 = tpu.vector_load %arg17[%get3A_2201, %get3A_2202] {strides = array<i32>} : memref<50x64xf32, #tpu.memory_space<vmem>>, vector<16xf32>,
      %add3A_2204 = arith.addf %add3A_2184, %get3A_2203 : vector<16xf32>
      %get3A_2205 = arith.constant 3 : i32
      %get3A_2206 = arith.index_cast %get3A_2205 : i32 to index
      %get3A_2207 = arith.constant 32 : index
      %get3A_2208 = tpu.vector_load %arg17[%get3A_2206, %get3A_2207] {strides = array<i32>} : memref<50x64xf32, #tpu.memory_space<vmem>>, vector<16xf32>,
      %add3A_2209 = arith.addf %add3A_2189, %get3A_2208 : vector<16xf32>
      %get3A_2210 = arith.constant 3 : i32
      %get3A_2211 = arith.index_cast %get3A_2210 : i32 to index
      %get3A_2212 = arith.constant 48 : index
      %get3A_2213 = tpu.vector_load %arg17[%get3A_2211, %get3A_2212] {strides = array<i32>} : memref<50x64xf32, #tpu.memory_space<vmem>>, vector<16xf32>,
      %add3A_2214 = arith.addf %add3A_2194, %get3A_2213 : vector<16xf32>
      %get3A_2215 = arith.constant 4 : i32
      %get3A_2216 = arith.index_cast %get3A_2215 : i32 to index
      %get3A_2217 = arith.constant 0 : index
      %get3A_2218 = tpu.vector_load %arg17[%get3A_2216, %get3A_2217] {strides = array<i32>} : memref<50x64xf32, #tpu.memory_space<vmem>>, vector<16xf32>,
      %add3A_2219 = arith.addf %add3A_2199, %get3A_2218 : vector<16xf32>
      %get3A_2220 = arith.constant 4 : i32
      %get3A_2221 = arith.index_cast %get3A_2220 : i32 to index
      %get3A_2222 = arith.constant 16 : index
      %get3A_2223 = tpu.vector_load %arg17[%get3A_2221, %get3A_2222] {strides = array<i32>} : memref<50x64xf32, #tpu.memory_space<vmem>>, vector<16xf32>,
      %add3A_2224 = arith.addf %add3A_2204, %get3A_2223 : vector<16xf32>
      %get3A_2225 = arith.constant 4 : i32
      %get3A_2226 = arith.index_cast %get3A_2225 : i32 to index
      %get3A_2227 = arith.constant 32 : index
      %get3A_2228 = tpu.vector_load %arg17[%get3A_2226, %get3A_2227] {strides = array<i32>} : memref<50x64xf32, #tpu.memory_space<vmem>>, vector<16xf32>,
      %add3A_2229 = arith.addf %add3A_2209, %get3A_2228 : vector<16xf32>
      %get3A_2230 = arith.constant 4 : i32
      %get3A_2231 = arith.index_cast %get3A_2230 : i32 to index
      %get3A_2232 = arith.constant 48 : index
      %get3A_2233 = tpu.vector_load %arg17[%get3A_2231, %get3A_2232] {strides = array<i32>} : memref<50x64xf32, #tpu.memory_space<vmem>>, vector<16xf32>,
      %add3A_2234 = arith.addf %add3A_2214, %get3A_2233 : vector<16xf32>
      %get3A_2235 = arith.constant 5 : i32
      %get3A_2236 = arith.index_cast %get3A_2235 : i32 to index
      %get3A_2237 = arith.constant 0 : index
      %get3A_2238 = tpu.vector_load %arg17[%get3A_2236, %get3A_2237] {strides = array<i32>} : memref<50x64xf32, #tpu.memory_space<vmem>>, vector<16xf32>,
      %add3A_2239 = arith.addf %add3A_2219, %get3A_2238 : vector<16xf32>
      %get3A_2240 = arith.constant 5 : i32
      %get3A_2241 = arith.index_cast %get3A_2240 : i32 to index
      %get3A_2242 = arith.constant 16 : index
      %get3A_2243 = tpu.vector_load %arg17[%get3A_2241, %get3A_2242] {strides = array<i32>} : memref<50x64xf32, #tpu.memory_space<vmem>>, vector<16xf32>,
      %add3A_2244 = arith.addf %add3A_2224, %get3A_2243 : vector<16xf32>
      %get3A_2245 = arith.constant 5 : i32
      %get3A_2246 = arith.index_cast %get3A_2245 : i32 to index
      %get3A_2247 = arith.constant 32 : index
      %get3A_2248 = tpu.vector_load %arg17[%get3A_2246, %get3A_2247] {strides = array<i32>} : memref<50x64xf32, #tpu.memory_space<vmem>>, vector<16xf32>,
      %add3A_2249 = arith.addf %add3A_2229, %get3A_2248 : vector<16xf32>
      %get3A_2250 = arith.constant 5 : i32
      %get3A_2251 = arith.index_cast %get3A_2250 : i32 to index
      %get3A_2252 = arith.constant 48 : index
      %get3A_2253 = tpu.vector_load %arg17[%get3A_2251, %get3A_2252] {strides = array<i32>} : memref<50x64xf32, #tpu.memory_space<vmem>>, vector<16xf32>,
      %add3A_2254 = arith.addf %add3A_2234, %get3A_2253 : vector<16xf32>
      %get3A_2255 = arith.constant 6 : i32
      %get3A_2256 = arith.index_cast %get3A_2255 : i32 to index
      %get3A_2257 = arith.constant 0 : index
      %get3A_2258 = tpu.vector_load %arg17[%get3A_2256, %get3A_2257] {strides = array<i32>} : memref<50x64xf32, #tpu.memory_space<vmem>>, vector<16xf32>,
      %add3A_2259 = arith.addf %add3A_2239, %get3A_2258 : vector<16xf32>
      %get3A_2260 = arith.constant 6 : i32
      %get3A_2261 = arith.index_cast %get3A_2260 : i32 to index
      %get3A_2262 = arith.constant 16 : index
      %get3A_2263 = tpu.vector_load %arg17[%get3A_2261, %get3A_2262] {strides = array<i32>} : memref<50x64xf32, #tpu.memory_space<vmem>>, vector<16xf32>,
      %add3A_2264 = arith.addf %add3A_2244, %get3A_2263 : vector<16xf32>
      %get3A_2265 = arith.constant 6 : i32
      %get3A_2266 = arith.index_cast %get3A_2265 : i32 to index
      %get3A_2267 = arith.constant 32 : index
      %get3A_2268 = tpu.vector_load %arg17[%get3A_2266, %get3A_2267] {strides = array<i32>} : memref<50x64xf32, #tpu.memory_space<vmem>>, vector<16xf32>,
      %add3A_2269 = arith.addf %add3A_2249, %get3A_2268 : vector<16xf32>
      %get3A_2270 = arith.constant 6 : i32
      %get3A_2271 = arith.index_cast %get3A_2270 : i32 to index
      %get3A_2272 = arith.constant 48 : index
      %get3A_2273 = tpu.vector_load %arg17[%get3A_2271, %get3A_2272] {strides = array<i32>} : memref<50x64xf32, #tpu.memory_space<vmem>>, vector<16xf32>,
      %add3A_2274 = arith.addf %add3A_2254, %get3A_2273 : vector<16xf32>
      %get3A_2275 = arith.constant 7 : i32
      %get3A_2276 = arith.index_cast %get3A_2275 : i32 to index
      %get3A_2277 = arith.constant 0 : index
      %get3A_2278 = tpu.vector_load %arg17[%get3A_2276, %get3A_2277] {strides = array<i32>} : memref<50x64xf32, #tpu.memory_space<vmem>>, vector<16xf32>,
      %add3A_2279 = arith.addf %add3A_2259, %get3A_2278 : vector<16xf32>
      %get3A_2280 = arith.constant 7 : i32
      %get3A_2281 = arith.index_cast %get3A_2280 : i32 to index
      %get3A_2282 = arith.constant 16 : index
      %get3A_2283 = tpu.vector_load %arg17[%get3A_2281, %get3A_2282] {strides = array<i32>} : memref<50x64xf32, #tpu.memory_space<vmem>>, vector<16xf32>,
      %add3A_2284 = arith.addf %add3A_2264, %get3A_2283 : vector<16xf32>
      %get3A_2285 = arith.constant 7 : i32
      %get3A_2286 = arith.index_cast %get3A_2285 : i32 to index
      %get3A_2287 = arith.constant 32 : index
      %get3A_2288 = tpu.vector_load %arg17[%get3A_2286, %get3A_2287] {strides = array<i32>} : memref<50x64xf32, #tpu.memory_space<vmem>>, vector<16xf32>,
      %add3A_2289 = arith.addf %add3A_2269, %get3A_2288 : vector<16xf32>
      %get3A_2290 = arith.constant 7 : i32
      %get3A_2291 = arith.index_cast %get3A_2290 : i32 to index
      %get3A_2292 = arith.constant 48 : index
      %get3A_2293 = tpu.vector_load %arg17[%get3A_2291, %get3A_2292] {strides = array<i32>} : memref<50x64xf32, #tpu.memory_space<vmem>>, vector<16xf32>,
      %add3A_2294 = arith.addf %add3A_2274, %get3A_2293 : vector<16xf32>
      %get3A_2295 = arith.constant 8 : i32
      %get3A_2296 = arith.index_cast %get3A_2295 : i32 to index
      %get3A_2297 = arith.constant 0 : index
      %get3A_2298 = tpu.vector_load %arg17[%get3A_2296, %get3A_2297] {strides = array<i32>} : memref<50x64xf32, #tpu.memory_space<vmem>>, vector<16xf32>,
      %add3A_2299 = arith.addf %add3A_2279, %get3A_2298 : vector<16xf32>
      %get3A_2300 = arith.constant 8 : i32
      %get3A_2301 = arith.index_cast %get3A_2300 : i32 to index
      %get3A_2302 = arith.constant 16 : index
      %get3A_2303 = tpu.vector_load %arg17[%get3A_2301, %get3A_2302] {strides = array<i32>} : memref<50x64xf32, #tpu.memory_space<vmem>>, vector<16xf32>,
      %add3A_2304 = arith.addf %add3A_2284, %get3A_2303 : vector<16xf32>
      %get3A_2305 = arith.constant 8 : i32
      %get3A_2306 = arith.index_cast %get3A_2305 : i32 to index
      %get3A_2307 = arith.constant 32 : index
      %get3A_2308 = tpu.vector_load %arg17[%get3A_2306, %get3A_2307] {strides = array<i32>} : memref<50x64xf32, #tpu.memory_space<vmem>>, vector<16xf32>,
      %add3A_2309 = arith.addf %add3A_2289, %get3A_2308 : vector<16xf32>
      %get3A_2310 = arith.constant 8 : i32
      %get3A_2311 = arith.index_cast %get3A_2310 : i32 to index
      %get3A_2312 = arith.constant 48 : index
      %get3A_2313 = tpu.vector_load %arg17[%get3A_2311, %get3A_2312] {strides = array<i32>} : memref<50x64xf32, #tpu.memory_space<vmem>>, vector<16xf32>,
      %add3A_2314 = arith.addf %add3A_2294, %get3A_2313 : vector<16xf32>
      %get3A_2315 = arith.constant 9 : i32
      %get3A_2316 = arith.index_cast %get3A_2315 : i32 to index
      %get3A_2317 = arith.constant 0 : index
      %get3A_2318 = tpu.vector_load %arg17[%get3A_2316, %get3A_2317] {strides = array<i32>} : memref<50x64xf32, #tpu.memory_space<vmem>>, vector<16xf32>,
      %add3A_2319 = arith.addf %add3A_2299, %get3A_2318 : vector<16xf32>
      %get3A_2320 = arith.constant 9 : i32
      %get3A_2321 = arith.index_cast %get3A_2320 : i32 to index
      %get3A_2322 = arith.constant 16 : index
      %get3A_2323 = tpu.vector_load %arg17[%get3A_2321, %get3A_2322] {strides = array<i32>} : memref<50x64xf32, #tpu.memory_space<vmem>>, vector<16xf32>,
      %add3A_2324 = arith.addf %add3A_2304, %get3A_2323 : vector<16xf32>
      %get3A_2325 = arith.constant 9 : i32
      %get3A_2326 = arith.index_cast %get3A_2325 : i32 to index
      %get3A_2327 = arith.constant 32 : index
      %get3A_2328 = tpu.vector_load %arg17[%get3A_2326, %get3A_2327] {strides = array<i32>} : memref<50x64xf32, #tpu.memory_space<vmem>>, vector<16xf32>,
      %add3A_2329 = arith.addf %add3A_2309, %get3A_2328 : vector<16xf32>
      %get3A_2330 = arith.constant 9 : i32
      %get3A_2331 = arith.index_cast %get3A_2330 : i32 to index
      %get3A_2332 = arith.constant 48 : index
      %get3A_2333 = tpu.vector_load %arg17[%get3A_2331, %get3A_2332] {strides = array<i32>} : memref<50x64xf32, #tpu.memory_space<vmem>>, vector<16xf32>,
      %add3A_2334 = arith.addf %add3A_2314, %get3A_2333 : vector<16xf32>
      %get3A_2335 = arith.constant 10 : i32
      %get3A_2336 = arith.index_cast %get3A_2335 : i32 to index
      %get3A_2337 = arith.constant 0 : index
      %get3A_2338 = tpu.vector_load %arg17[%get3A_2336, %get3A_2337] {strides = array<i32>} : memref<50x64xf32, #tpu.memory_space<vmem>>, vector<16xf32>,
      %add3A_2339 = arith.addf %add3A_2319, %get3A_2338 : vector<16xf32>
      %get3A_2340 = arith.constant 10 : i32
      %get3A_2341 = arith.index_cast %get3A_2340 : i32 to index
      %get3A_2342 = arith.constant 16 : index
      %get3A_2343 = tpu.vector_load %arg17[%get3A_2341, %get3A_2342] {strides = array<i32>} : memref<50x64xf32, #tpu.memory_space<vmem>>, vector<16xf32>,
      %add3A_2344 = arith.addf %add3A_2324, %get3A_2343 : vector<16xf32>
      %get3A_2345 = arith.constant 10 : i32
      %get3A_2346 = arith.index_cast %get3A_2345 : i32 to index
      %get3A_2347 = arith.constant 32 : index
      %get3A_2348 = tpu.vector_load %arg17[%get3A_2346, %get3A_2347] {strides = array<i32>} : memref<50x64xf32, #tpu.memory_space<vmem>>, vector<16xf32>,
      %add3A_2349 = arith.addf %add3A_2329, %get3A_2348 : vector<16xf32>
      %get3A_2350 = arith.constant 10 : i32
      %get3A_2351 = arith.index_cast %get3A_2350 : i32 to index
      %get3A_2352 = arith.constant 48 : index
      %get3A_2353 = tpu.vector_load %arg17[%get3A_2351, %get3A_2352] {strides = array<i32>} : memref<50x64xf32, #tpu.memory_space<vmem>>, vector<16xf32>,
      %add3A_2354 = arith.addf %add3A_2334, %get3A_2353 : vector<16xf32>
      %get3A_2355 = arith.constant 11 : i32
      %get3A_2356 = arith.index_cast %get3A_2355 : i32 to index
      %get3A_2357 = arith.constant 0 : index
      %get3A_2358 = tpu.vector_load %arg17[%get3A_2356, %get3A_2357] {strides = array<i32>} : memref<50x64xf32, #tpu.memory_space<vmem>>, vector<16xf32>,
      %add3A_2359 = arith.addf %add3A_2339, %get3A_2358 : vector<16xf32>
      %get3A_2360 = arith.constant 11 : i32
      %get3A_2361 = arith.index_cast %get3A_2360 : i32 to index
      %get3A_2362 = arith.constant 16 : index
      %get3A_2363 = tpu.vector_load %arg17[%get3A_2361, %get3A_2362] {strides = array<i32>} : memref<50x64xf32, #tpu.memory_space<vmem>>, vector<16xf32>,
      %add3A_2364 = arith.addf %add3A_2344, %get3A_2363 : vector<16xf32>
      %get3A_2365 = arith.constant 11 : i32
      %get3A_2366 = arith.index_cast %get3A_2365 : i32 to index
      %get3A_2367 = arith.constant 32 : index
      %get3A_2368 = tpu.vector_load %arg17[%get3A_2366, %get3A_2367] {strides = array<i32>} : memref<50x64xf32, #tpu.memory_space<vmem>>, vector<16xf32>,
      %add3A_2369 = arith.addf %add3A_2349, %get3A_2368 : vector<16xf32>
      %get3A_2370 = arith.constant 11 : i32
      %get3A_2371 = arith.index_cast %get3A_2370 : i32 to index
      %get3A_2372 = arith.constant 48 : index
      %get3A_2373 = tpu.vector_load %arg17[%get3A_2371, %get3A_2372] {strides = array<i32>} : memref<50x64xf32, #tpu.memory_space<vmem>>, vector<16xf32>,
      %add3A_2374 = arith.addf %add3A_2354, %get3A_2373 : vector<16xf32>
      %get3A_2375 = arith.constant 12 : i32
      %get3A_2376 = arith.index_cast %get3A_2375 : i32 to index
      %get3A_2377 = arith.constant 0 : index
      %get3A_2378 = tpu.vector_load %arg17[%get3A_2376, %get3A_2377] {strides = array<i32>} : memref<50x64xf32, #tpu.memory_space<vmem>>, vector<16xf32>,
      %add3A_2379 = arith.addf %add3A_2359, %get3A_2378 : vector<16xf32>
      %get3A_2380 = arith.constant 12 : i32
      %get3A_2381 = arith.index_cast %get3A_2380 : i32 to index
      %get3A_2382 = arith.constant 16 : index
      %get3A_2383 = tpu.vector_load %arg17[%get3A_2381, %get3A_2382] {strides = array<i32>} : memref<50x64xf32, #tpu.memory_space<vmem>>, vector<16xf32>,
      %add3A_2384 = arith.addf %add3A_2364, %get3A_2383 : vector<16xf32>
      %get3A_2385 = arith.constant 12 : i32
      %get3A_2386 = arith.index_cast %get3A_2385 : i32 to index
      %get3A_2387 = arith.constant 32 : index
      %get3A_2388 = tpu.vector_load %arg17[%get3A_2386, %get3A_2387] {strides = array<i32>} : memref<50x64xf32, #tpu.memory_space<vmem>>, vector<16xf32>,
      %add3A_2389 = arith.addf %add3A_2369, %get3A_2388 : vector<16xf32>
      %get3A_2390 = arith.constant 12 : i32
      %get3A_2391 = arith.index_cast %get3A_2390 : i32 to index
      %get3A_2392 = arith.constant 48 : index
      %get3A_2393 = tpu.vector_load %arg17[%get3A_2391, %get3A_2392] {strides = array<i32>} : memref<50x64xf32, #tpu.memory_space<vmem>>, vector<16xf32>,
      %add3A_2394 = arith.addf %add3A_2374, %get3A_2393 : vector<16xf32>
      %get3A_2395 = arith.constant 13 : i32
      %get3A_2396 = arith.index_cast %get3A_2395 : i32 to index
      %get3A_2397 = arith.constant 0 : index
      %get3A_2398 = tpu.vector_load %arg17[%get3A_2396, %get3A_2397] {strides = array<i32>} : memref<50x64xf32, #tpu.memory_space<vmem>>, vector<16xf32>,
      %add3A_2399 = arith.addf %add3A_2379, %get3A_2398 : vector<16xf32>
      %get3A_2400 = arith.constant 13 : i32
      %get3A_2401 = arith.index_cast %get3A_2400 : i32 to index
      %get3A_2402 = arith.constant 16 : index
      %get3A_2403 = tpu.vector_load %arg17[%get3A_2401, %get3A_2402] {strides = array<i32>} : memref<50x64xf32, #tpu.memory_space<vmem>>, vector<16xf32>,
      %add3A_2404 = arith.addf %add3A_2384, %get3A_2403 : vector<16xf32>
      %get3A_2405 = arith.constant 13 : i32
      %get3A_2406 = arith.index_cast %get3A_2405 : i32 to index
      %get3A_2407 = arith.constant 32 : index
      %get3A_2408 = tpu.vector_load %arg17[%get3A_2406, %get3A_2407] {strides = array<i32>} : memref<50x64xf32, #tpu.memory_space<vmem>>, vector<16xf32>,
      %add3A_2409 = arith.addf %add3A_2389, %get3A_2408 : vector<16xf32>
      %get3A_2410 = arith.constant 13 : i32
      %get3A_2411 = arith.index_cast %get3A_2410 : i32 to index
      %get3A_2412 = arith.constant 48 : index
      %get3A_2413 = tpu.vector_load %arg17[%get3A_2411, %get3A_2412] {strides = array<i32>} : memref<50x64xf32, #tpu.memory_space<vmem>>, vector<16xf32>,
      %add3A_2414 = arith.addf %add3A_2394, %get3A_2413 : vector<16xf32>
      %get3A_2415 = arith.constant 14 : i32
      %get3A_2416 = arith.index_cast %get3A_2415 : i32 to index
      %get3A_2417 = arith.constant 0 : index
      %get3A_2418 = tpu.vector_load %arg17[%get3A_2416, %get3A_2417] {strides = array<i32>} : memref<50x64xf32, #tpu.memory_space<vmem>>, vector<16xf32>,
      %add3A_2419 = arith.addf %add3A_2399, %get3A_2418 : vector<16xf32>
      %get3A_2420 = arith.constant 14 : i32
      %get3A_2421 = arith.index_cast %get3A_2420 : i32 to index
      %get3A_2422 = arith.constant 16 : index
      %get3A_2423 = tpu.vector_load %arg17[%get3A_2421, %get3A_2422] {strides = array<i32>} : memref<50x64xf32, #tpu.memory_space<vmem>>, vector<16xf32>,
      %add3A_2424 = arith.addf %add3A_2404, %get3A_2423 : vector<16xf32>
      %get3A_2425 = arith.constant 14 : i32
      %get3A_2426 = arith.index_cast %get3A_2425 : i32 to index
      %get3A_2427 = arith.constant 32 : index
      %get3A_2428 = tpu.vector_load %arg17[%get3A_2426, %get3A_2427] {strides = array<i32>} : memref<50x64xf32, #tpu.memory_space<vmem>>, vector<16xf32>,
      %add3A_2429 = arith.addf %add3A_2409, %get3A_2428 : vector<16xf32>
      %get3A_2430 = arith.constant 14 : i32
      %get3A_2431 = arith.index_cast %get3A_2430 : i32 to index
      %get3A_2432 = arith.constant 48 : index
      %get3A_2433 = tpu.vector_load %arg17[%get3A_2431, %get3A_2432] {strides = array<i32>} : memref<50x64xf32, #tpu.memory_space<vmem>>, vector<16xf32>,
      %add3A_2434 = arith.addf %add3A_2414, %get3A_2433 : vector<16xf32>
      %get3A_2435 = arith.constant 15 : i32
      %get3A_2436 = arith.index_cast %get3A_2435 : i32 to index
      %get3A_2437 = arith.constant 0 : index
      %get3A_2438 = tpu.vector_load %arg17[%get3A_2436, %get3A_2437] {strides = array<i32>} : memref<50x64xf32, #tpu.memory_space<vmem>>, vector<16xf32>,
      %add3A_2439 = arith.addf %add3A_2419, %get3A_2438 : vector<16xf32>
      %get3A_2440 = arith.constant 15 : i32
      %get3A_2441 = arith.index_cast %get3A_2440 : i32 to index
      %get3A_2442 = arith.constant 16 : index
      %get3A_2443 = tpu.vector_load %arg17[%get3A_2441, %get3A_2442] {strides = array<i32>} : memref<50x64xf32, #tpu.memory_space<vmem>>, vector<16xf32>,
      %add3A_2444 = arith.addf %add3A_2424, %get3A_2443 : vector<16xf32>
      %get3A_2445 = arith.constant 15 : i32
      %get3A_2446 = arith.index_cast %get3A_2445 : i32 to index
      %get3A_2447 = arith.constant 32 : index
      %get3A_2448 = tpu.vector_load %arg17[%get3A_2446, %get3A_2447] {strides = array<i32>} : memref<50x64xf32, #tpu.memory_space<vmem>>, vector<16xf32>,
      %add3A_2449 = arith.addf %add3A_2429, %get3A_2448 : vector<16xf32>
      %get3A_2450 = arith.constant 15 : i32
      %get3A_2451 = arith.index_cast %get3A_2450 : i32 to index
      %get3A_2452 = arith.constant 48 : index
      %get3A_2453 = tpu.vector_load %arg17[%get3A_2451, %get3A_2452] {strides = array<i32>} : memref<50x64xf32, #tpu.memory_space<vmem>>, vector<16xf32>,
      %add3A_2454 = arith.addf %add3A_2434, %get3A_2453 : vector<16xf32>
      %get3A_2455 = arith.constant 16 : i32
      %get3A_2456 = arith.index_cast %get3A_2455 : i32 to index
      %get3A_2457 = arith.constant 0 : index
      %get3A_2458 = tpu.vector_load %arg17[%get3A_2456, %get3A_2457] {strides = array<i32>} : memref<50x64xf32, #tpu.memory_space<vmem>>, vector<16xf32>,
      %add3A_2459 = arith.addf %add3A_2439, %get3A_2458 : vector<16xf32>
      %get3A_2460 = arith.constant 16 : i32
      %get3A_2461 = arith.index_cast %get3A_2460 : i32 to index
      %get3A_2462 = arith.constant 16 : index
      %get3A_2463 = tpu.vector_load %arg17[%get3A_2461, %get3A_2462] {strides = array<i32>} : memref<50x64xf32, #tpu.memory_space<vmem>>, vector<16xf32>,
      %add3A_2464 = arith.addf %add3A_2444, %get3A_2463 : vector<16xf32>
      %get3A_2465 = arith.constant 16 : i32
      %get3A_2466 = arith.index_cast %get3A_2465 : i32 to index
      %get3A_2467 = arith.constant 32 : index
      %get3A_2468 = tpu.vector_load %arg17[%get3A_2466, %get3A_2467] {strides = array<i32>} : memref<50x64xf32, #tpu.memory_space<vmem>>, vector<16xf32>,
      %add3A_2469 = arith.addf %add3A_2449, %get3A_2468 : vector<16xf32>
      %get3A_2470 = arith.constant 16 : i32
      %get3A_2471 = arith.index_cast %get3A_2470 : i32 to index
      %get3A_2472 = arith.constant 48 : index
      %get3A_2473 = tpu.vector_load %arg17[%get3A_2471, %get3A_2472] {strides = array<i32>} : memref<50x64xf32, #tpu.memory_space<vmem>>, vector<16xf32>,
      %add3A_2474 = arith.addf %add3A_2454, %get3A_2473 : vector<16xf32>
      %get3A_2475 = arith.constant 17 : i32
      %get3A_2476 = arith.index_cast %get3A_2475 : i32 to index
      %get3A_2477 = arith.constant 0 : index
      %get3A_2478 = tpu.vector_load %arg17[%get3A_2476, %get3A_2477] {strides = array<i32>} : memref<50x64xf32, #tpu.memory_space<vmem>>, vector<16xf32>,
      %add3A_2479 = arith.addf %add3A_2459, %get3A_2478 : vector<16xf32>
      %get3A_2480 = arith.constant 17 : i32
      %get3A_2481 = arith.index_cast %get3A_2480 : i32 to index
      %get3A_2482 = arith.constant 16 : index
      %get3A_2483 = tpu.vector_load %arg17[%get3A_2481, %get3A_2482] {strides = array<i32>} : memref<50x64xf32, #tpu.memory_space<vmem>>, vector<16xf32>,
      %add3A_2484 = arith.addf %add3A_2464, %get3A_2483 : vector<16xf32>
      %get3A_2485 = arith.constant 17 : i32
      %get3A_2486 = arith.index_cast %get3A_2485 : i32 to index
      %get3A_2487 = arith.constant 32 : index
      %get3A_2488 = tpu.vector_load %arg17[%get3A_2486, %get3A_2487] {strides = array<i32>} : memref<50x64xf32, #tpu.memory_space<vmem>>, vector<16xf32>,
      %add3A_2489 = arith.addf %add3A_2469, %get3A_2488 : vector<16xf32>
      %get3A_2490 = arith.constant 17 : i32
      %get3A_2491 = arith.index_cast %get3A_2490 : i32 to index
      %get3A_2492 = arith.constant 48 : index
      %get3A_2493 = tpu.vector_load %arg17[%get3A_2491, %get3A_2492] {strides = array<i32>} : memref<50x64xf32, #tpu.memory_space<vmem>>, vector<16xf32>,
      %add3A_2494 = arith.addf %add3A_2474, %get3A_2493 : vector<16xf32>
      %get3A_2495 = arith.constant 18 : i32
      %get3A_2496 = arith.index_cast %get3A_2495 : i32 to index
      %get3A_2497 = arith.constant 0 : index
      %get3A_2498 = tpu.vector_load %arg17[%get3A_2496, %get3A_2497] {strides = array<i32>} : memref<50x64xf32, #tpu.memory_space<vmem>>, vector<16xf32>,
      %add3A_2499 = arith.addf %add3A_2479, %get3A_2498 : vector<16xf32>
      %get3A_2500 = arith.constant 18 : i32
      %get3A_2501 = arith.index_cast %get3A_2500 : i32 to index
      %get3A_2502 = arith.constant 16 : index
      %get3A_2503 = tpu.vector_load %arg17[%get3A_2501, %get3A_2502] {strides = array<i32>} : memref<50x64xf32, #tpu.memory_space<vmem>>, vector<16xf32>,
      %add3A_2504 = arith.addf %add3A_2484, %get3A_2503 : vector<16xf32>
      %get3A_2505 = arith.constant 18 : i32
      %get3A_2506 = arith.index_cast %get3A_2505 : i32 to index
      %get3A_2507 = arith.constant 32 : index
      %get3A_2508 = tpu.vector_load %arg17[%get3A_2506, %get3A_2507] {strides = array<i32>} : memref<50x64xf32, #tpu.memory_space<vmem>>, vector<16xf32>,
      %add3A_2509 = arith.addf %add3A_2489, %get3A_2508 : vector<16xf32>
      %get3A_2510 = arith.constant 18 : i32
      %get3A_2511 = arith.index_cast %get3A_2510 : i32 to index
      %get3A_2512 = arith.constant 48 : index
      %get3A_2513 = tpu.vector_load %arg17[%get3A_2511, %get3A_2512] {strides = array<i32>} : memref<50x64xf32, #tpu.memory_space<vmem>>, vector<16xf32>,
      %add3A_2514 = arith.addf %add3A_2494, %get3A_2513 : vector<16xf32>
      %get3A_2515 = arith.constant 19 : i32
      %get3A_2516 = arith.index_cast %get3A_2515 : i32 to index
      %get3A_2517 = arith.constant 0 : index
      %get3A_2518 = tpu.vector_load %arg17[%get3A_2516, %get3A_2517] {strides = array<i32>} : memref<50x64xf32, #tpu.memory_space<vmem>>, vector<16xf32>,
      %add3A_2519 = arith.addf %add3A_2499, %get3A_2518 : vector<16xf32>
      %get3A_2520 = arith.constant 19 : i32
      %get3A_2521 = arith.index_cast %get3A_2520 : i32 to index
      %get3A_2522 = arith.constant 16 : index
      %get3A_2523 = tpu.vector_load %arg17[%get3A_2521, %get3A_2522] {strides = array<i32>} : memref<50x64xf32, #tpu.memory_space<vmem>>, vector<16xf32>,
      %add3A_2524 = arith.addf %add3A_2504, %get3A_2523 : vector<16xf32>
      %get3A_2525 = arith.constant 19 : i32
      %get3A_2526 = arith.index_cast %get3A_2525 : i32 to index
      %get3A_2527 = arith.constant 32 : index
      %get3A_2528 = tpu.vector_load %arg17[%get3A_2526, %get3A_2527] {strides = array<i32>} : memref<50x64xf32, #tpu.memory_space<vmem>>, vector<16xf32>,
      %add3A_2529 = arith.addf %add3A_2509, %get3A_2528 : vector<16xf32>
      %get3A_2530 = arith.constant 19 : i32
      %get3A_2531 = arith.index_cast %get3A_2530 : i32 to index
      %get3A_2532 = arith.constant 48 : index
      %get3A_2533 = tpu.vector_load %arg17[%get3A_2531, %get3A_2532] {strides = array<i32>} : memref<50x64xf32, #tpu.memory_space<vmem>>, vector<16xf32>,
      %add3A_2534 = arith.addf %add3A_2514, %get3A_2533 : vector<16xf32>
      %get3A_2535 = arith.constant 20 : i32
      %get3A_2536 = arith.index_cast %get3A_2535 : i32 to index
      %get3A_2537 = arith.constant 0 : index
      %get3A_2538 = tpu.vector_load %arg17[%get3A_2536, %get3A_2537] {strides = array<i32>} : memref<50x64xf32, #tpu.memory_space<vmem>>, vector<16xf32>,
      %add3A_2539 = arith.addf %add3A_2519, %get3A_2538 : vector<16xf32>
      %get3A_2540 = arith.constant 20 : i32
      %get3A_2541 = arith.index_cast %get3A_2540 : i32 to index
      %get3A_2542 = arith.constant 16 : index
      %get3A_2543 = tpu.vector_load %arg17[%get3A_2541, %get3A_2542] {strides = array<i32>} : memref<50x64xf32, #tpu.memory_space<vmem>>, vector<16xf32>,
      %add3A_2544 = arith.addf %add3A_2524, %get3A_2543 : vector<16xf32>
      %get3A_2545 = arith.constant 20 : i32
      %get3A_2546 = arith.index_cast %get3A_2545 : i32 to index
      %get3A_2547 = arith.constant 32 : index
      %get3A_2548 = tpu.vector_load %arg17[%get3A_2546, %get3A_2547] {strides = array<i32>} : memref<50x64xf32, #tpu.memory_space<vmem>>, vector<16xf32>,
      %add3A_2549 = arith.addf %add3A_2529, %get3A_2548 : vector<16xf32>
      %get3A_2550 = arith.constant 20 : i32
      %get3A_2551 = arith.index_cast %get3A_2550 : i32 to index
      %get3A_2552 = arith.constant 48 : index
      %get3A_2553 = tpu.vector_load %arg17[%get3A_2551, %get3A_2552] {strides = array<i32>} : memref<50x64xf32, #tpu.memory_space<vmem>>, vector<16xf32>,
      %add3A_2554 = arith.addf %add3A_2534, %get3A_2553 : vector<16xf32>
      %get3A_2555 = arith.constant 21 : i32
      %get3A_2556 = arith.index_cast %get3A_2555 : i32 to index
      %get3A_2557 = arith.constant 0 : index
      %get3A_2558 = tpu.vector_load %arg17[%get3A_2556, %get3A_2557] {strides = array<i32>} : memref<50x64xf32, #tpu.memory_space<vmem>>, vector<16xf32>,
      %add3A_2559 = arith.addf %add3A_2539, %get3A_2558 : vector<16xf32>
      %get3A_2560 = arith.constant 21 : i32
      %get3A_2561 = arith.index_cast %get3A_2560 : i32 to index
      %get3A_2562 = arith.constant 16 : index
      %get3A_2563 = tpu.vector_load %arg17[%get3A_2561, %get3A_2562] {strides = array<i32>} : memref<50x64xf32, #tpu.memory_space<vmem>>, vector<16xf32>,
      %add3A_2564 = arith.addf %add3A_2544, %get3A_2563 : vector<16xf32>
      %get3A_2565 = arith.constant 21 : i32
      %get3A_2566 = arith.index_cast %get3A_2565 : i32 to index
      %get3A_2567 = arith.constant 32 : index
      %get3A_2568 = tpu.vector_load %arg17[%get3A_2566, %get3A_2567] {strides = array<i32>} : memref<50x64xf32, #tpu.memory_space<vmem>>, vector<16xf32>,
      %add3A_2569 = arith.addf %add3A_2549, %get3A_2568 : vector<16xf32>
      %get3A_2570 = arith.constant 21 : i32
      %get3A_2571 = arith.index_cast %get3A_2570 : i32 to index
      %get3A_2572 = arith.constant 48 : index
      %get3A_2573 = tpu.vector_load %arg17[%get3A_2571, %get3A_2572] {strides = array<i32>} : memref<50x64xf32, #tpu.memory_space<vmem>>, vector<16xf32>,
      %add3A_2574 = arith.addf %add3A_2554, %get3A_2573 : vector<16xf32>
      %get3A_2575 = arith.constant 22 : i32
      %get3A_2576 = arith.index_cast %get3A_2575 : i32 to index
      %get3A_2577 = arith.constant 0 : index
      %get3A_2578 = tpu.vector_load %arg17[%get3A_2576, %get3A_2577] {strides = array<i32>} : memref<50x64xf32, #tpu.memory_space<vmem>>, vector<16xf32>,
      %add3A_2579 = arith.addf %add3A_2559, %get3A_2578 : vector<16xf32>
      %get3A_2580 = arith.constant 22 : i32
      %get3A_2581 = arith.index_cast %get3A_2580 : i32 to index
      %get3A_2582 = arith.constant 16 : index
      %get3A_2583 = tpu.vector_load %arg17[%get3A_2581, %get3A_2582] {strides = array<i32>} : memref<50x64xf32, #tpu.memory_space<vmem>>, vector<16xf32>,
      %add3A_2584 = arith.addf %add3A_2564, %get3A_2583 : vector<16xf32>
      %get3A_2585 = arith.constant 22 : i32
      %get3A_2586 = arith.index_cast %get3A_2585 : i32 to index
      %get3A_2587 = arith.constant 32 : index
      %get3A_2588 = tpu.vector_load %arg17[%get3A_2586, %get3A_2587] {strides = array<i32>} : memref<50x64xf32, #tpu.memory_space<vmem>>, vector<16xf32>,
      %add3A_2589 = arith.addf %add3A_2569, %get3A_2588 : vector<16xf32>
      %get3A_2590 = arith.constant 22 : i32
      %get3A_2591 = arith.index_cast %get3A_2590 : i32 to index
      %get3A_2592 = arith.constant 48 : index
      %get3A_2593 = tpu.vector_load %arg17[%get3A_2591, %get3A_2592] {strides = array<i32>} : memref<50x64xf32, #tpu.memory_space<vmem>>, vector<16xf32>,
      %add3A_2594 = arith.addf %add3A_2574, %get3A_2593 : vector<16xf32>
      %get3A_2595 = arith.constant 23 : i32
      %get3A_2596 = arith.index_cast %get3A_2595 : i32 to index
      %get3A_2597 = arith.constant 0 : index
      %get3A_2598 = tpu.vector_load %arg17[%get3A_2596, %get3A_2597] {strides = array<i32>} : memref<50x64xf32, #tpu.memory_space<vmem>>, vector<16xf32>,
      %add3A_2599 = arith.addf %add3A_2579, %get3A_2598 : vector<16xf32>
      %get3A_2600 = arith.constant 23 : i32
      %get3A_2601 = arith.index_cast %get3A_2600 : i32 to index
      %get3A_2602 = arith.constant 16 : index
      %get3A_2603 = tpu.vector_load %arg17[%get3A_2601, %get3A_2602] {strides = array<i32>} : memref<50x64xf32, #tpu.memory_space<vmem>>, vector<16xf32>,
      %add3A_2604 = arith.addf %add3A_2584, %get3A_2603 : vector<16xf32>
      %get3A_2605 = arith.constant 23 : i32
      %get3A_2606 = arith.index_cast %get3A_2605 : i32 to index
      %get3A_2607 = arith.constant 32 : index
      %get3A_2608 = tpu.vector_load %arg17[%get3A_2606, %get3A_2607] {strides = array<i32>} : memref<50x64xf32, #tpu.memory_space<vmem>>, vector<16xf32>,
      %add3A_2609 = arith.addf %add3A_2589, %get3A_2608 : vector<16xf32>
      %get3A_2610 = arith.constant 23 : i32
      %get3A_2611 = arith.index_cast %get3A_2610 : i32 to index
      %get3A_2612 = arith.constant 48 : index
      %get3A_2613 = tpu.vector_load %arg17[%get3A_2611, %get3A_2612] {strides = array<i32>} : memref<50x64xf32, #tpu.memory_space<vmem>>, vector<16xf32>,
      %add3A_2614 = arith.addf %add3A_2594, %get3A_2613 : vector<16xf32>
      %get3A_2615 = arith.constant 24 : i32
      %get3A_2616 = arith.index_cast %get3A_2615 : i32 to index
      %get3A_2617 = arith.constant 0 : index
      %get3A_2618 = tpu.vector_load %arg17[%get3A_2616, %get3A_2617] {strides = array<i32>} : memref<50x64xf32, #tpu.memory_space<vmem>>, vector<16xf32>,
      %add3A_2619 = arith.addf %add3A_2599, %get3A_2618 : vector<16xf32>
      %get3A_2620 = arith.constant 24 : i32
      %get3A_2621 = arith.index_cast %get3A_2620 : i32 to index
      %get3A_2622 = arith.constant 16 : index
      %get3A_2623 = tpu.vector_load %arg17[%get3A_2621, %get3A_2622] {strides = array<i32>} : memref<50x64xf32, #tpu.memory_space<vmem>>, vector<16xf32>,
      %add3A_2624 = arith.addf %add3A_2604, %get3A_2623 : vector<16xf32>
      %get3A_2625 = arith.constant 24 : i32
      %get3A_2626 = arith.index_cast %get3A_2625 : i32 to index
      %get3A_2627 = arith.constant 32 : index
      %get3A_2628 = tpu.vector_load %arg17[%get3A_2626, %get3A_2627] {strides = array<i32>} : memref<50x64xf32, #tpu.memory_space<vmem>>, vector<16xf32>,
      %add3A_2629 = arith.addf %add3A_2609, %get3A_2628 : vector<16xf32>
      %get3A_2630 = arith.constant 24 : i32
      %get3A_2631 = arith.index_cast %get3A_2630 : i32 to index
      %get3A_2632 = arith.constant 48 : index
      %get3A_2633 = tpu.vector_load %arg17[%get3A_2631, %get3A_2632] {strides = array<i32>} : memref<50x64xf32, #tpu.memory_space<vmem>>, vector<16xf32>,
      %add3A_2634 = arith.addf %add3A_2614, %get3A_2633 : vector<16xf32>
      %get3A_2635 = arith.constant 25 : i32
      %get3A_2636 = arith.index_cast %get3A_2635 : i32 to index
      %get3A_2637 = arith.constant 0 : index
      %get3A_2638 = tpu.vector_load %arg17[%get3A_2636, %get3A_2637] {strides = array<i32>} : memref<50x64xf32, #tpu.memory_space<vmem>>, vector<16xf32>,
      %add3A_2639 = arith.addf %add3A_2619, %get3A_2638 : vector<16xf32>
      %get3A_2640 = arith.constant 25 : i32
      %get3A_2641 = arith.index_cast %get3A_2640 : i32 to index
      %get3A_2642 = arith.constant 16 : index
      %get3A_2643 = tpu.vector_load %arg17[%get3A_2641, %get3A_2642] {strides = array<i32>} : memref<50x64xf32, #tpu.memory_space<vmem>>, vector<16xf32>,
      %add3A_2644 = arith.addf %add3A_2624, %get3A_2643 : vector<16xf32>
      %get3A_2645 = arith.constant 25 : i32
      %get3A_2646 = arith.index_cast %get3A_2645 : i32 to index
      %get3A_2647 = arith.constant 32 : index
      %get3A_2648 = tpu.vector_load %arg17[%get3A_2646, %get3A_2647] {strides = array<i32>} : memref<50x64xf32, #tpu.memory_space<vmem>>, vector<16xf32>,
      %add3A_2649 = arith.addf %add3A_2629, %get3A_2648 : vector<16xf32>
      %get3A_2650 = arith.constant 25 : i32
      %get3A_2651 = arith.index_cast %get3A_2650 : i32 to index
      %get3A_2652 = arith.constant 48 : index
      %get3A_2653 = tpu.vector_load %arg17[%get3A_2651, %get3A_2652] {strides = array<i32>} : memref<50x64xf32, #tpu.memory_space<vmem>>, vector<16xf32>,
      %add3A_2654 = arith.addf %add3A_2634, %get3A_2653 : vector<16xf32>
      %get3A_2655 = arith.constant 26 : i32
      %get3A_2656 = arith.index_cast %get3A_2655 : i32 to index
      %get3A_2657 = arith.constant 0 : index
      %get3A_2658 = tpu.vector_load %arg17[%get3A_2656, %get3A_2657] {strides = array<i32>} : memref<50x64xf32, #tpu.memory_space<vmem>>, vector<16xf32>,
      %add3A_2659 = arith.addf %add3A_2639, %get3A_2658 : vector<16xf32>
      %get3A_2660 = arith.constant 26 : i32
      %get3A_2661 = arith.index_cast %get3A_2660 : i32 to index
      %get3A_2662 = arith.constant 16 : index
      %get3A_2663 = tpu.vector_load %arg17[%get3A_2661, %get3A_2662] {strides = array<i32>} : memref<50x64xf32, #tpu.memory_space<vmem>>, vector<16xf32>,
      %add3A_2664 = arith.addf %add3A_2644, %get3A_2663 : vector<16xf32>
      %get3A_2665 = arith.constant 26 : i32
      %get3A_2666 = arith.index_cast %get3A_2665 : i32 to index
      %get3A_2667 = arith.constant 32 : index
      %get3A_2668 = tpu.vector_load %arg17[%get3A_2666, %get3A_2667] {strides = array<i32>} : memref<50x64xf32, #tpu.memory_space<vmem>>, vector<16xf32>,
      %add3A_2669 = arith.addf %add3A_2649, %get3A_2668 : vector<16xf32>
      %get3A_2670 = arith.constant 26 : i32
      %get3A_2671 = arith.index_cast %get3A_2670 : i32 to index
      %get3A_2672 = arith.constant 48 : index
      %get3A_2673 = tpu.vector_load %arg17[%get3A_2671, %get3A_2672] {strides = array<i32>} : memref<50x64xf32, #tpu.memory_space<vmem>>, vector<16xf32>,
      %add3A_2674 = arith.addf %add3A_2654, %get3A_2673 : vector<16xf32>
      %get3A_2675 = arith.constant 27 : i32
      %get3A_2676 = arith.index_cast %get3A_2675 : i32 to index
      %get3A_2677 = arith.constant 0 : index
      %get3A_2678 = tpu.vector_load %arg17[%get3A_2676, %get3A_2677] {strides = array<i32>} : memref<50x64xf32, #tpu.memory_space<vmem>>, vector<16xf32>,
      %add3A_2679 = arith.addf %add3A_2659, %get3A_2678 : vector<16xf32>
      %get3A_2680 = arith.constant 27 : i32
      %get3A_2681 = arith.index_cast %get3A_2680 : i32 to index
      %get3A_2682 = arith.constant 16 : index
      %get3A_2683 = tpu.vector_load %arg17[%get3A_2681, %get3A_2682] {strides = array<i32>} : memref<50x64xf32, #tpu.memory_space<vmem>>, vector<16xf32>,
      %add3A_2684 = arith.addf %add3A_2664, %get3A_2683 : vector<16xf32>
      %get3A_2685 = arith.constant 27 : i32
      %get3A_2686 = arith.index_cast %get3A_2685 : i32 to index
      %get3A_2687 = arith.constant 32 : index
      %get3A_2688 = tpu.vector_load %arg17[%get3A_2686, %get3A_2687] {strides = array<i32>} : memref<50x64xf32, #tpu.memory_space<vmem>>, vector<16xf32>,
      %add3A_2689 = arith.addf %add3A_2669, %get3A_2688 : vector<16xf32>
      %get3A_2690 = arith.constant 27 : i32
      %get3A_2691 = arith.index_cast %get3A_2690 : i32 to index
      %get3A_2692 = arith.constant 48 : index
      %get3A_2693 = tpu.vector_load %arg17[%get3A_2691, %get3A_2692] {strides = array<i32>} : memref<50x64xf32, #tpu.memory_space<vmem>>, vector<16xf32>,
      %add3A_2694 = arith.addf %add3A_2674, %get3A_2693 : vector<16xf32>
      %get3A_2695 = arith.constant 28 : i32
      %get3A_2696 = arith.index_cast %get3A_2695 : i32 to index
      %get3A_2697 = arith.constant 0 : index
      %get3A_2698 = tpu.vector_load %arg17[%get3A_2696, %get3A_2697] {strides = array<i32>} : memref<50x64xf32, #tpu.memory_space<vmem>>, vector<16xf32>,
      %add3A_2699 = arith.addf %add3A_2679, %get3A_2698 : vector<16xf32>
      %get3A_2700 = arith.constant 28 : i32
      %get3A_2701 = arith.index_cast %get3A_2700 : i32 to index
      %get3A_2702 = arith.constant 16 : index
      %get3A_2703 = tpu.vector_load %arg17[%get3A_2701, %get3A_2702] {strides = array<i32>} : memref<50x64xf32, #tpu.memory_space<vmem>>, vector<16xf32>,
      %add3A_2704 = arith.addf %add3A_2684, %get3A_2703 : vector<16xf32>
      %get3A_2705 = arith.constant 28 : i32
      %get3A_2706 = arith.index_cast %get3A_2705 : i32 to index
      %get3A_2707 = arith.constant 32 : index
      %get3A_2708 = tpu.vector_load %arg17[%get3A_2706, %get3A_2707] {strides = array<i32>} : memref<50x64xf32, #tpu.memory_space<vmem>>, vector<16xf32>,
      %add3A_2709 = arith.addf %add3A_2689, %get3A_2708 : vector<16xf32>
      %get3A_2710 = arith.constant 28 : i32
      %get3A_2711 = arith.index_cast %get3A_2710 : i32 to index
      %get3A_2712 = arith.constant 48 : index
      %get3A_2713 = tpu.vector_load %arg17[%get3A_2711, %get3A_2712] {strides = array<i32>} : memref<50x64xf32, #tpu.memory_space<vmem>>, vector<16xf32>,
      %add3A_2714 = arith.addf %add3A_2694, %get3A_2713 : vector<16xf32>
      %get3A_2715 = arith.constant 29 : i32
      %get3A_2716 = arith.index_cast %get3A_2715 : i32 to index
      %get3A_2717 = arith.constant 0 : index
      %get3A_2718 = tpu.vector_load %arg17[%get3A_2716, %get3A_2717] {strides = array<i32>} : memref<50x64xf32, #tpu.memory_space<vmem>>, vector<16xf32>,
      %add3A_2719 = arith.addf %add3A_2699, %get3A_2718 : vector<16xf32>
      %get3A_2720 = arith.constant 29 : i32
      %get3A_2721 = arith.index_cast %get3A_2720 : i32 to index
      %get3A_2722 = arith.constant 16 : index
      %get3A_2723 = tpu.vector_load %arg17[%get3A_2721, %get3A_2722] {strides = array<i32>} : memref<50x64xf32, #tpu.memory_space<vmem>>, vector<16xf32>,
      %add3A_2724 = arith.addf %add3A_2704, %get3A_2723 : vector<16xf32>
      %get3A_2725 = arith.constant 29 : i32
      %get3A_2726 = arith.index_cast %get3A_2725 : i32 to index
      %get3A_2727 = arith.constant 32 : index
      %get3A_2728 = tpu.vector_load %arg17[%get3A_2726, %get3A_2727] {strides = array<i32>} : memref<50x64xf32, #tpu.memory_space<vmem>>, vector<16xf32>,
      %add3A_2729 = arith.addf %add3A_2709, %get3A_2728 : vector<16xf32>
      %get3A_2730 = arith.constant 29 : i32
      %get3A_2731 = arith.index_cast %get3A_2730 : i32 to index
      %get3A_2732 = arith.constant 48 : index
      %get3A_2733 = tpu.vector_load %arg17[%get3A_2731, %get3A_2732] {strides = array<i32>} : memref<50x64xf32, #tpu.memory_space<vmem>>, vector<16xf32>,
      %add3A_2734 = arith.addf %add3A_2714, %get3A_2733 : vector<16xf32>
      %get3A_2735 = arith.constant 30 : i32
      %get3A_2736 = arith.index_cast %get3A_2735 : i32 to index
      %get3A_2737 = arith.constant 0 : index
      %get3A_2738 = tpu.vector_load %arg17[%get3A_2736, %get3A_2737] {strides = array<i32>} : memref<50x64xf32, #tpu.memory_space<vmem>>, vector<16xf32>,
      %add3A_2739 = arith.addf %add3A_2719, %get3A_2738 : vector<16xf32>
      %get3A_2740 = arith.constant 30 : i32
      %get3A_2741 = arith.index_cast %get3A_2740 : i32 to index
      %get3A_2742 = arith.constant 16 : index
      %get3A_2743 = tpu.vector_load %arg17[%get3A_2741, %get3A_2742] {strides = array<i32>} : memref<50x64xf32, #tpu.memory_space<vmem>>, vector<16xf32>,
      %add3A_2744 = arith.addf %add3A_2724, %get3A_2743 : vector<16xf32>
      %get3A_2745 = arith.constant 30 : i32
      %get3A_2746 = arith.index_cast %get3A_2745 : i32 to index
      %get3A_2747 = arith.constant 32 : index
      %get3A_2748 = tpu.vector_load %arg17[%get3A_2746, %get3A_2747] {strides = array<i32>} : memref<50x64xf32, #tpu.memory_space<vmem>>, vector<16xf32>,
      %add3A_2749 = arith.addf %add3A_2729, %get3A_2748 : vector<16xf32>
      %get3A_2750 = arith.constant 30 : i32
      %get3A_2751 = arith.index_cast %get3A_2750 : i32 to index
      %get3A_2752 = arith.constant 48 : index
      %get3A_2753 = tpu.vector_load %arg17[%get3A_2751, %get3A_2752] {strides = array<i32>} : memref<50x64xf32, #tpu.memory_space<vmem>>, vector<16xf32>,
      %add3A_2754 = arith.addf %add3A_2734, %get3A_2753 : vector<16xf32>
      %get3A_2755 = arith.constant 31 : i32
      %get3A_2756 = arith.index_cast %get3A_2755 : i32 to index
      %get3A_2757 = arith.constant 0 : index
      %get3A_2758 = tpu.vector_load %arg17[%get3A_2756, %get3A_2757] {strides = array<i32>} : memref<50x64xf32, #tpu.memory_space<vmem>>, vector<16xf32>,
      %add3A_2759 = arith.addf %add3A_2739, %get3A_2758 : vector<16xf32>
      %get3A_2760 = arith.constant 31 : i32
      %get3A_2761 = arith.index_cast %get3A_2760 : i32 to index
      %get3A_2762 = arith.constant 16 : index
      %get3A_2763 = tpu.vector_load %arg17[%get3A_2761, %get3A_2762] {strides = array<i32>} : memref<50x64xf32, #tpu.memory_space<vmem>>, vector<16xf32>,
      %add3A_2764 = arith.addf %add3A_2744, %get3A_2763 : vector<16xf32>
      %get3A_2765 = arith.constant 31 : i32
      %get3A_2766 = arith.index_cast %get3A_2765 : i32 to index
      %get3A_2767 = arith.constant 32 : index
      %get3A_2768 = tpu.vector_load %arg17[%get3A_2766, %get3A_2767] {strides = array<i32>} : memref<50x64xf32, #tpu.memory_space<vmem>>, vector<16xf32>,
      %add3A_2769 = arith.addf %add3A_2749, %get3A_2768 : vector<16xf32>
      %get3A_2770 = arith.constant 31 : i32
      %get3A_2771 = arith.index_cast %get3A_2770 : i32 to index
      %get3A_2772 = arith.constant 48 : index
      %get3A_2773 = tpu.vector_load %arg17[%get3A_2771, %get3A_2772] {strides = array<i32>} : memref<50x64xf32, #tpu.memory_space<vmem>>, vector<16xf32>,
      %add3A_2774 = arith.addf %add3A_2754, %get3A_2773 : vector<16xf32>
      %get3A_2775 = arith.constant 32 : i32
      %get3A_2776 = arith.index_cast %get3A_2775 : i32 to index
      %get3A_2777 = arith.constant 0 : index
      %get3A_2778 = tpu.vector_load %arg17[%get3A_2776, %get3A_2777] {strides = array<i32>} : memref<50x64xf32, #tpu.memory_space<vmem>>, vector<16xf32>,
      %add3A_2779 = arith.addf %add3A_2759, %get3A_2778 : vector<16xf32>
      %get3A_2780 = arith.constant 32 : i32
      %get3A_2781 = arith.index_cast %get3A_2780 : i32 to index
      %get3A_2782 = arith.constant 16 : index
      %get3A_2783 = tpu.vector_load %arg17[%get3A_2781, %get3A_2782] {strides = array<i32>} : memref<50x64xf32, #tpu.memory_space<vmem>>, vector<16xf32>,
      %add3A_2784 = arith.addf %add3A_2764, %get3A_2783 : vector<16xf32>
      %get3A_2785 = arith.constant 32 : i32
      %get3A_2786 = arith.index_cast %get3A_2785 : i32 to index
      %get3A_2787 = arith.constant 32 : index
      %get3A_2788 = tpu.vector_load %arg17[%get3A_2786, %get3A_2787] {strides = array<i32>} : memref<50x64xf32, #tpu.memory_space<vmem>>, vector<16xf32>,
      %add3A_2789 = arith.addf %add3A_2769, %get3A_2788 : vector<16xf32>
      %get3A_2790 = arith.constant 32 : i32
      %get3A_2791 = arith.index_cast %get3A_2790 : i32 to index
      %get3A_2792 = arith.constant 48 : index
      %get3A_2793 = tpu.vector_load %arg17[%get3A_2791, %get3A_2792] {strides = array<i32>} : memref<50x64xf32, #tpu.memory_space<vmem>>, vector<16xf32>,
      %add3A_2794 = arith.addf %add3A_2774, %get3A_2793 : vector<16xf32>
      %get3A_2795 = arith.constant 33 : i32
      %get3A_2796 = arith.index_cast %get3A_2795 : i32 to index
      %get3A_2797 = arith.constant 0 : index
      %get3A_2798 = tpu.vector_load %arg17[%get3A_2796, %get3A_2797] {strides = array<i32>} : memref<50x64xf32, #tpu.memory_space<vmem>>, vector<16xf32>,
      %add3A_2799 = arith.addf %add3A_2779, %get3A_2798 : vector<16xf32>
      %get3A_2800 = arith.constant 33 : i32
      %get3A_2801 = arith.index_cast %get3A_2800 : i32 to index
      %get3A_2802 = arith.constant 16 : index
      %get3A_2803 = tpu.vector_load %arg17[%get3A_2801, %get3A_2802] {strides = array<i32>} : memref<50x64xf32, #tpu.memory_space<vmem>>, vector<16xf32>,
      %add3A_2804 = arith.addf %add3A_2784, %get3A_2803 : vector<16xf32>
      %get3A_2805 = arith.constant 33 : i32
      %get3A_2806 = arith.index_cast %get3A_2805 : i32 to index
      %get3A_2807 = arith.constant 32 : index
      %get3A_2808 = tpu.vector_load %arg17[%get3A_2806, %get3A_2807] {strides = array<i32>} : memref<50x64xf32, #tpu.memory_space<vmem>>, vector<16xf32>,
      %add3A_2809 = arith.addf %add3A_2789, %get3A_2808 : vector<16xf32>
      %get3A_2810 = arith.constant 33 : i32
      %get3A_2811 = arith.index_cast %get3A_2810 : i32 to index
      %get3A_2812 = arith.constant 48 : index
      %get3A_2813 = tpu.vector_load %arg17[%get3A_2811, %get3A_2812] {strides = array<i32>} : memref<50x64xf32, #tpu.memory_space<vmem>>, vector<16xf32>,
      %add3A_2814 = arith.addf %add3A_2794, %get3A_2813 : vector<16xf32>
      %get3A_2815 = arith.constant 34 : i32
      %get3A_2816 = arith.index_cast %get3A_2815 : i32 to index
      %get3A_2817 = arith.constant 0 : index
      %get3A_2818 = tpu.vector_load %arg17[%get3A_2816, %get3A_2817] {strides = array<i32>} : memref<50x64xf32, #tpu.memory_space<vmem>>, vector<16xf32>,
      %add3A_2819 = arith.addf %add3A_2799, %get3A_2818 : vector<16xf32>
      %get3A_2820 = arith.constant 34 : i32
      %get3A_2821 = arith.index_cast %get3A_2820 : i32 to index
      %get3A_2822 = arith.constant 16 : index
      %get3A_2823 = tpu.vector_load %arg17[%get3A_2821, %get3A_2822] {strides = array<i32>} : memref<50x64xf32, #tpu.memory_space<vmem>>, vector<16xf32>,
      %add3A_2824 = arith.addf %add3A_2804, %get3A_2823 : vector<16xf32>
      %get3A_2825 = arith.constant 34 : i32
      %get3A_2826 = arith.index_cast %get3A_2825 : i32 to index
      %get3A_2827 = arith.constant 32 : index
      %get3A_2828 = tpu.vector_load %arg17[%get3A_2826, %get3A_2827] {strides = array<i32>} : memref<50x64xf32, #tpu.memory_space<vmem>>, vector<16xf32>,
      %add3A_2829 = arith.addf %add3A_2809, %get3A_2828 : vector<16xf32>
      %get3A_2830 = arith.constant 34 : i32
      %get3A_2831 = arith.index_cast %get3A_2830 : i32 to index
      %get3A_2832 = arith.constant 48 : index
      %get3A_2833 = tpu.vector_load %arg17[%get3A_2831, %get3A_2832] {strides = array<i32>} : memref<50x64xf32, #tpu.memory_space<vmem>>, vector<16xf32>,
      %add3A_2834 = arith.addf %add3A_2814, %get3A_2833 : vector<16xf32>
      %get3A_2835 = arith.constant 35 : i32
      %get3A_2836 = arith.index_cast %get3A_2835 : i32 to index
      %get3A_2837 = arith.constant 0 : index
      %get3A_2838 = tpu.vector_load %arg17[%get3A_2836, %get3A_2837] {strides = array<i32>} : memref<50x64xf32, #tpu.memory_space<vmem>>, vector<16xf32>,
      %add3A_2839 = arith.addf %add3A_2819, %get3A_2838 : vector<16xf32>
      %get3A_2840 = arith.constant 35 : i32
      %get3A_2841 = arith.index_cast %get3A_2840 : i32 to index
      %get3A_2842 = arith.constant 16 : index
      %get3A_2843 = tpu.vector_load %arg17[%get3A_2841, %get3A_2842] {strides = array<i32>} : memref<50x64xf32, #tpu.memory_space<vmem>>, vector<16xf32>,
      %add3A_2844 = arith.addf %add3A_2824, %get3A_2843 : vector<16xf32>
      %get3A_2845 = arith.constant 35 : i32
      %get3A_2846 = arith.index_cast %get3A_2845 : i32 to index
      %get3A_2847 = arith.constant 32 : index
      %get3A_2848 = tpu.vector_load %arg17[%get3A_2846, %get3A_2847] {strides = array<i32>} : memref<50x64xf32, #tpu.memory_space<vmem>>, vector<16xf32>,
      %add3A_2849 = arith.addf %add3A_2829, %get3A_2848 : vector<16xf32>
      %get3A_2850 = arith.constant 35 : i32
      %get3A_2851 = arith.index_cast %get3A_2850 : i32 to index
      %get3A_2852 = arith.constant 48 : index
      %get3A_2853 = tpu.vector_load %arg17[%get3A_2851, %get3A_2852] {strides = array<i32>} : memref<50x64xf32, #tpu.memory_space<vmem>>, vector<16xf32>,
      %add3A_2854 = arith.addf %add3A_2834, %get3A_2853 : vector<16xf32>
      %get3A_2855 = arith.constant 36 : i32
      %get3A_2856 = arith.index_cast %get3A_2855 : i32 to index
      %get3A_2857 = arith.constant 0 : index
      %get3A_2858 = tpu.vector_load %arg17[%get3A_2856, %get3A_2857] {strides = array<i32>} : memref<50x64xf32, #tpu.memory_space<vmem>>, vector<16xf32>,
      %add3A_2859 = arith.addf %add3A_2839, %get3A_2858 : vector<16xf32>
      %get3A_2860 = arith.constant 36 : i32
      %get3A_2861 = arith.index_cast %get3A_2860 : i32 to index
      %get3A_2862 = arith.constant 16 : index
      %get3A_2863 = tpu.vector_load %arg17[%get3A_2861, %get3A_2862] {strides = array<i32>} : memref<50x64xf32, #tpu.memory_space<vmem>>, vector<16xf32>,
      %add3A_2864 = arith.addf %add3A_2844, %get3A_2863 : vector<16xf32>
      %get3A_2865 = arith.constant 36 : i32
      %get3A_2866 = arith.index_cast %get3A_2865 : i32 to index
      %get3A_2867 = arith.constant 32 : index
      %get3A_2868 = tpu.vector_load %arg17[%get3A_2866, %get3A_2867] {strides = array<i32>} : memref<50x64xf32, #tpu.memory_space<vmem>>, vector<16xf32>,
      %add3A_2869 = arith.addf %add3A_2849, %get3A_2868 : vector<16xf32>
      %get3A_2870 = arith.constant 36 : i32
      %get3A_2871 = arith.index_cast %get3A_2870 : i32 to index
      %get3A_2872 = arith.constant 48 : index
      %get3A_2873 = tpu.vector_load %arg17[%get3A_2871, %get3A_2872] {strides = array<i32>} : memref<50x64xf32, #tpu.memory_space<vmem>>, vector<16xf32>,
      %add3A_2874 = arith.addf %add3A_2854, %get3A_2873 : vector<16xf32>
      %get3A_2875 = arith.constant 37 : i32
      %get3A_2876 = arith.index_cast %get3A_2875 : i32 to index
      %get3A_2877 = arith.constant 0 : index
      %get3A_2878 = tpu.vector_load %arg17[%get3A_2876, %get3A_2877] {strides = array<i32>} : memref<50x64xf32, #tpu.memory_space<vmem>>, vector<16xf32>,
      %add3A_2879 = arith.addf %add3A_2859, %get3A_2878 : vector<16xf32>
      %get3A_2880 = arith.constant 37 : i32
      %get3A_2881 = arith.index_cast %get3A_2880 : i32 to index
      %get3A_2882 = arith.constant 16 : index
      %get3A_2883 = tpu.vector_load %arg17[%get3A_2881, %get3A_2882] {strides = array<i32>} : memref<50x64xf32, #tpu.memory_space<vmem>>, vector<16xf32>,
      %add3A_2884 = arith.addf %add3A_2864, %get3A_2883 : vector<16xf32>
      %get3A_2885 = arith.constant 37 : i32
      %get3A_2886 = arith.index_cast %get3A_2885 : i32 to index
      %get3A_2887 = arith.constant 32 : index
      %get3A_2888 = tpu.vector_load %arg17[%get3A_2886, %get3A_2887] {strides = array<i32>} : memref<50x64xf32, #tpu.memory_space<vmem>>, vector<16xf32>,
      %add3A_2889 = arith.addf %add3A_2869, %get3A_2888 : vector<16xf32>
      %get3A_2890 = arith.constant 37 : i32
      %get3A_2891 = arith.index_cast %get3A_2890 : i32 to index
      %get3A_2892 = arith.constant 48 : index
      %get3A_2893 = tpu.vector_load %arg17[%get3A_2891, %get3A_2892] {strides = array<i32>} : memref<50x64xf32, #tpu.memory_space<vmem>>, vector<16xf32>,
      %add3A_2894 = arith.addf %add3A_2874, %get3A_2893 : vector<16xf32>
      %get3A_2895 = arith.constant 38 : i32
      %get3A_2896 = arith.index_cast %get3A_2895 : i32 to index
      %get3A_2897 = arith.constant 0 : index
      %get3A_2898 = tpu.vector_load %arg17[%get3A_2896, %get3A_2897] {strides = array<i32>} : memref<50x64xf32, #tpu.memory_space<vmem>>, vector<16xf32>,
      %add3A_2899 = arith.addf %add3A_2879, %get3A_2898 : vector<16xf32>
      %get3A_2900 = arith.constant 38 : i32
      %get3A_2901 = arith.index_cast %get3A_2900 : i32 to index
      %get3A_2902 = arith.constant 16 : index
      %get3A_2903 = tpu.vector_load %arg17[%get3A_2901, %get3A_2902] {strides = array<i32>} : memref<50x64xf32, #tpu.memory_space<vmem>>, vector<16xf32>,
      %add3A_2904 = arith.addf %add3A_2884, %get3A_2903 : vector<16xf32>
      %get3A_2905 = arith.constant 38 : i32
      %get3A_2906 = arith.index_cast %get3A_2905 : i32 to index
      %get3A_2907 = arith.constant 32 : index
      %get3A_2908 = tpu.vector_load %arg17[%get3A_2906, %get3A_2907] {strides = array<i32>} : memref<50x64xf32, #tpu.memory_space<vmem>>, vector<16xf32>,
      %add3A_2909 = arith.addf %add3A_2889, %get3A_2908 : vector<16xf32>
      %get3A_2910 = arith.constant 38 : i32
      %get3A_2911 = arith.index_cast %get3A_2910 : i32 to index
      %get3A_2912 = arith.constant 48 : index
      %get3A_2913 = tpu.vector_load %arg17[%get3A_2911, %get3A_2912] {strides = array<i32>} : memref<50x64xf32, #tpu.memory_space<vmem>>, vector<16xf32>,
      %add3A_2914 = arith.addf %add3A_2894, %get3A_2913 : vector<16xf32>
      %get3A_2915 = arith.constant 39 : i32
      %get3A_2916 = arith.index_cast %get3A_2915 : i32 to index
      %get3A_2917 = arith.constant 0 : index
      %get3A_2918 = tpu.vector_load %arg17[%get3A_2916, %get3A_2917] {strides = array<i32>} : memref<50x64xf32, #tpu.memory_space<vmem>>, vector<16xf32>,
      %add3A_2919 = arith.addf %add3A_2899, %get3A_2918 : vector<16xf32>
      %get3A_2920 = arith.constant 39 : i32
      %get3A_2921 = arith.index_cast %get3A_2920 : i32 to index
      %get3A_2922 = arith.constant 16 : index
      %get3A_2923 = tpu.vector_load %arg17[%get3A_2921, %get3A_2922] {strides = array<i32>} : memref<50x64xf32, #tpu.memory_space<vmem>>, vector<16xf32>,
      %add3A_2924 = arith.addf %add3A_2904, %get3A_2923 : vector<16xf32>
      %get3A_2925 = arith.constant 39 : i32
      %get3A_2926 = arith.index_cast %get3A_2925 : i32 to index
      %get3A_2927 = arith.constant 32 : index
      %get3A_2928 = tpu.vector_load %arg17[%get3A_2926, %get3A_2927] {strides = array<i32>} : memref<50x64xf32, #tpu.memory_space<vmem>>, vector<16xf32>,
      %add3A_2929 = arith.addf %add3A_2909, %get3A_2928 : vector<16xf32>
      %get3A_2930 = arith.constant 39 : i32
      %get3A_2931 = arith.index_cast %get3A_2930 : i32 to index
      %get3A_2932 = arith.constant 48 : index
      %get3A_2933 = tpu.vector_load %arg17[%get3A_2931, %get3A_2932] {strides = array<i32>} : memref<50x64xf32, #tpu.memory_space<vmem>>, vector<16xf32>,
      %add3A_2934 = arith.addf %add3A_2914, %get3A_2933 : vector<16xf32>
      %get3A_2935 = arith.constant 40 : i32
      %get3A_2936 = arith.index_cast %get3A_2935 : i32 to index
      %get3A_2937 = arith.constant 0 : index
      %get3A_2938 = tpu.vector_load %arg17[%get3A_2936, %get3A_2937] {strides = array<i32>} : memref<50x64xf32, #tpu.memory_space<vmem>>, vector<16xf32>,
      %add3A_2939 = arith.addf %add3A_2919, %get3A_2938 : vector<16xf32>
      %get3A_2940 = arith.constant 40 : i32
      %get3A_2941 = arith.index_cast %get3A_2940 : i32 to index
      %get3A_2942 = arith.constant 16 : index
      %get3A_2943 = tpu.vector_load %arg17[%get3A_2941, %get3A_2942] {strides = array<i32>} : memref<50x64xf32, #tpu.memory_space<vmem>>, vector<16xf32>,
      %add3A_2944 = arith.addf %add3A_2924, %get3A_2943 : vector<16xf32>
      %get3A_2945 = arith.constant 40 : i32
      %get3A_2946 = arith.index_cast %get3A_2945 : i32 to index
      %get3A_2947 = arith.constant 32 : index
      %get3A_2948 = tpu.vector_load %arg17[%get3A_2946, %get3A_2947] {strides = array<i32>} : memref<50x64xf32, #tpu.memory_space<vmem>>, vector<16xf32>,
      %add3A_2949 = arith.addf %add3A_2929, %get3A_2948 : vector<16xf32>
      %get3A_2950 = arith.constant 40 : i32
      %get3A_2951 = arith.index_cast %get3A_2950 : i32 to index
      %get3A_2952 = arith.constant 48 : index
      %get3A_2953 = tpu.vector_load %arg17[%get3A_2951, %get3A_2952] {strides = array<i32>} : memref<50x64xf32, #tpu.memory_space<vmem>>, vector<16xf32>,
      %add3A_2954 = arith.addf %add3A_2934, %get3A_2953 : vector<16xf32>
      %get3A_2955 = arith.constant 41 : i32
      %get3A_2956 = arith.index_cast %get3A_2955 : i32 to index
      %get3A_2957 = arith.constant 0 : index
      %get3A_2958 = tpu.vector_load %arg17[%get3A_2956, %get3A_2957] {strides = array<i32>} : memref<50x64xf32, #tpu.memory_space<vmem>>, vector<16xf32>,
      %add3A_2959 = arith.addf %add3A_2939, %get3A_2958 : vector<16xf32>
      %get3A_2960 = arith.constant 41 : i32
      %get3A_2961 = arith.index_cast %get3A_2960 : i32 to index
      %get3A_2962 = arith.constant 16 : index
      %get3A_2963 = tpu.vector_load %arg17[%get3A_2961, %get3A_2962] {strides = array<i32>} : memref<50x64xf32, #tpu.memory_space<vmem>>, vector<16xf32>,
      %add3A_2964 = arith.addf %add3A_2944, %get3A_2963 : vector<16xf32>
      %get3A_2965 = arith.constant 41 : i32
      %get3A_2966 = arith.index_cast %get3A_2965 : i32 to index
      %get3A_2967 = arith.constant 32 : index
      %get3A_2968 = tpu.vector_load %arg17[%get3A_2966, %get3A_2967] {strides = array<i32>} : memref<50x64xf32, #tpu.memory_space<vmem>>, vector<16xf32>,
      %add3A_2969 = arith.addf %add3A_2949, %get3A_2968 : vector<16xf32>
      %get3A_2970 = arith.constant 41 : i32
      %get3A_2971 = arith.index_cast %get3A_2970 : i32 to index
      %get3A_2972 = arith.constant 48 : index
      %get3A_2973 = tpu.vector_load %arg17[%get3A_2971, %get3A_2972] {strides = array<i32>} : memref<50x64xf32, #tpu.memory_space<vmem>>, vector<16xf32>,
      %add3A_2974 = arith.addf %add3A_2954, %get3A_2973 : vector<16xf32>
      %get3A_2975 = arith.constant 42 : i32
      %get3A_2976 = arith.index_cast %get3A_2975 : i32 to index
      %get3A_2977 = arith.constant 0 : index
      %get3A_2978 = tpu.vector_load %arg17[%get3A_2976, %get3A_2977] {strides = array<i32>} : memref<50x64xf32, #tpu.memory_space<vmem>>, vector<16xf32>,
      %add3A_2979 = arith.addf %add3A_2959, %get3A_2978 : vector<16xf32>
      %get3A_2980 = arith.constant 42 : i32
      %get3A_2981 = arith.index_cast %get3A_2980 : i32 to index
      %get3A_2982 = arith.constant 16 : index
      %get3A_2983 = tpu.vector_load %arg17[%get3A_2981, %get3A_2982] {strides = array<i32>} : memref<50x64xf32, #tpu.memory_space<vmem>>, vector<16xf32>,
      %add3A_2984 = arith.addf %add3A_2964, %get3A_2983 : vector<16xf32>
      %get3A_2985 = arith.constant 42 : i32
      %get3A_2986 = arith.index_cast %get3A_2985 : i32 to index
      %get3A_2987 = arith.constant 32 : index
      %get3A_2988 = tpu.vector_load %arg17[%get3A_2986, %get3A_2987] {strides = array<i32>} : memref<50x64xf32, #tpu.memory_space<vmem>>, vector<16xf32>,
      %add3A_2989 = arith.addf %add3A_2969, %get3A_2988 : vector<16xf32>
      %get3A_2990 = arith.constant 42 : i32
      %get3A_2991 = arith.index_cast %get3A_2990 : i32 to index
      %get3A_2992 = arith.constant 48 : index
      %get3A_2993 = tpu.vector_load %arg17[%get3A_2991, %get3A_2992] {strides = array<i32>} : memref<50x64xf32, #tpu.memory_space<vmem>>, vector<16xf32>,
      %add3A_2994 = arith.addf %add3A_2974, %get3A_2993 : vector<16xf32>
      %get3A_2995 = arith.constant 43 : i32
      %get3A_2996 = arith.index_cast %get3A_2995 : i32 to index
      %get3A_2997 = arith.constant 0 : index
      %get3A_2998 = tpu.vector_load %arg17[%get3A_2996, %get3A_2997] {strides = array<i32>} : memref<50x64xf32, #tpu.memory_space<vmem>>, vector<16xf32>,
      %add3A_2999 = arith.addf %add3A_2979, %get3A_2998 : vector<16xf32>
      %get3A_3000 = arith.constant 43 : i32
      %get3A_3001 = arith.index_cast %get3A_3000 : i32 to index
      %get3A_3002 = arith.constant 16 : index
      %get3A_3003 = tpu.vector_load %arg17[%get3A_3001, %get3A_3002] {strides = array<i32>} : memref<50x64xf32, #tpu.memory_space<vmem>>, vector<16xf32>,
      %add3A_3004 = arith.addf %add3A_2984, %get3A_3003 : vector<16xf32>
      %get3A_3005 = arith.constant 43 : i32
      %get3A_3006 = arith.index_cast %get3A_3005 : i32 to index
      %get3A_3007 = arith.constant 32 : index
      %get3A_3008 = tpu.vector_load %arg17[%get3A_3006, %get3A_3007] {strides = array<i32>} : memref<50x64xf32, #tpu.memory_space<vmem>>, vector<16xf32>,
      %add3A_3009 = arith.addf %add3A_2989, %get3A_3008 : vector<16xf32>
      %get3A_3010 = arith.constant 43 : i32
      %get3A_3011 = arith.index_cast %get3A_3010 : i32 to index
      %get3A_3012 = arith.constant 48 : index
      %get3A_3013 = tpu.vector_load %arg17[%get3A_3011, %get3A_3012] {strides = array<i32>} : memref<50x64xf32, #tpu.memory_space<vmem>>, vector<16xf32>,
      %add3A_3014 = arith.addf %add3A_2994, %get3A_3013 : vector<16xf32>
      %get3A_3015 = arith.constant 44 : i32
      %get3A_3016 = arith.index_cast %get3A_3015 : i32 to index
      %get3A_3017 = arith.constant 0 : index
      %get3A_3018 = tpu.vector_load %arg17[%get3A_3016, %get3A_3017] {strides = array<i32>} : memref<50x64xf32, #tpu.memory_space<vmem>>, vector<16xf32>,
      %add3A_3019 = arith.addf %add3A_2999, %get3A_3018 : vector<16xf32>
      %get3A_3020 = arith.constant 44 : i32
      %get3A_3021 = arith.index_cast %get3A_3020 : i32 to index
      %get3A_3022 = arith.constant 16 : index
      %get3A_3023 = tpu.vector_load %arg17[%get3A_3021, %get3A_3022] {strides = array<i32>} : memref<50x64xf32, #tpu.memory_space<vmem>>, vector<16xf32>,
      %add3A_3024 = arith.addf %add3A_3004, %get3A_3023 : vector<16xf32>
      %get3A_3025 = arith.constant 44 : i32
      %get3A_3026 = arith.index_cast %get3A_3025 : i32 to index
      %get3A_3027 = arith.constant 32 : index
      %get3A_3028 = tpu.vector_load %arg17[%get3A_3026, %get3A_3027] {strides = array<i32>} : memref<50x64xf32, #tpu.memory_space<vmem>>, vector<16xf32>,
      %add3A_3029 = arith.addf %add3A_3009, %get3A_3028 : vector<16xf32>
      %get3A_3030 = arith.constant 44 : i32
      %get3A_3031 = arith.index_cast %get3A_3030 : i32 to index
      %get3A_3032 = arith.constant 48 : index
      %get3A_3033 = tpu.vector_load %arg17[%get3A_3031, %get3A_3032] {strides = array<i32>} : memref<50x64xf32, #tpu.memory_space<vmem>>, vector<16xf32>,
      %add3A_3034 = arith.addf %add3A_3014, %get3A_3033 : vector<16xf32>
      %get3A_3035 = arith.constant 45 : i32
      %get3A_3036 = arith.index_cast %get3A_3035 : i32 to index
      %get3A_3037 = arith.constant 0 : index
      %get3A_3038 = tpu.vector_load %arg17[%get3A_3036, %get3A_3037] {strides = array<i32>} : memref<50x64xf32, #tpu.memory_space<vmem>>, vector<16xf32>,
      %add3A_3039 = arith.addf %add3A_3019, %get3A_3038 : vector<16xf32>
      %get3A_3040 = arith.constant 45 : i32
      %get3A_3041 = arith.index_cast %get3A_3040 : i32 to index
      %get3A_3042 = arith.constant 16 : index
      %get3A_3043 = tpu.vector_load %arg17[%get3A_3041, %get3A_3042] {strides = array<i32>} : memref<50x64xf32, #tpu.memory_space<vmem>>, vector<16xf32>,
      %add3A_3044 = arith.addf %add3A_3024, %get3A_3043 : vector<16xf32>
      %get3A_3045 = arith.constant 45 : i32
      %get3A_3046 = arith.index_cast %get3A_3045 : i32 to index
      %get3A_3047 = arith.constant 32 : index
      %get3A_3048 = tpu.vector_load %arg17[%get3A_3046, %get3A_3047] {strides = array<i32>} : memref<50x64xf32, #tpu.memory_space<vmem>>, vector<16xf32>,
      %add3A_3049 = arith.addf %add3A_3029, %get3A_3048 : vector<16xf32>
      %get3A_3050 = arith.constant 45 : i32
      %get3A_3051 = arith.index_cast %get3A_3050 : i32 to index
      %get3A_3052 = arith.constant 48 : index
      %get3A_3053 = tpu.vector_load %arg17[%get3A_3051, %get3A_3052] {strides = array<i32>} : memref<50x64xf32, #tpu.memory_space<vmem>>, vector<16xf32>,
      %add3A_3054 = arith.addf %add3A_3034, %get3A_3053 : vector<16xf32>
      %get3A_3055 = arith.constant 46 : i32
      %get3A_3056 = arith.index_cast %get3A_3055 : i32 to index
      %get3A_3057 = arith.constant 0 : index
      %get3A_3058 = tpu.vector_load %arg17[%get3A_3056, %get3A_3057] {strides = array<i32>} : memref<50x64xf32, #tpu.memory_space<vmem>>, vector<16xf32>,
      %add3A_3059 = arith.addf %add3A_3039, %get3A_3058 : vector<16xf32>
      %get3A_3060 = arith.constant 46 : i32
      %get3A_3061 = arith.index_cast %get3A_3060 : i32 to index
      %get3A_3062 = arith.constant 16 : index
      %get3A_3063 = tpu.vector_load %arg17[%get3A_3061, %get3A_3062] {strides = array<i32>} : memref<50x64xf32, #tpu.memory_space<vmem>>, vector<16xf32>,
      %add3A_3064 = arith.addf %add3A_3044, %get3A_3063 : vector<16xf32>
      %get3A_3065 = arith.constant 46 : i32
      %get3A_3066 = arith.index_cast %get3A_3065 : i32 to index
      %get3A_3067 = arith.constant 32 : index
      %get3A_3068 = tpu.vector_load %arg17[%get3A_3066, %get3A_3067] {strides = array<i32>} : memref<50x64xf32, #tpu.memory_space<vmem>>, vector<16xf32>,
      %add3A_3069 = arith.addf %add3A_3049, %get3A_3068 : vector<16xf32>
      %get3A_3070 = arith.constant 46 : i32
      %get3A_3071 = arith.index_cast %get3A_3070 : i32 to index
      %get3A_3072 = arith.constant 48 : index
      %get3A_3073 = tpu.vector_load %arg17[%get3A_3071, %get3A_3072] {strides = array<i32>} : memref<50x64xf32, #tpu.memory_space<vmem>>, vector<16xf32>,
      %add3A_3074 = arith.addf %add3A_3054, %get3A_3073 : vector<16xf32>
      %get3A_3075 = arith.constant 47 : i32
      %get3A_3076 = arith.index_cast %get3A_3075 : i32 to index
      %get3A_3077 = arith.constant 0 : index
      %get3A_3078 = tpu.vector_load %arg17[%get3A_3076, %get3A_3077] {strides = array<i32>} : memref<50x64xf32, #tpu.memory_space<vmem>>, vector<16xf32>,
      %add3A_3079 = arith.addf %add3A_3059, %get3A_3078 : vector<16xf32>
      %get3A_3080 = arith.constant 47 : i32
      %get3A_3081 = arith.index_cast %get3A_3080 : i32 to index
      %get3A_3082 = arith.constant 16 : index
      %get3A_3083 = tpu.vector_load %arg17[%get3A_3081, %get3A_3082] {strides = array<i32>} : memref<50x64xf32, #tpu.memory_space<vmem>>, vector<16xf32>,
      %add3A_3084 = arith.addf %add3A_3064, %get3A_3083 : vector<16xf32>
      %get3A_3085 = arith.constant 47 : i32
      %get3A_3086 = arith.index_cast %get3A_3085 : i32 to index
      %get3A_3087 = arith.constant 32 : index
      %get3A_3088 = tpu.vector_load %arg17[%get3A_3086, %get3A_3087] {strides = array<i32>} : memref<50x64xf32, #tpu.memory_space<vmem>>, vector<16xf32>,
      %add3A_3089 = arith.addf %add3A_3069, %get3A_3088 : vector<16xf32>
      %get3A_3090 = arith.constant 47 : i32
      %get3A_3091 = arith.index_cast %get3A_3090 : i32 to index
      %get3A_3092 = arith.constant 48 : index
      %get3A_3093 = tpu.vector_load %arg17[%get3A_3091, %get3A_3092] {strides = array<i32>} : memref<50x64xf32, #tpu.memory_space<vmem>>, vector<16xf32>,
      %add3A_3094 = arith.addf %add3A_3074, %get3A_3093 : vector<16xf32>
      %get3A_3095 = arith.constant 48 : i32
      %get3A_3096 = arith.index_cast %get3A_3095 : i32 to index
      %get3A_3097 = arith.constant 0 : index
      %get3A_3098 = tpu.vector_load %arg17[%get3A_3096, %get3A_3097] {strides = array<i32>} : memref<50x64xf32, #tpu.memory_space<vmem>>, vector<16xf32>,
      %add3A_3099 = arith.addf %add3A_3079, %get3A_3098 : vector<16xf32>
      %get3A_3100 = arith.constant 48 : i32
      %get3A_3101 = arith.index_cast %get3A_3100 : i32 to index
      %get3A_3102 = arith.constant 16 : index
      %get3A_3103 = tpu.vector_load %arg17[%get3A_3101, %get3A_3102] {strides = array<i32>} : memref<50x64xf32, #tpu.memory_space<vmem>>, vector<16xf32>,
      %add3A_3104 = arith.addf %add3A_3084, %get3A_3103 : vector<16xf32>
      %get3A_3105 = arith.constant 48 : i32
      %get3A_3106 = arith.index_cast %get3A_3105 : i32 to index
      %get3A_3107 = arith.constant 32 : index
      %get3A_3108 = tpu.vector_load %arg17[%get3A_3106, %get3A_3107] {strides = array<i32>} : memref<50x64xf32, #tpu.memory_space<vmem>>, vector<16xf32>,
      %add3A_3109 = arith.addf %add3A_3089, %get3A_3108 : vector<16xf32>
      %get3A_3110 = arith.constant 48 : i32
      %get3A_3111 = arith.index_cast %get3A_3110 : i32 to index
      %get3A_3112 = arith.constant 48 : index
      %get3A_3113 = tpu.vector_load %arg17[%get3A_3111, %get3A_3112] {strides = array<i32>} : memref<50x64xf32, #tpu.memory_space<vmem>>, vector<16xf32>,
      %add3A_3114 = arith.addf %add3A_3094, %get3A_3113 : vector<16xf32>
      %get3A_3115 = arith.constant 49 : i32
      %get3A_3116 = arith.index_cast %get3A_3115 : i32 to index
      %get3A_3117 = arith.constant 0 : index
      %get3A_3118 = tpu.vector_load %arg17[%get3A_3116, %get3A_3117] {strides = array<i32>} : memref<50x64xf32, #tpu.memory_space<vmem>>, vector<16xf32>,
      %add3A_3119 = arith.addf %add3A_3099, %get3A_3118 : vector<16xf32>
      %get3A_3120 = arith.constant 49 : i32
      %get3A_3121 = arith.index_cast %get3A_3120 : i32 to index
      %get3A_3122 = arith.constant 16 : index
      %get3A_3123 = tpu.vector_load %arg17[%get3A_3121, %get3A_3122] {strides = array<i32>} : memref<50x64xf32, #tpu.memory_space<vmem>>, vector<16xf32>,
      %add3A_3124 = arith.addf %add3A_3104, %get3A_3123 : vector<16xf32>
      %get3A_3125 = arith.constant 49 : i32
      %get3A_3126 = arith.index_cast %get3A_3125 : i32 to index
      %get3A_3127 = arith.constant 32 : index
      %get3A_3128 = tpu.vector_load %arg17[%get3A_3126, %get3A_3127] {strides = array<i32>} : memref<50x64xf32, #tpu.memory_space<vmem>>, vector<16xf32>,
      %add3A_3129 = arith.addf %add3A_3109, %get3A_3128 : vector<16xf32>
      %get3A_3130 = arith.constant 49 : i32
      %get3A_3131 = arith.index_cast %get3A_3130 : i32 to index
      %get3A_3132 = arith.constant 48 : index
      %get3A_3133 = tpu.vector_load %arg17[%get3A_3131, %get3A_3132] {strides = array<i32>} : memref<50x64xf32, #tpu.memory_space<vmem>>, vector<16xf32>,
      %add3A_3134 = arith.addf %add3A_3114, %get3A_3133 : vector<16xf32>
      %mul3A_3135 = arith.mulf %add3A_3119, %broadcast_in_dim3A_41 : vector<16xf32>
      %swap3A_3136 = arith.index_cast %add3A_2132 : i32 to index
      %swap3A_3137 = arith.constant 0 : index
      %swap3A_3138 = tpu.vector_load %arg19[%swap3A_3136, %swap3A_3137] {strides = array<i32>} : memref<128x64xf32, #tpu.memory_space<vmem>>, vector<16xf32>,
      tpu.vector_store %arg19[%swap3A_3136, %swap3A_3137], %mul3A_3135 {strides = array<i32>} : memref<128x64xf32, #tpu.memory_space<vmem>>, vector<16xf32>,
      %mul3A_3139 = arith.mulf %add3A_3124, %broadcast_in_dim3A_41 : vector<16xf32>
      %swap3A_3140 = arith.index_cast %add3A_2132 : i32 to index
      %swap3A_3141 = arith.constant 16 : index
      %swap3A_3142 = tpu.vector_load %arg19[%swap3A_3140, %swap3A_3141] {strides = array<i32>} : memref<128x64xf32, #tpu.memory_space<vmem>>, vector<16xf32>,
      tpu.vector_store %arg19[%swap3A_3140, %swap3A_3141], %mul3A_3139 {strides = array<i32>} : memref<128x64xf32, #tpu.memory_space<vmem>>, vector<16xf32>,
      %mul3A_3143 = arith.mulf %add3A_3129, %broadcast_in_dim3A_41 : vector<16xf32>
      %swap3A_3144 = arith.index_cast %add3A_2132 : i32 to index
      %swap3A_3145 = arith.constant 32 : index
      %swap3A_3146 = tpu.vector_load %arg19[%swap3A_3144, %swap3A_3145] {strides = array<i32>} : memref<128x64xf32, #tpu.memory_space<vmem>>, vector<16xf32>,
      tpu.vector_store %arg19[%swap3A_3144, %swap3A_3145], %mul3A_3143 {strides = array<i32>} : memref<128x64xf32, #tpu.memory_space<vmem>>, vector<16xf32>,
      %mul3A_3147 = arith.mulf %add3A_3134, %broadcast_in_dim3A_41 : vector<16xf32>
      %swap3A_3148 = arith.index_cast %add3A_2132 : i32 to index
      %swap3A_3149 = arith.constant 48 : index
      %swap3A_3150 = tpu.vector_load %arg19[%swap3A_3148, %swap3A_3149] {strides = array<i32>} : memref<128x64xf32, #tpu.memory_space<vmem>>, vector<16xf32>,
      tpu.vector_store %arg19[%swap3A_3148, %swap3A_3149], %mul3A_3147 {strides = array<i32>} : memref<128x64xf32, #tpu.memory_space<vmem>>, vector<16xf32>,
      %add3A_3151 = arith.constant 4 : i32
      %add3A_3152 = arith.addi %add3A_2132, %add3A_3151 : i32
      %lt3A_3153 = arith.constant 128 : i32
      %lt3A_3154 = arith.cmpi slt, %add3A_3152, %lt3A_3153 : i32
      %convert_element_type3A_3155 = arith.extui %lt3A_3154 : i1 to i32
      %cond3A_3156 = arith.constant 0 : i32
      %cond3A_3157 = arith.cmpi ne, %convert_element_type3A_3155, %cond3A_3156 : i32
      scf.if %cond3A_3157 {
        %add3A_4187 = arith.constant 4 : i32
        %add3A_4188 = arith.addi %add3A_2132, %add3A_4187 : i32
        %dma_start3A_4189 = arith.constant 0 : i32
        %dma_start3A_4190 = tpu.memref_slice %arg9[%add3A_4188, %dma_start3A_4189] : memref<128x50xi32, #tpu.memory_space<vmem>> -> memref<1x50xi32, #tpu.memory_space<vmem>>
        %dma_start3A_4191 = tpu.memref_squeeze %dma_start3A_4190 : memref<1x50xi32, #tpu.memory_space<vmem>> -> memref<50xi32, #tpu.memory_space<vmem>>
        %dma_start3A_4192 = arith.constant 0 : i32
        %dma_start3A_4193 = arith.constant 0 : i32
        %dma_start3A_4194 = tpu.memref_slice %arg2[%dma_start3A_4192, %dma_start3A_4193] : memref<100000x64xf32, #tpu.memory_space<hbm>> -> memref<100000x64xf32, #tpu.memory_space<hbm>>
        tpu.enqueue_indirect_dma source(%dma_start3A_4194 : memref<100000x64xf32, #tpu.memory_space<hbm>>) target(%arg17 : memref<50x64xf32, #tpu.memory_space<vmem>>) offsets(%dma_start3A_4191 : memref<50xi32, #tpu.memory_space<vmem>>) semaphore(%arg26 : memref<!tpu.dma_semaphore, #tpu.memory_space<semaphore_mem>>)
      } else {
      }
      %mul3A_3158 = arith.constant 4 : i32
      %mul3A_3159 = arith.muli %mul3A_3158, %scan3A_76 : i32
      %add3A_3160 = arith.constant 3 : i32
      %add3A_3161 = arith.addi %mul3A_3159, %add3A_3160 : i32
      %dma_wait3A_3162 = arith.constant 0 : i32
      %dma_wait3A_3163 = tpu.memref_slice %arg9[%add3A_3161, %dma_wait3A_3162] : memref<128x50xi32, #tpu.memory_space<vmem>> -> memref<1x50xi32, #tpu.memory_space<vmem>>
      %dma_wait3A_3164 = tpu.memref_squeeze %dma_wait3A_3163 : memref<1x50xi32, #tpu.memory_space<vmem>> -> memref<50xi32, #tpu.memory_space<vmem>>
      %dma_wait3A_3165 = arith.constant 0 : i32
      %dma_wait3A_3166 = arith.constant 0 : i32
      %dma_wait3A_3167 = tpu.memref_slice %arg2[%dma_wait3A_3165, %dma_wait3A_3166] : memref<100000x64xf32, #tpu.memory_space<hbm>> -> memref<100000x64xf32, #tpu.memory_space<hbm>>
      tpu.wait_indirect_dma semaphore(%arg27 : memref<!tpu.dma_semaphore, #tpu.memory_space<semaphore_mem>>) src(%dma_wait3A_3167 : memref<100000x64xf32, #tpu.memory_space<hbm>>) dst(%arg18 : memref<50x64xf32, #tpu.memory_space<vmem>>)
      %get3A_3168 = arith.constant 0 : i32
      %get3A_3169 = arith.index_cast %get3A_3168 : i32 to index
      %get3A_3170 = arith.constant 0 : index
      %get3A_3171 = tpu.vector_load %arg18[%get3A_3169, %get3A_3170] {strides = array<i32>} : memref<50x64xf32, #tpu.memory_space<vmem>>, vector<16xf32>,
      %get3A_3172 = arith.constant 0 : i32
      %get3A_3173 = arith.index_cast %get3A_3172 : i32 to index
      %get3A_3174 = arith.constant 16 : index
      %get3A_3175 = tpu.vector_load %arg18[%get3A_3173, %get3A_3174] {strides = array<i32>} : memref<50x64xf32, #tpu.memory_space<vmem>>, vector<16xf32>,
      %get3A_3176 = arith.constant 0 : i32
      %get3A_3177 = arith.index_cast %get3A_3176 : i32 to index
      %get3A_3178 = arith.constant 32 : index
      %get3A_3179 = tpu.vector_load %arg18[%get3A_3177, %get3A_3178] {strides = array<i32>} : memref<50x64xf32, #tpu.memory_space<vmem>>, vector<16xf32>,
      %get3A_3180 = arith.constant 0 : i32
      %get3A_3181 = arith.index_cast %get3A_3180 : i32 to index
      %get3A_3182 = arith.constant 48 : index
      %get3A_3183 = tpu.vector_load %arg18[%get3A_3181, %get3A_3182] {strides = array<i32>} : memref<50x64xf32, #tpu.memory_space<vmem>>, vector<16xf32>,
      %get3A_3184 = arith.constant 1 : i32
      %get3A_3185 = arith.index_cast %get3A_3184 : i32 to index
      %get3A_3186 = arith.constant 0 : index
      %get3A_3187 = tpu.vector_load %arg18[%get3A_3185, %get3A_3186] {strides = array<i32>} : memref<50x64xf32, #tpu.memory_space<vmem>>, vector<16xf32>,
      %add3A_3188 = arith.addf %get3A_3171, %get3A_3187 : vector<16xf32>
      %get3A_3189 = arith.constant 1 : i32
      %get3A_3190 = arith.index_cast %get3A_3189 : i32 to index
      %get3A_3191 = arith.constant 16 : index
      %get3A_3192 = tpu.vector_load %arg18[%get3A_3190, %get3A_3191] {strides = array<i32>} : memref<50x64xf32, #tpu.memory_space<vmem>>, vector<16xf32>,
      %add3A_3193 = arith.addf %get3A_3175, %get3A_3192 : vector<16xf32>
      %get3A_3194 = arith.constant 1 : i32
      %get3A_3195 = arith.index_cast %get3A_3194 : i32 to index
      %get3A_3196 = arith.constant 32 : index
      %get3A_3197 = tpu.vector_load %arg18[%get3A_3195, %get3A_3196] {strides = array<i32>} : memref<50x64xf32, #tpu.memory_space<vmem>>, vector<16xf32>,
      %add3A_3198 = arith.addf %get3A_3179, %get3A_3197 : vector<16xf32>
      %get3A_3199 = arith.constant 1 : i32
      %get3A_3200 = arith.index_cast %get3A_3199 : i32 to index
      %get3A_3201 = arith.constant 48 : index
      %get3A_3202 = tpu.vector_load %arg18[%get3A_3200, %get3A_3201] {strides = array<i32>} : memref<50x64xf32, #tpu.memory_space<vmem>>, vector<16xf32>,
      %add3A_3203 = arith.addf %get3A_3183, %get3A_3202 : vector<16xf32>
      %get3A_3204 = arith.constant 2 : i32
      %get3A_3205 = arith.index_cast %get3A_3204 : i32 to index
      %get3A_3206 = arith.constant 0 : index
      %get3A_3207 = tpu.vector_load %arg18[%get3A_3205, %get3A_3206] {strides = array<i32>} : memref<50x64xf32, #tpu.memory_space<vmem>>, vector<16xf32>,
      %add3A_3208 = arith.addf %add3A_3188, %get3A_3207 : vector<16xf32>
      %get3A_3209 = arith.constant 2 : i32
      %get3A_3210 = arith.index_cast %get3A_3209 : i32 to index
      %get3A_3211 = arith.constant 16 : index
      %get3A_3212 = tpu.vector_load %arg18[%get3A_3210, %get3A_3211] {strides = array<i32>} : memref<50x64xf32, #tpu.memory_space<vmem>>, vector<16xf32>,
      %add3A_3213 = arith.addf %add3A_3193, %get3A_3212 : vector<16xf32>
      %get3A_3214 = arith.constant 2 : i32
      %get3A_3215 = arith.index_cast %get3A_3214 : i32 to index
      %get3A_3216 = arith.constant 32 : index
      %get3A_3217 = tpu.vector_load %arg18[%get3A_3215, %get3A_3216] {strides = array<i32>} : memref<50x64xf32, #tpu.memory_space<vmem>>, vector<16xf32>,
      %add3A_3218 = arith.addf %add3A_3198, %get3A_3217 : vector<16xf32>
      %get3A_3219 = arith.constant 2 : i32
      %get3A_3220 = arith.index_cast %get3A_3219 : i32 to index
      %get3A_3221 = arith.constant 48 : index
      %get3A_3222 = tpu.vector_load %arg18[%get3A_3220, %get3A_3221] {strides = array<i32>} : memref<50x64xf32, #tpu.memory_space<vmem>>, vector<16xf32>,
      %add3A_3223 = arith.addf %add3A_3203, %get3A_3222 : vector<16xf32>
      %get3A_3224 = arith.constant 3 : i32
      %get3A_3225 = arith.index_cast %get3A_3224 : i32 to index
      %get3A_3226 = arith.constant 0 : index
      %get3A_3227 = tpu.vector_load %arg18[%get3A_3225, %get3A_3226] {strides = array<i32>} : memref<50x64xf32, #tpu.memory_space<vmem>>, vector<16xf32>,
      %add3A_3228 = arith.addf %add3A_3208, %get3A_3227 : vector<16xf32>
      %get3A_3229 = arith.constant 3 : i32
      %get3A_3230 = arith.index_cast %get3A_3229 : i32 to index
      %get3A_3231 = arith.constant 16 : index
      %get3A_3232 = tpu.vector_load %arg18[%get3A_3230, %get3A_3231] {strides = array<i32>} : memref<50x64xf32, #tpu.memory_space<vmem>>, vector<16xf32>,
      %add3A_3233 = arith.addf %add3A_3213, %get3A_3232 : vector<16xf32>
      %get3A_3234 = arith.constant 3 : i32
      %get3A_3235 = arith.index_cast %get3A_3234 : i32 to index
      %get3A_3236 = arith.constant 32 : index
      %get3A_3237 = tpu.vector_load %arg18[%get3A_3235, %get3A_3236] {strides = array<i32>} : memref<50x64xf32, #tpu.memory_space<vmem>>, vector<16xf32>,
      %add3A_3238 = arith.addf %add3A_3218, %get3A_3237 : vector<16xf32>
      %get3A_3239 = arith.constant 3 : i32
      %get3A_3240 = arith.index_cast %get3A_3239 : i32 to index
      %get3A_3241 = arith.constant 48 : index
      %get3A_3242 = tpu.vector_load %arg18[%get3A_3240, %get3A_3241] {strides = array<i32>} : memref<50x64xf32, #tpu.memory_space<vmem>>, vector<16xf32>,
      %add3A_3243 = arith.addf %add3A_3223, %get3A_3242 : vector<16xf32>
      %get3A_3244 = arith.constant 4 : i32
      %get3A_3245 = arith.index_cast %get3A_3244 : i32 to index
      %get3A_3246 = arith.constant 0 : index
      %get3A_3247 = tpu.vector_load %arg18[%get3A_3245, %get3A_3246] {strides = array<i32>} : memref<50x64xf32, #tpu.memory_space<vmem>>, vector<16xf32>,
      %add3A_3248 = arith.addf %add3A_3228, %get3A_3247 : vector<16xf32>
      %get3A_3249 = arith.constant 4 : i32
      %get3A_3250 = arith.index_cast %get3A_3249 : i32 to index
      %get3A_3251 = arith.constant 16 : index
      %get3A_3252 = tpu.vector_load %arg18[%get3A_3250, %get3A_3251] {strides = array<i32>} : memref<50x64xf32, #tpu.memory_space<vmem>>, vector<16xf32>,
      %add3A_3253 = arith.addf %add3A_3233, %get3A_3252 : vector<16xf32>
      %get3A_3254 = arith.constant 4 : i32
      %get3A_3255 = arith.index_cast %get3A_3254 : i32 to index
      %get3A_3256 = arith.constant 32 : index
      %get3A_3257 = tpu.vector_load %arg18[%get3A_3255, %get3A_3256] {strides = array<i32>} : memref<50x64xf32, #tpu.memory_space<vmem>>, vector<16xf32>,
      %add3A_3258 = arith.addf %add3A_3238, %get3A_3257 : vector<16xf32>
      %get3A_3259 = arith.constant 4 : i32
      %get3A_3260 = arith.index_cast %get3A_3259 : i32 to index
      %get3A_3261 = arith.constant 48 : index
      %get3A_3262 = tpu.vector_load %arg18[%get3A_3260, %get3A_3261] {strides = array<i32>} : memref<50x64xf32, #tpu.memory_space<vmem>>, vector<16xf32>,
      %add3A_3263 = arith.addf %add3A_3243, %get3A_3262 : vector<16xf32>
      %get3A_3264 = arith.constant 5 : i32
      %get3A_3265 = arith.index_cast %get3A_3264 : i32 to index
      %get3A_3266 = arith.constant 0 : index
      %get3A_3267 = tpu.vector_load %arg18[%get3A_3265, %get3A_3266] {strides = array<i32>} : memref<50x64xf32, #tpu.memory_space<vmem>>, vector<16xf32>,
      %add3A_3268 = arith.addf %add3A_3248, %get3A_3267 : vector<16xf32>
      %get3A_3269 = arith.constant 5 : i32
      %get3A_3270 = arith.index_cast %get3A_3269 : i32 to index
      %get3A_3271 = arith.constant 16 : index
      %get3A_3272 = tpu.vector_load %arg18[%get3A_3270, %get3A_3271] {strides = array<i32>} : memref<50x64xf32, #tpu.memory_space<vmem>>, vector<16xf32>,
      %add3A_3273 = arith.addf %add3A_3253, %get3A_3272 : vector<16xf32>
      %get3A_3274 = arith.constant 5 : i32
      %get3A_3275 = arith.index_cast %get3A_3274 : i32 to index
      %get3A_3276 = arith.constant 32 : index
      %get3A_3277 = tpu.vector_load %arg18[%get3A_3275, %get3A_3276] {strides = array<i32>} : memref<50x64xf32, #tpu.memory_space<vmem>>, vector<16xf32>,
      %add3A_3278 = arith.addf %add3A_3258, %get3A_3277 : vector<16xf32>
      %get3A_3279 = arith.constant 5 : i32
      %get3A_3280 = arith.index_cast %get3A_3279 : i32 to index
      %get3A_3281 = arith.constant 48 : index
      %get3A_3282 = tpu.vector_load %arg18[%get3A_3280, %get3A_3281] {strides = array<i32>} : memref<50x64xf32, #tpu.memory_space<vmem>>, vector<16xf32>,
      %add3A_3283 = arith.addf %add3A_3263, %get3A_3282 : vector<16xf32>
      %get3A_3284 = arith.constant 6 : i32
      %get3A_3285 = arith.index_cast %get3A_3284 : i32 to index
      %get3A_3286 = arith.constant 0 : index
      %get3A_3287 = tpu.vector_load %arg18[%get3A_3285, %get3A_3286] {strides = array<i32>} : memref<50x64xf32, #tpu.memory_space<vmem>>, vector<16xf32>,
      %add3A_3288 = arith.addf %add3A_3268, %get3A_3287 : vector<16xf32>
      %get3A_3289 = arith.constant 6 : i32
      %get3A_3290 = arith.index_cast %get3A_3289 : i32 to index
      %get3A_3291 = arith.constant 16 : index
      %get3A_3292 = tpu.vector_load %arg18[%get3A_3290, %get3A_3291] {strides = array<i32>} : memref<50x64xf32, #tpu.memory_space<vmem>>, vector<16xf32>,
      %add3A_3293 = arith.addf %add3A_3273, %get3A_3292 : vector<16xf32>
      %get3A_3294 = arith.constant 6 : i32
      %get3A_3295 = arith.index_cast %get3A_3294 : i32 to index
      %get3A_3296 = arith.constant 32 : index
      %get3A_3297 = tpu.vector_load %arg18[%get3A_3295, %get3A_3296] {strides = array<i32>} : memref<50x64xf32, #tpu.memory_space<vmem>>, vector<16xf32>,
      %add3A_3298 = arith.addf %add3A_3278, %get3A_3297 : vector<16xf32>
      %get3A_3299 = arith.constant 6 : i32
      %get3A_3300 = arith.index_cast %get3A_3299 : i32 to index
      %get3A_3301 = arith.constant 48 : index
      %get3A_3302 = tpu.vector_load %arg18[%get3A_3300, %get3A_3301] {strides = array<i32>} : memref<50x64xf32, #tpu.memory_space<vmem>>, vector<16xf32>,
      %add3A_3303 = arith.addf %add3A_3283, %get3A_3302 : vector<16xf32>
      %get3A_3304 = arith.constant 7 : i32
      %get3A_3305 = arith.index_cast %get3A_3304 : i32 to index
      %get3A_3306 = arith.constant 0 : index
      %get3A_3307 = tpu.vector_load %arg18[%get3A_3305, %get3A_3306] {strides = array<i32>} : memref<50x64xf32, #tpu.memory_space<vmem>>, vector<16xf32>,
      %add3A_3308 = arith.addf %add3A_3288, %get3A_3307 : vector<16xf32>
      %get3A_3309 = arith.constant 7 : i32
      %get3A_3310 = arith.index_cast %get3A_3309 : i32 to index
      %get3A_3311 = arith.constant 16 : index
      %get3A_3312 = tpu.vector_load %arg18[%get3A_3310, %get3A_3311] {strides = array<i32>} : memref<50x64xf32, #tpu.memory_space<vmem>>, vector<16xf32>,
      %add3A_3313 = arith.addf %add3A_3293, %get3A_3312 : vector<16xf32>
      %get3A_3314 = arith.constant 7 : i32
      %get3A_3315 = arith.index_cast %get3A_3314 : i32 to index
      %get3A_3316 = arith.constant 32 : index
      %get3A_3317 = tpu.vector_load %arg18[%get3A_3315, %get3A_3316] {strides = array<i32>} : memref<50x64xf32, #tpu.memory_space<vmem>>, vector<16xf32>,
      %add3A_3318 = arith.addf %add3A_3298, %get3A_3317 : vector<16xf32>
      %get3A_3319 = arith.constant 7 : i32
      %get3A_3320 = arith.index_cast %get3A_3319 : i32 to index
      %get3A_3321 = arith.constant 48 : index
      %get3A_3322 = tpu.vector_load %arg18[%get3A_3320, %get3A_3321] {strides = array<i32>} : memref<50x64xf32, #tpu.memory_space<vmem>>, vector<16xf32>,
      %add3A_3323 = arith.addf %add3A_3303, %get3A_3322 : vector<16xf32>
      %get3A_3324 = arith.constant 8 : i32
      %get3A_3325 = arith.index_cast %get3A_3324 : i32 to index
      %get3A_3326 = arith.constant 0 : index
      %get3A_3327 = tpu.vector_load %arg18[%get3A_3325, %get3A_3326] {strides = array<i32>} : memref<50x64xf32, #tpu.memory_space<vmem>>, vector<16xf32>,
      %add3A_3328 = arith.addf %add3A_3308, %get3A_3327 : vector<16xf32>
      %get3A_3329 = arith.constant 8 : i32
      %get3A_3330 = arith.index_cast %get3A_3329 : i32 to index
      %get3A_3331 = arith.constant 16 : index
      %get3A_3332 = tpu.vector_load %arg18[%get3A_3330, %get3A_3331] {strides = array<i32>} : memref<50x64xf32, #tpu.memory_space<vmem>>, vector<16xf32>,
      %add3A_3333 = arith.addf %add3A_3313, %get3A_3332 : vector<16xf32>
      %get3A_3334 = arith.constant 8 : i32
      %get3A_3335 = arith.index_cast %get3A_3334 : i32 to index
      %get3A_3336 = arith.constant 32 : index
      %get3A_3337 = tpu.vector_load %arg18[%get3A_3335, %get3A_3336] {strides = array<i32>} : memref<50x64xf32, #tpu.memory_space<vmem>>, vector<16xf32>,
      %add3A_3338 = arith.addf %add3A_3318, %get3A_3337 : vector<16xf32>
      %get3A_3339 = arith.constant 8 : i32
      %get3A_3340 = arith.index_cast %get3A_3339 : i32 to index
      %get3A_3341 = arith.constant 48 : index
      %get3A_3342 = tpu.vector_load %arg18[%get3A_3340, %get3A_3341] {strides = array<i32>} : memref<50x64xf32, #tpu.memory_space<vmem>>, vector<16xf32>,
      %add3A_3343 = arith.addf %add3A_3323, %get3A_3342 : vector<16xf32>
      %get3A_3344 = arith.constant 9 : i32
      %get3A_3345 = arith.index_cast %get3A_3344 : i32 to index
      %get3A_3346 = arith.constant 0 : index
      %get3A_3347 = tpu.vector_load %arg18[%get3A_3345, %get3A_3346] {strides = array<i32>} : memref<50x64xf32, #tpu.memory_space<vmem>>, vector<16xf32>,
      %add3A_3348 = arith.addf %add3A_3328, %get3A_3347 : vector<16xf32>
      %get3A_3349 = arith.constant 9 : i32
      %get3A_3350 = arith.index_cast %get3A_3349 : i32 to index
      %get3A_3351 = arith.constant 16 : index
      %get3A_3352 = tpu.vector_load %arg18[%get3A_3350, %get3A_3351] {strides = array<i32>} : memref<50x64xf32, #tpu.memory_space<vmem>>, vector<16xf32>,
      %add3A_3353 = arith.addf %add3A_3333, %get3A_3352 : vector<16xf32>
      %get3A_3354 = arith.constant 9 : i32
      %get3A_3355 = arith.index_cast %get3A_3354 : i32 to index
      %get3A_3356 = arith.constant 32 : index
      %get3A_3357 = tpu.vector_load %arg18[%get3A_3355, %get3A_3356] {strides = array<i32>} : memref<50x64xf32, #tpu.memory_space<vmem>>, vector<16xf32>,
      %add3A_3358 = arith.addf %add3A_3338, %get3A_3357 : vector<16xf32>
      %get3A_3359 = arith.constant 9 : i32
      %get3A_3360 = arith.index_cast %get3A_3359 : i32 to index
      %get3A_3361 = arith.constant 48 : index
      %get3A_3362 = tpu.vector_load %arg18[%get3A_3360, %get3A_3361] {strides = array<i32>} : memref<50x64xf32, #tpu.memory_space<vmem>>, vector<16xf32>,
      %add3A_3363 = arith.addf %add3A_3343, %get3A_3362 : vector<16xf32>
      %get3A_3364 = arith.constant 10 : i32
      %get3A_3365 = arith.index_cast %get3A_3364 : i32 to index
      %get3A_3366 = arith.constant 0 : index
      %get3A_3367 = tpu.vector_load %arg18[%get3A_3365, %get3A_3366] {strides = array<i32>} : memref<50x64xf32, #tpu.memory_space<vmem>>, vector<16xf32>,
      %add3A_3368 = arith.addf %add3A_3348, %get3A_3367 : vector<16xf32>
      %get3A_3369 = arith.constant 10 : i32
      %get3A_3370 = arith.index_cast %get3A_3369 : i32 to index
      %get3A_3371 = arith.constant 16 : index
      %get3A_3372 = tpu.vector_load %arg18[%get3A_3370, %get3A_3371] {strides = array<i32>} : memref<50x64xf32, #tpu.memory_space<vmem>>, vector<16xf32>,
      %add3A_3373 = arith.addf %add3A_3353, %get3A_3372 : vector<16xf32>
      %get3A_3374 = arith.constant 10 : i32
      %get3A_3375 = arith.index_cast %get3A_3374 : i32 to index
      %get3A_3376 = arith.constant 32 : index
      %get3A_3377 = tpu.vector_load %arg18[%get3A_3375, %get3A_3376] {strides = array<i32>} : memref<50x64xf32, #tpu.memory_space<vmem>>, vector<16xf32>,
      %add3A_3378 = arith.addf %add3A_3358, %get3A_3377 : vector<16xf32>
      %get3A_3379 = arith.constant 10 : i32
      %get3A_3380 = arith.index_cast %get3A_3379 : i32 to index
      %get3A_3381 = arith.constant 48 : index
      %get3A_3382 = tpu.vector_load %arg18[%get3A_3380, %get3A_3381] {strides = array<i32>} : memref<50x64xf32, #tpu.memory_space<vmem>>, vector<16xf32>,
      %add3A_3383 = arith.addf %add3A_3363, %get3A_3382 : vector<16xf32>
      %get3A_3384 = arith.constant 11 : i32
      %get3A_3385 = arith.index_cast %get3A_3384 : i32 to index
      %get3A_3386 = arith.constant 0 : index
      %get3A_3387 = tpu.vector_load %arg18[%get3A_3385, %get3A_3386] {strides = array<i32>} : memref<50x64xf32, #tpu.memory_space<vmem>>, vector<16xf32>,
      %add3A_3388 = arith.addf %add3A_3368, %get3A_3387 : vector<16xf32>
      %get3A_3389 = arith.constant 11 : i32
      %get3A_3390 = arith.index_cast %get3A_3389 : i32 to index
      %get3A_3391 = arith.constant 16 : index
      %get3A_3392 = tpu.vector_load %arg18[%get3A_3390, %get3A_3391] {strides = array<i32>} : memref<50x64xf32, #tpu.memory_space<vmem>>, vector<16xf32>,
      %add3A_3393 = arith.addf %add3A_3373, %get3A_3392 : vector<16xf32>
      %get3A_3394 = arith.constant 11 : i32
      %get3A_3395 = arith.index_cast %get3A_3394 : i32 to index
      %get3A_3396 = arith.constant 32 : index
      %get3A_3397 = tpu.vector_load %arg18[%get3A_3395, %get3A_3396] {strides = array<i32>} : memref<50x64xf32, #tpu.memory_space<vmem>>, vector<16xf32>,
      %add3A_3398 = arith.addf %add3A_3378, %get3A_3397 : vector<16xf32>
      %get3A_3399 = arith.constant 11 : i32
      %get3A_3400 = arith.index_cast %get3A_3399 : i32 to index
      %get3A_3401 = arith.constant 48 : index
      %get3A_3402 = tpu.vector_load %arg18[%get3A_3400, %get3A_3401] {strides = array<i32>} : memref<50x64xf32, #tpu.memory_space<vmem>>, vector<16xf32>,
      %add3A_3403 = arith.addf %add3A_3383, %get3A_3402 : vector<16xf32>
      %get3A_3404 = arith.constant 12 : i32
      %get3A_3405 = arith.index_cast %get3A_3404 : i32 to index
      %get3A_3406 = arith.constant 0 : index
      %get3A_3407 = tpu.vector_load %arg18[%get3A_3405, %get3A_3406] {strides = array<i32>} : memref<50x64xf32, #tpu.memory_space<vmem>>, vector<16xf32>,
      %add3A_3408 = arith.addf %add3A_3388, %get3A_3407 : vector<16xf32>
      %get3A_3409 = arith.constant 12 : i32
      %get3A_3410 = arith.index_cast %get3A_3409 : i32 to index
      %get3A_3411 = arith.constant 16 : index
      %get3A_3412 = tpu.vector_load %arg18[%get3A_3410, %get3A_3411] {strides = array<i32>} : memref<50x64xf32, #tpu.memory_space<vmem>>, vector<16xf32>,
      %add3A_3413 = arith.addf %add3A_3393, %get3A_3412 : vector<16xf32>
      %get3A_3414 = arith.constant 12 : i32
      %get3A_3415 = arith.index_cast %get3A_3414 : i32 to index
      %get3A_3416 = arith.constant 32 : index
      %get3A_3417 = tpu.vector_load %arg18[%get3A_3415, %get3A_3416] {strides = array<i32>} : memref<50x64xf32, #tpu.memory_space<vmem>>, vector<16xf32>,
      %add3A_3418 = arith.addf %add3A_3398, %get3A_3417 : vector<16xf32>
      %get3A_3419 = arith.constant 12 : i32
      %get3A_3420 = arith.index_cast %get3A_3419 : i32 to index
      %get3A_3421 = arith.constant 48 : index
      %get3A_3422 = tpu.vector_load %arg18[%get3A_3420, %get3A_3421] {strides = array<i32>} : memref<50x64xf32, #tpu.memory_space<vmem>>, vector<16xf32>,
      %add3A_3423 = arith.addf %add3A_3403, %get3A_3422 : vector<16xf32>
      %get3A_3424 = arith.constant 13 : i32
      %get3A_3425 = arith.index_cast %get3A_3424 : i32 to index
      %get3A_3426 = arith.constant 0 : index
      %get3A_3427 = tpu.vector_load %arg18[%get3A_3425, %get3A_3426] {strides = array<i32>} : memref<50x64xf32, #tpu.memory_space<vmem>>, vector<16xf32>,
      %add3A_3428 = arith.addf %add3A_3408, %get3A_3427 : vector<16xf32>
      %get3A_3429 = arith.constant 13 : i32
      %get3A_3430 = arith.index_cast %get3A_3429 : i32 to index
      %get3A_3431 = arith.constant 16 : index
      %get3A_3432 = tpu.vector_load %arg18[%get3A_3430, %get3A_3431] {strides = array<i32>} : memref<50x64xf32, #tpu.memory_space<vmem>>, vector<16xf32>,
      %add3A_3433 = arith.addf %add3A_3413, %get3A_3432 : vector<16xf32>
      %get3A_3434 = arith.constant 13 : i32
      %get3A_3435 = arith.index_cast %get3A_3434 : i32 to index
      %get3A_3436 = arith.constant 32 : index
      %get3A_3437 = tpu.vector_load %arg18[%get3A_3435, %get3A_3436] {strides = array<i32>} : memref<50x64xf32, #tpu.memory_space<vmem>>, vector<16xf32>,
      %add3A_3438 = arith.addf %add3A_3418, %get3A_3437 : vector<16xf32>
      %get3A_3439 = arith.constant 13 : i32
      %get3A_3440 = arith.index_cast %get3A_3439 : i32 to index
      %get3A_3441 = arith.constant 48 : index
      %get3A_3442 = tpu.vector_load %arg18[%get3A_3440, %get3A_3441] {strides = array<i32>} : memref<50x64xf32, #tpu.memory_space<vmem>>, vector<16xf32>,
      %add3A_3443 = arith.addf %add3A_3423, %get3A_3442 : vector<16xf32>
      %get3A_3444 = arith.constant 14 : i32
      %get3A_3445 = arith.index_cast %get3A_3444 : i32 to index
      %get3A_3446 = arith.constant 0 : index
      %get3A_3447 = tpu.vector_load %arg18[%get3A_3445, %get3A_3446] {strides = array<i32>} : memref<50x64xf32, #tpu.memory_space<vmem>>, vector<16xf32>,
      %add3A_3448 = arith.addf %add3A_3428, %get3A_3447 : vector<16xf32>
      %get3A_3449 = arith.constant 14 : i32
      %get3A_3450 = arith.index_cast %get3A_3449 : i32 to index
      %get3A_3451 = arith.constant 16 : index
      %get3A_3452 = tpu.vector_load %arg18[%get3A_3450, %get3A_3451] {strides = array<i32>} : memref<50x64xf32, #tpu.memory_space<vmem>>, vector<16xf32>,
      %add3A_3453 = arith.addf %add3A_3433, %get3A_3452 : vector<16xf32>
      %get3A_3454 = arith.constant 14 : i32
      %get3A_3455 = arith.index_cast %get3A_3454 : i32 to index
      %get3A_3456 = arith.constant 32 : index
      %get3A_3457 = tpu.vector_load %arg18[%get3A_3455, %get3A_3456] {strides = array<i32>} : memref<50x64xf32, #tpu.memory_space<vmem>>, vector<16xf32>,
      %add3A_3458 = arith.addf %add3A_3438, %get3A_3457 : vector<16xf32>
      %get3A_3459 = arith.constant 14 : i32
      %get3A_3460 = arith.index_cast %get3A_3459 : i32 to index
      %get3A_3461 = arith.constant 48 : index
      %get3A_3462 = tpu.vector_load %arg18[%get3A_3460, %get3A_3461] {strides = array<i32>} : memref<50x64xf32, #tpu.memory_space<vmem>>, vector<16xf32>,
      %add3A_3463 = arith.addf %add3A_3443, %get3A_3462 : vector<16xf32>
      %get3A_3464 = arith.constant 15 : i32
      %get3A_3465 = arith.index_cast %get3A_3464 : i32 to index
      %get3A_3466 = arith.constant 0 : index
      %get3A_3467 = tpu.vector_load %arg18[%get3A_3465, %get3A_3466] {strides = array<i32>} : memref<50x64xf32, #tpu.memory_space<vmem>>, vector<16xf32>,
      %add3A_3468 = arith.addf %add3A_3448, %get3A_3467 : vector<16xf32>
      %get3A_3469 = arith.constant 15 : i32
      %get3A_3470 = arith.index_cast %get3A_3469 : i32 to index
      %get3A_3471 = arith.constant 16 : index
      %get3A_3472 = tpu.vector_load %arg18[%get3A_3470, %get3A_3471] {strides = array<i32>} : memref<50x64xf32, #tpu.memory_space<vmem>>, vector<16xf32>,
      %add3A_3473 = arith.addf %add3A_3453, %get3A_3472 : vector<16xf32>
      %get3A_3474 = arith.constant 15 : i32
      %get3A_3475 = arith.index_cast %get3A_3474 : i32 to index
      %get3A_3476 = arith.constant 32 : index
      %get3A_3477 = tpu.vector_load %arg18[%get3A_3475, %get3A_3476] {strides = array<i32>} : memref<50x64xf32, #tpu.memory_space<vmem>>, vector<16xf32>,
      %add3A_3478 = arith.addf %add3A_3458, %get3A_3477 : vector<16xf32>
      %get3A_3479 = arith.constant 15 : i32
      %get3A_3480 = arith.index_cast %get3A_3479 : i32 to index
      %get3A_3481 = arith.constant 48 : index
      %get3A_3482 = tpu.vector_load %arg18[%get3A_3480, %get3A_3481] {strides = array<i32>} : memref<50x64xf32, #tpu.memory_space<vmem>>, vector<16xf32>,
      %add3A_3483 = arith.addf %add3A_3463, %get3A_3482 : vector<16xf32>
      %get3A_3484 = arith.constant 16 : i32
      %get3A_3485 = arith.index_cast %get3A_3484 : i32 to index
      %get3A_3486 = arith.constant 0 : index
      %get3A_3487 = tpu.vector_load %arg18[%get3A_3485, %get3A_3486] {strides = array<i32>} : memref<50x64xf32, #tpu.memory_space<vmem>>, vector<16xf32>,
      %add3A_3488 = arith.addf %add3A_3468, %get3A_3487 : vector<16xf32>
      %get3A_3489 = arith.constant 16 : i32
      %get3A_3490 = arith.index_cast %get3A_3489 : i32 to index
      %get3A_3491 = arith.constant 16 : index
      %get3A_3492 = tpu.vector_load %arg18[%get3A_3490, %get3A_3491] {strides = array<i32>} : memref<50x64xf32, #tpu.memory_space<vmem>>, vector<16xf32>,
      %add3A_3493 = arith.addf %add3A_3473, %get3A_3492 : vector<16xf32>
      %get3A_3494 = arith.constant 16 : i32
      %get3A_3495 = arith.index_cast %get3A_3494 : i32 to index
      %get3A_3496 = arith.constant 32 : index
      %get3A_3497 = tpu.vector_load %arg18[%get3A_3495, %get3A_3496] {strides = array<i32>} : memref<50x64xf32, #tpu.memory_space<vmem>>, vector<16xf32>,
      %add3A_3498 = arith.addf %add3A_3478, %get3A_3497 : vector<16xf32>
      %get3A_3499 = arith.constant 16 : i32
      %get3A_3500 = arith.index_cast %get3A_3499 : i32 to index
      %get3A_3501 = arith.constant 48 : index
      %get3A_3502 = tpu.vector_load %arg18[%get3A_3500, %get3A_3501] {strides = array<i32>} : memref<50x64xf32, #tpu.memory_space<vmem>>, vector<16xf32>,
      %add3A_3503 = arith.addf %add3A_3483, %get3A_3502 : vector<16xf32>
      %get3A_3504 = arith.constant 17 : i32
      %get3A_3505 = arith.index_cast %get3A_3504 : i32 to index
      %get3A_3506 = arith.constant 0 : index
      %get3A_3507 = tpu.vector_load %arg18[%get3A_3505, %get3A_3506] {strides = array<i32>} : memref<50x64xf32, #tpu.memory_space<vmem>>, vector<16xf32>,
      %add3A_3508 = arith.addf %add3A_3488, %get3A_3507 : vector<16xf32>
      %get3A_3509 = arith.constant 17 : i32
      %get3A_3510 = arith.index_cast %get3A_3509 : i32 to index
      %get3A_3511 = arith.constant 16 : index
      %get3A_3512 = tpu.vector_load %arg18[%get3A_3510, %get3A_3511] {strides = array<i32>} : memref<50x64xf32, #tpu.memory_space<vmem>>, vector<16xf32>,
      %add3A_3513 = arith.addf %add3A_3493, %get3A_3512 : vector<16xf32>
      %get3A_3514 = arith.constant 17 : i32
      %get3A_3515 = arith.index_cast %get3A_3514 : i32 to index
      %get3A_3516 = arith.constant 32 : index
      %get3A_3517 = tpu.vector_load %arg18[%get3A_3515, %get3A_3516] {strides = array<i32>} : memref<50x64xf32, #tpu.memory_space<vmem>>, vector<16xf32>,
      %add3A_3518 = arith.addf %add3A_3498, %get3A_3517 : vector<16xf32>
      %get3A_3519 = arith.constant 17 : i32
      %get3A_3520 = arith.index_cast %get3A_3519 : i32 to index
      %get3A_3521 = arith.constant 48 : index
      %get3A_3522 = tpu.vector_load %arg18[%get3A_3520, %get3A_3521] {strides = array<i32>} : memref<50x64xf32, #tpu.memory_space<vmem>>, vector<16xf32>,
      %add3A_3523 = arith.addf %add3A_3503, %get3A_3522 : vector<16xf32>
      %get3A_3524 = arith.constant 18 : i32
      %get3A_3525 = arith.index_cast %get3A_3524 : i32 to index
      %get3A_3526 = arith.constant 0 : index
      %get3A_3527 = tpu.vector_load %arg18[%get3A_3525, %get3A_3526] {strides = array<i32>} : memref<50x64xf32, #tpu.memory_space<vmem>>, vector<16xf32>,
      %add3A_3528 = arith.addf %add3A_3508, %get3A_3527 : vector<16xf32>
      %get3A_3529 = arith.constant 18 : i32
      %get3A_3530 = arith.index_cast %get3A_3529 : i32 to index
      %get3A_3531 = arith.constant 16 : index
      %get3A_3532 = tpu.vector_load %arg18[%get3A_3530, %get3A_3531] {strides = array<i32>} : memref<50x64xf32, #tpu.memory_space<vmem>>, vector<16xf32>,
      %add3A_3533 = arith.addf %add3A_3513, %get3A_3532 : vector<16xf32>
      %get3A_3534 = arith.constant 18 : i32
      %get3A_3535 = arith.index_cast %get3A_3534 : i32 to index
      %get3A_3536 = arith.constant 32 : index
      %get3A_3537 = tpu.vector_load %arg18[%get3A_3535, %get3A_3536] {strides = array<i32>} : memref<50x64xf32, #tpu.memory_space<vmem>>, vector<16xf32>,
      %add3A_3538 = arith.addf %add3A_3518, %get3A_3537 : vector<16xf32>
      %get3A_3539 = arith.constant 18 : i32
      %get3A_3540 = arith.index_cast %get3A_3539 : i32 to index
      %get3A_3541 = arith.constant 48 : index
      %get3A_3542 = tpu.vector_load %arg18[%get3A_3540, %get3A_3541] {strides = array<i32>} : memref<50x64xf32, #tpu.memory_space<vmem>>, vector<16xf32>,
      %add3A_3543 = arith.addf %add3A_3523, %get3A_3542 : vector<16xf32>
      %get3A_3544 = arith.constant 19 : i32
      %get3A_3545 = arith.index_cast %get3A_3544 : i32 to index
      %get3A_3546 = arith.constant 0 : index
      %get3A_3547 = tpu.vector_load %arg18[%get3A_3545, %get3A_3546] {strides = array<i32>} : memref<50x64xf32, #tpu.memory_space<vmem>>, vector<16xf32>,
      %add3A_3548 = arith.addf %add3A_3528, %get3A_3547 : vector<16xf32>
      %get3A_3549 = arith.constant 19 : i32
      %get3A_3550 = arith.index_cast %get3A_3549 : i32 to index
      %get3A_3551 = arith.constant 16 : index
      %get3A_3552 = tpu.vector_load %arg18[%get3A_3550, %get3A_3551] {strides = array<i32>} : memref<50x64xf32, #tpu.memory_space<vmem>>, vector<16xf32>,
      %add3A_3553 = arith.addf %add3A_3533, %get3A_3552 : vector<16xf32>
      %get3A_3554 = arith.constant 19 : i32
      %get3A_3555 = arith.index_cast %get3A_3554 : i32 to index
      %get3A_3556 = arith.constant 32 : index
      %get3A_3557 = tpu.vector_load %arg18[%get3A_3555, %get3A_3556] {strides = array<i32>} : memref<50x64xf32, #tpu.memory_space<vmem>>, vector<16xf32>,
      %add3A_3558 = arith.addf %add3A_3538, %get3A_3557 : vector<16xf32>
      %get3A_3559 = arith.constant 19 : i32
      %get3A_3560 = arith.index_cast %get3A_3559 : i32 to index
      %get3A_3561 = arith.constant 48 : index
      %get3A_3562 = tpu.vector_load %arg18[%get3A_3560, %get3A_3561] {strides = array<i32>} : memref<50x64xf32, #tpu.memory_space<vmem>>, vector<16xf32>,
      %add3A_3563 = arith.addf %add3A_3543, %get3A_3562 : vector<16xf32>
      %get3A_3564 = arith.constant 20 : i32
      %get3A_3565 = arith.index_cast %get3A_3564 : i32 to index
      %get3A_3566 = arith.constant 0 : index
      %get3A_3567 = tpu.vector_load %arg18[%get3A_3565, %get3A_3566] {strides = array<i32>} : memref<50x64xf32, #tpu.memory_space<vmem>>, vector<16xf32>,
      %add3A_3568 = arith.addf %add3A_3548, %get3A_3567 : vector<16xf32>
      %get3A_3569 = arith.constant 20 : i32
      %get3A_3570 = arith.index_cast %get3A_3569 : i32 to index
      %get3A_3571 = arith.constant 16 : index
      %get3A_3572 = tpu.vector_load %arg18[%get3A_3570, %get3A_3571] {strides = array<i32>} : memref<50x64xf32, #tpu.memory_space<vmem>>, vector<16xf32>,
      %add3A_3573 = arith.addf %add3A_3553, %get3A_3572 : vector<16xf32>
      %get3A_3574 = arith.constant 20 : i32
      %get3A_3575 = arith.index_cast %get3A_3574 : i32 to index
      %get3A_3576 = arith.constant 32 : index
      %get3A_3577 = tpu.vector_load %arg18[%get3A_3575, %get3A_3576] {strides = array<i32>} : memref<50x64xf32, #tpu.memory_space<vmem>>, vector<16xf32>,
      %add3A_3578 = arith.addf %add3A_3558, %get3A_3577 : vector<16xf32>
      %get3A_3579 = arith.constant 20 : i32
      %get3A_3580 = arith.index_cast %get3A_3579 : i32 to index
      %get3A_3581 = arith.constant 48 : index
      %get3A_3582 = tpu.vector_load %arg18[%get3A_3580, %get3A_3581] {strides = array<i32>} : memref<50x64xf32, #tpu.memory_space<vmem>>, vector<16xf32>,
      %add3A_3583 = arith.addf %add3A_3563, %get3A_3582 : vector<16xf32>
      %get3A_3584 = arith.constant 21 : i32
      %get3A_3585 = arith.index_cast %get3A_3584 : i32 to index
      %get3A_3586 = arith.constant 0 : index
      %get3A_3587 = tpu.vector_load %arg18[%get3A_3585, %get3A_3586] {strides = array<i32>} : memref<50x64xf32, #tpu.memory_space<vmem>>, vector<16xf32>,
      %add3A_3588 = arith.addf %add3A_3568, %get3A_3587 : vector<16xf32>
      %get3A_3589 = arith.constant 21 : i32
      %get3A_3590 = arith.index_cast %get3A_3589 : i32 to index
      %get3A_3591 = arith.constant 16 : index
      %get3A_3592 = tpu.vector_load %arg18[%get3A_3590, %get3A_3591] {strides = array<i32>} : memref<50x64xf32, #tpu.memory_space<vmem>>, vector<16xf32>,
      %add3A_3593 = arith.addf %add3A_3573, %get3A_3592 : vector<16xf32>
      %get3A_3594 = arith.constant 21 : i32
      %get3A_3595 = arith.index_cast %get3A_3594 : i32 to index
      %get3A_3596 = arith.constant 32 : index
      %get3A_3597 = tpu.vector_load %arg18[%get3A_3595, %get3A_3596] {strides = array<i32>} : memref<50x64xf32, #tpu.memory_space<vmem>>, vector<16xf32>,
      %add3A_3598 = arith.addf %add3A_3578, %get3A_3597 : vector<16xf32>
      %get3A_3599 = arith.constant 21 : i32
      %get3A_3600 = arith.index_cast %get3A_3599 : i32 to index
      %get3A_3601 = arith.constant 48 : index
      %get3A_3602 = tpu.vector_load %arg18[%get3A_3600, %get3A_3601] {strides = array<i32>} : memref<50x64xf32, #tpu.memory_space<vmem>>, vector<16xf32>,
      %add3A_3603 = arith.addf %add3A_3583, %get3A_3602 : vector<16xf32>
      %get3A_3604 = arith.constant 22 : i32
      %get3A_3605 = arith.index_cast %get3A_3604 : i32 to index
      %get3A_3606 = arith.constant 0 : index
      %get3A_3607 = tpu.vector_load %arg18[%get3A_3605, %get3A_3606] {strides = array<i32>} : memref<50x64xf32, #tpu.memory_space<vmem>>, vector<16xf32>,
      %add3A_3608 = arith.addf %add3A_3588, %get3A_3607 : vector<16xf32>
      %get3A_3609 = arith.constant 22 : i32
      %get3A_3610 = arith.index_cast %get3A_3609 : i32 to index
      %get3A_3611 = arith.constant 16 : index
      %get3A_3612 = tpu.vector_load %arg18[%get3A_3610, %get3A_3611] {strides = array<i32>} : memref<50x64xf32, #tpu.memory_space<vmem>>, vector<16xf32>,
      %add3A_3613 = arith.addf %add3A_3593, %get3A_3612 : vector<16xf32>
      %get3A_3614 = arith.constant 22 : i32
      %get3A_3615 = arith.index_cast %get3A_3614 : i32 to index
      %get3A_3616 = arith.constant 32 : index
      %get3A_3617 = tpu.vector_load %arg18[%get3A_3615, %get3A_3616] {strides = array<i32>} : memref<50x64xf32, #tpu.memory_space<vmem>>, vector<16xf32>,
      %add3A_3618 = arith.addf %add3A_3598, %get3A_3617 : vector<16xf32>
      %get3A_3619 = arith.constant 22 : i32
      %get3A_3620 = arith.index_cast %get3A_3619 : i32 to index
      %get3A_3621 = arith.constant 48 : index
      %get3A_3622 = tpu.vector_load %arg18[%get3A_3620, %get3A_3621] {strides = array<i32>} : memref<50x64xf32, #tpu.memory_space<vmem>>, vector<16xf32>,
      %add3A_3623 = arith.addf %add3A_3603, %get3A_3622 : vector<16xf32>
      %get3A_3624 = arith.constant 23 : i32
      %get3A_3625 = arith.index_cast %get3A_3624 : i32 to index
      %get3A_3626 = arith.constant 0 : index
      %get3A_3627 = tpu.vector_load %arg18[%get3A_3625, %get3A_3626] {strides = array<i32>} : memref<50x64xf32, #tpu.memory_space<vmem>>, vector<16xf32>,
      %add3A_3628 = arith.addf %add3A_3608, %get3A_3627 : vector<16xf32>
      %get3A_3629 = arith.constant 23 : i32
      %get3A_3630 = arith.index_cast %get3A_3629 : i32 to index
      %get3A_3631 = arith.constant 16 : index
      %get3A_3632 = tpu.vector_load %arg18[%get3A_3630, %get3A_3631] {strides = array<i32>} : memref<50x64xf32, #tpu.memory_space<vmem>>, vector<16xf32>,
      %add3A_3633 = arith.addf %add3A_3613, %get3A_3632 : vector<16xf32>
      %get3A_3634 = arith.constant 23 : i32
      %get3A_3635 = arith.index_cast %get3A_3634 : i32 to index
      %get3A_3636 = arith.constant 32 : index
      %get3A_3637 = tpu.vector_load %arg18[%get3A_3635, %get3A_3636] {strides = array<i32>} : memref<50x64xf32, #tpu.memory_space<vmem>>, vector<16xf32>,
      %add3A_3638 = arith.addf %add3A_3618, %get3A_3637 : vector<16xf32>
      %get3A_3639 = arith.constant 23 : i32
      %get3A_3640 = arith.index_cast %get3A_3639 : i32 to index
      %get3A_3641 = arith.constant 48 : index
      %get3A_3642 = tpu.vector_load %arg18[%get3A_3640, %get3A_3641] {strides = array<i32>} : memref<50x64xf32, #tpu.memory_space<vmem>>, vector<16xf32>,
      %add3A_3643 = arith.addf %add3A_3623, %get3A_3642 : vector<16xf32>
      %get3A_3644 = arith.constant 24 : i32
      %get3A_3645 = arith.index_cast %get3A_3644 : i32 to index
      %get3A_3646 = arith.constant 0 : index
      %get3A_3647 = tpu.vector_load %arg18[%get3A_3645, %get3A_3646] {strides = array<i32>} : memref<50x64xf32, #tpu.memory_space<vmem>>, vector<16xf32>,
      %add3A_3648 = arith.addf %add3A_3628, %get3A_3647 : vector<16xf32>
      %get3A_3649 = arith.constant 24 : i32
      %get3A_3650 = arith.index_cast %get3A_3649 : i32 to index
      %get3A_3651 = arith.constant 16 : index
      %get3A_3652 = tpu.vector_load %arg18[%get3A_3650, %get3A_3651] {strides = array<i32>} : memref<50x64xf32, #tpu.memory_space<vmem>>, vector<16xf32>,
      %add3A_3653 = arith.addf %add3A_3633, %get3A_3652 : vector<16xf32>
      %get3A_3654 = arith.constant 24 : i32
      %get3A_3655 = arith.index_cast %get3A_3654 : i32 to index
      %get3A_3656 = arith.constant 32 : index
      %get3A_3657 = tpu.vector_load %arg18[%get3A_3655, %get3A_3656] {strides = array<i32>} : memref<50x64xf32, #tpu.memory_space<vmem>>, vector<16xf32>,
      %add3A_3658 = arith.addf %add3A_3638, %get3A_3657 : vector<16xf32>
      %get3A_3659 = arith.constant 24 : i32
      %get3A_3660 = arith.index_cast %get3A_3659 : i32 to index
      %get3A_3661 = arith.constant 48 : index
      %get3A_3662 = tpu.vector_load %arg18[%get3A_3660, %get3A_3661] {strides = array<i32>} : memref<50x64xf32, #tpu.memory_space<vmem>>, vector<16xf32>,
      %add3A_3663 = arith.addf %add3A_3643, %get3A_3662 : vector<16xf32>
      %get3A_3664 = arith.constant 25 : i32
      %get3A_3665 = arith.index_cast %get3A_3664 : i32 to index
      %get3A_3666 = arith.constant 0 : index
      %get3A_3667 = tpu.vector_load %arg18[%get3A_3665, %get3A_3666] {strides = array<i32>} : memref<50x64xf32, #tpu.memory_space<vmem>>, vector<16xf32>,
      %add3A_3668 = arith.addf %add3A_3648, %get3A_3667 : vector<16xf32>
      %get3A_3669 = arith.constant 25 : i32
      %get3A_3670 = arith.index_cast %get3A_3669 : i32 to index
      %get3A_3671 = arith.constant 16 : index
      %get3A_3672 = tpu.vector_load %arg18[%get3A_3670, %get3A_3671] {strides = array<i32>} : memref<50x64xf32, #tpu.memory_space<vmem>>, vector<16xf32>,
      %add3A_3673 = arith.addf %add3A_3653, %get3A_3672 : vector<16xf32>
      %get3A_3674 = arith.constant 25 : i32
      %get3A_3675 = arith.index_cast %get3A_3674 : i32 to index
      %get3A_3676 = arith.constant 32 : index
      %get3A_3677 = tpu.vector_load %arg18[%get3A_3675, %get3A_3676] {strides = array<i32>} : memref<50x64xf32, #tpu.memory_space<vmem>>, vector<16xf32>,
      %add3A_3678 = arith.addf %add3A_3658, %get3A_3677 : vector<16xf32>
      %get3A_3679 = arith.constant 25 : i32
      %get3A_3680 = arith.index_cast %get3A_3679 : i32 to index
      %get3A_3681 = arith.constant 48 : index
      %get3A_3682 = tpu.vector_load %arg18[%get3A_3680, %get3A_3681] {strides = array<i32>} : memref<50x64xf32, #tpu.memory_space<vmem>>, vector<16xf32>,
      %add3A_3683 = arith.addf %add3A_3663, %get3A_3682 : vector<16xf32>
      %get3A_3684 = arith.constant 26 : i32
      %get3A_3685 = arith.index_cast %get3A_3684 : i32 to index
      %get3A_3686 = arith.constant 0 : index
      %get3A_3687 = tpu.vector_load %arg18[%get3A_3685, %get3A_3686] {strides = array<i32>} : memref<50x64xf32, #tpu.memory_space<vmem>>, vector<16xf32>,
      %add3A_3688 = arith.addf %add3A_3668, %get3A_3687 : vector<16xf32>
      %get3A_3689 = arith.constant 26 : i32
      %get3A_3690 = arith.index_cast %get3A_3689 : i32 to index
      %get3A_3691 = arith.constant 16 : index
      %get3A_3692 = tpu.vector_load %arg18[%get3A_3690, %get3A_3691] {strides = array<i32>} : memref<50x64xf32, #tpu.memory_space<vmem>>, vector<16xf32>,
      %add3A_3693 = arith.addf %add3A_3673, %get3A_3692 : vector<16xf32>
      %get3A_3694 = arith.constant 26 : i32
      %get3A_3695 = arith.index_cast %get3A_3694 : i32 to index
      %get3A_3696 = arith.constant 32 : index
      %get3A_3697 = tpu.vector_load %arg18[%get3A_3695, %get3A_3696] {strides = array<i32>} : memref<50x64xf32, #tpu.memory_space<vmem>>, vector<16xf32>,
      %add3A_3698 = arith.addf %add3A_3678, %get3A_3697 : vector<16xf32>
      %get3A_3699 = arith.constant 26 : i32
      %get3A_3700 = arith.index_cast %get3A_3699 : i32 to index
      %get3A_3701 = arith.constant 48 : index
      %get3A_3702 = tpu.vector_load %arg18[%get3A_3700, %get3A_3701] {strides = array<i32>} : memref<50x64xf32, #tpu.memory_space<vmem>>, vector<16xf32>,
      %add3A_3703 = arith.addf %add3A_3683, %get3A_3702 : vector<16xf32>
      %get3A_3704 = arith.constant 27 : i32
      %get3A_3705 = arith.index_cast %get3A_3704 : i32 to index
      %get3A_3706 = arith.constant 0 : index
      %get3A_3707 = tpu.vector_load %arg18[%get3A_3705, %get3A_3706] {strides = array<i32>} : memref<50x64xf32, #tpu.memory_space<vmem>>, vector<16xf32>,
      %add3A_3708 = arith.addf %add3A_3688, %get3A_3707 : vector<16xf32>
      %get3A_3709 = arith.constant 27 : i32
      %get3A_3710 = arith.index_cast %get3A_3709 : i32 to index
      %get3A_3711 = arith.constant 16 : index
      %get3A_3712 = tpu.vector_load %arg18[%get3A_3710, %get3A_3711] {strides = array<i32>} : memref<50x64xf32, #tpu.memory_space<vmem>>, vector<16xf32>,
      %add3A_3713 = arith.addf %add3A_3693, %get3A_3712 : vector<16xf32>
      %get3A_3714 = arith.constant 27 : i32
      %get3A_3715 = arith.index_cast %get3A_3714 : i32 to index
      %get3A_3716 = arith.constant 32 : index
      %get3A_3717 = tpu.vector_load %arg18[%get3A_3715, %get3A_3716] {strides = array<i32>} : memref<50x64xf32, #tpu.memory_space<vmem>>, vector<16xf32>,
      %add3A_3718 = arith.addf %add3A_3698, %get3A_3717 : vector<16xf32>
      %get3A_3719 = arith.constant 27 : i32
      %get3A_3720 = arith.index_cast %get3A_3719 : i32 to index
      %get3A_3721 = arith.constant 48 : index
      %get3A_3722 = tpu.vector_load %arg18[%get3A_3720, %get3A_3721] {strides = array<i32>} : memref<50x64xf32, #tpu.memory_space<vmem>>, vector<16xf32>,
      %add3A_3723 = arith.addf %add3A_3703, %get3A_3722 : vector<16xf32>
      %get3A_3724 = arith.constant 28 : i32
      %get3A_3725 = arith.index_cast %get3A_3724 : i32 to index
      %get3A_3726 = arith.constant 0 : index
      %get3A_3727 = tpu.vector_load %arg18[%get3A_3725, %get3A_3726] {strides = array<i32>} : memref<50x64xf32, #tpu.memory_space<vmem>>, vector<16xf32>,
      %add3A_3728 = arith.addf %add3A_3708, %get3A_3727 : vector<16xf32>
      %get3A_3729 = arith.constant 28 : i32
      %get3A_3730 = arith.index_cast %get3A_3729 : i32 to index
      %get3A_3731 = arith.constant 16 : index
      %get3A_3732 = tpu.vector_load %arg18[%get3A_3730, %get3A_3731] {strides = array<i32>} : memref<50x64xf32, #tpu.memory_space<vmem>>, vector<16xf32>,
      %add3A_3733 = arith.addf %add3A_3713, %get3A_3732 : vector<16xf32>
      %get3A_3734 = arith.constant 28 : i32
      %get3A_3735 = arith.index_cast %get3A_3734 : i32 to index
      %get3A_3736 = arith.constant 32 : index
      %get3A_3737 = tpu.vector_load %arg18[%get3A_3735, %get3A_3736] {strides = array<i32>} : memref<50x64xf32, #tpu.memory_space<vmem>>, vector<16xf32>,
      %add3A_3738 = arith.addf %add3A_3718, %get3A_3737 : vector<16xf32>
      %get3A_3739 = arith.constant 28 : i32
      %get3A_3740 = arith.index_cast %get3A_3739 : i32 to index
      %get3A_3741 = arith.constant 48 : index
      %get3A_3742 = tpu.vector_load %arg18[%get3A_3740, %get3A_3741] {strides = array<i32>} : memref<50x64xf32, #tpu.memory_space<vmem>>, vector<16xf32>,
      %add3A_3743 = arith.addf %add3A_3723, %get3A_3742 : vector<16xf32>
      %get3A_3744 = arith.constant 29 : i32
      %get3A_3745 = arith.index_cast %get3A_3744 : i32 to index
      %get3A_3746 = arith.constant 0 : index
      %get3A_3747 = tpu.vector_load %arg18[%get3A_3745, %get3A_3746] {strides = array<i32>} : memref<50x64xf32, #tpu.memory_space<vmem>>, vector<16xf32>,
      %add3A_3748 = arith.addf %add3A_3728, %get3A_3747 : vector<16xf32>
      %get3A_3749 = arith.constant 29 : i32
      %get3A_3750 = arith.index_cast %get3A_3749 : i32 to index
      %get3A_3751 = arith.constant 16 : index
      %get3A_3752 = tpu.vector_load %arg18[%get3A_3750, %get3A_3751] {strides = array<i32>} : memref<50x64xf32, #tpu.memory_space<vmem>>, vector<16xf32>,
      %add3A_3753 = arith.addf %add3A_3733, %get3A_3752 : vector<16xf32>
      %get3A_3754 = arith.constant 29 : i32
      %get3A_3755 = arith.index_cast %get3A_3754 : i32 to index
      %get3A_3756 = arith.constant 32 : index
      %get3A_3757 = tpu.vector_load %arg18[%get3A_3755, %get3A_3756] {strides = array<i32>} : memref<50x64xf32, #tpu.memory_space<vmem>>, vector<16xf32>,
      %add3A_3758 = arith.addf %add3A_3738, %get3A_3757 : vector<16xf32>
      %get3A_3759 = arith.constant 29 : i32
      %get3A_3760 = arith.index_cast %get3A_3759 : i32 to index
      %get3A_3761 = arith.constant 48 : index
      %get3A_3762 = tpu.vector_load %arg18[%get3A_3760, %get3A_3761] {strides = array<i32>} : memref<50x64xf32, #tpu.memory_space<vmem>>, vector<16xf32>,
      %add3A_3763 = arith.addf %add3A_3743, %get3A_3762 : vector<16xf32>
      %get3A_3764 = arith.constant 30 : i32
      %get3A_3765 = arith.index_cast %get3A_3764 : i32 to index
      %get3A_3766 = arith.constant 0 : index
      %get3A_3767 = tpu.vector_load %arg18[%get3A_3765, %get3A_3766] {strides = array<i32>} : memref<50x64xf32, #tpu.memory_space<vmem>>, vector<16xf32>,
      %add3A_3768 = arith.addf %add3A_3748, %get3A_3767 : vector<16xf32>
      %get3A_3769 = arith.constant 30 : i32
      %get3A_3770 = arith.index_cast %get3A_3769 : i32 to index
      %get3A_3771 = arith.constant 16 : index
      %get3A_3772 = tpu.vector_load %arg18[%get3A_3770, %get3A_3771] {strides = array<i32>} : memref<50x64xf32, #tpu.memory_space<vmem>>, vector<16xf32>,
      %add3A_3773 = arith.addf %add3A_3753, %get3A_3772 : vector<16xf32>
      %get3A_3774 = arith.constant 30 : i32
      %get3A_3775 = arith.index_cast %get3A_3774 : i32 to index
      %get3A_3776 = arith.constant 32 : index
      %get3A_3777 = tpu.vector_load %arg18[%get3A_3775, %get3A_3776] {strides = array<i32>} : memref<50x64xf32, #tpu.memory_space<vmem>>, vector<16xf32>,
      %add3A_3778 = arith.addf %add3A_3758, %get3A_3777 : vector<16xf32>
      %get3A_3779 = arith.constant 30 : i32
      %get3A_3780 = arith.index_cast %get3A_3779 : i32 to index
      %get3A_3781 = arith.constant 48 : index
      %get3A_3782 = tpu.vector_load %arg18[%get3A_3780, %get3A_3781] {strides = array<i32>} : memref<50x64xf32, #tpu.memory_space<vmem>>, vector<16xf32>,
      %add3A_3783 = arith.addf %add3A_3763, %get3A_3782 : vector<16xf32>
      %get3A_3784 = arith.constant 31 : i32
      %get3A_3785 = arith.index_cast %get3A_3784 : i32 to index
      %get3A_3786 = arith.constant 0 : index
      %get3A_3787 = tpu.vector_load %arg18[%get3A_3785, %get3A_3786] {strides = array<i32>} : memref<50x64xf32, #tpu.memory_space<vmem>>, vector<16xf32>,
      %add3A_3788 = arith.addf %add3A_3768, %get3A_3787 : vector<16xf32>
      %get3A_3789 = arith.constant 31 : i32
      %get3A_3790 = arith.index_cast %get3A_3789 : i32 to index
      %get3A_3791 = arith.constant 16 : index
      %get3A_3792 = tpu.vector_load %arg18[%get3A_3790, %get3A_3791] {strides = array<i32>} : memref<50x64xf32, #tpu.memory_space<vmem>>, vector<16xf32>,
      %add3A_3793 = arith.addf %add3A_3773, %get3A_3792 : vector<16xf32>
      %get3A_3794 = arith.constant 31 : i32
      %get3A_3795 = arith.index_cast %get3A_3794 : i32 to index
      %get3A_3796 = arith.constant 32 : index
      %get3A_3797 = tpu.vector_load %arg18[%get3A_3795, %get3A_3796] {strides = array<i32>} : memref<50x64xf32, #tpu.memory_space<vmem>>, vector<16xf32>,
      %add3A_3798 = arith.addf %add3A_3778, %get3A_3797 : vector<16xf32>
      %get3A_3799 = arith.constant 31 : i32
      %get3A_3800 = arith.index_cast %get3A_3799 : i32 to index
      %get3A_3801 = arith.constant 48 : index
      %get3A_3802 = tpu.vector_load %arg18[%get3A_3800, %get3A_3801] {strides = array<i32>} : memref<50x64xf32, #tpu.memory_space<vmem>>, vector<16xf32>,
      %add3A_3803 = arith.addf %add3A_3783, %get3A_3802 : vector<16xf32>
      %get3A_3804 = arith.constant 32 : i32
      %get3A_3805 = arith.index_cast %get3A_3804 : i32 to index
      %get3A_3806 = arith.constant 0 : index
      %get3A_3807 = tpu.vector_load %arg18[%get3A_3805, %get3A_3806] {strides = array<i32>} : memref<50x64xf32, #tpu.memory_space<vmem>>, vector<16xf32>,
      %add3A_3808 = arith.addf %add3A_3788, %get3A_3807 : vector<16xf32>
      %get3A_3809 = arith.constant 32 : i32
      %get3A_3810 = arith.index_cast %get3A_3809 : i32 to index
      %get3A_3811 = arith.constant 16 : index
      %get3A_3812 = tpu.vector_load %arg18[%get3A_3810, %get3A_3811] {strides = array<i32>} : memref<50x64xf32, #tpu.memory_space<vmem>>, vector<16xf32>,
      %add3A_3813 = arith.addf %add3A_3793, %get3A_3812 : vector<16xf32>
      %get3A_3814 = arith.constant 32 : i32
      %get3A_3815 = arith.index_cast %get3A_3814 : i32 to index
      %get3A_3816 = arith.constant 32 : index
      %get3A_3817 = tpu.vector_load %arg18[%get3A_3815, %get3A_3816] {strides = array<i32>} : memref<50x64xf32, #tpu.memory_space<vmem>>, vector<16xf32>,
      %add3A_3818 = arith.addf %add3A_3798, %get3A_3817 : vector<16xf32>
      %get3A_3819 = arith.constant 32 : i32
      %get3A_3820 = arith.index_cast %get3A_3819 : i32 to index
      %get3A_3821 = arith.constant 48 : index
      %get3A_3822 = tpu.vector_load %arg18[%get3A_3820, %get3A_3821] {strides = array<i32>} : memref<50x64xf32, #tpu.memory_space<vmem>>, vector<16xf32>,
      %add3A_3823 = arith.addf %add3A_3803, %get3A_3822 : vector<16xf32>
      %get3A_3824 = arith.constant 33 : i32
      %get3A_3825 = arith.index_cast %get3A_3824 : i32 to index
      %get3A_3826 = arith.constant 0 : index
      %get3A_3827 = tpu.vector_load %arg18[%get3A_3825, %get3A_3826] {strides = array<i32>} : memref<50x64xf32, #tpu.memory_space<vmem>>, vector<16xf32>,
      %add3A_3828 = arith.addf %add3A_3808, %get3A_3827 : vector<16xf32>
      %get3A_3829 = arith.constant 33 : i32
      %get3A_3830 = arith.index_cast %get3A_3829 : i32 to index
      %get3A_3831 = arith.constant 16 : index
      %get3A_3832 = tpu.vector_load %arg18[%get3A_3830, %get3A_3831] {strides = array<i32>} : memref<50x64xf32, #tpu.memory_space<vmem>>, vector<16xf32>,
      %add3A_3833 = arith.addf %add3A_3813, %get3A_3832 : vector<16xf32>
      %get3A_3834 = arith.constant 33 : i32
      %get3A_3835 = arith.index_cast %get3A_3834 : i32 to index
      %get3A_3836 = arith.constant 32 : index
      %get3A_3837 = tpu.vector_load %arg18[%get3A_3835, %get3A_3836] {strides = array<i32>} : memref<50x64xf32, #tpu.memory_space<vmem>>, vector<16xf32>,
      %add3A_3838 = arith.addf %add3A_3818, %get3A_3837 : vector<16xf32>
      %get3A_3839 = arith.constant 33 : i32
      %get3A_3840 = arith.index_cast %get3A_3839 : i32 to index
      %get3A_3841 = arith.constant 48 : index
      %get3A_3842 = tpu.vector_load %arg18[%get3A_3840, %get3A_3841] {strides = array<i32>} : memref<50x64xf32, #tpu.memory_space<vmem>>, vector<16xf32>,
      %add3A_3843 = arith.addf %add3A_3823, %get3A_3842 : vector<16xf32>
      %get3A_3844 = arith.constant 34 : i32
      %get3A_3845 = arith.index_cast %get3A_3844 : i32 to index
      %get3A_3846 = arith.constant 0 : index
      %get3A_3847 = tpu.vector_load %arg18[%get3A_3845, %get3A_3846] {strides = array<i32>} : memref<50x64xf32, #tpu.memory_space<vmem>>, vector<16xf32>,
      %add3A_3848 = arith.addf %add3A_3828, %get3A_3847 : vector<16xf32>
      %get3A_3849 = arith.constant 34 : i32
      %get3A_3850 = arith.index_cast %get3A_3849 : i32 to index
      %get3A_3851 = arith.constant 16 : index
      %get3A_3852 = tpu.vector_load %arg18[%get3A_3850, %get3A_3851] {strides = array<i32>} : memref<50x64xf32, #tpu.memory_space<vmem>>, vector<16xf32>,
      %add3A_3853 = arith.addf %add3A_3833, %get3A_3852 : vector<16xf32>
      %get3A_3854 = arith.constant 34 : i32
      %get3A_3855 = arith.index_cast %get3A_3854 : i32 to index
      %get3A_3856 = arith.constant 32 : index
      %get3A_3857 = tpu.vector_load %arg18[%get3A_3855, %get3A_3856] {strides = array<i32>} : memref<50x64xf32, #tpu.memory_space<vmem>>, vector<16xf32>,
      %add3A_3858 = arith.addf %add3A_3838, %get3A_3857 : vector<16xf32>
      %get3A_3859 = arith.constant 34 : i32
      %get3A_3860 = arith.index_cast %get3A_3859 : i32 to index
      %get3A_3861 = arith.constant 48 : index
      %get3A_3862 = tpu.vector_load %arg18[%get3A_3860, %get3A_3861] {strides = array<i32>} : memref<50x64xf32, #tpu.memory_space<vmem>>, vector<16xf32>,
      %add3A_3863 = arith.addf %add3A_3843, %get3A_3862 : vector<16xf32>
      %get3A_3864 = arith.constant 35 : i32
      %get3A_3865 = arith.index_cast %get3A_3864 : i32 to index
      %get3A_3866 = arith.constant 0 : index
      %get3A_3867 = tpu.vector_load %arg18[%get3A_3865, %get3A_3866] {strides = array<i32>} : memref<50x64xf32, #tpu.memory_space<vmem>>, vector<16xf32>,
      %add3A_3868 = arith.addf %add3A_3848, %get3A_3867 : vector<16xf32>
      %get3A_3869 = arith.constant 35 : i32
      %get3A_3870 = arith.index_cast %get3A_3869 : i32 to index
      %get3A_3871 = arith.constant 16 : index
      %get3A_3872 = tpu.vector_load %arg18[%get3A_3870, %get3A_3871] {strides = array<i32>} : memref<50x64xf32, #tpu.memory_space<vmem>>, vector<16xf32>,
      %add3A_3873 = arith.addf %add3A_3853, %get3A_3872 : vector<16xf32>
      %get3A_3874 = arith.constant 35 : i32
      %get3A_3875 = arith.index_cast %get3A_3874 : i32 to index
      %get3A_3876 = arith.constant 32 : index
      %get3A_3877 = tpu.vector_load %arg18[%get3A_3875, %get3A_3876] {strides = array<i32>} : memref<50x64xf32, #tpu.memory_space<vmem>>, vector<16xf32>,
      %add3A_3878 = arith.addf %add3A_3858, %get3A_3877 : vector<16xf32>
      %get3A_3879 = arith.constant 35 : i32
      %get3A_3880 = arith.index_cast %get3A_3879 : i32 to index
      %get3A_3881 = arith.constant 48 : index
      %get3A_3882 = tpu.vector_load %arg18[%get3A_3880, %get3A_3881] {strides = array<i32>} : memref<50x64xf32, #tpu.memory_space<vmem>>, vector<16xf32>,
      %add3A_3883 = arith.addf %add3A_3863, %get3A_3882 : vector<16xf32>
      %get3A_3884 = arith.constant 36 : i32
      %get3A_3885 = arith.index_cast %get3A_3884 : i32 to index
      %get3A_3886 = arith.constant 0 : index
      %get3A_3887 = tpu.vector_load %arg18[%get3A_3885, %get3A_3886] {strides = array<i32>} : memref<50x64xf32, #tpu.memory_space<vmem>>, vector<16xf32>,
      %add3A_3888 = arith.addf %add3A_3868, %get3A_3887 : vector<16xf32>
      %get3A_3889 = arith.constant 36 : i32
      %get3A_3890 = arith.index_cast %get3A_3889 : i32 to index
      %get3A_3891 = arith.constant 16 : index
      %get3A_3892 = tpu.vector_load %arg18[%get3A_3890, %get3A_3891] {strides = array<i32>} : memref<50x64xf32, #tpu.memory_space<vmem>>, vector<16xf32>,
      %add3A_3893 = arith.addf %add3A_3873, %get3A_3892 : vector<16xf32>
      %get3A_3894 = arith.constant 36 : i32
      %get3A_3895 = arith.index_cast %get3A_3894 : i32 to index
      %get3A_3896 = arith.constant 32 : index
      %get3A_3897 = tpu.vector_load %arg18[%get3A_3895, %get3A_3896] {strides = array<i32>} : memref<50x64xf32, #tpu.memory_space<vmem>>, vector<16xf32>,
      %add3A_3898 = arith.addf %add3A_3878, %get3A_3897 : vector<16xf32>
      %get3A_3899 = arith.constant 36 : i32
      %get3A_3900 = arith.index_cast %get3A_3899 : i32 to index
      %get3A_3901 = arith.constant 48 : index
      %get3A_3902 = tpu.vector_load %arg18[%get3A_3900, %get3A_3901] {strides = array<i32>} : memref<50x64xf32, #tpu.memory_space<vmem>>, vector<16xf32>,
      %add3A_3903 = arith.addf %add3A_3883, %get3A_3902 : vector<16xf32>
      %get3A_3904 = arith.constant 37 : i32
      %get3A_3905 = arith.index_cast %get3A_3904 : i32 to index
      %get3A_3906 = arith.constant 0 : index
      %get3A_3907 = tpu.vector_load %arg18[%get3A_3905, %get3A_3906] {strides = array<i32>} : memref<50x64xf32, #tpu.memory_space<vmem>>, vector<16xf32>,
      %add3A_3908 = arith.addf %add3A_3888, %get3A_3907 : vector<16xf32>
      %get3A_3909 = arith.constant 37 : i32
      %get3A_3910 = arith.index_cast %get3A_3909 : i32 to index
      %get3A_3911 = arith.constant 16 : index
      %get3A_3912 = tpu.vector_load %arg18[%get3A_3910, %get3A_3911] {strides = array<i32>} : memref<50x64xf32, #tpu.memory_space<vmem>>, vector<16xf32>,
      %add3A_3913 = arith.addf %add3A_3893, %get3A_3912 : vector<16xf32>
      %get3A_3914 = arith.constant 37 : i32
      %get3A_3915 = arith.index_cast %get3A_3914 : i32 to index
      %get3A_3916 = arith.constant 32 : index
      %get3A_3917 = tpu.vector_load %arg18[%get3A_3915, %get3A_3916] {strides = array<i32>} : memref<50x64xf32, #tpu.memory_space<vmem>>, vector<16xf32>,
      %add3A_3918 = arith.addf %add3A_3898, %get3A_3917 : vector<16xf32>
      %get3A_3919 = arith.constant 37 : i32
      %get3A_3920 = arith.index_cast %get3A_3919 : i32 to index
      %get3A_3921 = arith.constant 48 : index
      %get3A_3922 = tpu.vector_load %arg18[%get3A_3920, %get3A_3921] {strides = array<i32>} : memref<50x64xf32, #tpu.memory_space<vmem>>, vector<16xf32>,
      %add3A_3923 = arith.addf %add3A_3903, %get3A_3922 : vector<16xf32>
      %get3A_3924 = arith.constant 38 : i32
      %get3A_3925 = arith.index_cast %get3A_3924 : i32 to index
      %get3A_3926 = arith.constant 0 : index
      %get3A_3927 = tpu.vector_load %arg18[%get3A_3925, %get3A_3926] {strides = array<i32>} : memref<50x64xf32, #tpu.memory_space<vmem>>, vector<16xf32>,
      %add3A_3928 = arith.addf %add3A_3908, %get3A_3927 : vector<16xf32>
      %get3A_3929 = arith.constant 38 : i32
      %get3A_3930 = arith.index_cast %get3A_3929 : i32 to index
      %get3A_3931 = arith.constant 16 : index
      %get3A_3932 = tpu.vector_load %arg18[%get3A_3930, %get3A_3931] {strides = array<i32>} : memref<50x64xf32, #tpu.memory_space<vmem>>, vector<16xf32>,
      %add3A_3933 = arith.addf %add3A_3913, %get3A_3932 : vector<16xf32>
      %get3A_3934 = arith.constant 38 : i32
      %get3A_3935 = arith.index_cast %get3A_3934 : i32 to index
      %get3A_3936 = arith.constant 32 : index
      %get3A_3937 = tpu.vector_load %arg18[%get3A_3935, %get3A_3936] {strides = array<i32>} : memref<50x64xf32, #tpu.memory_space<vmem>>, vector<16xf32>,
      %add3A_3938 = arith.addf %add3A_3918, %get3A_3937 : vector<16xf32>
      %get3A_3939 = arith.constant 38 : i32
      %get3A_3940 = arith.index_cast %get3A_3939 : i32 to index
      %get3A_3941 = arith.constant 48 : index
      %get3A_3942 = tpu.vector_load %arg18[%get3A_3940, %get3A_3941] {strides = array<i32>} : memref<50x64xf32, #tpu.memory_space<vmem>>, vector<16xf32>,
      %add3A_3943 = arith.addf %add3A_3923, %get3A_3942 : vector<16xf32>
      %get3A_3944 = arith.constant 39 : i32
      %get3A_3945 = arith.index_cast %get3A_3944 : i32 to index
      %get3A_3946 = arith.constant 0 : index
      %get3A_3947 = tpu.vector_load %arg18[%get3A_3945, %get3A_3946] {strides = array<i32>} : memref<50x64xf32, #tpu.memory_space<vmem>>, vector<16xf32>,
      %add3A_3948 = arith.addf %add3A_3928, %get3A_3947 : vector<16xf32>
      %get3A_3949 = arith.constant 39 : i32
      %get3A_3950 = arith.index_cast %get3A_3949 : i32 to index
      %get3A_3951 = arith.constant 16 : index
      %get3A_3952 = tpu.vector_load %arg18[%get3A_3950, %get3A_3951] {strides = array<i32>} : memref<50x64xf32, #tpu.memory_space<vmem>>, vector<16xf32>,
      %add3A_3953 = arith.addf %add3A_3933, %get3A_3952 : vector<16xf32>
      %get3A_3954 = arith.constant 39 : i32
      %get3A_3955 = arith.index_cast %get3A_3954 : i32 to index
      %get3A_3956 = arith.constant 32 : index
      %get3A_3957 = tpu.vector_load %arg18[%get3A_3955, %get3A_3956] {strides = array<i32>} : memref<50x64xf32, #tpu.memory_space<vmem>>, vector<16xf32>,
      %add3A_3958 = arith.addf %add3A_3938, %get3A_3957 : vector<16xf32>
      %get3A_3959 = arith.constant 39 : i32
      %get3A_3960 = arith.index_cast %get3A_3959 : i32 to index
      %get3A_3961 = arith.constant 48 : index
      %get3A_3962 = tpu.vector_load %arg18[%get3A_3960, %get3A_3961] {strides = array<i32>} : memref<50x64xf32, #tpu.memory_space<vmem>>, vector<16xf32>,
      %add3A_3963 = arith.addf %add3A_3943, %get3A_3962 : vector<16xf32>
      %get3A_3964 = arith.constant 40 : i32
      %get3A_3965 = arith.index_cast %get3A_3964 : i32 to index
      %get3A_3966 = arith.constant 0 : index
      %get3A_3967 = tpu.vector_load %arg18[%get3A_3965, %get3A_3966] {strides = array<i32>} : memref<50x64xf32, #tpu.memory_space<vmem>>, vector<16xf32>,
      %add3A_3968 = arith.addf %add3A_3948, %get3A_3967 : vector<16xf32>
      %get3A_3969 = arith.constant 40 : i32
      %get3A_3970 = arith.index_cast %get3A_3969 : i32 to index
      %get3A_3971 = arith.constant 16 : index
      %get3A_3972 = tpu.vector_load %arg18[%get3A_3970, %get3A_3971] {strides = array<i32>} : memref<50x64xf32, #tpu.memory_space<vmem>>, vector<16xf32>,
      %add3A_3973 = arith.addf %add3A_3953, %get3A_3972 : vector<16xf32>
      %get3A_3974 = arith.constant 40 : i32
      %get3A_3975 = arith.index_cast %get3A_3974 : i32 to index
      %get3A_3976 = arith.constant 32 : index
      %get3A_3977 = tpu.vector_load %arg18[%get3A_3975, %get3A_3976] {strides = array<i32>} : memref<50x64xf32, #tpu.memory_space<vmem>>, vector<16xf32>,
      %add3A_3978 = arith.addf %add3A_3958, %get3A_3977 : vector<16xf32>
      %get3A_3979 = arith.constant 40 : i32
      %get3A_3980 = arith.index_cast %get3A_3979 : i32 to index
      %get3A_3981 = arith.constant 48 : index
      %get3A_3982 = tpu.vector_load %arg18[%get3A_3980, %get3A_3981] {strides = array<i32>} : memref<50x64xf32, #tpu.memory_space<vmem>>, vector<16xf32>,
      %add3A_3983 = arith.addf %add3A_3963, %get3A_3982 : vector<16xf32>
      %get3A_3984 = arith.constant 41 : i32
      %get3A_3985 = arith.index_cast %get3A_3984 : i32 to index
      %get3A_3986 = arith.constant 0 : index
      %get3A_3987 = tpu.vector_load %arg18[%get3A_3985, %get3A_3986] {strides = array<i32>} : memref<50x64xf32, #tpu.memory_space<vmem>>, vector<16xf32>,
      %add3A_3988 = arith.addf %add3A_3968, %get3A_3987 : vector<16xf32>
      %get3A_3989 = arith.constant 41 : i32
      %get3A_3990 = arith.index_cast %get3A_3989 : i32 to index
      %get3A_3991 = arith.constant 16 : index
      %get3A_3992 = tpu.vector_load %arg18[%get3A_3990, %get3A_3991] {strides = array<i32>} : memref<50x64xf32, #tpu.memory_space<vmem>>, vector<16xf32>,
      %add3A_3993 = arith.addf %add3A_3973, %get3A_3992 : vector<16xf32>
      %get3A_3994 = arith.constant 41 : i32
      %get3A_3995 = arith.index_cast %get3A_3994 : i32 to index
      %get3A_3996 = arith.constant 32 : index
      %get3A_3997 = tpu.vector_load %arg18[%get3A_3995, %get3A_3996] {strides = array<i32>} : memref<50x64xf32, #tpu.memory_space<vmem>>, vector<16xf32>,
      %add3A_3998 = arith.addf %add3A_3978, %get3A_3997 : vector<16xf32>
      %get3A_3999 = arith.constant 41 : i32
      %get3A_4000 = arith.index_cast %get3A_3999 : i32 to index
      %get3A_4001 = arith.constant 48 : index
      %get3A_4002 = tpu.vector_load %arg18[%get3A_4000, %get3A_4001] {strides = array<i32>} : memref<50x64xf32, #tpu.memory_space<vmem>>, vector<16xf32>,
      %add3A_4003 = arith.addf %add3A_3983, %get3A_4002 : vector<16xf32>
      %get3A_4004 = arith.constant 42 : i32
      %get3A_4005 = arith.index_cast %get3A_4004 : i32 to index
      %get3A_4006 = arith.constant 0 : index
      %get3A_4007 = tpu.vector_load %arg18[%get3A_4005, %get3A_4006] {strides = array<i32>} : memref<50x64xf32, #tpu.memory_space<vmem>>, vector<16xf32>,
      %add3A_4008 = arith.addf %add3A_3988, %get3A_4007 : vector<16xf32>
      %get3A_4009 = arith.constant 42 : i32
      %get3A_4010 = arith.index_cast %get3A_4009 : i32 to index
      %get3A_4011 = arith.constant 16 : index
      %get3A_4012 = tpu.vector_load %arg18[%get3A_4010, %get3A_4011] {strides = array<i32>} : memref<50x64xf32, #tpu.memory_space<vmem>>, vector<16xf32>,
      %add3A_4013 = arith.addf %add3A_3993, %get3A_4012 : vector<16xf32>
      %get3A_4014 = arith.constant 42 : i32
      %get3A_4015 = arith.index_cast %get3A_4014 : i32 to index
      %get3A_4016 = arith.constant 32 : index
      %get3A_4017 = tpu.vector_load %arg18[%get3A_4015, %get3A_4016] {strides = array<i32>} : memref<50x64xf32, #tpu.memory_space<vmem>>, vector<16xf32>,
      %add3A_4018 = arith.addf %add3A_3998, %get3A_4017 : vector<16xf32>
      %get3A_4019 = arith.constant 42 : i32
      %get3A_4020 = arith.index_cast %get3A_4019 : i32 to index
      %get3A_4021 = arith.constant 48 : index
      %get3A_4022 = tpu.vector_load %arg18[%get3A_4020, %get3A_4021] {strides = array<i32>} : memref<50x64xf32, #tpu.memory_space<vmem>>, vector<16xf32>,
      %add3A_4023 = arith.addf %add3A_4003, %get3A_4022 : vector<16xf32>
      %get3A_4024 = arith.constant 43 : i32
      %get3A_4025 = arith.index_cast %get3A_4024 : i32 to index
      %get3A_4026 = arith.constant 0 : index
      %get3A_4027 = tpu.vector_load %arg18[%get3A_4025, %get3A_4026] {strides = array<i32>} : memref<50x64xf32, #tpu.memory_space<vmem>>, vector<16xf32>,
      %add3A_4028 = arith.addf %add3A_4008, %get3A_4027 : vector<16xf32>
      %get3A_4029 = arith.constant 43 : i32
      %get3A_4030 = arith.index_cast %get3A_4029 : i32 to index
      %get3A_4031 = arith.constant 16 : index
      %get3A_4032 = tpu.vector_load %arg18[%get3A_4030, %get3A_4031] {strides = array<i32>} : memref<50x64xf32, #tpu.memory_space<vmem>>, vector<16xf32>,
      %add3A_4033 = arith.addf %add3A_4013, %get3A_4032 : vector<16xf32>
      %get3A_4034 = arith.constant 43 : i32
      %get3A_4035 = arith.index_cast %get3A_4034 : i32 to index
      %get3A_4036 = arith.constant 32 : index
      %get3A_4037 = tpu.vector_load %arg18[%get3A_4035, %get3A_4036] {strides = array<i32>} : memref<50x64xf32, #tpu.memory_space<vmem>>, vector<16xf32>,
      %add3A_4038 = arith.addf %add3A_4018, %get3A_4037 : vector<16xf32>
      %get3A_4039 = arith.constant 43 : i32
      %get3A_4040 = arith.index_cast %get3A_4039 : i32 to index
      %get3A_4041 = arith.constant 48 : index
      %get3A_4042 = tpu.vector_load %arg18[%get3A_4040, %get3A_4041] {strides = array<i32>} : memref<50x64xf32, #tpu.memory_space<vmem>>, vector<16xf32>,
      %add3A_4043 = arith.addf %add3A_4023, %get3A_4042 : vector<16xf32>
      %get3A_4044 = arith.constant 44 : i32
      %get3A_4045 = arith.index_cast %get3A_4044 : i32 to index
      %get3A_4046 = arith.constant 0 : index
      %get3A_4047 = tpu.vector_load %arg18[%get3A_4045, %get3A_4046] {strides = array<i32>} : memref<50x64xf32, #tpu.memory_space<vmem>>, vector<16xf32>,
      %add3A_4048 = arith.addf %add3A_4028, %get3A_4047 : vector<16xf32>
      %get3A_4049 = arith.constant 44 : i32
      %get3A_4050 = arith.index_cast %get3A_4049 : i32 to index
      %get3A_4051 = arith.constant 16 : index
      %get3A_4052 = tpu.vector_load %arg18[%get3A_4050, %get3A_4051] {strides = array<i32>} : memref<50x64xf32, #tpu.memory_space<vmem>>, vector<16xf32>,
      %add3A_4053 = arith.addf %add3A_4033, %get3A_4052 : vector<16xf32>
      %get3A_4054 = arith.constant 44 : i32
      %get3A_4055 = arith.index_cast %get3A_4054 : i32 to index
      %get3A_4056 = arith.constant 32 : index
      %get3A_4057 = tpu.vector_load %arg18[%get3A_4055, %get3A_4056] {strides = array<i32>} : memref<50x64xf32, #tpu.memory_space<vmem>>, vector<16xf32>,
      %add3A_4058 = arith.addf %add3A_4038, %get3A_4057 : vector<16xf32>
      %get3A_4059 = arith.constant 44 : i32
      %get3A_4060 = arith.index_cast %get3A_4059 : i32 to index
      %get3A_4061 = arith.constant 48 : index
      %get3A_4062 = tpu.vector_load %arg18[%get3A_4060, %get3A_4061] {strides = array<i32>} : memref<50x64xf32, #tpu.memory_space<vmem>>, vector<16xf32>,
      %add3A_4063 = arith.addf %add3A_4043, %get3A_4062 : vector<16xf32>
      %get3A_4064 = arith.constant 45 : i32
      %get3A_4065 = arith.index_cast %get3A_4064 : i32 to index
      %get3A_4066 = arith.constant 0 : index
      %get3A_4067 = tpu.vector_load %arg18[%get3A_4065, %get3A_4066] {strides = array<i32>} : memref<50x64xf32, #tpu.memory_space<vmem>>, vector<16xf32>,
      %add3A_4068 = arith.addf %add3A_4048, %get3A_4067 : vector<16xf32>
      %get3A_4069 = arith.constant 45 : i32
      %get3A_4070 = arith.index_cast %get3A_4069 : i32 to index
      %get3A_4071 = arith.constant 16 : index
      %get3A_4072 = tpu.vector_load %arg18[%get3A_4070, %get3A_4071] {strides = array<i32>} : memref<50x64xf32, #tpu.memory_space<vmem>>, vector<16xf32>,
      %add3A_4073 = arith.addf %add3A_4053, %get3A_4072 : vector<16xf32>
      %get3A_4074 = arith.constant 45 : i32
      %get3A_4075 = arith.index_cast %get3A_4074 : i32 to index
      %get3A_4076 = arith.constant 32 : index
      %get3A_4077 = tpu.vector_load %arg18[%get3A_4075, %get3A_4076] {strides = array<i32>} : memref<50x64xf32, #tpu.memory_space<vmem>>, vector<16xf32>,
      %add3A_4078 = arith.addf %add3A_4058, %get3A_4077 : vector<16xf32>
      %get3A_4079 = arith.constant 45 : i32
      %get3A_4080 = arith.index_cast %get3A_4079 : i32 to index
      %get3A_4081 = arith.constant 48 : index
      %get3A_4082 = tpu.vector_load %arg18[%get3A_4080, %get3A_4081] {strides = array<i32>} : memref<50x64xf32, #tpu.memory_space<vmem>>, vector<16xf32>,
      %add3A_4083 = arith.addf %add3A_4063, %get3A_4082 : vector<16xf32>
      %get3A_4084 = arith.constant 46 : i32
      %get3A_4085 = arith.index_cast %get3A_4084 : i32 to index
      %get3A_4086 = arith.constant 0 : index
      %get3A_4087 = tpu.vector_load %arg18[%get3A_4085, %get3A_4086] {strides = array<i32>} : memref<50x64xf32, #tpu.memory_space<vmem>>, vector<16xf32>,
      %add3A_4088 = arith.addf %add3A_4068, %get3A_4087 : vector<16xf32>
      %get3A_4089 = arith.constant 46 : i32
      %get3A_4090 = arith.index_cast %get3A_4089 : i32 to index
      %get3A_4091 = arith.constant 16 : index
      %get3A_4092 = tpu.vector_load %arg18[%get3A_4090, %get3A_4091] {strides = array<i32>} : memref<50x64xf32, #tpu.memory_space<vmem>>, vector<16xf32>,
      %add3A_4093 = arith.addf %add3A_4073, %get3A_4092 : vector<16xf32>
      %get3A_4094 = arith.constant 46 : i32
      %get3A_4095 = arith.index_cast %get3A_4094 : i32 to index
      %get3A_4096 = arith.constant 32 : index
      %get3A_4097 = tpu.vector_load %arg18[%get3A_4095, %get3A_4096] {strides = array<i32>} : memref<50x64xf32, #tpu.memory_space<vmem>>, vector<16xf32>,
      %add3A_4098 = arith.addf %add3A_4078, %get3A_4097 : vector<16xf32>
      %get3A_4099 = arith.constant 46 : i32
      %get3A_4100 = arith.index_cast %get3A_4099 : i32 to index
      %get3A_4101 = arith.constant 48 : index
      %get3A_4102 = tpu.vector_load %arg18[%get3A_4100, %get3A_4101] {strides = array<i32>} : memref<50x64xf32, #tpu.memory_space<vmem>>, vector<16xf32>,
      %add3A_4103 = arith.addf %add3A_4083, %get3A_4102 : vector<16xf32>
      %get3A_4104 = arith.constant 47 : i32
      %get3A_4105 = arith.index_cast %get3A_4104 : i32 to index
      %get3A_4106 = arith.constant 0 : index
      %get3A_4107 = tpu.vector_load %arg18[%get3A_4105, %get3A_4106] {strides = array<i32>} : memref<50x64xf32, #tpu.memory_space<vmem>>, vector<16xf32>,
      %add3A_4108 = arith.addf %add3A_4088, %get3A_4107 : vector<16xf32>
      %get3A_4109 = arith.constant 47 : i32
      %get3A_4110 = arith.index_cast %get3A_4109 : i32 to index
      %get3A_4111 = arith.constant 16 : index
      %get3A_4112 = tpu.vector_load %arg18[%get3A_4110, %get3A_4111] {strides = array<i32>} : memref<50x64xf32, #tpu.memory_space<vmem>>, vector<16xf32>,
      %add3A_4113 = arith.addf %add3A_4093, %get3A_4112 : vector<16xf32>
      %get3A_4114 = arith.constant 47 : i32
      %get3A_4115 = arith.index_cast %get3A_4114 : i32 to index
      %get3A_4116 = arith.constant 32 : index
      %get3A_4117 = tpu.vector_load %arg18[%get3A_4115, %get3A_4116] {strides = array<i32>} : memref<50x64xf32, #tpu.memory_space<vmem>>, vector<16xf32>,
      %add3A_4118 = arith.addf %add3A_4098, %get3A_4117 : vector<16xf32>
      %get3A_4119 = arith.constant 47 : i32
      %get3A_4120 = arith.index_cast %get3A_4119 : i32 to index
      %get3A_4121 = arith.constant 48 : index
      %get3A_4122 = tpu.vector_load %arg18[%get3A_4120, %get3A_4121] {strides = array<i32>} : memref<50x64xf32, #tpu.memory_space<vmem>>, vector<16xf32>,
      %add3A_4123 = arith.addf %add3A_4103, %get3A_4122 : vector<16xf32>
      %get3A_4124 = arith.constant 48 : i32
      %get3A_4125 = arith.index_cast %get3A_4124 : i32 to index
      %get3A_4126 = arith.constant 0 : index
      %get3A_4127 = tpu.vector_load %arg18[%get3A_4125, %get3A_4126] {strides = array<i32>} : memref<50x64xf32, #tpu.memory_space<vmem>>, vector<16xf32>,
      %add3A_4128 = arith.addf %add3A_4108, %get3A_4127 : vector<16xf32>
      %get3A_4129 = arith.constant 48 : i32
      %get3A_4130 = arith.index_cast %get3A_4129 : i32 to index
      %get3A_4131 = arith.constant 16 : index
      %get3A_4132 = tpu.vector_load %arg18[%get3A_4130, %get3A_4131] {strides = array<i32>} : memref<50x64xf32, #tpu.memory_space<vmem>>, vector<16xf32>,
      %add3A_4133 = arith.addf %add3A_4113, %get3A_4132 : vector<16xf32>
      %get3A_4134 = arith.constant 48 : i32
      %get3A_4135 = arith.index_cast %get3A_4134 : i32 to index
      %get3A_4136 = arith.constant 32 : index
      %get3A_4137 = tpu.vector_load %arg18[%get3A_4135, %get3A_4136] {strides = array<i32>} : memref<50x64xf32, #tpu.memory_space<vmem>>, vector<16xf32>,
      %add3A_4138 = arith.addf %add3A_4118, %get3A_4137 : vector<16xf32>
      %get3A_4139 = arith.constant 48 : i32
      %get3A_4140 = arith.index_cast %get3A_4139 : i32 to index
      %get3A_4141 = arith.constant 48 : index
      %get3A_4142 = tpu.vector_load %arg18[%get3A_4140, %get3A_4141] {strides = array<i32>} : memref<50x64xf32, #tpu.memory_space<vmem>>, vector<16xf32>,
      %add3A_4143 = arith.addf %add3A_4123, %get3A_4142 : vector<16xf32>
      %get3A_4144 = arith.constant 49 : i32
      %get3A_4145 = arith.index_cast %get3A_4144 : i32 to index
      %get3A_4146 = arith.constant 0 : index
      %get3A_4147 = tpu.vector_load %arg18[%get3A_4145, %get3A_4146] {strides = array<i32>} : memref<50x64xf32, #tpu.memory_space<vmem>>, vector<16xf32>,
      %add3A_4148 = arith.addf %add3A_4128, %get3A_4147 : vector<16xf32>
      %get3A_4149 = arith.constant 49 : i32
      %get3A_4150 = arith.index_cast %get3A_4149 : i32 to index
      %get3A_4151 = arith.constant 16 : index
      %get3A_4152 = tpu.vector_load %arg18[%get3A_4150, %get3A_4151] {strides = array<i32>} : memref<50x64xf32, #tpu.memory_space<vmem>>, vector<16xf32>,
      %add3A_4153 = arith.addf %add3A_4133, %get3A_4152 : vector<16xf32>
      %get3A_4154 = arith.constant 49 : i32
      %get3A_4155 = arith.index_cast %get3A_4154 : i32 to index
      %get3A_4156 = arith.constant 32 : index
      %get3A_4157 = tpu.vector_load %arg18[%get3A_4155, %get3A_4156] {strides = array<i32>} : memref<50x64xf32, #tpu.memory_space<vmem>>, vector<16xf32>,
      %add3A_4158 = arith.addf %add3A_4138, %get3A_4157 : vector<16xf32>
      %get3A_4159 = arith.constant 49 : i32
      %get3A_4160 = arith.index_cast %get3A_4159 : i32 to index
      %get3A_4161 = arith.constant 48 : index
      %get3A_4162 = tpu.vector_load %arg18[%get3A_4160, %get3A_4161] {strides = array<i32>} : memref<50x64xf32, #tpu.memory_space<vmem>>, vector<16xf32>,
      %add3A_4163 = arith.addf %add3A_4143, %get3A_4162 : vector<16xf32>
      %mul3A_4164 = arith.mulf %add3A_4148, %broadcast_in_dim3A_41 : vector<16xf32>
      %swap3A_4165 = arith.index_cast %add3A_3161 : i32 to index
      %swap3A_4166 = arith.constant 0 : index
      %swap3A_4167 = tpu.vector_load %arg19[%swap3A_4165, %swap3A_4166] {strides = array<i32>} : memref<128x64xf32, #tpu.memory_space<vmem>>, vector<16xf32>,
      tpu.vector_store %arg19[%swap3A_4165, %swap3A_4166], %mul3A_4164 {strides = array<i32>} : memref<128x64xf32, #tpu.memory_space<vmem>>, vector<16xf32>,
      %mul3A_4168 = arith.mulf %add3A_4153, %broadcast_in_dim3A_41 : vector<16xf32>
      %swap3A_4169 = arith.index_cast %add3A_3161 : i32 to index
      %swap3A_4170 = arith.constant 16 : index
      %swap3A_4171 = tpu.vector_load %arg19[%swap3A_4169, %swap3A_4170] {strides = array<i32>} : memref<128x64xf32, #tpu.memory_space<vmem>>, vector<16xf32>,
      tpu.vector_store %arg19[%swap3A_4169, %swap3A_4170], %mul3A_4168 {strides = array<i32>} : memref<128x64xf32, #tpu.memory_space<vmem>>, vector<16xf32>,
      %mul3A_4172 = arith.mulf %add3A_4158, %broadcast_in_dim3A_41 : vector<16xf32>
      %swap3A_4173 = arith.index_cast %add3A_3161 : i32 to index
      %swap3A_4174 = arith.constant 32 : index
      %swap3A_4175 = tpu.vector_load %arg19[%swap3A_4173, %swap3A_4174] {strides = array<i32>} : memref<128x64xf32, #tpu.memory_space<vmem>>, vector<16xf32>,
      tpu.vector_store %arg19[%swap3A_4173, %swap3A_4174], %mul3A_4172 {strides = array<i32>} : memref<128x64xf32, #tpu.memory_space<vmem>>, vector<16xf32>,
      %mul3A_4176 = arith.mulf %add3A_4163, %broadcast_in_dim3A_41 : vector<16xf32>
      %swap3A_4177 = arith.index_cast %add3A_3161 : i32 to index
      %swap3A_4178 = arith.constant 48 : index
      %swap3A_4179 = tpu.vector_load %arg19[%swap3A_4177, %swap3A_4178] {strides = array<i32>} : memref<128x64xf32, #tpu.memory_space<vmem>>, vector<16xf32>,
      tpu.vector_store %arg19[%swap3A_4177, %swap3A_4178], %mul3A_4176 {strides = array<i32>} : memref<128x64xf32, #tpu.memory_space<vmem>>, vector<16xf32>,
      %add3A_4180 = arith.constant 4 : i32
      %add3A_4181 = arith.addi %add3A_3161, %add3A_4180 : i32
      %lt3A_4182 = arith.constant 128 : i32
      %lt3A_4183 = arith.cmpi slt, %add3A_4181, %lt3A_4182 : i32
      %convert_element_type3A_4184 = arith.extui %lt3A_4183 : i1 to i32
      %cond3A_4185 = arith.constant 0 : i32
      %cond3A_4186 = arith.cmpi ne, %convert_element_type3A_4184, %cond3A_4185 : i32
      scf.if %cond3A_4186 {
        %add3A_4187 = arith.constant 4 : i32
        %add3A_4188 = arith.addi %add3A_3161, %add3A_4187 : i32
        %dma_start3A_4189 = arith.constant 0 : i32
        %dma_start3A_4190 = tpu.memref_slice %arg9[%add3A_4188, %dma_start3A_4189] : memref<128x50xi32, #tpu.memory_space<vmem>> -> memref<1x50xi32, #tpu.memory_space<vmem>>
        %dma_start3A_4191 = tpu.memref_squeeze %dma_start3A_4190 : memref<1x50xi32, #tpu.memory_space<vmem>> -> memref<50xi32, #tpu.memory_space<vmem>>
        %dma_start3A_4192 = arith.constant 0 : i32
        %dma_start3A_4193 = arith.constant 0 : i32
        %dma_start3A_4194 = tpu.memref_slice %arg2[%dma_start3A_4192, %dma_start3A_4193] : memref<100000x64xf32, #tpu.memory_space<hbm>> -> memref<100000x64xf32, #tpu.memory_space<hbm>>
        tpu.enqueue_indirect_dma source(%dma_start3A_4194 : memref<100000x64xf32, #tpu.memory_space<hbm>>) target(%arg18 : memref<50x64xf32, #tpu.memory_space<vmem>>) offsets(%dma_start3A_4191 : memref<50xi32, #tpu.memory_space<vmem>>) semaphore(%arg27 : memref<!tpu.dma_semaphore, #tpu.memory_space<semaphore_mem>>)
      } else {
      }
    }
    %scan3A_75 = arith.constant 32 : i32
    "tpu.region"() ({
      %run_scoped3A = tpu.sem_alloc : memref<!tpu.dma_semaphore, #tpu.memory_space<semaphore_mem>>
      %dma_start3A_76 = arith.constant 1664 : i32
      %dma_start3A_77 = tpu.memref_slice %arg6[%mul3A_2, %dma_start3A_76] : memref<4096x1731xf32, #tpu.memory_space<hbm>> -> memref<128x64xf32, #tpu.memory_space<hbm>>
      %dma_start3A_78 = arith.constant 1664 : i32
      %dma_start3A_79 = tpu.memref_slice %arg6[%mul3A_2, %dma_start3A_78] : memref<4096x1731xf32, #tpu.memory_space<hbm>> -> memref<128x64xf32, #tpu.memory_space<hbm>>
      tpu.enqueue_dma source(%arg19 : memref<128x64xf32, #tpu.memory_space<vmem>>) target(%dma_start3A_79 : memref<128x64xf32, #tpu.memory_space<hbm>>) target_semaphore(%run_scoped3A : memref<!tpu.dma_semaphore, #tpu.memory_space<semaphore_mem>>)
      %dma_wait3A = arith.constant 1664 : i32
      %dma_wait3A_80 = tpu.memref_slice %arg6[%mul3A_2, %dma_wait3A] : memref<4096x1731xf32, #tpu.memory_space<hbm>> -> memref<128x64xf32, #tpu.memory_space<hbm>>
      %dma_wait3A_81 = arith.constant 1664 : i32
      %dma_wait3A_82 = tpu.memref_slice %arg6[%mul3A_2, %dma_wait3A_81] : memref<4096x1731xf32, #tpu.memory_space<hbm>> -> memref<128x64xf32, #tpu.memory_space<hbm>>
      tpu.wait_dma2 semaphore(%run_scoped3A : memref<!tpu.dma_semaphore, #tpu.memory_space<semaphore_mem>>) src(%arg19 : memref<128x64xf32, #tpu.memory_space<vmem>>) dst(%dma_wait3A_82 : memref<128x64xf32, #tpu.memory_space<hbm>>)
      tpu.yield
    }) : () -> ()
    "tpu.region"() ({
      %run_scoped3A = tpu.sem_alloc : memref<!tpu.dma_semaphore, #tpu.memory_space<semaphore_mem>>
      %dma_start3A_76 = arith.constant 1728 : i32
      %dma_start3A_77 = tpu.memref_slice %arg6[%mul3A_2, %dma_start3A_76] : memref<4096x1731xf32, #tpu.memory_space<hbm>> -> memref<128x3xf32, #tpu.memory_space<hbm>>
      %dma_start3A_78 = arith.constant 1728 : i32
      %dma_start3A_79 = tpu.memref_slice %arg6[%mul3A_2, %dma_start3A_78] : memref<4096x1731xf32, #tpu.memory_space<hbm>> -> memref<128x3xf32, #tpu.memory_space<hbm>>
      tpu.enqueue_dma source(%arg10 : memref<128x3xf32, #tpu.memory_space<vmem>>) target(%dma_start3A_79 : memref<128x3xf32, #tpu.memory_space<hbm>>) target_semaphore(%run_scoped3A : memref<!tpu.dma_semaphore, #tpu.memory_space<semaphore_mem>>)
      %dma_wait3A = arith.constant 1728 : i32
      %dma_wait3A_80 = tpu.memref_slice %arg6[%mul3A_2, %dma_wait3A] : memref<4096x1731xf32, #tpu.memory_space<hbm>> -> memref<128x3xf32, #tpu.memory_space<hbm>>
      %dma_wait3A_81 = arith.constant 1728 : i32
      %dma_wait3A_82 = tpu.memref_slice %arg6[%mul3A_2, %dma_wait3A_81] : memref<4096x1731xf32, #tpu.memory_space<hbm>> -> memref<128x3xf32, #tpu.memory_space<hbm>>
      tpu.wait_dma2 semaphore(%run_scoped3A : memref<!tpu.dma_semaphore, #tpu.memory_space<semaphore_mem>>) src(%arg10 : memref<128x3xf32, #tpu.memory_space<vmem>>) dst(%dma_wait3A_82 : memref<128x3xf32, #tpu.memory_space<hbm>>)
      tpu.yield
    }) : () -> ()
    return
  }
}

</mosaic_0001>

<sc_bundles>
// kernel: kernel.3.cloned.1.call-start
scs
__scs_entry_jumppad:
0x0: {  	(pc) =	sbr.rel $0x88, $3  }
0x1: {  	(tag) =	ssettag $0x0;
	lr =	simm.s32 $0x1  }
0x2: {  	[smem:$0x3F9D] =	sst lr;
	_ =	strace $0xD0000000  }
0x3: {  	_ = 	snop  }
0x4: {  	_ = 	snop  }
0x5: {  	_ = 	snop  }
0x6: {  	_ = 	snop  }
0x7: {  	_ = 	snop  }
__scs_overlays_trampoline_lowered:
0x8: {  	[smem:$0x3FAC] =	sst s0  }
0x9: {  	[smem:$0x3FAD] =	sst s1  }
0xa: {  	[smem:$0x3FAE] =	sst s2  }
0xb: {  	[smem:$0x3FAF] =	sst s3  }
0xc: {  	[smem:$0x3FB0] =	sst s4  }
0xd: {  	[smem:$0x3FB1] =	sst s5  }
0xe: {  	[smem:$0x3FB2] =	sst s6  }
0xf: {  	[smem:$0x3FB3] =	sst s7  }
0x10: {  	[smem:$0x3FB4] =	sst s8  }
0x11: {  	[smem:$0x3FB5] =	sst s9;
	s0 =	simm.s32 @!p0 $0x0  }
0x12: {  	s1 =	sld [smem:$0x3F9B];
	s0 =	simm.s32 @p0 $0x1  }
0x13: {  	[smem:$0x3FB6] =	sst s0;
	s0 =	simm.s32 @!p1 $0x0  }
0x14: {  	s2 =	sld [smem:$0x3F9A];
	s0 =	simm.s32 @p1 $0x1  }
0x15: {  	[smem:$0x3FB7] =	sst s0;
	s0 =	simm.s32 @!p2 $0x0  }
0x16: {  	s3 =	sld [smem:$0x3FDB];
	s0 =	simm.s32 @p2 $0x1  }
0x17: {  	s4 =	simm.s32 $0x1BF5;
	[smem:$0x3FB9] =	sst s0  }
0x18: {  	s0 =	sld [smem:$0x3F9C];
	_ =	swait.ge [sflag:s4], $0x0  }
0x19: {  	s7 =	sld [smem:$0x3F9D]  }
0x1a: {  	s8 =	sadd.s32 $0xFFFFE003, lr  }
0x1b: {  	s9 =	sadd.s32 $0xFFFFFEF7, lr;
	s5 =	simm.s32 $0xFFFFFFFF;
	p2 =	slt.u32 s8, $0xFFFFF086  }
0x1c: {  	p1 =	slt.u32 s9, $0xF7A;
	s5 =	simm.s32 @!p2 $0x0  }
0x1d: {  	s5 =	simm.s32 @p1 $0x1;
	p0 =	seq.s32 s7, s2  }
0x1e: {  	s7 =	smul.u32 @!p0 $0xF7A, s2;
	p2 =	seq.s32 @!p0 s5, $0x0  }
0x1f: {  	s9 =	smul.u32 $0xF7A, s1;
	s8 =	simm.s32 @!p0 $0x1BF5;
	p2 =	por !p2, p0  }
0x20: {  	[sflag:s8] =	ssyncset.s32 @!p0 $0xFFFFF086;
	s6 =	sadd.s32 @!p0 s3, s7;
	s7 =	simm.s32 @!p0 $0x108  }
0x21: {  	s3 =	sadd.s32 s3, s9;
	s6 =	sadd.s32 @!p0 $0x88, s6;
	s7 =	simm.s32 @p2 $0x1082  }
0x22: {  	[simem:s7], [sflag:s8] =	dma.local @!p0 [hbm:s6], $0xF7A  }
0x23: {  	s9 =	sor.u32 $0xD0000000, s2;
	s6 =	simm.s32 $0x108;
	_ =	swait.ge @!p0 [sflag:s8], $0x0  }
0x24: {  	s3 =	sadd.s32 $0x88, s3;
	s6 =	simm.s32 @!p1 $0x1082;
	[sflag:s4] =	ssyncset.s32 $0xFFFFF086  }
0x25: {  	[simem:s6], [sflag:s4] =	dma.local [hbm:s3], $0xF7A  }
0x26: {  	[smem:$0x3F9D] =	sst s1;
	(tag) =	ssettag s2;
	_ =	strace s9  }
0x27: {  	s1 =	sld [smem:$0x3FAD]  }
0x28: {  	s2 =	sld [smem:$0x3FAE]  }
0x29: {  	s4 =	sld [smem:$0x3FB0]  }
0x2a: {  	p0 =	seq.s32 s5, $0x0;
	s5 =	sld [smem:$0x3FB1]  }
0x2b: {  	s6 =	sld [smem:$0x3FB2]  }
0x2c: {  	s7 =	sld [smem:$0x3FB3]  }
0x2d: {  	s3 =	simm.s32 $0x108;
	s8 =	sld [smem:$0x3FB4]  }
0x2e: {  	s3 =	simm.s32 @!p0 $0x1082;
	s9 =	sld [smem:$0x3FB5]  }
0x2f: {  	lr =	sadd.s32 s0, s3;
	s0 =	sld [smem:$0x3FAC]  }
0x30: {  	s3 =	sld [smem:$0x3FAF]  }
0x31: {  	[smem:$0x3FB8] =	sst s10  }
0x32: {  	s10 =	sld [smem:$0x3FB6];
	_ =	sdelay $0x3  }
0x33: {  	p0 =	seq.s32 s10, $0x1;
	s10 =	sld [smem:$0x3FB8];
	_ =	sdelay $0x3  }
0x34: {  	[smem:$0x3FB8] =	sst s10  }
0x35: {  	s10 =	sld [smem:$0x3FB7];
	_ =	sdelay $0x3  }
0x36: {  	p1 =	seq.s32 s10, $0x1;
	s10 =	sld [smem:$0x3FB8];
	_ =	sdelay $0x3  }
0x37: {  	[smem:$0x3FB8] =	sst s10  }
0x38: {  	s10 =	sld [smem:$0x3FB9]  }
0x39: {  	_ = 	snop;
	(pc) =	sbr.ind lr, $3  }
0x3a: {  	_ = 	snop  }
0x3b: {  	_ = 	snop  }
0x3c: {  	p2 =	seq.s32 s10, $0x1;
	s10 =	sld [smem:$0x3FB8]  }
0x3d: {  	_ =	shalt  }
0x3e: {  	_ =	shalt  }
0x3f: {  	_ =	shalt  }
0x40: {  	_ =	shalt  }
0x41: {  	_ =	shalt  }
0x42: {  	_ =	shalt  }
0x43: {  	_ =	shalt  }
0x44: {  	_ =	shalt  }
0x45: {  	_ =	shalt  }
0x46: {  	_ =	shalt  }
0x47: {  	_ =	shalt  }
0x48: {  	_ =	shalt  }
0x49: {  	_ =	shalt  }
0x4a: {  	_ =	shalt  }
0x4b: {  	_ =	shalt  }
0x4c: {  	_ =	shalt  }
0x4d: {  	_ =	shalt  }
0x4e: {  	_ =	shalt  }
0x4f: {  	_ =	shalt  }
0x50: {  	_ =	shalt  }
0x51: {  	_ =	shalt  }
0x52: {  	_ =	shalt  }
0x53: {  	_ =	shalt  }
0x54: {  	_ =	shalt  }
0x55: {  	_ =	shalt  }
0x56: {  	_ =	shalt  }
0x57: {  	_ =	shalt  }
0x58: {  	_ =	shalt  }
0x59: {  	_ =	shalt  }
0x5a: {  	_ =	shalt  }
0x5b: {  	_ =	shalt  }
0x5c: {  	_ =	shalt  }
0x5d: {  	_ =	shalt  }
0x5e: {  	_ =	shalt  }
0x5f: {  	_ =	shalt  }
0x60: {  	_ =	shalt  }
0x61: {  	_ =	shalt  }
0x62: {  	_ =	shalt  }
0x63: {  	_ =	shalt  }
0x64: {  	_ =	shalt  }
0x65: {  	_ =	shalt  }
0x66: {  	_ =	shalt  }
0x67: {  	_ =	shalt  }
0x68: {  	_ =	shalt  }
0x69: {  	_ =	shalt  }
0x6a: {  	_ =	shalt  }
0x6b: {  	_ =	shalt  }
0x6c: {  	_ =	shalt  }
0x6d: {  	_ =	shalt  }
0x6e: {  	_ =	shalt  }
0x6f: {  	_ =	shalt  }
0x70: {  	_ =	shalt  }
0x71: {  	_ =	shalt  }
0x72: {  	_ =	shalt  }
0x73: {  	_ =	shalt  }
0x74: {  	_ =	shalt  }
0x75: {  	_ =	shalt  }
0x76: {  	_ =	shalt  }
0x77: {  	_ =	shalt  }
0x78: {  	_ =	shalt  }
0x79: {  	_ =	shalt  }
0x7a: {  	_ =	shalt  }
0x7b: {  	_ =	shalt  }
0x7c: {  	_ =	shalt  }
0x7d: {  	_ =	shalt  }
0x7e: {  	_ =	shalt  }
0x7f: {  	_ =	shalt  }
0x80: {  	_ =	shalt  }
0x81: {  	_ =	shalt  }
0x82: {  	_ =	shalt  }
0x83: {  	_ =	shalt  }
0x84: {  	_ =	shalt  }
0x85: {  	_ =	shalt  }
0x86: {  	_ =	shalt  }
0x87: {  	_ =	shalt  }
.Lfunc_end0:
.L_simem_size_0:
called_computation_lowered:
.L_overlay_start_0:
0x88: {  	s2 =	sld [smem:$0x3FD9]  }
0x89: {  	s3 =	sld [smem:$0x3FFE];
	_ =	sdelay $0x1  }
0x8a: {  	s1 =	srdreg.scid  }
0x8b: {  	s0 =	sand.u32 $0x1, s1  }
0x8c: {  	s17 =	sshll.u32 s0, $0xA;
	s2 =	sadd.s32 s3, s2  }
0x8d: {  	s2 =	sadd.s32 s2, s17  }
0x8e: {  	[smem:$0x3FC4] =	sst s2  }
0x8f: {  	_ = 	snop  }
0x90: {  	s2 =	sld [smem:$0x3FD0];
	(tm) =	ssettm $0x1  }
0x91: {  	s18 =	sld [smem:$0x3FFB];
	_ =	sdelay $0x3  }
0x92: {  	_ =	strace s18  }
0x93: {  	s3 =	sld [smem:$0x3FFC];
	_ =	sdelay $0x3  }
0x94: {  	_ =	strace s3  }
0x95: {  	s3 =	sld [smem:$0x3FFD];
	_ =	sdelay $0x3  }
0x96: {  	_ =	strace s3  }
0x97: {  	_ =	strace $0x8FFFFFFF  }
0x98: {  	s19 =	sld [smem:$0x3FDB];
	_ =	sdelay $0x1  }
0x99: {  	s4 =	simm.s32 $_scs_section_size  }
0x9a: {  	s5 =	simm.s32 $_size__tile_overlayer_lowered;
	s6 =	simm.s32 $_tile_overlayer_lowered  }
0x9b: {  	s22 =	simm.s32 $0x1BFF;
	s21 =	sshll.u32 s6, $0x1;
	s3 =	sadd.s32 s4, s19  }
0x9c: {  	s7 =	simm.s32 $0x0;
	s20 =	sshll.u32 s5, $0x1;
	s5 =	sadd.s32 s21, s3  }
0x9d: {  	[timem:s7], [sflag:s22] =	dma.local [hbm:s5], s20  }
0x9e: {  	_ =	swait.ge [sflag:s22], s20  }
0x9f: {  	s4 =	ssub.s32 $0x0, s20;
	[sflag:s22] =	ssyncset.done $0x0  }
0xa0: {  	[sflag:s22] =	ssyncadd.s32 s4;
	_ =	sdelay $0x1  }
0xa1: {  	s23 =	simm.s32 $0x1B8B  }
0xa2: {  	_ =	swait.ge [sflag:s23], $0x1  }
0xa3: {  	[sflag:s23] =	ssyncset.done $0x0  }
0xa4: {  	s25 =	simm.s32 $0x1B8E;
	s24 =	sld [smem:$0x3FFE];
	[sflag:s23] =	ssyncadd.s32 $0xFFFFFFFF  }
0xa5: {  	s26 =	simm.s32 $execute0_lowered;
	[smem:$0x3FD2] =	sst s25  }
0xa6: {  	s5 =	sshll.u32 s26, $0x1;
	_ =	strace $0x80000046;
	[dreg:$0x1] =	wrdreg $0xFFFFFFFF  }
0xa7: {  	s28 =	simm.s32 $_size_execute0_lowered;
	s3 =	sadd.s32 s3, s5;
	[dreg:$0x0] =	wrdreg $0x0  }
0xa8: {  	s5 =	sshll.u32 s28, $0x1;
	[dreg:$0x2] =	wrdreg s3  }
0xa9: {  	[dreg:$0x3] =	wrdreg s5  }
0xaa: {  	[dreg:$0x4] =	wrdreg $0xC0  }
0xab: {  	_ =	task [dreg:s7], $0x5FFFF  }
0xac: {  	[dreg:$0x1] =	wrdreg $0xFFFFFFFF  }
0xad: {  	[dreg:$0x0] =	wrdreg $0x60  }
0xae: {  	[dreg:$0x2] =	wrdreg s24  }
0xaf: {  	[dreg:$0x3] =	wrdreg s2  }
0xb0: {  	[dreg:$0x4] =	wrdreg $0x9  }
0xb1: {  	_ =	task.clear_ibuf [dreg:s7], $0x5FFFF;
	_ =	strace $0x90000046  }
0xb2: {  	s29 =	simm.s32 $0x9;
	_ =	strace $0x80000048  }
0xb3: {  	_ =	swait.ge [sflag:s29], $0x1  }
0xb4: {  	[sflag:s29] =	ssyncadd.s32 $0xFFFFFFFF  }
0xb5: {  	_ =	strace $0x90000048  }
0xb6: {  	_ =	sfence  }
0xb7: {  	s30 =	sld [smem:$0x0];
	_ =	sdelay $0x2  }
0xb8: {  	s31 =	sshll.u32 s1, $0xD;
	s1 =	sshrl.u32 s1, $0x2  }
0xb9: {  	s3 =	sand.u32 $0x4000, s31;
	s1 =	sadd.s32 s1, s30  }
0xba: {  	s0 =	sor.u32 s3, s0;
	s1 =	sshll.u32 s1, $0x11  }
0xbb: {  	s0 =	sor.u32 s1, s0  }
0xbc: {  	s0 =	sadd.s32 $0x8F2B, s0  }
0xbd: {  	[sflag:s0] =	ssyncadd.remote.s32 $0x1  }
0xbe: {  	_ =	sfence.sel $0xFFFF  }
0xbf: {  	[dreg:$0x0] =	wrdreg $0xFFFFFFFF;
	(pc) =	sbr.abs _section_cstart, $3  }
0xc0: {  	[dreg:$0x1] =	wrdreg $0xFFFFFFFF  }
0xc1: {  	_ =	task.clear_ibuf [dreg:s7], $0x2FFFF;
	_ =	strace $0x9FFFFFFF  }
0xc2: {  	(tm) =	ssettm $0x7FFFFFFF  }
0xc3: {  	_ =	shalt  }
tec
execute0_lowered:
.L_overlay_start_1:
0x0: {  	(tag) =	ssettag $0x1  }
0x1: {  	s0 =	rddreg [dreg:$0x0]  }
0x2: {  	s1 =	rddreg [dreg:$0x1]  }
0x3: {  	s3 =	srdreg.scid;
	s10 =	stileid.u32;
	s2 =	simm.s32 $0x0  }
0x4: {  	s14 =	simm.s32 $0x9;
	s28 =	simm.s32 $0x40;
	s29 =	simm.s32 $0x6C8  }
0x5: {  	s30 =	simm.s32 $0x2;
	s4 =	sand.u32 $0x1, s3;
	s16 =	sshll.u32 s10, $0x1  }
0x6: {  	[smem:$0x7FF] =	sst s2;
	s3 =	sadd.s32 $0x187400, s0;
	s10 =	smul.u32 $0x6C800, s10  }
0x7: {  	s5 =	sor.u32 s4, s16;
	s9 =	ssub.s32 $0x2, s4;
	s4 =	smul.u32 $0x36400, s4  }
0x8: {  	s31 =	simm.s32 $0x32;
	_ =	strace $0x80000047;
	s6 =	smul.u32 $0x380, s5  }
0x9: {  	s7 =	sshll.u32 s5, $0x9;
	s8 =	smul.u32 $0x36400, s5;
	s5 =	sshll.u32 s5, $0x7  }
0xa: {  	s17 =	sshrl.u32 s9, $0x1;
	s7 =	sadd.s32 s7, s0;
	s4 =	sadd.s32 s4, s10  }
0xb: {  	s6 =	sadd.s32 s6, s0;
	s0 =	sadd.s32 s5, s0;
	s5 =	ssub.s32 s9, s17  }
0xc: {  	s7 =	sadd.s32 $0x7A00, s7;
	s18 =	sshrl.u32 s8, $0x3;
	s21 =	sor.u32 $0xC0, s4  }
0xd: {  	s22 =	sor.u32 $0x40, s4;
	s23 =	sor.u32 $0x80, s4;
	s24 =	sshrl.u32 s4, $0x3  }
0xe: {  	s17 =	simm.s32 $0x80;
	[dreg:$0x3] =	wrdreg s7;
	s6 =	sadd.s32 $0xA00, s6  }
0xf: {  	s19 =	sadd.s32 s1, s18;
	s0 =	sadd.s32 $0xBA00, s0;
	s5 =	smax.u32 s5, $0x1  }
0x10: {  	s25 =	sadd.s32 s24, s1;
	s24 =	simm.s32 $0xE280;
	[dreg:$0x4] =	wrdreg s6  }
0x11: {  	s18 =	simm.s32 $0x8;
	[dreg:$0x5] =	wrdreg s0;
	s20 =	sadd.s32 $0xD0, s19  }
0x12: {  	s6 =	sadd.s32 $0xD8, s19;
	[dreg:$0x8] =	wrdreg s5;
	s0 =	sshrl.u32 s21, $0x3  }
0x13: {  	[dreg:$0xb] =	wrdreg s25;
	s5 =	simm.s32 $0x3900;
	s19 =	simm.s32 $0x3D00  }
0x14: {  	s21 =	simm.s32 $0x5D00;
	s25 =	simm.s32 $0x5;
	[dreg:$0x6] =	wrdreg s20  }
.Ltmp0:
0x15: {  	[dreg:$0x7] =	wrdreg s6;
	s0 =	sadd.s32 s0, s1;
	(pc) =	sbr.rel .LBB2_1-.Ltmp0, $4  }
0x16: {  	s6 =	sshrl.u32 s23, $0x3;
	[dreg:$0x9] =	wrdreg s0;
	s0 =	sshrl.u32 s22, $0x3  }
0x17: {  	s26 =	sadd.s32 s6, s1;
	s6 =	simm.s32 $0x1D00;
	s22 =	simm.s32 $0x0  }
0x18: {  	v0 =	vlaneseq.u32;
	s0 =	sadd.s32 s0, s1;
	[dreg:$0xc] =	wrdreg s26;
	s26 =	simm.s32 $0x1  }
0x19: {  	v0 =	vmul.u32 $0x20, v0;
	s1 =	simm.s32 $0x7;
	[dreg:$0xa] =	wrdreg s0;
	s0 =	simm.s32 $0x6  }
.LBB2_8:
0x1a: {  	s4 =	rddreg [dreg:$0x6];
	s5 =	simm.s32 $0xEF00  }
0x1b: {  	[hbm4b:s4+s28] =	stream.strided.scatter [tilespmem:s5], [sflag:$0x9], $0x2000, s29, s28, $0x38;
	[tilespmem:$0x10F00] =	vst v63  }
0x1c: {  	_ =	swait.ge [sflag:s14], $0x2000  }
0x1d: {  	[sflag:s14] =	ssyncset.done $0x0  }
0x1e: {  	s5 =	simm.s32 $0x3900;
	s20 =	rddreg [dreg:$0x7];
	[sflag:s14] =	ssyncadd.s32 $0xFFFFE000  }
0x1f: {  	[hbm4b:s20+s18] =	stream.strided.scatter [tilespmem:s5], [sflag:$0x9], $0x400, s29, s18, $0x38;
	[tilespmem:$0x10F00] =	vst v63  }
0x20: {  	_ =	swait.ge [sflag:s14], $0x400  }
0x21: {  	s22 =	sadd.s32 $0x1, s22;
	s23 =	rddreg [dreg:$0x8]  }
0x22: {  	p0 =	sne.s32 s22, s23  }
.Ltmp1:
0x23: {  	_ = 	snop;
	(pc) =	sbr.rel @!p0 .LBB2_9-.Ltmp1, $3  }
0x24: {  	_ =	sdelay $0x1  }
0x25: {  	[sflag:s14] =	ssyncset.done $0x0  }
0x26: {  	[sflag:s14] =	ssyncadd.s32 $0xFFFFFC00  }
.LBB2_1:
0x27: {  	s4 =	rddreg [dreg:$0x3]  }
0x28: {  	[tilespmem:s2], [sflag:$0x9] =	stream.linear.gather [hbm4b:s4+s2], $0x1000, $0x38;
	[tilespmem:$0x10F00] =	vst v63  }
0x29: {  	_ =	swait.ge [sflag:s14], $0x1000  }
0x2a: {  	s9 =	simm.s32 $0x0;
	[sflag:s14] =	ssyncset.done $0x0  }
0x2b: {  	s10 =	sand.u32 $0x70, s2;
	v1 =	vmov s9;
	s8 =	rddreg [dreg:$0x4];
	[sflag:s14] =	ssyncadd.s32 $0xFFFFF000  }
0x2c: {  	v2 =	vmov s10;
	v1 =	vand.u32 $0x1F, v1;
	[tilespmem:s6], [sflag:$0x9] =	stream.linear.gather [hbm4b:s8+s2], $0x1C00, $0x38;
	[tilespmem:$0x10F00] =	vst v63  }
0x2d: {  	v2 =	vshll.u32 v2, $0x5;
	v1 =	vbroadcast v1, $0x0;
	_ =	swait.ge [sflag:s14], $0x1C00  }
0x2e: {  	s12 =	simm.s32 $0x10;
	v2 =	vor.u32 v0, v2;
	[sflag:s14] =	ssyncset.done $0x0  }
0x2f: {  	s7 =	simm.s32 $0x0;
	v1 =	vor.u32 v1, v2;
	s11 =	rddreg [dreg:$0x5];
	[sflag:s14] =	ssyncadd.s32 $0xFFFFE400  }
0x30: {  	[tilespmem:s5], [sflag:$0x9] =	stream.linear.gather [hbm4b:s11+s2], $0x400, $0x38;
	[tilespmem:$0x10F00] =	vst v63  }
0x31: {  	s6 =	sand.u32 $0x70, s12;
	v2 =	vmov s7;
	_ =	swait.ge [sflag:s14], $0x400  }
0x32: {  	v3 =	vmov s6;
	v2 =	vand.u32 $0x1F, v2;
	[sflag:s14] =	ssyncset.done $0x0  }
0x33: {  	v3 =	vshll.u32 v3, $0x5;
	v4 =	vbroadcast v2, $0x0;
	[sflag:s14] =	ssyncadd.s32 $0xFFFFFC00  }
0x34: {  	v3 =	vor.u32 v0, v3;
	v2 =	vld.idx.msk [tilespmem:v1+s2+$0x0], $0xffff  }
0x35: {  	s15 =	simm.s32 $0x2;
	v1 =	vor.u32 v4, v3  }
0x36: {  	s16 =	simm.s32 $0x20;
	s13 =	simm.s32 $0x0;
	s23 =	simm.s32 $0x0  }
0x37: {  	s20 =	simm.s32 $0x3;
	s7 =	sand.u32 $0x3FFFFF80, s13;
	s11 =	simm.s32 $0x1  }
.LBB2_2:
0x38: {  	p0 =	sne.s32 s20, $0xCF;
	s8 =	sand.u32 $0x70, s16;
	v3 =	vmov s23;
	s7 =	sor.u32 s10, s7  }
0x39: {  	s10 =	smov.u32 s6;
	v4 =	vmov s8;
	v3 =	vand.u32 $0x1F, v3;
	[tilespmem:s7+$0x1000] =	vst v2;
	s6 =	smov.u32 s8;
	s7 =	smov.u32 s15  }
.Ltmp2:
0x3a: {  	s15 =	smov.u32 s20;
	v4 =	vshll.u32 v4, $0x5;
	v3 =	vbroadcast v3, $0x0;
	v2 =	vld.idx.msk [tilespmem:v1+s2+$0x0], $0xffff;
	(pc) =	sbr.rel @p0 .LBB2_2-.Ltmp2, $4  }
0x3b: {  	v1 =	vor.u32 v0, v4  }
0x3c: {  	v1 =	vor.u32 v3, v1  }
0x3d: {  	s16 =	sadd.s32 $0x10, s16;
	s8 =	sshll.u32 s11, $0x4;
	s11 =	smov.u32 s7  }
0x3e: {  	s20 =	sadd.s32 $0x1, s20;
	s23 =	sshrl.u32 s15, $0x3;
	s7 =	sand.u32 $0x3FFFFF80, s8  }
0x3f: {  	_ = 	snop  }
0x40: {  	s8 =	sand.u32 $0x70, s16;
	v3 =	vmov s23  }
0x41: {  	s7 =	sor.u32 s10, s7;
	v4 =	vmov s8;
	v3 =	vand.u32 $0x1F, v3  }
0x42: {  	[tilespmem:s7+$0x1000] =	vst v2;
	v2 =	vshll.u32 v4, $0x5;
	v3 =	vbroadcast v3, $0x0  }
0x43: {  	v1 =	vld.idx.msk [tilespmem:v1+s2+$0x0], $0xffff;
	v2 =	vor.u32 v0, v2  }
0x44: {  	v2 =	vor.u32 v3, v2  }
0x45: {  	s12 =	sshll.u32 s11, $0x4  }
0x46: {  	s7 =	sand.u32 $0x3FFFFF80, s12  }
0x47: {  	s6 =	sor.u32 s6, s7  }
0x48: {  	[tilespmem:s6+$0x1000] =	vst v1  }
0x49: {  	v1 =	vld.idx.msk [tilespmem:v2+s2+$0x0], $0xffff;
	_ =	sdelay $0x1  }
0x4a: {  	s13 =	sshll.u32 s15, $0x4  }
0x4b: {  	s6 =	sand.u32 $0x3FFFFF80, s13  }
0x4c: {  	s6 =	sor.u32 s8, s6  }
0x4d: {  	s4 =	simm.s32 $0x1000;
	[tilespmem:s6+$0x1000] =	vst v1  }
0x4e: {  	[tilespmem:s19], [sflag:$0x1] =	stream.indirect.gather [hbm4b:s3+s17], $0x40, s4, s17, $0xb8;
	[tilespmem:$0x10F00] =	vst v63  }
0x4f: {  	s15 =	simm.s32 $0x1080  }
0x50: {  	[tilespmem:s21], [sflag:$0x2] =	stream.indirect.gather [hbm4b:s3+s17], $0x40, s15, s17, $0xb8;
	[tilespmem:$0x10F00] =	vst v63  }
0x51: {  	s16 =	simm.s32 $0x1100;
	s5 =	simm.s32 $0x7D00;
	s11 =	rddreg [dreg:$0xa]  }
0x52: {  	[tilespmem:s5], [sflag:$0x3] =	stream.indirect.gather [hbm4b:s3+s17], $0x40, s16, s17, $0xb8;
	[tilespmem:$0x10F00] =	vst v63  }
0x53: {  	s20 =	simm.s32 $0x1180;
	s23 =	simm.s32 $0x9D00;
	s10 =	rddreg [dreg:$0x9]  }
0x54: {  	[tilespmem:s23], [sflag:$0x4] =	stream.indirect.gather [hbm4b:s3+s17], $0x40, s20, s17, $0xb8;
	[tilespmem:$0x10F00] =	vst v63  }
0x55: {  	s6 =	simm.s32 $0x0;
	s20 =	rddreg [dreg:$0xc]  }
0x56: {  	s15 =	simm.s32 $0x0;
	s16 =	simm.s32 $0x2;
	s23 =	rddreg [dreg:$0xb]  }
.LBB2_4:
0x57: {  	_ =	swait.ge [sflag:s26], $0x2000  }
0x58: {  	[sflag:s26] =	ssyncset.done $0x0  }
0x59: {  	[sflag:s26] =	ssyncadd.s32 $0xFFFFE000  }
0x5a: {  	[hbm4b:s23+s28] =	stream.strided.scatter [tilespmem:s19], [sflag:$0x9], $0x2000, s29, s28, $0x38;
	[tilespmem:$0x10F00] =	vst v63  }
0x5b: {  	p0 =	seq.s32 s15, $0x3000;
	_ =	swait.ge [sflag:s14], $0x2000  }
0x5c: {  	s7 =	sshra.s32 @!p0 s15, $0x2;
	s9 =	simm.s32 @!p0 $0x80;
	[sflag:s14] =	ssyncset.done $0x0  }
0x5d: {  	s5 =	simm.s32 @!p0 $0x3D00;
	s8 =	sadd.s32 @!p0 $0x1200, s7;
	[sflag:s14] =	ssyncadd.s32 $0xFFFFE000  }
0x5e: {  	[tilespmem:s5], [sflag:$0x1] =	stream.indirect.gather @!p0 [hbm4b:s3+s9], $0x40, s8, s9, $0xb8;
	[tilespmem:$0x10F00] =	vst v63  }
0x5f: {  	_ =	swait.ge [sflag:s30], $0x2000  }
0x60: {  	[sflag:s30] =	ssyncset.done $0x0  }
0x61: {  	[sflag:s30] =	ssyncadd.s32 $0xFFFFE000  }
0x62: {  	[hbm4b:s11+s28] =	stream.strided.scatter [tilespmem:s21], [sflag:$0x9], $0x2000, s29, s28, $0x38;
	[tilespmem:$0x10F00] =	vst v63  }
0x63: {  	p2 =	sgt.u32 @!p0 s16, $0x19;
	_ =	swait.ge [sflag:s14], $0x2000  }
0x64: {  	p1 =	por p2, p0;
	[sflag:s14] =	ssyncset.done $0x0  }
0x65: {  	s5 =	sadd.s32 @!p0 $0x1280, s7;
	s7 =	simm.s32 @!p0 $0x5D00;
	[sflag:s14] =	ssyncadd.s32 $0xFFFFE000  }
0x66: {  	[tilespmem:s7], [sflag:$0x2] =	stream.indirect.gather @!p0 [hbm4b:s3+s9], $0x40, s5, s9, $0xb8;
	[tilespmem:$0x10F00] =	vst v63  }
0x67: {  	s5 =	simm.s32 @!p1 $0x3  }
0x68: {  	_ =	swait.ge @!p1 [sflag:s5], $0x2000  }
0x69: {  	p3 =	sgt.u32 @!p1 s6, $0x4;
	s8 =	simm.s32 @!p1 $0x7D00;
	[sflag:s5] =	ssyncset.done @!p1 $0x0  }
0x6a: {  	s7 =	simm.s32 @!p1 $0x6C8;
	[sflag:s5] =	ssyncadd.s32 @!p1 $0xFFFFE000;
	s5 =	simm.s32 @!p1 $0x40  }
0x6b: {  	[hbm4b:s20+s5] =	stream.strided.scatter @!p1 [tilespmem:s8], [sflag:$0x9], $0x2000, s7, s5, $0x38;
	[tilespmem:$0x10F00] =	vst v63  }
0x6c: {  	p2 =	por @!p0 p3, p2;
	s8 =	simm.s32 @!p1 $0x9  }
0x6d: {  	p2 =	por p2, p0;
	_ =	swait.ge @!p1 [sflag:s8], $0x2000  }
0x6e: {  	s12 =	simm.s32 @!p2 $0x80;
	s9 =	sshra.s32 @!p2 s15, $0x2;
	[sflag:s8] =	ssyncset.done @!p1 $0x0  }
0x6f: {  	s13 =	simm.s32 @!p2 $0x7D00;
	s4 =	sadd.s32 @!p2 $0x1300, s9;
	[sflag:s8] =	ssyncadd.s32 @!p1 $0xFFFFE000  }
0x70: {  	[tilespmem:s13], [sflag:$0x3] =	stream.indirect.gather @!p2 [hbm4b:s3+s12], $0x40, s4, s12, $0xb8;
	[tilespmem:$0x10F00] =	vst v63  }
0x71: {  	s4 =	simm.s32 @!p1 $0x4  }
0x72: {  	_ =	swait.ge @!p1 [sflag:s4], $0x2000  }
0x73: {  	[sflag:s4] =	ssyncset.done @!p1 $0x0  }
0x74: {  	[sflag:s4] =	ssyncadd.s32 @!p1 $0xFFFFE000;
	s4 =	simm.s32 @!p1 $0x9D00  }
0x75: {  	[hbm4b:s10+s5] =	stream.strided.scatter @!p1 [tilespmem:s4], [sflag:$0x9], $0x2000, s7, s5, $0x38;
	[tilespmem:$0x10F00] =	vst v63  }
0x76: {  	_ =	swait.ge @!p1 [sflag:s8], $0x2000  }
0x77: {  	s15 =	sadd.s32 @!p0 $0x800, s15;
	[sflag:s8] =	ssyncset.done @!p1 $0x0  }
0x78: {  	[sflag:s8] =	ssyncadd.s32 @!p1 $0xFFFFE000;
	p1 =	sne.s32 @!p0 s15, $0x3800  }
0x79: {  	p1 =	por p0, !p1  }
.Ltmp3:
0x7a: {  	_ = 	snop;
	(pc) =	sbr.rel @!p1 .LBB2_4-.Ltmp3, $4  }
0x7b: {  	s16 =	sadd.s32 @!p0 $0x4, s16;
	s6 =	sadd.s32 @!p0 $0x1, s6  }
0x7c: {  	s23 =	sadd.s32 @!p0 $0x20, s23;
	s11 =	sadd.s32 @!p0 $0x20, s11;
	s20 =	sadd.s32 @!p0 $0x20, s20  }
0x7d: {  	s4 =	sadd.s32 @!p2 $0x1380, s9;
	s5 =	simm.s32 @!p2 $0x9D00;
	s10 =	sadd.s32 @!p0 $0x20, s10  }
0x7e: {  	[tilespmem:s5], [sflag:$0x4] =	stream.indirect.gather @!p2 [hbm4b:s3+s12], $0x40, s4, s12, $0xb8;
	[tilespmem:$0x10F00] =	vst v63  }
0x7f: {  	s6 =	simm.s32 $0x1D00;
	s4 =	simm.s32 $0xBD00  }
0x80: {  	[tilespmem:s4], [sflag:$0x5] =	stream.indirect.gather [hbm4b:s3+s31], $0x40, s6, s31, $0xb8;
	[tilespmem:$0x10F00] =	vst v63  }
0x81: {  	s15 =	simm.s32 $0x1D38;
	s5 =	simm.s32 $0xC980  }
0x82: {  	[tilespmem:s5], [sflag:$0x6] =	stream.indirect.gather [hbm4b:s3+s31], $0x40, s15, s31, $0xb8;
	[tilespmem:$0x10F00] =	vst v63  }
0x83: {  	s16 =	simm.s32 $0x1D70;
	s20 =	simm.s32 $0xD600  }
0x84: {  	[tilespmem:s20], [sflag:$0x7] =	stream.indirect.gather [hbm4b:s3+s31], $0x40, s16, s31, $0xb8;
	[tilespmem:$0x10F00] =	vst v63  }
0x85: {  	s23 =	simm.s32 $0x1DA8  }
0x86: {  	[tilespmem:s24], [sflag:$0x8] =	stream.indirect.gather [hbm4b:s3+s31], $0x40, s23, s31, $0xb8;
	[tilespmem:$0x10F00] =	vst v63  }
0x87: {  	s20 =	simm.s32 $0xEF80;
	s23 =	simm.s32 $0xFFFF9380  }
.LBB2_6:
0x88: {  	_ =	swait.ge [sflag:s25], $0xC80  }
0x89: {  	[sflag:s25] =	ssyncset.done $0x0  }
0x8a: {  	[sflag:s25] =	ssyncadd.s32 $0xFFFFF380  }
0x8b: {  	v58 =	vld [tilespmem:$0xC0E0];
	_ =	sdelay $0x4  }
0x8c: {  	[tilespmem:$0x1F590] =	vst v58;
	v58 =	vld [tilespmem:$0xC110];
	_ =	sdelay $0x4  }
0x8d: {  	[tilespmem:$0x1F5B0] =	vst v58;
	v58 =	vld [tilespmem:$0xC120];
	_ =	sdelay $0x4  }
0x8e: {  	[tilespmem:$0x1F5C0] =	vst v58;
	v58 =	vld [tilespmem:$0xC130];
	_ =	sdelay $0x4  }
0x8f: {  	[tilespmem:$0x1F5E0] =	vst v58;
	v58 =	vld [tilespmem:$0xC140];
	_ =	sdelay $0x4  }
0x90: {  	[tilespmem:$0x1F5D0] =	vst v58;
	v58 =	vld [tilespmem:$0xC150];
	_ =	sdelay $0x4  }
0x91: {  	[tilespmem:$0x1F5F0] =	vst v58;
	v58 =	vld [tilespmem:$0xC160];
	_ =	sdelay $0x4  }
0x92: {  	[tilespmem:$0x1F600] =	vst v58;
	v58 =	vld [tilespmem:$0xC170];
	_ =	sdelay $0x4  }
0x93: {  	[tilespmem:$0x1F620] =	vst v58;
	v58 =	vld [tilespmem:$0xC180];
	_ =	sdelay $0x4  }
0x94: {  	[tilespmem:$0x1F610] =	vst v58;
	v58 =	vld [tilespmem:$0xC190];
	_ =	sdelay $0x4  }
0x95: {  	[tilespmem:$0x1F630] =	vst v58;
	v58 =	vld [tilespmem:$0xC1A0];
	_ =	sdelay $0x4  }
0x96: {  	[tilespmem:$0x1F640] =	vst v58;
	v58 =	vld [tilespmem:$0xC1B0];
	_ =	sdelay $0x4  }
0x97: {  	[tilespmem:$0x1F660] =	vst v58;
	v58 =	vld [tilespmem:$0xC1C0];
	_ =	sdelay $0x4  }
0x98: {  	[tilespmem:$0x1F650] =	vst v58;
	v58 =	vld [tilespmem:$0xC1D0];
	_ =	sdelay $0x4  }
0x99: {  	[tilespmem:$0x1F670] =	vst v58;
	v58 =	vld [tilespmem:$0xC1E0];
	_ =	sdelay $0x4  }
0x9a: {  	[tilespmem:$0x1F680] =	vst v58;
	v58 =	vld [tilespmem:$0xC1F0];
	_ =	sdelay $0x4  }
0x9b: {  	[tilespmem:$0x1F6A0] =	vst v58;
	v58 =	vld [tilespmem:$0xC200];
	_ =	sdelay $0x4  }
0x9c: {  	[tilespmem:$0x1F690] =	vst v58;
	v58 =	vld [tilespmem:$0xC210];
	_ =	sdelay $0x4  }
0x9d: {  	[tilespmem:$0x1F6B0] =	vst v58;
	v58 =	vld [tilespmem:$0xC220];
	_ =	sdelay $0x4  }
0x9e: {  	[tilespmem:$0x1F6C0] =	vst v58;
	v58 =	vld [tilespmem:$0xC230];
	_ =	sdelay $0x4  }
0x9f: {  	[tilespmem:$0x1F6E0] =	vst v58;
	v58 =	vld [tilespmem:$0xC240];
	_ =	sdelay $0x2  }
0xa0: {  	v4 =	vld [tilespmem:$0xBD00]  }
0xa1: {  	v5 =	vld [tilespmem:$0xBD10]  }
0xa2: {  	[tilespmem:$0x1F6D0] =	vst v58;
	v58 =	vld [tilespmem:$0xC250]  }
0xa3: {  	v6 =	vld [tilespmem:$0xBD20]  }
0xa4: {  	v17 =	vld [tilespmem:$0xBD30]  }
0xa5: {  	v18 =	vld [tilespmem:$0xBD40]  }
0xa6: {  	v21 =	vld [tilespmem:$0xBD50]  }
0xa7: {  	[tilespmem:$0x1F6F0] =	vst v58;
	v58 =	vld [tilespmem:$0xC260]  }
0xa8: {  	v22 =	vld [tilespmem:$0xBD60]  }
0xa9: {  	v33 =	vld [tilespmem:$0xBD70]  }
0xaa: {  	v34 =	vld [tilespmem:$0xBD80]  }
0xab: {  	v37 =	vld [tilespmem:$0xBD90]  }
0xac: {  	[tilespmem:$0x1F700] =	vst v58;
	v58 =	vld [tilespmem:$0xC270]  }
0xad: {  	v38 =	vld [tilespmem:$0xBDA0]  }
0xae: {  	v49 =	vld [tilespmem:$0xBDB0]  }
0xaf: {  	v50 =	vld [tilespmem:$0xBDC0]  }
0xb0: {  	v53 =	vld [tilespmem:$0xBDD0]  }
0xb1: {  	[tilespmem:$0x1F720] =	vst v58;
	v58 =	vld [tilespmem:$0xC280]  }
0xb2: {  	v54 =	vld [tilespmem:$0xBDE0]  }
0xb3: {  	v63 =	vld [tilespmem:$0xBDF0]  }
0xb4: {  	v1 =	vld [tilespmem:$0xBE00]  }
0xb5: {  	v2 =	vld [tilespmem:$0xBE10]  }
0xb6: {  	[tilespmem:$0x1F710] =	vst v58;
	v58 =	vld [tilespmem:$0xC290]  }
0xb7: {  	v7 =	vld [tilespmem:$0xBE20]  }
0xb8: {  	v11 =	vld [tilespmem:$0xBE30]  }
0xb9: {  	v3 =	vld [tilespmem:$0xBE40]  }
0xba: {  	v8 =	vld [tilespmem:$0xBE50]  }
0xbb: {  	[tilespmem:$0x1F730] =	vst v58;
	v58 =	vld [tilespmem:$0xC2A0]  }
0xbc: {  	v10 =	vld [tilespmem:$0xBE60]  }
0xbd: {  	v15 =	vld [tilespmem:$0xBE70]  }
0xbe: {  	v9 =	vld [tilespmem:$0xBE80]  }
0xbf: {  	v12 =	vld [tilespmem:$0xBE90]  }
0xc0: {  	[tilespmem:$0x1F740] =	vst v58;
	v58 =	vld [tilespmem:$0xC2B0]  }
0xc1: {  	v14 =	vld [tilespmem:$0xBEA0]  }
0xc2: {  	v23 =	vld [tilespmem:$0xBEB0]  }
0xc3: {  	v13 =	vld [tilespmem:$0xBEC0]  }
0xc4: {  	v16 =	vld [tilespmem:$0xBED0]  }
0xc5: {  	[tilespmem:$0x1F760] =	vst v58;
	v58 =	vld [tilespmem:$0xC2C0]  }
0xc6: {  	v20 =	vld [tilespmem:$0xBEE0]  }
0xc7: {  	v27 =	vld [tilespmem:$0xBEF0]  }
0xc8: {  	v19 =	vld [tilespmem:$0xBF00]  }
0xc9: {  	v24 =	vld [tilespmem:$0xBF10]  }
0xca: {  	[tilespmem:$0x1F750] =	vst v58;
	v58 =	vld [tilespmem:$0xC2D0]  }
0xcb: {  	v26 =	vld [tilespmem:$0xBF20]  }
0xcc: {  	v31 =	vld [tilespmem:$0xBF30]  }
0xcd: {  	v25 =	vld [tilespmem:$0xBF40]  }
0xce: {  	v28 =	vld [tilespmem:$0xBF50]  }
0xcf: {  	[tilespmem:$0x1F770] =	vst v58;
	v58 =	vld [tilespmem:$0xC2E0]  }
0xd0: {  	v30 =	vld [tilespmem:$0xBF60]  }
0xd1: {  	v39 =	vld [tilespmem:$0xBF70]  }
0xd2: {  	v29 =	vld [tilespmem:$0xBF80]  }
0xd3: {  	v32 =	vld [tilespmem:$0xBF90]  }
0xd4: {  	[tilespmem:$0x1F780] =	vst v58;
	v58 =	vld [tilespmem:$0xC2F0]  }
0xd5: {  	v36 =	vld [tilespmem:$0xBFA0]  }
0xd6: {  	v43 =	vld [tilespmem:$0xBFB0]  }
0xd7: {  	v35 =	vld [tilespmem:$0xBFC0]  }
0xd8: {  	v40 =	vld [tilespmem:$0xBFD0]  }
0xd9: {  	[tilespmem:$0x1F7A0] =	vst v58;
	v58 =	vld [tilespmem:$0xC300]  }
0xda: {  	v42 =	vld [tilespmem:$0xBFE0]  }
0xdb: {  	v47 =	vld [tilespmem:$0xBFF0]  }
0xdc: {  	v41 =	vld [tilespmem:$0xC000]  }
0xdd: {  	v44 =	vld [tilespmem:$0xC010]  }
0xde: {  	[tilespmem:$0x1F790] =	vst v58;
	v58 =	vld [tilespmem:$0xC310]  }
0xdf: {  	v46 =	vld [tilespmem:$0xC020]  }
0xe0: {  	v55 =	vld [tilespmem:$0xC030]  }
0xe1: {  	v45 =	vld [tilespmem:$0xC040]  }
0xe2: {  	v48 =	vld [tilespmem:$0xC050]  }
0xe3: {  	[tilespmem:$0x1F7B0] =	vst v58;
	v58 =	vld [tilespmem:$0xC320]  }
0xe4: {  	v52 =	vld [tilespmem:$0xC060]  }
0xe5: {  	v61 =	vld [tilespmem:$0xC070]  }
0xe6: {  	v51 =	vld [tilespmem:$0xC080]  }
0xe7: {  	v56 =	vld [tilespmem:$0xC090]  }
0xe8: {  	[tilespmem:$0x1F7C0] =	vst v58;
	v58 =	vld [tilespmem:$0xC330]  }
0xe9: {  	v57 =	vld [tilespmem:$0xC0B0]  }
0xea: {  	v60 =	vld [tilespmem:$0xC0F0]  }
0xeb: {  	v62 =	vld [tilespmem:$0xC0A0]  }
0xec: {  	v59 =	vld [tilespmem:$0xC0D0]  }
0xed: {  	[tilespmem:$0x1F7E0] =	vst v58;
	v58 =	vld [tilespmem:$0xC340]  }
0xee: {  	[tilespmem:$0x1F580] =	vst v57;
	v57 =	vld [tilespmem:$0xC0C0]  }
0xef: {  	[tilespmem:$0x1F5A0] =	vst v60;
	v60 =	vld [tilespmem:$0xC100]  }
0xf0: {  	v18 =	vadd.f32 v18, v4;
	v4 =	vld [tilespmem:$0xC390]  }
0xf1: {  	v21 =	vadd.f32 v21, v5;
	v5 =	vld [tilespmem:$0xC3A0]  }
0xf2: {  	[tilespmem:$0x1F7D0] =	vst v58;
	v58 =	vld [tilespmem:$0xC350]  }
0xf3: {  	v22 =	vadd.f32 v22, v6;
	v6 =	vld [tilespmem:$0xC3B0];
	v18 =	vadd.f32 v34, v18  }
0xf4: {  	v33 =	vadd.f32 v33, v17;
	v17 =	vld [tilespmem:$0xC3C0];
	v21 =	vadd.f32 v37, v21  }
0xf5: {  	v34 =	vadd.f32 v50, v18;
	v18 =	vld [tilespmem:$0xC3D0]  }
0xf6: {  	v22 =	vadd.f32 v38, v22;
	v37 =	vadd.f32 v53, v21;
	v21 =	vld [tilespmem:$0xC3E0]  }
0xf7: {  	v33 =	vadd.f32 v49, v33;
	[tilespmem:$0x1F7F0] =	vst v58;
	v58 =	vld [tilespmem:$0xC360]  }
0xf8: {  	v38 =	vadd.f32 v54, v22;
	v22 =	vld [tilespmem:$0xC3F0]  }
0xf9: {  	v49 =	vadd.f32 v63, v33;
	v33 =	vld [tilespmem:$0xC400]  }
0xfa: {  	v50 =	vld [tilespmem:$0xC450]  }
0xfb: {  	v53 =	vld [tilespmem:$0xC460]  }
0xfc: {  	[tilespmem:$0x1F800] =	vst v58;
	v58 =	vld [tilespmem:$0xC370]  }
0xfd: {  	v1 =	vadd.f32 v1, v34;
	v34 =	vld [tilespmem:$0xC410]  }
0xfe: {  	v2 =	vadd.f32 v2, v37;
	v37 =	vld [tilespmem:$0xC420]  }
0xff: {  	v7 =	vadd.f32 v7, v38;
	v38 =	vld [tilespmem:$0xC430]  }
0x100: {  	v1 =	vadd.f32 v3, v1;
	v3 =	vadd.f32 v11, v49;
	v49 =	vld [tilespmem:$0xC440]  }
0x101: {  	v7 =	vadd.f32 v10, v7;
	[tilespmem:$0x1F810] =	vst v58;
	v58 =	vld [tilespmem:$0xC380]  }
0x102: {  	v54 =	vld [tilespmem:$0xC470]  }
0x103: {  	v2 =	vadd.f32 v8, v2;
	v7 =	vadd.f32 v14, v7;
	v8 =	vld [tilespmem:$0xC480]  }
0x104: {  	v1 =	vadd.f32 v9, v1;
	v3 =	vadd.f32 v15, v3;
	v9 =	vld [tilespmem:$0xC490]  }
0x105: {  	v2 =	vadd.f32 v12, v2;
	v7 =	vadd.f32 v20, v7;
	v10 =	vld [tilespmem:$0xC4A0]  }
0x106: {  	v1 =	vadd.f32 v13, v1;
	v3 =	vadd.f32 v23, v3;
	v11 =	vld [tilespmem:$0xC4B0]  }
0x107: {  	v2 =	vadd.f32 v16, v2;
	v7 =	vadd.f32 v26, v7;
	v12 =	vld [tilespmem:$0xC4C0]  }
0x108: {  	v1 =	vadd.f32 v19, v1;
	v3 =	vadd.f32 v27, v3;
	v13 =	vld [tilespmem:$0xC4D0]  }
0x109: {  	v2 =	vadd.f32 v24, v2;
	v7 =	vadd.f32 v30, v7;
	v14 =	vld [tilespmem:$0xC4E0]  }
0x10a: {  	v1 =	vadd.f32 v25, v1;
	v3 =	vadd.f32 v31, v3;
	v15 =	vld [tilespmem:$0xC4F0]  }
0x10b: {  	v2 =	vadd.f32 v28, v2;
	v7 =	vadd.f32 v36, v7;
	v16 =	vld [tilespmem:$0xC500]  }
0x10c: {  	v1 =	vadd.f32 v29, v1;
	v3 =	vadd.f32 v39, v3;
	v19 =	vld [tilespmem:$0xC510]  }
0x10d: {  	v2 =	vadd.f32 v32, v2;
	v7 =	vadd.f32 v42, v7;
	v20 =	vld [tilespmem:$0xC520]  }
0x10e: {  	v1 =	vadd.f32 v35, v1;
	v3 =	vadd.f32 v43, v3;
	v23 =	vld [tilespmem:$0xC530]  }
0x10f: {  	v2 =	vadd.f32 v40, v2;
	v7 =	vadd.f32 v46, v7;
	v24 =	vld [tilespmem:$0xC540]  }
0x110: {  	v1 =	vadd.f32 v41, v1;
	v3 =	vadd.f32 v47, v3;
	v25 =	vld [tilespmem:$0xC550]  }
0x111: {  	v2 =	vadd.f32 v44, v2;
	v7 =	vadd.f32 v52, v7;
	v52 =	vld [tilespmem:$0x1F580]  }
0x112: {  	v1 =	vadd.f32 v45, v1;
	v26 =	vld [tilespmem:$0xC560]  }
0x113: {  	v3 =	vadd.f32 v55, v3;
	v2 =	vadd.f32 v48, v2;
	v55 =	vld [tilespmem:$0x1F590]  }
0x114: {  	v1 =	vadd.f32 v51, v1;
	v27 =	vld [tilespmem:$0xC570]  }
0x115: {  	v2 =	vadd.f32 v56, v2;
	v56 =	vld [tilespmem:$0x1F5A0]  }
0x116: {  	v1 =	vadd.f32 v57, v1;
	v57 =	vld [tilespmem:$0x1F5B0]  }
0x117: {  	v28 =	vld [tilespmem:$0xC580]  }
0x118: {  	v2 =	vadd.f32 v59, v2;
	v59 =	vld [tilespmem:$0x1F5C0]  }
0x119: {  	v1 =	vadd.f32 v60, v1;
	v60 =	vld [tilespmem:$0x1F5D0]  }
0x11a: {  	v29 =	vld [tilespmem:$0xC590]  }
0x11b: {  	v3 =	vadd.f32 v61, v3;
	v61 =	vld [tilespmem:$0x1F5E0]  }
0x11c: {  	v7 =	vadd.f32 v62, v7;
	v62 =	vld [tilespmem:$0x1F5F0]  }
0x11d: {  	v30 =	vld [tilespmem:$0xC5A0]  }
0x11e: {  	v63 =	vld [tilespmem:$0x1F600]  }
0x11f: {  	v35 =	vld [tilespmem:$0x1F610]  }
0x120: {  	v31 =	vld [tilespmem:$0xC5B0]  }
0x121: {  	v36 =	vld [tilespmem:$0x1F620]  }
0x122: {  	v39 =	vld [tilespmem:$0x1F630]  }
0x123: {  	v32 =	vld [tilespmem:$0xC5C0]  }
0x124: {  	v40 =	vld [tilespmem:$0x1F640]  }
0x125: {  	v41 =	vld [tilespmem:$0x1F650]  }
0x126: {  	v42 =	vld [tilespmem:$0x1F660]  }
0x127: {  	v43 =	vld [tilespmem:$0x1F670]  }
0x128: {  	v44 =	vld [tilespmem:$0x1F680]  }
0x129: {  	v45 =	vld [tilespmem:$0x1F690]  }
0x12a: {  	v46 =	vld [tilespmem:$0x1F6A0]  }
0x12b: {  	v47 =	vld [tilespmem:$0x1F6B0]  }
0x12c: {  	v48 =	vld [tilespmem:$0x1F6C0]  }
0x12d: {  	v51 =	vld [tilespmem:$0x1F6D0]  }
0x12e: {  	v3 =	vadd.f32 v52, v3;
	v52 =	vld [tilespmem:$0x1F6E0]  }
0x12f: {  	v7 =	vadd.f32 v55, v7;
	v55 =	vld [tilespmem:$0x1F6F0]  }
0x130: {  	v2 =	vadd.f32 v57, v2;
	v1 =	vadd.f32 v60, v1;
	v57 =	vld [tilespmem:$0x1F710]  }
0x131: {  	v60 =	vld [tilespmem:$0x1F730]  }
0x132: {  	v1 =	vadd.f32 v35, v1;
	v35 =	vld [tilespmem:$0xC5D0]  }
0x133: {  	v3 =	vadd.f32 v56, v3;
	v56 =	vld [tilespmem:$0x1F700]  }
0x134: {  	v7 =	vadd.f32 v59, v7;
	v2 =	vadd.f32 v62, v2;
	v59 =	vld [tilespmem:$0x1F720]  }
0x135: {  	v62 =	vld [tilespmem:$0x1F750]  }
0x136: {  	v2 =	vadd.f32 v39, v2;
	v39 =	vld [tilespmem:$0xC5F0]  }
0x137: {  	v1 =	vadd.f32 v41, v1;
	v41 =	vld [tilespmem:$0xC610]  }
0x138: {  	v3 =	vadd.f32 v61, v3;
	v61 =	vld [tilespmem:$0x1F740]  }
0x139: {  	v7 =	vadd.f32 v63, v7;
	v63 =	vld [tilespmem:$0x1F760]  }
0x13a: {  	v3 =	vadd.f32 v36, v3;
	v36 =	vld [tilespmem:$0xC5E0]  }
0x13b: {  	v7 =	vadd.f32 v40, v7;
	v40 =	vld [tilespmem:$0xC600]  }
0x13c: {  	v2 =	vadd.f32 v43, v2;
	v43 =	vld [tilespmem:$0xC630]  }
0x13d: {  	v1 =	vadd.f32 v45, v1;
	v45 =	vld [tilespmem:$0xC650]  }
0x13e: {  	v3 =	vadd.f32 v42, v3;
	v42 =	vld [tilespmem:$0xC620]  }
0x13f: {  	v7 =	vadd.f32 v44, v7;
	v44 =	vld [tilespmem:$0xC640]  }
0x140: {  	v1 =	vadd.f32 v51, v1;
	v51 =	vld [tilespmem:$0x1F780]  }
0x141: {  	v2 =	vadd.f32 v47, v2;
	v47 =	vld [tilespmem:$0xC670]  }
0x142: {  	v7 =	vadd.f32 v48, v7;
	v48 =	vld [tilespmem:$0x1F770]  }
0x143: {  	v3 =	vadd.f32 v46, v3;
	v46 =	vld [tilespmem:$0xC660]  }
0x144: {  	v2 =	vadd.f32 v55, v2;
	v55 =	vld [tilespmem:$0x1F7A0]  }
0x145: {  	v1 =	vadd.f32 v57, v1;
	v57 =	vld [tilespmem:$0x1F7C0]  }
0x146: {  	v3 =	vadd.f32 v52, v3;
	v52 =	vld [tilespmem:$0x1F790]  }
0x147: {  	v7 =	vadd.f32 v56, v7;
	v56 =	vld [tilespmem:$0x1F7B0]  }
0x148: {  	v2 =	vadd.f32 v60, v2;
	v60 =	vld [tilespmem:$0x1F7E0]  }
0x149: {  	v3 =	vadd.f32 v59, v3;
	v59 =	vld [tilespmem:$0x1F7D0]  }
0x14a: {  	v1 =	vadd.f32 v62, v1;
	v7 =	vadd.f32 v61, v7;
	v61 =	vld [tilespmem:$0x1F7F0]  }
0x14b: {  	v62 =	vld [tilespmem:$0x1F800];
	v2 =	vadd.f32 v48, v2;
	v3 =	vadd.f32 v63, v3  }
0x14c: {  	v7 =	vadd.f32 v51, v7;
	v63 =	vld [tilespmem:$0x1F810];
	v1 =	vadd.f32 v52, v1  }
0x14d: {  	v48 =	vld [tilespmem:$0xC680];
	v2 =	vadd.f32 v56, v2;
	v3 =	vadd.f32 v55, v3  }
0x14e: {  	v51 =	vld [tilespmem:$0xC690];
	v7 =	vadd.f32 v57, v7;
	v1 =	vadd.f32 v59, v1  }
0x14f: {  	v52 =	vld [tilespmem:$0xC6A0];
	v2 =	vadd.f32 v61, v2;
	v3 =	vadd.f32 v60, v3  }
0x150: {  	v56 =	vld [tilespmem:$0xC750];
	v7 =	vadd.f32 v62, v7;
	v1 =	vadd.f32 v58, v1  }
0x151: {  	v55 =	vld [tilespmem:$0xC6B0];
	v2 =	vadd.f32 v4, v2;
	v3 =	vadd.f32 v63, v3  }
0x152: {  	v57 =	vld [tilespmem:$0xC760];
	v5 =	vadd.f32 v5, v7;
	v1 =	vadd.f32 v17, v1  }
0x153: {  	v59 =	vld [tilespmem:$0xC780];
	v2 =	vadd.f32 v18, v2;
	v3 =	vadd.f32 v6, v3  }
0x154: {  	v61 =	vld [tilespmem:$0xC7A0];
	v5 =	vadd.f32 v21, v5;
	v1 =	vadd.f32 v33, v1  }
0x155: {  	v60 =	vld [tilespmem:$0xC790];
	v2 =	vadd.f32 v34, v2;
	v3 =	vadd.f32 v22, v3  }
0x156: {  	v62 =	vld [tilespmem:$0xC7B0];
	v5 =	vadd.f32 v37, v5;
	v1 =	vadd.f32 v49, v1  }
0x157: {  	v4 =	vld [tilespmem:$0xC6C0];
	v2 =	vadd.f32 v50, v2;
	v3 =	vadd.f32 v38, v3  }
0x158: {  	v58 =	vld [tilespmem:$0xC770];
	v5 =	vadd.f32 v53, v5;
	v1 =	vadd.f32 v8, v1  }
0x159: {  	v7 =	vld [tilespmem:$0xC6D0];
	v2 =	vadd.f32 v9, v2;
	v3 =	vadd.f32 v54, v3  }
0x15a: {  	v63 =	vld [tilespmem:$0xC7C0];
	v5 =	vadd.f32 v10, v5;
	v1 =	vadd.f32 v12, v1  }
0x15b: {  	v17 =	vld [tilespmem:$0xC6F0];
	v2 =	vadd.f32 v13, v2;
	v3 =	vadd.f32 v11, v3  }
0x15c: {  	v18 =	vld [tilespmem:$0xC700];
	v5 =	vadd.f32 v14, v5;
	v1 =	vadd.f32 v16, v1  }
0x15d: {  	v6 =	vld [tilespmem:$0xC6E0];
	v2 =	vadd.f32 v19, v2;
	v3 =	vadd.f32 v15, v3  }
0x15e: {  	v33 =	vld [tilespmem:$0xC7D0];
	v5 =	vadd.f32 v20, v5;
	v1 =	vadd.f32 v24, v1  }
0x15f: {  	v34 =	vld [tilespmem:$0xC7E0];
	v2 =	vadd.f32 v25, v2;
	v3 =	vadd.f32 v23, v3  }
0x160: {  	v37 =	vld [tilespmem:$0xC810];
	v5 =	vadd.f32 v26, v5;
	v1 =	vadd.f32 v28, v1  }
0x161: {  	v49 =	vld [tilespmem:$0xC710];
	v2 =	vadd.f32 v29, v2;
	v3 =	vadd.f32 v27, v3  }
0x162: {  	v50 =	vld [tilespmem:$0xC720];
	v5 =	vadd.f32 v30, v5;
	v1 =	vadd.f32 v32, v1  }
0x163: {  	v53 =	vld [tilespmem:$0xC730];
	v2 =	vadd.f32 v35, v2;
	v3 =	vadd.f32 v31, v3  }
0x164: {  	v38 =	vld [tilespmem:$0xC820];
	v5 =	vadd.f32 v36, v5;
	v1 =	vadd.f32 v40, v1  }
0x165: {  	v54 =	vld [tilespmem:$0xC740];
	v2 =	vadd.f32 v41, v2;
	v3 =	vadd.f32 v39, v3  }
0x166: {  	v35 =	vld [tilespmem:$0xC7F0];
	v5 =	vadd.f32 v42, v5;
	v1 =	vadd.f32 v44, v1  }
0x167: {  	v36 =	vld [tilespmem:$0xC800];
	v2 =	vadd.f32 v45, v2;
	v3 =	vadd.f32 v43, v3  }
0x168: {  	v40 =	vld [tilespmem:$0xC840];
	v5 =	vadd.f32 v46, v5;
	v1 =	vadd.f32 v48, v1  }
0x169: {  	v41 =	vld [tilespmem:$0xC850];
	v2 =	vadd.f32 v51, v2;
	v3 =	vadd.f32 v47, v3  }
0x16a: {  	v39 =	vld [tilespmem:$0xC830];
	v5 =	vadd.f32 v52, v5;
	v1 =	vadd.f32 v4, v1  }
0x16b: {  	v42 =	vld [tilespmem:$0xC860];
	v2 =	vadd.f32 v7, v2;
	v3 =	vadd.f32 v55, v3  }
0x16c: {  	v44 =	vld [tilespmem:$0xC880];
	v5 =	vadd.f32 v6, v5;
	v1 =	vadd.f32 v18, v1  }
0x16d: {  	v45 =	vld [tilespmem:$0xC890];
	v2 =	vadd.f32 v49, v2;
	v3 =	vadd.f32 v17, v3  }
0x16e: {  	v43 =	vld [tilespmem:$0xC870];
	v5 =	vadd.f32 v50, v5;
	v1 =	vadd.f32 v54, v1  }
0x16f: {  	v46 =	vld [tilespmem:$0xC8A0];
	v2 =	vadd.f32 v56, v2;
	v3 =	vadd.f32 v53, v3  }
0x170: {  	v48 =	vld [tilespmem:$0xC8C0];
	v5 =	vadd.f32 v57, v5;
	v1 =	vadd.f32 v59, v1  }
0x171: {  	v51 =	vld [tilespmem:$0xC8F0];
	v2 =	vadd.f32 v60, v2;
	v3 =	vadd.f32 v58, v3  }
0x172: {  	v47 =	vld [tilespmem:$0xC8B0];
	v5 =	vadd.f32 v61, v5;
	v1 =	vadd.f32 v63, v1  }
0x173: {  	v52 =	vld [tilespmem:$0xC900];
	v2 =	vadd.f32 v33, v2;
	v3 =	vadd.f32 v62, v3  }
0x174: {  	v55 =	vld [tilespmem:$0xC930];
	v5 =	vadd.f32 v34, v5;
	v1 =	vadd.f32 v36, v1  }
0x175: {  	v49 =	vld [tilespmem:$0xC8D0];
	v2 =	vadd.f32 v37, v2;
	v3 =	vadd.f32 v35, v3  }
0x176: {  	v50 =	vld [tilespmem:$0xC8E0];
	v5 =	vadd.f32 v38, v5;
	v1 =	vadd.f32 v40, v1  }
0x177: {  	v54 =	vld [tilespmem:$0xC920];
	v2 =	vadd.f32 v41, v2;
	v3 =	vadd.f32 v39, v3  }
0x178: {  	v53 =	vld [tilespmem:$0xC910];
	v5 =	vadd.f32 v42, v5;
	v1 =	vadd.f32 v44, v1  }
0x179: {  	v56 =	vld [tilespmem:$0xC940];
	v2 =	vadd.f32 v45, v2;
	v3 =	vadd.f32 v43, v3  }
0x17a: {  	v57 =	vld [tilespmem:$0xC950];
	v5 =	vadd.f32 v46, v5;
	v1 =	vadd.f32 v48, v1  }
0x17b: {  	v58 =	vld [tilespmem:$0xC960];
	v2 =	vadd.f32 v49, v2;
	v3 =	vadd.f32 v47, v3  }
0x17c: {  	v59 =	vld [tilespmem:$0xC970];
	v5 =	vadd.f32 v50, v5;
	v1 =	vadd.f32 v52, v1  }
0x17d: {  	v2 =	vadd.f32 v53, v2;
	v3 =	vadd.f32 v51, v3  }
0x17e: {  	v4 =	vadd.f32 v54, v5;
	v1 =	vadd.f32 v56, v1  }
0x17f: {  	v2 =	vadd.f32 v57, v2;
	v3 =	vadd.f32 v55, v3  }
0x180: {  	v4 =	vadd.f32 v58, v4;
	v1 =	vmul.f32 $1.999999960e-02, v1  }
0x181: {  	v2 =	vmul.f32 $1.999999960e-02, v2;
	v3 =	vadd.f32 v59, v3  }
0x182: {  	[tilespmem:s20+$0xFFFFFF80] =	vst v1;
	v1 =	vmul.f32 $1.999999960e-02, v4  }
0x183: {  	p0 =	seq.s32 s23, $0x0;
	[tilespmem:s20+$0xFFFFFF90] =	vst v2;
	v2 =	vmul.f32 $1.999999960e-02, v3  }
0x184: {  	s15 =	sshra.s32 @!p0 s23, $0x2;
	[tilespmem:s20+$0xFFFFFFA0] =	vst v1  }
0x185: {  	s16 =	simm.s32 @!p0 $0x32;
	s5 =	simm.s32 @!p0 $0xBD00;
	s4 =	sadd.s32 @!p0 $0x3900, s15;
	[tilespmem:s20+$0xFFFFFFB0] =	vst v2  }
0x186: {  	[tilespmem:s5], [sflag:$0x5] =	stream.indirect.gather @!p0 [hbm4b:s3+s16], $0x40, s4, s16, $0xb8;
	[tilespmem:$0x10F00] =	vst v63  }
0x187: {  	_ =	swait.ge [sflag:s0], $0xC80  }
0x188: {  	[sflag:s0] =	ssyncset.done $0x0  }
0x189: {  	[sflag:s0] =	ssyncadd.s32 $0xFFFFF380  }
0x18a: {  	v58 =	vld [tilespmem:$0xCD90];
	_ =	sdelay $0x3  }
0x18b: {  	v4 =	vld [tilespmem:$0xC980]  }
0x18c: {  	[tilespmem:$0x1F850] =	vst v58;
	v58 =	vld [tilespmem:$0xCDA0]  }
0x18d: {  	v5 =	vld [tilespmem:$0xC990]  }
0x18e: {  	v6 =	vld [tilespmem:$0xC9A0]  }
0x18f: {  	v17 =	vld [tilespmem:$0xC9B0]  }
0x190: {  	v18 =	vld [tilespmem:$0xC9C0]  }
0x191: {  	[tilespmem:$0x1F860] =	vst v58;
	v58 =	vld [tilespmem:$0xCDB0]  }
0x192: {  	v21 =	vld [tilespmem:$0xC9D0]  }
0x193: {  	v22 =	vld [tilespmem:$0xC9E0]  }
0x194: {  	v33 =	vld [tilespmem:$0xC9F0]  }
0x195: {  	v34 =	vld [tilespmem:$0xCA00]  }
0x196: {  	[tilespmem:$0x1F880] =	vst v58;
	v58 =	vld [tilespmem:$0xCDC0]  }
0x197: {  	v37 =	vld [tilespmem:$0xCA10]  }
0x198: {  	v38 =	vld [tilespmem:$0xCA20]  }
0x199: {  	v49 =	vld [tilespmem:$0xCA30]  }
0x19a: {  	v50 =	vld [tilespmem:$0xCA40]  }
0x19b: {  	[tilespmem:$0x1F870] =	vst v58;
	v58 =	vld [tilespmem:$0xCDD0]  }
0x19c: {  	v53 =	vld [tilespmem:$0xCA50]  }
0x19d: {  	v54 =	vld [tilespmem:$0xCA60]  }
0x19e: {  	v63 =	vld [tilespmem:$0xCA70]  }
0x19f: {  	v1 =	vld [tilespmem:$0xCA80]  }
0x1a0: {  	[tilespmem:$0x1F890] =	vst v58;
	v58 =	vld [tilespmem:$0xCDE0]  }
0x1a1: {  	v2 =	vld [tilespmem:$0xCA90]  }
0x1a2: {  	v7 =	vld [tilespmem:$0xCAA0]  }
0x1a3: {  	v11 =	vld [tilespmem:$0xCAB0]  }
0x1a4: {  	v3 =	vld [tilespmem:$0xCAC0]  }
0x1a5: {  	[tilespmem:$0x1F8A0] =	vst v58;
	v58 =	vld [tilespmem:$0xCDF0]  }
0x1a6: {  	v8 =	vld [tilespmem:$0xCAD0]  }
0x1a7: {  	v10 =	vld [tilespmem:$0xCAE0]  }
0x1a8: {  	v15 =	vld [tilespmem:$0xCAF0]  }
0x1a9: {  	v9 =	vld [tilespmem:$0xCB00]  }
0x1aa: {  	[tilespmem:$0x1F8C0] =	vst v58;
	v58 =	vld [tilespmem:$0xCE00]  }
0x1ab: {  	v12 =	vld [tilespmem:$0xCB10]  }
0x1ac: {  	v14 =	vld [tilespmem:$0xCB20]  }
0x1ad: {  	v23 =	vld [tilespmem:$0xCB30]  }
0x1ae: {  	v13 =	vld [tilespmem:$0xCB40]  }
0x1af: {  	[tilespmem:$0x1F8B0] =	vst v58;
	v58 =	vld [tilespmem:$0xCE10]  }
0x1b0: {  	v16 =	vld [tilespmem:$0xCB50]  }
0x1b1: {  	v20 =	vld [tilespmem:$0xCB60]  }
0x1b2: {  	v27 =	vld [tilespmem:$0xCB70]  }
0x1b3: {  	v19 =	vld [tilespmem:$0xCB80]  }
0x1b4: {  	[tilespmem:$0x1F8D0] =	vst v58;
	v58 =	vld [tilespmem:$0xCE20]  }
0x1b5: {  	v24 =	vld [tilespmem:$0xCB90]  }
0x1b6: {  	v26 =	vld [tilespmem:$0xCBA0]  }
0x1b7: {  	v31 =	vld [tilespmem:$0xCBB0]  }
0x1b8: {  	v25 =	vld [tilespmem:$0xCBC0]  }
0x1b9: {  	[tilespmem:$0x1F8E0] =	vst v58;
	v58 =	vld [tilespmem:$0xCE30]  }
0x1ba: {  	v28 =	vld [tilespmem:$0xCBD0]  }
0x1bb: {  	v30 =	vld [tilespmem:$0xCBE0]  }
0x1bc: {  	v39 =	vld [tilespmem:$0xCBF0]  }
0x1bd: {  	v29 =	vld [tilespmem:$0xCC00]  }
0x1be: {  	[tilespmem:$0x1F900] =	vst v58;
	v58 =	vld [tilespmem:$0xCE40]  }
0x1bf: {  	v32 =	vld [tilespmem:$0xCC10]  }
0x1c0: {  	v36 =	vld [tilespmem:$0xCC20]  }
0x1c1: {  	v43 =	vld [tilespmem:$0xCC30]  }
0x1c2: {  	v35 =	vld [tilespmem:$0xCC40]  }
0x1c3: {  	[tilespmem:$0x1F8F0] =	vst v58;
	v58 =	vld [tilespmem:$0xCE50]  }
0x1c4: {  	v40 =	vld [tilespmem:$0xCC50]  }
0x1c5: {  	v42 =	vld [tilespmem:$0xCC60]  }
0x1c6: {  	v47 =	vld [tilespmem:$0xCC70]  }
0x1c7: {  	v41 =	vld [tilespmem:$0xCC80]  }
0x1c8: {  	[tilespmem:$0x1F910] =	vst v58;
	v58 =	vld [tilespmem:$0xCE60]  }
0x1c9: {  	v44 =	vld [tilespmem:$0xCC90]  }
0x1ca: {  	v46 =	vld [tilespmem:$0xCCA0]  }
0x1cb: {  	v55 =	vld [tilespmem:$0xCCB0]  }
0x1cc: {  	v45 =	vld [tilespmem:$0xCCC0]  }
0x1cd: {  	[tilespmem:$0x1F920] =	vst v58;
	v58 =	vld [tilespmem:$0xCE70]  }
0x1ce: {  	v48 =	vld [tilespmem:$0xCCD0]  }
0x1cf: {  	v52 =	vld [tilespmem:$0xCCE0]  }
0x1d0: {  	v61 =	vld [tilespmem:$0xCCF0]  }
0x1d1: {  	v51 =	vld [tilespmem:$0xCD00]  }
0x1d2: {  	[tilespmem:$0x1F940] =	vst v58;
	v58 =	vld [tilespmem:$0xCE80]  }
0x1d3: {  	v56 =	vld [tilespmem:$0xCD10]  }
0x1d4: {  	v60 =	vld [tilespmem:$0xCD30]  }
0x1d5: {  	v62 =	vld [tilespmem:$0xCD20]  }
0x1d6: {  	v57 =	vld [tilespmem:$0xCD40]  }
0x1d7: {  	[tilespmem:$0x1F930] =	vst v58;
	v58 =	vld [tilespmem:$0xCE90]  }
0x1d8: {  	v59 =	vld [tilespmem:$0xCD50]  }
0x1d9: {  	[tilespmem:$0x1F820] =	vst v60;
	v60 =	vld [tilespmem:$0xCD60]  }
0x1da: {  	v18 =	vadd.f32 v18, v4;
	v4 =	vld [tilespmem:$0xD010]  }
0x1db: {  	v21 =	vadd.f32 v21, v5;
	v5 =	vld [tilespmem:$0xD020]  }
0x1dc: {  	[tilespmem:$0x1F950] =	vst v58;
	v58 =	vld [tilespmem:$0xCEA0]  }
0x1dd: {  	v22 =	vadd.f32 v22, v6;
	v6 =	vld [tilespmem:$0xD030];
	v18 =	vadd.f32 v34, v18  }
0x1de: {  	v33 =	vadd.f32 v33, v17;
	v17 =	vld [tilespmem:$0xD040];
	v21 =	vadd.f32 v37, v21  }
0x1df: {  	v34 =	vadd.f32 v50, v18;
	v18 =	vld [tilespmem:$0xD050]  }
0x1e0: {  	v22 =	vadd.f32 v38, v22;
	v37 =	vadd.f32 v53, v21;
	v21 =	vld [tilespmem:$0xD060]  }
0x1e1: {  	v33 =	vadd.f32 v49, v33;
	[tilespmem:$0x1F960] =	vst v58;
	v58 =	vld [tilespmem:$0xCEB0]  }
0x1e2: {  	v38 =	vadd.f32 v54, v22;
	v22 =	vld [tilespmem:$0xD070]  }
0x1e3: {  	v49 =	vadd.f32 v63, v33;
	v33 =	vld [tilespmem:$0xD080]  }
0x1e4: {  	v50 =	vld [tilespmem:$0xD0D0]  }
0x1e5: {  	v53 =	vld [tilespmem:$0xD0E0]  }
0x1e6: {  	[tilespmem:$0x1F980] =	vst v58;
	v58 =	vld [tilespmem:$0xCEC0]  }
0x1e7: {  	v54 =	vld [tilespmem:$0xD0F0]  }
0x1e8: {  	[tilespmem:$0x1F830] =	vst v60;
	v60 =	vld [tilespmem:$0xCD70]  }
0x1e9: {  	v1 =	vadd.f32 v1, v34;
	v34 =	vld [tilespmem:$0xD090]  }
0x1ea: {  	v2 =	vadd.f32 v2, v37;
	v37 =	vld [tilespmem:$0xD0A0]  }
0x1eb: {  	[tilespmem:$0x1F970] =	vst v58;
	v58 =	vld [tilespmem:$0xCED0]  }
0x1ec: {  	v7 =	vadd.f32 v7, v38;
	v38 =	vld [tilespmem:$0xD0B0]  }
0x1ed: {  	v1 =	vadd.f32 v3, v1;
	v3 =	vadd.f32 v11, v49;
	v49 =	vld [tilespmem:$0xD0C0]  }
0x1ee: {  	v2 =	vadd.f32 v8, v2;
	v8 =	vld [tilespmem:$0xD100]  }
0x1ef: {  	v7 =	vadd.f32 v10, v7;
	v10 =	vld [tilespmem:$0xD120]  }
0x1f0: {  	[tilespmem:$0x1F990] =	vst v58;
	v58 =	vld [tilespmem:$0xCEE0]  }
0x1f1: {  	v11 =	vld [tilespmem:$0xD130]  }
0x1f2: {  	[tilespmem:$0x1F840] =	vst v60;
	v60 =	vld [tilespmem:$0xCD80]  }
0x1f3: {  	v1 =	vadd.f32 v9, v1;
	v9 =	vld [tilespmem:$0xD110]  }
0x1f4: {  	v2 =	vadd.f32 v12, v2;
	v12 =	vld [tilespmem:$0xD140]  }
0x1f5: {  	[tilespmem:$0x1F9A0] =	vst v58;
	v58 =	vld [tilespmem:$0xCEF0]  }
0x1f6: {  	v7 =	vadd.f32 v14, v7;
	v14 =	vld [tilespmem:$0xD160]  }
0x1f7: {  	v3 =	vadd.f32 v15, v3;
	v15 =	vld [tilespmem:$0xD170]  }
0x1f8: {  	v1 =	vadd.f32 v13, v1;
	v13 =	vld [tilespmem:$0xD150]  }
0x1f9: {  	v2 =	vadd.f32 v16, v2;
	v16 =	vld [tilespmem:$0xD180]  }
0x1fa: {  	[tilespmem:$0x1F9C0] =	vst v58;
	v58 =	vld [tilespmem:$0xCF00]  }
0x1fb: {  	v7 =	vadd.f32 v20, v7;
	v20 =	vld [tilespmem:$0xD1A0]  }
0x1fc: {  	v3 =	vadd.f32 v23, v3;
	v23 =	vld [tilespmem:$0xD1B0]  }
0x1fd: {  	v1 =	vadd.f32 v19, v1;
	v19 =	vld [tilespmem:$0xD190]  }
0x1fe: {  	v2 =	vadd.f32 v24, v2;
	v24 =	vld [tilespmem:$0xD1C0]  }
0x1ff: {  	[tilespmem:$0x1F9B0] =	vst v58;
	v58 =	vld [tilespmem:$0xCF10]  }
0x200: {  	v7 =	vadd.f32 v26, v7;
	v26 =	vld [tilespmem:$0xD1E0]  }
0x201: {  	v3 =	vadd.f32 v27, v3;
	v27 =	vld [tilespmem:$0xD1F0];
	v1 =	vadd.f32 v25, v1  }
0x202: {  	v2 =	vadd.f32 v28, v2;
	v7 =	vadd.f32 v30, v7;
	v25 =	vld [tilespmem:$0xD1D0]  }
0x203: {  	v3 =	vadd.f32 v31, v3;
	v28 =	vld [tilespmem:$0xD200]  }
0x204: {  	v2 =	vadd.f32 v32, v2;
	v7 =	vadd.f32 v36, v7;
	[tilespmem:$0x1F9D0] =	vst v58;
	v58 =	vld [tilespmem:$0xCF20]  }
0x205: {  	v30 =	vld [tilespmem:$0xD220];
	v1 =	vadd.f32 v29, v1;
	v3 =	vadd.f32 v39, v3  }
0x206: {  	v31 =	vld [tilespmem:$0xD230];
	v2 =	vadd.f32 v40, v2;
	v7 =	vadd.f32 v42, v7  }
0x207: {  	v29 =	vld [tilespmem:$0xD210];
	v1 =	vadd.f32 v35, v1;
	v3 =	vadd.f32 v43, v3  }
0x208: {  	v32 =	vld [tilespmem:$0xD240];
	v2 =	vadd.f32 v44, v2;
	v7 =	vadd.f32 v46, v7  }
0x209: {  	v1 =	vadd.f32 v41, v1;
	v3 =	vadd.f32 v47, v3;
	[tilespmem:$0x1F9E0] =	vst v58;
	v58 =	vld [tilespmem:$0xCF30]  }
0x20a: {  	v2 =	vadd.f32 v48, v2;
	v7 =	vadd.f32 v52, v7;
	v52 =	vld [tilespmem:$0x1F820]  }
0x20b: {  	v3 =	vadd.f32 v55, v3;
	v55 =	vld [tilespmem:$0x1F830]  }
0x20c: {  	v1 =	vadd.f32 v45, v1;
	v2 =	vadd.f32 v56, v2;
	v56 =	vld [tilespmem:$0x1F840]  }
0x20d: {  	v3 =	vadd.f32 v61, v3;
	v61 =	vld [tilespmem:$0x1F880]  }
0x20e: {  	v1 =	vadd.f32 v51, v1;
	[tilespmem:$0x1FA00] =	vst v58;
	v58 =	vld [tilespmem:$0xCF40]  }
0x20f: {  	v7 =	vadd.f32 v62, v7;
	v62 =	vld [tilespmem:$0x1F890]  }
0x210: {  	v63 =	vld [tilespmem:$0x1F8A0];
	v1 =	vadd.f32 v57, v1  }
0x211: {  	v57 =	vld [tilespmem:$0x1F850]  }
0x212: {  	v1 =	vadd.f32 v60, v1;
	v60 =	vld [tilespmem:$0x1F870]  }
0x213: {  	v3 =	vadd.f32 v52, v3;
	[tilespmem:$0x1F9F0] =	vst v58;
	v58 =	vld [tilespmem:$0xCF50]  }
0x214: {  	v36 =	vld [tilespmem:$0x1F8C0]  }
0x215: {  	v3 =	vadd.f32 v56, v3;
	v35 =	vld [tilespmem:$0x1F8B0]  }
0x216: {  	v2 =	vadd.f32 v59, v2;
	v59 =	vld [tilespmem:$0x1F860]  }
0x217: {  	v3 =	vadd.f32 v61, v3;
	v39 =	vld [tilespmem:$0x1F8D0]  }
0x218: {  	v2 =	vadd.f32 v57, v2;
	v1 =	vadd.f32 v60, v1;
	[tilespmem:$0x1FA10] =	vst v58;
	v58 =	vld [tilespmem:$0xCF60]  }
0x219: {  	v7 =	vadd.f32 v55, v7;
	v3 =	vadd.f32 v36, v3;
	v36 =	vld [tilespmem:$0xD260]  }
0x21a: {  	v2 =	vadd.f32 v62, v2;
	v1 =	vadd.f32 v35, v1;
	v35 =	vld [tilespmem:$0xD250]  }
0x21b: {  	v40 =	vld [tilespmem:$0x1F8E0]  }
0x21c: {  	v7 =	vadd.f32 v59, v7;
	v2 =	vadd.f32 v39, v2;
	v39 =	vld [tilespmem:$0xD270]  }
0x21d: {  	[tilespmem:$0x1FA20] =	vst v58;
	v58 =	vld [tilespmem:$0xCF70]  }
0x21e: {  	v7 =	vadd.f32 v63, v7;
	v42 =	vld [tilespmem:$0x1F900]  }
0x21f: {  	v41 =	vld [tilespmem:$0x1F8F0]  }
0x220: {  	v7 =	vadd.f32 v40, v7;
	v40 =	vld [tilespmem:$0xD280]  }
0x221: {  	v43 =	vld [tilespmem:$0x1F910]  }
0x222: {  	[tilespmem:$0x1FA40] =	vst v58;
	v58 =	vld [tilespmem:$0xCF80]  }
0x223: {  	v3 =	vadd.f32 v42, v3;
	v42 =	vld [tilespmem:$0xD2A0]  }
0x224: {  	v1 =	vadd.f32 v41, v1;
	v41 =	vld [tilespmem:$0xD290]  }
0x225: {  	v44 =	vld [tilespmem:$0x1F920]  }
0x226: {  	v2 =	vadd.f32 v43, v2;
	v43 =	vld [tilespmem:$0xD2B0]  }
0x227: {  	[tilespmem:$0x1FA30] =	vst v58;
	v58 =	vld [tilespmem:$0xCF90]  }
0x228: {  	v46 =	vld [tilespmem:$0x1F940]  }
0x229: {  	v45 =	vld [tilespmem:$0x1F930]  }
0x22a: {  	v7 =	vadd.f32 v44, v7;
	v44 =	vld [tilespmem:$0xD2C0]  }
0x22b: {  	v47 =	vld [tilespmem:$0x1F950]  }
0x22c: {  	[tilespmem:$0x1FA50] =	vst v58;
	v58 =	vld [tilespmem:$0xCFA0]  }
0x22d: {  	v3 =	vadd.f32 v46, v3;
	v46 =	vld [tilespmem:$0xD2E0]  }
0x22e: {  	v1 =	vadd.f32 v45, v1;
	v45 =	vld [tilespmem:$0xD2D0]  }
0x22f: {  	v48 =	vld [tilespmem:$0x1F960]  }
0x230: {  	v2 =	vadd.f32 v47, v2;
	v47 =	vld [tilespmem:$0xD2F0]  }
0x231: {  	[tilespmem:$0x1FA60] =	vst v58;
	v58 =	vld [tilespmem:$0xCFB0]  }
0x232: {  	v52 =	vld [tilespmem:$0x1F980]  }
0x233: {  	v51 =	vld [tilespmem:$0x1F970]  }
0x234: {  	v55 =	vld [tilespmem:$0x1F990]  }
0x235: {  	v56 =	vld [tilespmem:$0x1F9A0]  }
0x236: {  	[tilespmem:$0x1FA80] =	vst v58;
	v58 =	vld [tilespmem:$0xCFC0]  }
0x237: {  	v59 =	vld [tilespmem:$0x1F9C0]  }
0x238: {  	v57 =	vld [tilespmem:$0x1F9B0]  }
0x239: {  	v60 =	vld [tilespmem:$0x1F9D0]  }
0x23a: {  	v61 =	vld [tilespmem:$0x1F9E0]  }
0x23b: {  	[tilespmem:$0x1FA70] =	vst v58;
	v58 =	vld [tilespmem:$0xCFD0]  }
0x23c: {  	v63 =	vld [tilespmem:$0x1FA00]  }
0x23d: {  	v62 =	vld [tilespmem:$0x1F9F0]  }
0x23e: {  	v7 =	vadd.f32 v48, v7;
	v48 =	vld [tilespmem:$0x1FA10]  }
0x23f: {  	v1 =	vadd.f32 v51, v1;
	v51 =	vld [tilespmem:$0x1FA20]  }
0x240: {  	[tilespmem:$0x1FA90] =	vst v58;
	v58 =	vld [tilespmem:$0xCFE0]  }
0x241: {  	v2 =	vadd.f32 v55, v2;
	v55 =	vld [tilespmem:$0x1FA40]  }
0x242: {  	v3 =	vadd.f32 v52, v3;
	v52 =	vld [tilespmem:$0x1FA30]  }
0x243: {  	v7 =	vadd.f32 v56, v7;
	v56 =	vld [tilespmem:$0x1FA50]  }
0x244: {  	v1 =	vadd.f32 v57, v1;
	v57 =	vld [tilespmem:$0x1FA60]  }
0x245: {  	[tilespmem:$0x1FAA0] =	vst v58;
	v58 =	vld [tilespmem:$0xCFF0]  }
0x246: {  	v2 =	vadd.f32 v60, v2;
	v60 =	vld [tilespmem:$0x1FA80]  }
0x247: {  	v3 =	vadd.f32 v59, v3;
	v59 =	vld [tilespmem:$0x1FA70]  }
0x248: {  	v7 =	vadd.f32 v61, v7;
	v61 =	vld [tilespmem:$0x1FA90]  }
0x249: {  	v1 =	vadd.f32 v62, v1;
	v62 =	vld [tilespmem:$0x1FAA0]  }
0x24a: {  	v3 =	vadd.f32 v63, v3;
	v2 =	vadd.f32 v48, v2;
	[tilespmem:$0x1FAB0] =	vst v58;
	v58 =	vld [tilespmem:$0xD000]  }
0x24b: {  	v7 =	vadd.f32 v51, v7;
	v1 =	vadd.f32 v52, v1;
	v63 =	vld [tilespmem:$0x1FAB0]  }
0x24c: {  	v48 =	vld [tilespmem:$0xD300];
	v3 =	vadd.f32 v55, v3;
	v2 =	vadd.f32 v56, v2  }
0x24d: {  	v51 =	vld [tilespmem:$0xD310];
	v7 =	vadd.f32 v57, v7;
	v1 =	vadd.f32 v59, v1  }
0x24e: {  	v55 =	vld [tilespmem:$0xD330];
	v3 =	vadd.f32 v60, v3;
	v2 =	vadd.f32 v61, v2  }
0x24f: {  	v52 =	vld [tilespmem:$0xD320];
	v7 =	vadd.f32 v62, v7;
	v1 =	vadd.f32 v58, v1  }
0x250: {  	v56 =	vld [tilespmem:$0xD3D0];
	v2 =	vadd.f32 v4, v2;
	v3 =	vadd.f32 v63, v3  }
0x251: {  	v57 =	vld [tilespmem:$0xD3E0];
	v5 =	vadd.f32 v5, v7;
	v1 =	vadd.f32 v17, v1  }
0x252: {  	v60 =	vld [tilespmem:$0xD410];
	v2 =	vadd.f32 v18, v2;
	v3 =	vadd.f32 v6, v3  }
0x253: {  	v59 =	vld [tilespmem:$0xD400];
	v5 =	vadd.f32 v21, v5;
	v1 =	vadd.f32 v33, v1  }
0x254: {  	v61 =	vld [tilespmem:$0xD420];
	v2 =	vadd.f32 v34, v2;
	v3 =	vadd.f32 v22, v3  }
0x255: {  	v4 =	vld [tilespmem:$0xD340];
	v5 =	vadd.f32 v37, v5;
	v1 =	vadd.f32 v49, v1  }
0x256: {  	v18 =	vld [tilespmem:$0xD380];
	v2 =	vadd.f32 v50, v2;
	v3 =	vadd.f32 v38, v3  }
0x257: {  	v62 =	vld [tilespmem:$0xD430];
	v5 =	vadd.f32 v53, v5;
	v1 =	vadd.f32 v8, v1  }
0x258: {  	v34 =	vld [tilespmem:$0xD460];
	v2 =	vadd.f32 v9, v2;
	v3 =	vadd.f32 v54, v3  }
0x259: {  	v7 =	vld [tilespmem:$0xD350];
	v5 =	vadd.f32 v10, v5;
	v1 =	vadd.f32 v12, v1  }
0x25a: {  	v50 =	vld [tilespmem:$0xD3A0];
	v2 =	vadd.f32 v13, v2;
	v3 =	vadd.f32 v11, v3  }
0x25b: {  	v58 =	vld [tilespmem:$0xD3F0];
	v5 =	vadd.f32 v14, v5;
	v1 =	vadd.f32 v16, v1  }
0x25c: {  	v63 =	vld [tilespmem:$0xD440];
	v2 =	vadd.f32 v19, v2;
	v3 =	vadd.f32 v15, v3  }
0x25d: {  	v17 =	vld [tilespmem:$0xD370];
	v5 =	vadd.f32 v20, v5;
	v1 =	vadd.f32 v24, v1  }
0x25e: {  	v37 =	vld [tilespmem:$0xD490];
	v2 =	vadd.f32 v25, v2;
	v3 =	vadd.f32 v23, v3  }
0x25f: {  	v6 =	vld [tilespmem:$0xD360];
	v5 =	vadd.f32 v26, v5;
	v1 =	vadd.f32 v28, v1  }
0x260: {  	v53 =	vld [tilespmem:$0xD3B0];
	v2 =	vadd.f32 v29, v2;
	v3 =	vadd.f32 v27, v3  }
0x261: {  	v33 =	vld [tilespmem:$0xD450];
	v5 =	vadd.f32 v30, v5;
	v1 =	vadd.f32 v32, v1  }
0x262: {  	v49 =	vld [tilespmem:$0xD390];
	v2 =	vadd.f32 v35, v2;
	v3 =	vadd.f32 v31, v3  }
0x263: {  	v38 =	vld [tilespmem:$0xD4A0];
	v5 =	vadd.f32 v36, v5;
	v1 =	vadd.f32 v40, v1  }
0x264: {  	v54 =	vld [tilespmem:$0xD3C0];
	v2 =	vadd.f32 v41, v2;
	v3 =	vadd.f32 v39, v3  }
0x265: {  	v35 =	vld [tilespmem:$0xD470];
	v5 =	vadd.f32 v42, v5;
	v1 =	vadd.f32 v44, v1  }
0x266: {  	v41 =	vld [tilespmem:$0xD4D0];
	v2 =	vadd.f32 v45, v2;
	v3 =	vadd.f32 v43, v3  }
0x267: {  	v45 =	vld [tilespmem:$0xD510];
	v5 =	vadd.f32 v46, v5;
	v1 =	vadd.f32 v48, v1  }
0x268: {  	v36 =	vld [tilespmem:$0xD480];
	v2 =	vadd.f32 v51, v2;
	v3 =	vadd.f32 v47, v3  }
0x269: {  	v51 =	vld [tilespmem:$0xD570];
	v5 =	vadd.f32 v52, v5;
	v1 =	vadd.f32 v4, v1  }
0x26a: {  	v42 =	vld [tilespmem:$0xD4E0];
	v2 =	vadd.f32 v7, v2;
	v3 =	vadd.f32 v55, v3  }
0x26b: {  	v40 =	vld [tilespmem:$0xD4C0];
	v5 =	vadd.f32 v6, v5;
	v1 =	vadd.f32 v18, v1  }
0x26c: {  	v46 =	vld [tilespmem:$0xD520];
	v2 =	vadd.f32 v49, v2;
	v3 =	vadd.f32 v17, v3  }
0x26d: {  	v39 =	vld [tilespmem:$0xD4B0];
	v5 =	vadd.f32 v50, v5;
	v1 =	vadd.f32 v54, v1  }
0x26e: {  	v49 =	vld [tilespmem:$0xD550];
	v2 =	vadd.f32 v56, v2;
	v3 =	vadd.f32 v53, v3  }
0x26f: {  	v44 =	vld [tilespmem:$0xD500];
	v5 =	vadd.f32 v57, v5;
	v1 =	vadd.f32 v59, v1  }
0x270: {  	v52 =	vld [tilespmem:$0xD580];
	v2 =	vadd.f32 v60, v2;
	v3 =	vadd.f32 v58, v3  }
0x271: {  	v43 =	vld [tilespmem:$0xD4F0];
	v5 =	vadd.f32 v61, v5;
	v1 =	vadd.f32 v63, v1  }
0x272: {  	v56 =	vld [tilespmem:$0xD5C0];
	v2 =	vadd.f32 v33, v2;
	v3 =	vadd.f32 v62, v3  }
0x273: {  	v48 =	vld [tilespmem:$0xD540];
	v5 =	vadd.f32 v34, v5;
	v1 =	vadd.f32 v36, v1  }
0x274: {  	v47 =	vld [tilespmem:$0xD530];
	v2 =	vadd.f32 v37, v2;
	v3 =	vadd.f32 v35, v3  }
0x275: {  	v50 =	vld [tilespmem:$0xD560];
	v5 =	vadd.f32 v38, v5;
	v1 =	vadd.f32 v40, v1  }
0x276: {  	v55 =	vld [tilespmem:$0xD5B0];
	v2 =	vadd.f32 v41, v2;
	v3 =	vadd.f32 v39, v3  }
0x277: {  	v53 =	vld [tilespmem:$0xD590];
	v5 =	vadd.f32 v42, v5;
	v1 =	vadd.f32 v44, v1  }
0x278: {  	v54 =	vld [tilespmem:$0xD5A0];
	v2 =	vadd.f32 v45, v2;
	v3 =	vadd.f32 v43, v3  }
0x279: {  	v57 =	vld [tilespmem:$0xD5D0];
	v5 =	vadd.f32 v46, v5;
	v1 =	vadd.f32 v48, v1  }
0x27a: {  	v58 =	vld [tilespmem:$0xD5E0];
	v2 =	vadd.f32 v49, v2;
	v3 =	vadd.f32 v47, v3  }
0x27b: {  	v59 =	vld [tilespmem:$0xD5F0];
	v5 =	vadd.f32 v50, v5;
	v1 =	vadd.f32 v52, v1  }
0x27c: {  	v2 =	vadd.f32 v53, v2;
	v3 =	vadd.f32 v51, v3  }
0x27d: {  	v4 =	vadd.f32 v54, v5;
	v1 =	vadd.f32 v56, v1  }
0x27e: {  	v2 =	vadd.f32 v57, v2;
	v3 =	vadd.f32 v55, v3  }
0x27f: {  	v4 =	vadd.f32 v58, v4;
	v1 =	vmul.f32 $1.999999960e-02, v1  }
0x280: {  	v2 =	vmul.f32 $1.999999960e-02, v2;
	v3 =	vadd.f32 v59, v3  }
0x281: {  	[tilespmem:s20+$0xFFFFFFC0] =	vst v1;
	v1 =	vmul.f32 $1.999999960e-02, v4  }
0x282: {  	[tilespmem:s20+$0xFFFFFFD0] =	vst v2;
	v2 =	vmul.f32 $1.999999960e-02, v3  }
0x283: {  	[tilespmem:s20+$0xFFFFFFE0] =	vst v1  }
0x284: {  	s4 =	sadd.s32 @!p0 $0x3938, s15;
	s5 =	simm.s32 @!p0 $0xC980;
	[tilespmem:s20+$0xFFFFFFF0] =	vst v2  }
0x285: {  	[tilespmem:s5], [sflag:$0x6] =	stream.indirect.gather @!p0 [hbm4b:s3+s16], $0x40, s4, s16, $0xb8;
	[tilespmem:$0x10F00] =	vst v63  }
0x286: {  	_ =	swait.ge [sflag:s1], $0xC80  }
0x287: {  	[sflag:s1] =	ssyncset.done $0x0  }
0x288: {  	[sflag:s1] =	ssyncadd.s32 $0xFFFFF380  }
0x289: {  	v4 =	vld [tilespmem:$0xD600]  }
0x28a: {  	v5 =	vld [tilespmem:$0xD610]  }
0x28b: {  	v6 =	vld [tilespmem:$0xD620]  }
0x28c: {  	v17 =	vld [tilespmem:$0xD630]  }
0x28d: {  	v18 =	vld [tilespmem:$0xD640]  }
0x28e: {  	v21 =	vld [tilespmem:$0xD650]  }
0x28f: {  	v22 =	vld [tilespmem:$0xD660]  }
0x290: {  	v33 =	vld [tilespmem:$0xD670]  }
0x291: {  	v34 =	vld [tilespmem:$0xD680]  }
0x292: {  	v37 =	vld [tilespmem:$0xD690]  }
0x293: {  	v38 =	vld [tilespmem:$0xD6A0]  }
0x294: {  	v49 =	vld [tilespmem:$0xD6B0]  }
0x295: {  	v50 =	vld [tilespmem:$0xD6C0]  }
0x296: {  	v53 =	vld [tilespmem:$0xD6D0]  }
0x297: {  	v54 =	vld [tilespmem:$0xD6E0]  }
0x298: {  	v63 =	vld [tilespmem:$0xD6F0]  }
0x299: {  	v1 =	vld [tilespmem:$0xD700]  }
0x29a: {  	v2 =	vld [tilespmem:$0xD710]  }
0x29b: {  	v7 =	vld [tilespmem:$0xD720]  }
0x29c: {  	v11 =	vld [tilespmem:$0xD730]  }
0x29d: {  	v3 =	vld [tilespmem:$0xD740]  }
0x29e: {  	v8 =	vld [tilespmem:$0xD750]  }
0x29f: {  	v10 =	vld [tilespmem:$0xD760]  }
0x2a0: {  	v15 =	vld [tilespmem:$0xD770]  }
0x2a1: {  	v9 =	vld [tilespmem:$0xD780]  }
0x2a2: {  	v12 =	vld [tilespmem:$0xD790]  }
0x2a3: {  	v14 =	vld [tilespmem:$0xD7A0]  }
0x2a4: {  	v23 =	vld [tilespmem:$0xD7B0]  }
0x2a5: {  	v13 =	vld [tilespmem:$0xD7C0]  }
0x2a6: {  	v16 =	vld [tilespmem:$0xD7D0]  }
0x2a7: {  	v20 =	vld [tilespmem:$0xD7E0]  }
0x2a8: {  	v27 =	vld [tilespmem:$0xD7F0]  }
0x2a9: {  	v19 =	vld [tilespmem:$0xD800]  }
0x2aa: {  	v24 =	vld [tilespmem:$0xD810]  }
0x2ab: {  	v26 =	vld [tilespmem:$0xD820]  }
0x2ac: {  	v31 =	vld [tilespmem:$0xD830]  }
0x2ad: {  	v25 =	vld [tilespmem:$0xD840]  }
0x2ae: {  	v28 =	vld [tilespmem:$0xD850]  }
0x2af: {  	v30 =	vld [tilespmem:$0xD860]  }
0x2b0: {  	v39 =	vld [tilespmem:$0xD870]  }
0x2b1: {  	v58 =	vld [tilespmem:$0xDA10]  }
0x2b2: {  	v29 =	vld [tilespmem:$0xD880]  }
0x2b3: {  	v32 =	vld [tilespmem:$0xD890]  }
0x2b4: {  	v36 =	vld [tilespmem:$0xD8A0]  }
0x2b5: {  	v43 =	vld [tilespmem:$0xD8B0]  }
0x2b6: {  	[tilespmem:$0x1FAF0] =	vst v58;
	v58 =	vld [tilespmem:$0xDA20]  }
0x2b7: {  	v35 =	vld [tilespmem:$0xD8C0]  }
0x2b8: {  	v40 =	vld [tilespmem:$0xD8D0]  }
0x2b9: {  	v42 =	vld [tilespmem:$0xD8E0]  }
0x2ba: {  	v47 =	vld [tilespmem:$0xD8F0]  }
0x2bb: {  	[tilespmem:$0x1FB00] =	vst v58;
	v58 =	vld [tilespmem:$0xDA30]  }
0x2bc: {  	v41 =	vld [tilespmem:$0xD900]  }
0x2bd: {  	v44 =	vld [tilespmem:$0xD910]  }
0x2be: {  	v46 =	vld [tilespmem:$0xD920]  }
0x2bf: {  	v60 =	vld [tilespmem:$0xD9B0]  }
0x2c0: {  	[tilespmem:$0x1FB20] =	vst v58;
	v58 =	vld [tilespmem:$0xDA40]  }
0x2c1: {  	v55 =	vld [tilespmem:$0xD930]  }
0x2c2: {  	v45 =	vld [tilespmem:$0xD940]  }
0x2c3: {  	v48 =	vld [tilespmem:$0xD950]  }
0x2c4: {  	[tilespmem:$0x1FAC0] =	vst v60;
	v60 =	vld [tilespmem:$0xD9E0]  }
0x2c5: {  	[tilespmem:$0x1FB10] =	vst v58;
	v58 =	vld [tilespmem:$0xDA50]  }
0x2c6: {  	v52 =	vld [tilespmem:$0xD960]  }
0x2c7: {  	v61 =	vld [tilespmem:$0xD970]  }
0x2c8: {  	v51 =	vld [tilespmem:$0xD980]  }
0x2c9: {  	[tilespmem:$0x1FAD0] =	vst v60;
	v60 =	vld [tilespmem:$0xD9F0]  }
0x2ca: {  	[tilespmem:$0x1FB30] =	vst v58;
	v58 =	vld [tilespmem:$0xDA60]  }
0x2cb: {  	v56 =	vld [tilespmem:$0xD990]  }
0x2cc: {  	v62 =	vld [tilespmem:$0xD9A0]  }
0x2cd: {  	v57 =	vld [tilespmem:$0xD9C0]  }
0x2ce: {  	v59 =	vld [tilespmem:$0xD9D0];
	[tilespmem:$0x1FAE0] =	vst v60  }
0x2cf: {  	v60 =	vld [tilespmem:$0xDA00];
	[tilespmem:$0x1FB40] =	vst v58  }
0x2d0: {  	v58 =	vld [tilespmem:$0xDA70];
	_ =	sdelay $0x4  }
0x2d1: {  	[tilespmem:$0x1FB60] =	vst v58;
	v58 =	vld [tilespmem:$0xDA80];
	_ =	sdelay $0x4  }
0x2d2: {  	[tilespmem:$0x1FB50] =	vst v58;
	v58 =	vld [tilespmem:$0xDA90];
	_ =	sdelay $0x4  }
0x2d3: {  	[tilespmem:$0x1FB70] =	vst v58;
	v58 =	vld [tilespmem:$0xDAA0];
	_ =	sdelay $0x4  }
0x2d4: {  	[tilespmem:$0x1FB80] =	vst v58;
	v58 =	vld [tilespmem:$0xDAB0];
	_ =	sdelay $0x4  }
0x2d5: {  	[tilespmem:$0x1FBA0] =	vst v58;
	v58 =	vld [tilespmem:$0xDAC0];
	_ =	sdelay $0x4  }
0x2d6: {  	[tilespmem:$0x1FB90] =	vst v58;
	v58 =	vld [tilespmem:$0xDAD0];
	_ =	sdelay $0x4  }
0x2d7: {  	[tilespmem:$0x1FBB0] =	vst v58;
	v58 =	vld [tilespmem:$0xDAE0];
	_ =	sdelay $0x4  }
0x2d8: {  	[tilespmem:$0x1FBC0] =	vst v58;
	v58 =	vld [tilespmem:$0xDAF0];
	_ =	sdelay $0x4  }
0x2d9: {  	[tilespmem:$0x1FBE0] =	vst v58;
	v58 =	vld [tilespmem:$0xDB00];
	_ =	sdelay $0x4  }
0x2da: {  	[tilespmem:$0x1FBD0] =	vst v58;
	v58 =	vld [tilespmem:$0xDB10];
	_ =	sdelay $0x4  }
0x2db: {  	[tilespmem:$0x1FBF0] =	vst v58;
	v58 =	vld [tilespmem:$0xDB20]  }
0x2dc: {  	v18 =	vadd.f32 v18, v4;
	v4 =	vld [tilespmem:$0xDC90]  }
0x2dd: {  	v21 =	vadd.f32 v21, v5;
	v5 =	vld [tilespmem:$0xDCA0]  }
0x2de: {  	v22 =	vadd.f32 v22, v6;
	v6 =	vld [tilespmem:$0xDCB0]  }
0x2df: {  	v33 =	vadd.f32 v33, v17;
	v18 =	vadd.f32 v34, v18;
	v17 =	vld [tilespmem:$0xDCC0]  }
0x2e0: {  	v21 =	vadd.f32 v37, v21;
	[tilespmem:$0x1FC00] =	vst v58;
	v58 =	vld [tilespmem:$0xDB30]  }
0x2e1: {  	v22 =	vadd.f32 v38, v22;
	v34 =	vadd.f32 v50, v18;
	v18 =	vld [tilespmem:$0xDCD0]  }
0x2e2: {  	v33 =	vadd.f32 v49, v33;
	v37 =	vadd.f32 v53, v21;
	v21 =	vld [tilespmem:$0xDCE0]  }
0x2e3: {  	v38 =	vadd.f32 v54, v22;
	v22 =	vld [tilespmem:$0xDCF0]  }
0x2e4: {  	v49 =	vadd.f32 v63, v33;
	v33 =	vld [tilespmem:$0xDD00]  }
0x2e5: {  	[tilespmem:$0x1FC20] =	vst v58;
	v58 =	vld [tilespmem:$0xDB40]  }
0x2e6: {  	v1 =	vadd.f32 v1, v34;
	v34 =	vld [tilespmem:$0xDD10]  }
0x2e7: {  	v2 =	vadd.f32 v2, v37;
	v37 =	vld [tilespmem:$0xDD20]  }
0x2e8: {  	v7 =	vadd.f32 v7, v38;
	v38 =	vld [tilespmem:$0xDD30]  }
0x2e9: {  	v1 =	vadd.f32 v3, v1;
	v3 =	vadd.f32 v11, v49;
	v49 =	vld [tilespmem:$0xDD40]  }
0x2ea: {  	[tilespmem:$0x1FC10] =	vst v58;
	v58 =	vld [tilespmem:$0xDB50]  }
0x2eb: {  	v50 =	vld [tilespmem:$0xDD50]  }
0x2ec: {  	v53 =	vld [tilespmem:$0xDD60]  }
0x2ed: {  	v54 =	vld [tilespmem:$0xDD70]  }
0x2ee: {  	v2 =	vadd.f32 v8, v2;
	v8 =	vld [tilespmem:$0xDD80]  }
0x2ef: {  	[tilespmem:$0x1FC30] =	vst v58;
	v58 =	vld [tilespmem:$0xDB60]  }
0x2f0: {  	v7 =	vadd.f32 v10, v7;
	v1 =	vadd.f32 v9, v1;
	v9 =	vld [tilespmem:$0xDD90]  }
0x2f1: {  	v10 =	vld [tilespmem:$0xDDA0]  }
0x2f2: {  	v7 =	vadd.f32 v14, v7;
	v11 =	vld [tilespmem:$0xDDB0]  }
0x2f3: {  	v2 =	vadd.f32 v12, v2;
	v12 =	vld [tilespmem:$0xDDC0]  }
0x2f4: {  	v3 =	vadd.f32 v15, v3;
	v7 =	vadd.f32 v20, v7;
	[tilespmem:$0x1FC40] =	vst v58;
	v58 =	vld [tilespmem:$0xDB70]  }
0x2f5: {  	v1 =	vadd.f32 v13, v1;
	v13 =	vld [tilespmem:$0xDDD0]  }
0x2f6: {  	v3 =	vadd.f32 v23, v3;
	v7 =	vadd.f32 v26, v7;
	v14 =	vld [tilespmem:$0xDDE0]  }
0x2f7: {  	v2 =	vadd.f32 v16, v2;
	v15 =	vld [tilespmem:$0xDDF0]  }
0x2f8: {  	v3 =	vadd.f32 v27, v3;
	v7 =	vadd.f32 v30, v7;
	v16 =	vld [tilespmem:$0xDE00]  }
0x2f9: {  	v1 =	vadd.f32 v19, v1;
	v2 =	vadd.f32 v24, v2;
	[tilespmem:$0x1FC60] =	vst v58;
	v58 =	vld [tilespmem:$0xDB80]  }
0x2fa: {  	v3 =	vadd.f32 v31, v3;
	v7 =	vadd.f32 v36, v7;
	v19 =	vld [tilespmem:$0xDE10]  }
0x2fb: {  	v2 =	vadd.f32 v28, v2;
	v20 =	vld [tilespmem:$0xDE20]  }
0x2fc: {  	v3 =	vadd.f32 v39, v3;
	v7 =	vadd.f32 v42, v7;
	v23 =	vld [tilespmem:$0xDE30]  }
0x2fd: {  	v2 =	vadd.f32 v32, v2;
	v24 =	vld [tilespmem:$0xDE40]  }
0x2fe: {  	v3 =	vadd.f32 v43, v3;
	v7 =	vadd.f32 v46, v7;
	[tilespmem:$0x1FC50] =	vst v58;
	v58 =	vld [tilespmem:$0xDB90]  }
0x2ff: {  	v1 =	vadd.f32 v25, v1;
	v2 =	vadd.f32 v40, v2;
	v25 =	vld [tilespmem:$0xDE50]  }
0x300: {  	v3 =	vadd.f32 v47, v3;
	v7 =	vadd.f32 v52, v7;
	v52 =	vld [tilespmem:$0x1FAC0]  }
0x301: {  	v2 =	vadd.f32 v44, v2;
	v26 =	vld [tilespmem:$0xDE60]  }
0x302: {  	v3 =	vadd.f32 v55, v3;
	v55 =	vld [tilespmem:$0x1FAD0]  }
0x303: {  	v2 =	vadd.f32 v48, v2;
	[tilespmem:$0x1FC70] =	vst v58;
	v58 =	vld [tilespmem:$0xDBA0]  }
0x304: {  	v27 =	vld [tilespmem:$0xDE70]  }
0x305: {  	v1 =	vadd.f32 v29, v1;
	v2 =	vadd.f32 v56, v2;
	v56 =	vld [tilespmem:$0x1FAE0]  }
0x306: {  	v28 =	vld [tilespmem:$0xDE80]  }
0x307: {  	v1 =	vadd.f32 v35, v1;
	v29 =	vld [tilespmem:$0xDE90]  }
0x308: {  	[tilespmem:$0x1FC80] =	vst v58;
	v58 =	vld [tilespmem:$0xDBB0]  }
0x309: {  	v1 =	vadd.f32 v41, v1;
	v3 =	vadd.f32 v61, v3;
	v61 =	vld [tilespmem:$0x1FB20]  }
0x30a: {  	v7 =	vadd.f32 v62, v7;
	v62 =	vld [tilespmem:$0x1FB30]  }
0x30b: {  	v1 =	vadd.f32 v45, v1;
	v30 =	vld [tilespmem:$0xDEA0]  }
0x30c: {  	v63 =	vld [tilespmem:$0x1FB40]  }
0x30d: {  	v1 =	vadd.f32 v51, v1;
	[tilespmem:$0x1FCA0] =	vst v58;
	v58 =	vld [tilespmem:$0xDBC0]  }
0x30e: {  	v31 =	vld [tilespmem:$0xDEB0]  }
0x30f: {  	v32 =	vld [tilespmem:$0xDEC0];
	v1 =	vadd.f32 v57, v1  }
0x310: {  	v57 =	vld [tilespmem:$0x1FAF0]  }
0x311: {  	v1 =	vadd.f32 v60, v1;
	v60 =	vld [tilespmem:$0x1FB10]  }
0x312: {  	v3 =	vadd.f32 v52, v3;
	[tilespmem:$0x1FC90] =	vst v58;
	v58 =	vld [tilespmem:$0xDBD0]  }
0x313: {  	v36 =	vld [tilespmem:$0x1FB60]  }
0x314: {  	v3 =	vadd.f32 v56, v3;
	v35 =	vld [tilespmem:$0x1FB50]  }
0x315: {  	v2 =	vadd.f32 v59, v2;
	v59 =	vld [tilespmem:$0x1FB00]  }
0x316: {  	v3 =	vadd.f32 v61, v3;
	v39 =	vld [tilespmem:$0x1FB70]  }
0x317: {  	v2 =	vadd.f32 v57, v2;
	v1 =	vadd.f32 v60, v1;
	[tilespmem:$0x1FCB0] =	vst v58;
	v58 =	vld [tilespmem:$0xDBE0]  }
0x318: {  	v7 =	vadd.f32 v55, v7;
	v3 =	vadd.f32 v36, v3;
	v36 =	vld [tilespmem:$0xDEE0]  }
0x319: {  	v2 =	vadd.f32 v62, v2;
	v1 =	vadd.f32 v35, v1;
	v35 =	vld [tilespmem:$0xDED0]  }
0x31a: {  	v40 =	vld [tilespmem:$0x1FB80]  }
0x31b: {  	v7 =	vadd.f32 v59, v7;
	v2 =	vadd.f32 v39, v2;
	v39 =	vld [tilespmem:$0xDEF0]  }
0x31c: {  	[tilespmem:$0x1FCC0] =	vst v58;
	v58 =	vld [tilespmem:$0xDBF0]  }
0x31d: {  	v7 =	vadd.f32 v63, v7;
	v42 =	vld [tilespmem:$0x1FBA0]  }
0x31e: {  	v41 =	vld [tilespmem:$0x1FB90]  }
0x31f: {  	v7 =	vadd.f32 v40, v7;
	v40 =	vld [tilespmem:$0xDF00]  }
0x320: {  	v43 =	vld [tilespmem:$0x1FBB0]  }
0x321: {  	[tilespmem:$0x1FCE0] =	vst v58;
	v58 =	vld [tilespmem:$0xDC00]  }
0x322: {  	v3 =	vadd.f32 v42, v3;
	v42 =	vld [tilespmem:$0xDF20]  }
0x323: {  	v1 =	vadd.f32 v41, v1;
	v41 =	vld [tilespmem:$0xDF10]  }
0x324: {  	v44 =	vld [tilespmem:$0x1FBC0]  }
0x325: {  	v2 =	vadd.f32 v43, v2;
	v43 =	vld [tilespmem:$0xDF30]  }
0x326: {  	[tilespmem:$0x1FCD0] =	vst v58;
	v58 =	vld [tilespmem:$0xDC10]  }
0x327: {  	v46 =	vld [tilespmem:$0x1FBE0]  }
0x328: {  	v45 =	vld [tilespmem:$0x1FBD0]  }
0x329: {  	v7 =	vadd.f32 v44, v7;
	v44 =	vld [tilespmem:$0xDF40]  }
0x32a: {  	v47 =	vld [tilespmem:$0x1FBF0]  }
0x32b: {  	[tilespmem:$0x1FCF0] =	vst v58;
	v58 =	vld [tilespmem:$0xDC20]  }
0x32c: {  	v3 =	vadd.f32 v46, v3;
	v46 =	vld [tilespmem:$0xDF60]  }
0x32d: {  	v1 =	vadd.f32 v45, v1;
	v45 =	vld [tilespmem:$0xDF50]  }
0x32e: {  	v48 =	vld [tilespmem:$0x1FC00]  }
0x32f: {  	v2 =	vadd.f32 v47, v2;
	v47 =	vld [tilespmem:$0xDF70]  }
0x330: {  	[tilespmem:$0x1FD00] =	vst v58;
	v58 =	vld [tilespmem:$0xDC30]  }
0x331: {  	v52 =	vld [tilespmem:$0x1FC20]  }
0x332: {  	v51 =	vld [tilespmem:$0x1FC10]  }
0x333: {  	v55 =	vld [tilespmem:$0x1FC30]  }
0x334: {  	v56 =	vld [tilespmem:$0x1FC40]  }
0x335: {  	[tilespmem:$0x1FD20] =	vst v58;
	v58 =	vld [tilespmem:$0xDC40]  }
0x336: {  	v59 =	vld [tilespmem:$0x1FC60]  }
0x337: {  	v57 =	vld [tilespmem:$0x1FC50]  }
0x338: {  	v60 =	vld [tilespmem:$0x1FC70]  }
0x339: {  	v61 =	vld [tilespmem:$0x1FC80]  }
0x33a: {  	[tilespmem:$0x1FD10] =	vst v58;
	v58 =	vld [tilespmem:$0xDC50]  }
0x33b: {  	v63 =	vld [tilespmem:$0x1FCA0]  }
0x33c: {  	v62 =	vld [tilespmem:$0x1FC90]  }
0x33d: {  	v7 =	vadd.f32 v48, v7;
	v48 =	vld [tilespmem:$0x1FCB0]  }
0x33e: {  	v1 =	vadd.f32 v51, v1;
	v51 =	vld [tilespmem:$0x1FCC0]  }
0x33f: {  	[tilespmem:$0x1FD30] =	vst v58;
	v58 =	vld [tilespmem:$0xDC60]  }
0x340: {  	v2 =	vadd.f32 v55, v2;
	v55 =	vld [tilespmem:$0x1FCE0]  }
0x341: {  	v3 =	vadd.f32 v52, v3;
	v52 =	vld [tilespmem:$0x1FCD0]  }
0x342: {  	v7 =	vadd.f32 v56, v7;
	v56 =	vld [tilespmem:$0x1FCF0]  }
0x343: {  	v1 =	vadd.f32 v57, v1;
	v57 =	vld [tilespmem:$0x1FD00]  }
0x344: {  	[tilespmem:$0x1FD40] =	vst v58;
	v58 =	vld [tilespmem:$0xDC70]  }
0x345: {  	v2 =	vadd.f32 v60, v2;
	v60 =	vld [tilespmem:$0x1FD20]  }
0x346: {  	v3 =	vadd.f32 v59, v3;
	v59 =	vld [tilespmem:$0x1FD10]  }
0x347: {  	v7 =	vadd.f32 v61, v7;
	v61 =	vld [tilespmem:$0x1FD30]  }
0x348: {  	v1 =	vadd.f32 v62, v1;
	v62 =	vld [tilespmem:$0x1FD40]  }
0x349: {  	v3 =	vadd.f32 v63, v3;
	v2 =	vadd.f32 v48, v2;
	[tilespmem:$0x1FD50] =	vst v58;
	v58 =	vld [tilespmem:$0xDC80]  }
0x34a: {  	v7 =	vadd.f32 v51, v7;
	v1 =	vadd.f32 v52, v1;
	v63 =	vld [tilespmem:$0x1FD50]  }
0x34b: {  	v48 =	vld [tilespmem:$0xDF80];
	v3 =	vadd.f32 v55, v3;
	v2 =	vadd.f32 v56, v2  }
0x34c: {  	v51 =	vld [tilespmem:$0xDF90];
	v7 =	vadd.f32 v57, v7;
	v1 =	vadd.f32 v59, v1  }
0x34d: {  	v55 =	vld [tilespmem:$0xDFB0];
	v3 =	vadd.f32 v60, v3;
	v2 =	vadd.f32 v61, v2  }
0x34e: {  	v52 =	vld [tilespmem:$0xDFA0];
	v7 =	vadd.f32 v62, v7;
	v1 =	vadd.f32 v58, v1  }
0x34f: {  	v56 =	vld [tilespmem:$0xE050];
	v2 =	vadd.f32 v4, v2;
	v3 =	vadd.f32 v63, v3  }
0x350: {  	v57 =	vld [tilespmem:$0xE060];
	v5 =	vadd.f32 v5, v7;
	v1 =	vadd.f32 v17, v1  }
0x351: {  	v60 =	vld [tilespmem:$0xE090];
	v2 =	vadd.f32 v18, v2;
	v3 =	vadd.f32 v6, v3  }
0x352: {  	v59 =	vld [tilespmem:$0xE080];
	v5 =	vadd.f32 v21, v5;
	v1 =	vadd.f32 v33, v1  }
0x353: {  	v61 =	vld [tilespmem:$0xE0A0];
	v2 =	vadd.f32 v34, v2;
	v3 =	vadd.f32 v22, v3  }
0x354: {  	v4 =	vld [tilespmem:$0xDFC0];
	v5 =	vadd.f32 v37, v5;
	v1 =	vadd.f32 v49, v1  }
0x355: {  	v18 =	vld [tilespmem:$0xE000];
	v2 =	vadd.f32 v50, v2;
	v3 =	vadd.f32 v38, v3  }
0x356: {  	v62 =	vld [tilespmem:$0xE0B0];
	v5 =	vadd.f32 v53, v5;
	v1 =	vadd.f32 v8, v1  }
0x357: {  	v34 =	vld [tilespmem:$0xE0E0];
	v2 =	vadd.f32 v9, v2;
	v3 =	vadd.f32 v54, v3  }
0x358: {  	v7 =	vld [tilespmem:$0xDFD0];
	v5 =	vadd.f32 v10, v5;
	v1 =	vadd.f32 v12, v1  }
0x359: {  	v50 =	vld [tilespmem:$0xE020];
	v2 =	vadd.f32 v13, v2;
	v3 =	vadd.f32 v11, v3  }
0x35a: {  	v58 =	vld [tilespmem:$0xE070];
	v5 =	vadd.f32 v14, v5;
	v1 =	vadd.f32 v16, v1  }
0x35b: {  	v63 =	vld [tilespmem:$0xE0C0];
	v2 =	vadd.f32 v19, v2;
	v3 =	vadd.f32 v15, v3  }
0x35c: {  	v17 =	vld [tilespmem:$0xDFF0];
	v5 =	vadd.f32 v20, v5;
	v1 =	vadd.f32 v24, v1  }
0x35d: {  	v37 =	vld [tilespmem:$0xE110];
	v2 =	vadd.f32 v25, v2;
	v3 =	vadd.f32 v23, v3  }
0x35e: {  	v6 =	vld [tilespmem:$0xDFE0];
	v5 =	vadd.f32 v26, v5;
	v1 =	vadd.f32 v28, v1  }
0x35f: {  	v53 =	vld [tilespmem:$0xE030];
	v2 =	vadd.f32 v29, v2;
	v3 =	vadd.f32 v27, v3  }
0x360: {  	v33 =	vld [tilespmem:$0xE0D0];
	v5 =	vadd.f32 v30, v5;
	v1 =	vadd.f32 v32, v1  }
0x361: {  	v49 =	vld [tilespmem:$0xE010];
	v2 =	vadd.f32 v35, v2;
	v3 =	vadd.f32 v31, v3  }
0x362: {  	v38 =	vld [tilespmem:$0xE120];
	v5 =	vadd.f32 v36, v5;
	v1 =	vadd.f32 v40, v1  }
0x363: {  	v54 =	vld [tilespmem:$0xE040];
	v2 =	vadd.f32 v41, v2;
	v3 =	vadd.f32 v39, v3  }
0x364: {  	v35 =	vld [tilespmem:$0xE0F0];
	v5 =	vadd.f32 v42, v5;
	v1 =	vadd.f32 v44, v1  }
0x365: {  	v41 =	vld [tilespmem:$0xE150];
	v2 =	vadd.f32 v45, v2;
	v3 =	vadd.f32 v43, v3  }
0x366: {  	v45 =	vld [tilespmem:$0xE190];
	v5 =	vadd.f32 v46, v5;
	v1 =	vadd.f32 v48, v1  }
0x367: {  	v36 =	vld [tilespmem:$0xE100];
	v2 =	vadd.f32 v51, v2;
	v3 =	vadd.f32 v47, v3  }
0x368: {  	v51 =	vld [tilespmem:$0xE1F0];
	v5 =	vadd.f32 v52, v5;
	v1 =	vadd.f32 v4, v1  }
0x369: {  	v42 =	vld [tilespmem:$0xE160];
	v2 =	vadd.f32 v7, v2;
	v3 =	vadd.f32 v55, v3  }
0x36a: {  	v40 =	vld [tilespmem:$0xE140];
	v5 =	vadd.f32 v6, v5;
	v1 =	vadd.f32 v18, v1  }
0x36b: {  	v46 =	vld [tilespmem:$0xE1A0];
	v2 =	vadd.f32 v49, v2;
	v3 =	vadd.f32 v17, v3  }
0x36c: {  	v39 =	vld [tilespmem:$0xE130];
	v5 =	vadd.f32 v50, v5;
	v1 =	vadd.f32 v54, v1  }
0x36d: {  	v49 =	vld [tilespmem:$0xE1D0];
	v2 =	vadd.f32 v56, v2;
	v3 =	vadd.f32 v53, v3  }
0x36e: {  	v44 =	vld [tilespmem:$0xE180];
	v5 =	vadd.f32 v57, v5;
	v1 =	vadd.f32 v59, v1  }
0x36f: {  	v52 =	vld [tilespmem:$0xE200];
	v2 =	vadd.f32 v60, v2;
	v3 =	vadd.f32 v58, v3  }
0x370: {  	v43 =	vld [tilespmem:$0xE170];
	v5 =	vadd.f32 v61, v5;
	v1 =	vadd.f32 v63, v1  }
0x371: {  	v56 =	vld [tilespmem:$0xE240];
	v2 =	vadd.f32 v33, v2;
	v3 =	vadd.f32 v62, v3  }
0x372: {  	v48 =	vld [tilespmem:$0xE1C0];
	v5 =	vadd.f32 v34, v5;
	v1 =	vadd.f32 v36, v1  }
0x373: {  	v47 =	vld [tilespmem:$0xE1B0];
	v2 =	vadd.f32 v37, v2;
	v3 =	vadd.f32 v35, v3  }
0x374: {  	v50 =	vld [tilespmem:$0xE1E0];
	v5 =	vadd.f32 v38, v5;
	v1 =	vadd.f32 v40, v1  }
0x375: {  	v55 =	vld [tilespmem:$0xE230];
	v2 =	vadd.f32 v41, v2;
	v3 =	vadd.f32 v39, v3  }
0x376: {  	v53 =	vld [tilespmem:$0xE210];
	v5 =	vadd.f32 v42, v5;
	v1 =	vadd.f32 v44, v1  }
0x377: {  	v54 =	vld [tilespmem:$0xE220];
	v2 =	vadd.f32 v45, v2;
	v3 =	vadd.f32 v43, v3  }
0x378: {  	v57 =	vld [tilespmem:$0xE250];
	v5 =	vadd.f32 v46, v5;
	v1 =	vadd.f32 v48, v1  }
0x379: {  	v58 =	vld [tilespmem:$0xE260];
	v2 =	vadd.f32 v49, v2;
	v3 =	vadd.f32 v47, v3  }
0x37a: {  	v59 =	vld [tilespmem:$0xE270];
	v5 =	vadd.f32 v50, v5;
	v1 =	vadd.f32 v52, v1  }
0x37b: {  	v2 =	vadd.f32 v53, v2;
	v3 =	vadd.f32 v51, v3  }
0x37c: {  	v4 =	vadd.f32 v54, v5;
	v1 =	vadd.f32 v56, v1  }
0x37d: {  	v2 =	vadd.f32 v57, v2;
	v3 =	vadd.f32 v55, v3  }
0x37e: {  	v4 =	vadd.f32 v58, v4;
	v1 =	vmul.f32 $1.999999960e-02, v1  }
0x37f: {  	v2 =	vmul.f32 $1.999999960e-02, v2;
	v3 =	vadd.f32 v59, v3  }
0x380: {  	[tilespmem:s20+$0x0] =	vst v1;
	v1 =	vmul.f32 $1.999999960e-02, v4  }
0x381: {  	[tilespmem:s20+$0x10] =	vst v2;
	v2 =	vmul.f32 $1.999999960e-02, v3  }
0x382: {  	[tilespmem:s20+$0x20] =	vst v1  }
0x383: {  	s4 =	sadd.s32 @!p0 $0x3970, s15;
	s5 =	simm.s32 @!p0 $0xD600;
	[tilespmem:s20+$0x30] =	vst v2  }
0x384: {  	[tilespmem:s5], [sflag:$0x7] =	stream.indirect.gather @!p0 [hbm4b:s3+s16], $0x40, s4, s16, $0xb8;
	[tilespmem:$0x10F00] =	vst v63  }
0x385: {  	_ =	swait.ge [sflag:s18], $0xC80  }
0x386: {  	[sflag:s18] =	ssyncset.done $0x0  }
0x387: {  	[sflag:s18] =	ssyncadd.s32 $0xFFFFF380  }
0x388: {  	v58 =	vld [tilespmem:$0xE690];
	_ =	sdelay $0x3  }
0x389: {  	v4 =	vld [tilespmem:$0xE280]  }
0x38a: {  	[tilespmem:$0x1FD90] =	vst v58;
	v58 =	vld [tilespmem:$0xE6A0]  }
0x38b: {  	v5 =	vld [tilespmem:$0xE290]  }
0x38c: {  	v6 =	vld [tilespmem:$0xE2A0]  }
0x38d: {  	v17 =	vld [tilespmem:$0xE2B0]  }
0x38e: {  	v18 =	vld [tilespmem:$0xE2C0]  }
0x38f: {  	[tilespmem:$0x1FDA0] =	vst v58;
	v58 =	vld [tilespmem:$0xE6B0]  }
0x390: {  	v21 =	vld [tilespmem:$0xE2D0]  }
0x391: {  	v22 =	vld [tilespmem:$0xE2E0]  }
0x392: {  	v33 =	vld [tilespmem:$0xE2F0]  }
0x393: {  	v34 =	vld [tilespmem:$0xE300]  }
0x394: {  	[tilespmem:$0x1FDC0] =	vst v58;
	v58 =	vld [tilespmem:$0xE6C0]  }
0x395: {  	v37 =	vld [tilespmem:$0xE310]  }
0x396: {  	v38 =	vld [tilespmem:$0xE320]  }
0x397: {  	v49 =	vld [tilespmem:$0xE330]  }
0x398: {  	v50 =	vld [tilespmem:$0xE340]  }
0x399: {  	[tilespmem:$0x1FDB0] =	vst v58;
	v58 =	vld [tilespmem:$0xE6D0]  }
0x39a: {  	v53 =	vld [tilespmem:$0xE350]  }
0x39b: {  	v54 =	vld [tilespmem:$0xE360]  }
0x39c: {  	v63 =	vld [tilespmem:$0xE370]  }
0x39d: {  	v1 =	vld [tilespmem:$0xE380]  }
0x39e: {  	[tilespmem:$0x1FDD0] =	vst v58;
	v58 =	vld [tilespmem:$0xE6E0]  }
0x39f: {  	v2 =	vld [tilespmem:$0xE390]  }
0x3a0: {  	v7 =	vld [tilespmem:$0xE3A0]  }
0x3a1: {  	v11 =	vld [tilespmem:$0xE3B0]  }
0x3a2: {  	v3 =	vld [tilespmem:$0xE3C0]  }
0x3a3: {  	[tilespmem:$0x1FDE0] =	vst v58;
	v58 =	vld [tilespmem:$0xE6F0]  }
0x3a4: {  	v8 =	vld [tilespmem:$0xE3D0]  }
0x3a5: {  	v10 =	vld [tilespmem:$0xE3E0]  }
0x3a6: {  	v15 =	vld [tilespmem:$0xE3F0]  }
0x3a7: {  	v9 =	vld [tilespmem:$0xE400]  }
0x3a8: {  	[tilespmem:$0x1FE00] =	vst v58;
	v58 =	vld [tilespmem:$0xE700]  }
0x3a9: {  	v12 =	vld [tilespmem:$0xE410]  }
0x3aa: {  	v14 =	vld [tilespmem:$0xE420]  }
0x3ab: {  	v23 =	vld [tilespmem:$0xE430]  }
0x3ac: {  	v13 =	vld [tilespmem:$0xE440]  }
0x3ad: {  	[tilespmem:$0x1FDF0] =	vst v58;
	v58 =	vld [tilespmem:$0xE710]  }
0x3ae: {  	v16 =	vld [tilespmem:$0xE450]  }
0x3af: {  	v20 =	vld [tilespmem:$0xE460]  }
0x3b0: {  	v27 =	vld [tilespmem:$0xE470]  }
0x3b1: {  	v19 =	vld [tilespmem:$0xE480]  }
0x3b2: {  	[tilespmem:$0x1FE10] =	vst v58;
	v58 =	vld [tilespmem:$0xE720]  }
0x3b3: {  	v24 =	vld [tilespmem:$0xE490]  }
0x3b4: {  	v26 =	vld [tilespmem:$0xE4A0]  }
0x3b5: {  	v31 =	vld [tilespmem:$0xE4B0]  }
0x3b6: {  	v25 =	vld [tilespmem:$0xE4C0]  }
0x3b7: {  	[tilespmem:$0x1FE20] =	vst v58;
	v58 =	vld [tilespmem:$0xE730]  }
0x3b8: {  	v28 =	vld [tilespmem:$0xE4D0]  }
0x3b9: {  	v30 =	vld [tilespmem:$0xE4E0]  }
0x3ba: {  	v39 =	vld [tilespmem:$0xE4F0]  }
0x3bb: {  	v29 =	vld [tilespmem:$0xE500]  }
0x3bc: {  	[tilespmem:$0x1FE40] =	vst v58;
	v58 =	vld [tilespmem:$0xE740]  }
0x3bd: {  	v32 =	vld [tilespmem:$0xE510]  }
0x3be: {  	v36 =	vld [tilespmem:$0xE520]  }
0x3bf: {  	v43 =	vld [tilespmem:$0xE530]  }
0x3c0: {  	v35 =	vld [tilespmem:$0xE540]  }
0x3c1: {  	[tilespmem:$0x1FE30] =	vst v58;
	v58 =	vld [tilespmem:$0xE750]  }
0x3c2: {  	v40 =	vld [tilespmem:$0xE550]  }
0x3c3: {  	v42 =	vld [tilespmem:$0xE560]  }
0x3c4: {  	v47 =	vld [tilespmem:$0xE570]  }
0x3c5: {  	v41 =	vld [tilespmem:$0xE580]  }
0x3c6: {  	[tilespmem:$0x1FE50] =	vst v58;
	v58 =	vld [tilespmem:$0xE760]  }
0x3c7: {  	v44 =	vld [tilespmem:$0xE590]  }
0x3c8: {  	v46 =	vld [tilespmem:$0xE5A0]  }
0x3c9: {  	v55 =	vld [tilespmem:$0xE5B0]  }
0x3ca: {  	v45 =	vld [tilespmem:$0xE5C0]  }
0x3cb: {  	[tilespmem:$0x1FE60] =	vst v58;
	v58 =	vld [tilespmem:$0xE770]  }
0x3cc: {  	v48 =	vld [tilespmem:$0xE5D0]  }
0x3cd: {  	v52 =	vld [tilespmem:$0xE5E0]  }
0x3ce: {  	v61 =	vld [tilespmem:$0xE5F0]  }
0x3cf: {  	v51 =	vld [tilespmem:$0xE600]  }
0x3d0: {  	[tilespmem:$0x1FE80] =	vst v58;
	v58 =	vld [tilespmem:$0xE780]  }
0x3d1: {  	v56 =	vld [tilespmem:$0xE610]  }
0x3d2: {  	v60 =	vld [tilespmem:$0xE630]  }
0x3d3: {  	v62 =	vld [tilespmem:$0xE620]  }
0x3d4: {  	v57 =	vld [tilespmem:$0xE640]  }
0x3d5: {  	[tilespmem:$0x1FE70] =	vst v58;
	v58 =	vld [tilespmem:$0xE790]  }
0x3d6: {  	v59 =	vld [tilespmem:$0xE650]  }
0x3d7: {  	[tilespmem:$0x1FD60] =	vst v60;
	v60 =	vld [tilespmem:$0xE660]  }
0x3d8: {  	v18 =	vadd.f32 v18, v4;
	v4 =	vld [tilespmem:$0xE910]  }
0x3d9: {  	v21 =	vadd.f32 v21, v5;
	v5 =	vld [tilespmem:$0xE920]  }
0x3da: {  	[tilespmem:$0x1FE90] =	vst v58;
	v58 =	vld [tilespmem:$0xE7A0]  }
0x3db: {  	v22 =	vadd.f32 v22, v6;
	v6 =	vld [tilespmem:$0xE930];
	v18 =	vadd.f32 v34, v18  }
0x3dc: {  	v33 =	vadd.f32 v33, v17;
	v17 =	vld [tilespmem:$0xE940];
	v21 =	vadd.f32 v37, v21  }
0x3dd: {  	v34 =	vadd.f32 v50, v18;
	v18 =	vld [tilespmem:$0xE950]  }
0x3de: {  	v22 =	vadd.f32 v38, v22;
	v37 =	vadd.f32 v53, v21;
	v21 =	vld [tilespmem:$0xE960]  }
0x3df: {  	v33 =	vadd.f32 v49, v33;
	[tilespmem:$0x1FEA0] =	vst v58;
	v58 =	vld [tilespmem:$0xE7B0]  }
0x3e0: {  	v38 =	vadd.f32 v54, v22;
	v22 =	vld [tilespmem:$0xE970]  }
0x3e1: {  	v49 =	vadd.f32 v63, v33;
	v33 =	vld [tilespmem:$0xE980]  }
0x3e2: {  	v50 =	vld [tilespmem:$0xE9D0]  }
0x3e3: {  	v53 =	vld [tilespmem:$0xE9E0]  }
0x3e4: {  	[tilespmem:$0x1FEC0] =	vst v58;
	v58 =	vld [tilespmem:$0xE7C0]  }
0x3e5: {  	v54 =	vld [tilespmem:$0xE9F0]  }
0x3e6: {  	[tilespmem:$0x1FD70] =	vst v60;
	v60 =	vld [tilespmem:$0xE670]  }
0x3e7: {  	v1 =	vadd.f32 v1, v34;
	v34 =	vld [tilespmem:$0xE990]  }
0x3e8: {  	v2 =	vadd.f32 v2, v37;
	v37 =	vld [tilespmem:$0xE9A0]  }
0x3e9: {  	[tilespmem:$0x1FEB0] =	vst v58;
	v58 =	vld [tilespmem:$0xE7D0]  }
0x3ea: {  	v7 =	vadd.f32 v7, v38;
	v38 =	vld [tilespmem:$0xE9B0]  }
0x3eb: {  	v1 =	vadd.f32 v3, v1;
	v3 =	vadd.f32 v11, v49;
	v49 =	vld [tilespmem:$0xE9C0]  }
0x3ec: {  	v2 =	vadd.f32 v8, v2;
	v8 =	vld [tilespmem:$0xEA00]  }
0x3ed: {  	v7 =	vadd.f32 v10, v7;
	v10 =	vld [tilespmem:$0xEA20]  }
0x3ee: {  	[tilespmem:$0x1FED0] =	vst v58;
	v58 =	vld [tilespmem:$0xE7E0]  }
0x3ef: {  	v11 =	vld [tilespmem:$0xEA30]  }
0x3f0: {  	[tilespmem:$0x1FD80] =	vst v60;
	v60 =	vld [tilespmem:$0xE680]  }
0x3f1: {  	v1 =	vadd.f32 v9, v1;
	v9 =	vld [tilespmem:$0xEA10]  }
0x3f2: {  	v2 =	vadd.f32 v12, v2;
	v12 =	vld [tilespmem:$0xEA40]  }
0x3f3: {  	[tilespmem:$0x1FEE0] =	vst v58;
	v58 =	vld [tilespmem:$0xE7F0]  }
0x3f4: {  	v7 =	vadd.f32 v14, v7;
	v14 =	vld [tilespmem:$0xEA60]  }
0x3f5: {  	v3 =	vadd.f32 v15, v3;
	v15 =	vld [tilespmem:$0xEA70]  }
0x3f6: {  	v1 =	vadd.f32 v13, v1;
	v13 =	vld [tilespmem:$0xEA50]  }
0x3f7: {  	v2 =	vadd.f32 v16, v2;
	v16 =	vld [tilespmem:$0xEA80]  }
0x3f8: {  	[tilespmem:$0x1FF00] =	vst v58;
	v58 =	vld [tilespmem:$0xE800]  }
0x3f9: {  	v7 =	vadd.f32 v20, v7;
	v20 =	vld [tilespmem:$0xEAA0]  }
0x3fa: {  	v3 =	vadd.f32 v23, v3;
	v23 =	vld [tilespmem:$0xEAB0]  }
0x3fb: {  	v1 =	vadd.f32 v19, v1;
	v19 =	vld [tilespmem:$0xEA90]  }
0x3fc: {  	v2 =	vadd.f32 v24, v2;
	v24 =	vld [tilespmem:$0xEAC0]  }
0x3fd: {  	[tilespmem:$0x1FEF0] =	vst v58;
	v58 =	vld [tilespmem:$0xE810]  }
0x3fe: {  	v7 =	vadd.f32 v26, v7;
	v26 =	vld [tilespmem:$0xEAE0]  }
0x3ff: {  	v3 =	vadd.f32 v27, v3;
	v27 =	vld [tilespmem:$0xEAF0];
	v1 =	vadd.f32 v25, v1  }
0x400: {  	v2 =	vadd.f32 v28, v2;
	v7 =	vadd.f32 v30, v7;
	v25 =	vld [tilespmem:$0xEAD0]  }
0x401: {  	v3 =	vadd.f32 v31, v3;
	v28 =	vld [tilespmem:$0xEB00]  }
0x402: {  	v2 =	vadd.f32 v32, v2;
	v7 =	vadd.f32 v36, v7;
	[tilespmem:$0x1FF10] =	vst v58;
	v58 =	vld [tilespmem:$0xE820]  }
0x403: {  	v30 =	vld [tilespmem:$0xEB20];
	v1 =	vadd.f32 v29, v1;
	v3 =	vadd.f32 v39, v3  }
0x404: {  	v31 =	vld [tilespmem:$0xEB30];
	v2 =	vadd.f32 v40, v2;
	v7 =	vadd.f32 v42, v7  }
0x405: {  	v29 =	vld [tilespmem:$0xEB10];
	v1 =	vadd.f32 v35, v1;
	v3 =	vadd.f32 v43, v3  }
0x406: {  	v32 =	vld [tilespmem:$0xEB40];
	v2 =	vadd.f32 v44, v2;
	v7 =	vadd.f32 v46, v7  }
0x407: {  	v1 =	vadd.f32 v41, v1;
	v3 =	vadd.f32 v47, v3;
	[tilespmem:$0x1FF20] =	vst v58;
	v58 =	vld [tilespmem:$0xE830]  }
0x408: {  	v2 =	vadd.f32 v48, v2;
	v7 =	vadd.f32 v52, v7;
	v52 =	vld [tilespmem:$0x1FD60]  }
0x409: {  	v3 =	vadd.f32 v55, v3;
	v55 =	vld [tilespmem:$0x1FD70]  }
0x40a: {  	v1 =	vadd.f32 v45, v1;
	v2 =	vadd.f32 v56, v2;
	v56 =	vld [tilespmem:$0x1FD80]  }
0x40b: {  	v3 =	vadd.f32 v61, v3;
	v61 =	vld [tilespmem:$0x1FDC0]  }
0x40c: {  	v1 =	vadd.f32 v51, v1;
	[tilespmem:$0x1FF40] =	vst v58;
	v58 =	vld [tilespmem:$0xE840]  }
0x40d: {  	v7 =	vadd.f32 v62, v7;
	v62 =	vld [tilespmem:$0x1FDD0]  }
0x40e: {  	v63 =	vld [tilespmem:$0x1FDE0];
	v1 =	vadd.f32 v57, v1  }
0x40f: {  	v57 =	vld [tilespmem:$0x1FD90]  }
0x410: {  	v1 =	vadd.f32 v60, v1;
	v60 =	vld [tilespmem:$0x1FDB0]  }
0x411: {  	v3 =	vadd.f32 v52, v3;
	[tilespmem:$0x1FF30] =	vst v58;
	v58 =	vld [tilespmem:$0xE850]  }
0x412: {  	v36 =	vld [tilespmem:$0x1FE00]  }
0x413: {  	v3 =	vadd.f32 v56, v3;
	v35 =	vld [tilespmem:$0x1FDF0]  }
0x414: {  	v2 =	vadd.f32 v59, v2;
	v59 =	vld [tilespmem:$0x1FDA0]  }
0x415: {  	v3 =	vadd.f32 v61, v3;
	v39 =	vld [tilespmem:$0x1FE10]  }
0x416: {  	v2 =	vadd.f32 v57, v2;
	v1 =	vadd.f32 v60, v1;
	[tilespmem:$0x1FF50] =	vst v58;
	v58 =	vld [tilespmem:$0xE860]  }
0x417: {  	v7 =	vadd.f32 v55, v7;
	v3 =	vadd.f32 v36, v3;
	v36 =	vld [tilespmem:$0xEB60]  }
0x418: {  	v2 =	vadd.f32 v62, v2;
	v1 =	vadd.f32 v35, v1;
	v35 =	vld [tilespmem:$0xEB50]  }
0x419: {  	v40 =	vld [tilespmem:$0x1FE20]  }
0x41a: {  	v7 =	vadd.f32 v59, v7;
	v2 =	vadd.f32 v39, v2;
	v39 =	vld [tilespmem:$0xEB70]  }
0x41b: {  	[tilespmem:$0x1FF60] =	vst v58;
	v58 =	vld [tilespmem:$0xE870]  }
0x41c: {  	v7 =	vadd.f32 v63, v7;
	v42 =	vld [tilespmem:$0x1FE40]  }
0x41d: {  	v41 =	vld [tilespmem:$0x1FE30]  }
0x41e: {  	v7 =	vadd.f32 v40, v7;
	v40 =	vld [tilespmem:$0xEB80]  }
0x41f: {  	v43 =	vld [tilespmem:$0x1FE50]  }
0x420: {  	[tilespmem:$0x1FF80] =	vst v58;
	v58 =	vld [tilespmem:$0xE880]  }
0x421: {  	v3 =	vadd.f32 v42, v3;
	v42 =	vld [tilespmem:$0xEBA0]  }
0x422: {  	v1 =	vadd.f32 v41, v1;
	v41 =	vld [tilespmem:$0xEB90]  }
0x423: {  	v44 =	vld [tilespmem:$0x1FE60]  }
0x424: {  	v2 =	vadd.f32 v43, v2;
	v43 =	vld [tilespmem:$0xEBB0]  }
0x425: {  	[tilespmem:$0x1FF70] =	vst v58;
	v58 =	vld [tilespmem:$0xE890]  }
0x426: {  	v46 =	vld [tilespmem:$0x1FE80]  }
0x427: {  	v45 =	vld [tilespmem:$0x1FE70]  }
0x428: {  	v7 =	vadd.f32 v44, v7;
	v44 =	vld [tilespmem:$0xEBC0]  }
0x429: {  	v47 =	vld [tilespmem:$0x1FE90]  }
0x42a: {  	[tilespmem:$0x1FF90] =	vst v58;
	v58 =	vld [tilespmem:$0xE8A0]  }
0x42b: {  	v3 =	vadd.f32 v46, v3;
	v46 =	vld [tilespmem:$0xEBE0]  }
0x42c: {  	v1 =	vadd.f32 v45, v1;
	v45 =	vld [tilespmem:$0xEBD0]  }
0x42d: {  	v48 =	vld [tilespmem:$0x1FEA0]  }
0x42e: {  	v2 =	vadd.f32 v47, v2;
	v47 =	vld [tilespmem:$0xEBF0]  }
0x42f: {  	[tilespmem:$0x1FFA0] =	vst v58;
	v58 =	vld [tilespmem:$0xE8B0]  }
0x430: {  	v52 =	vld [tilespmem:$0x1FEC0]  }
0x431: {  	v51 =	vld [tilespmem:$0x1FEB0]  }
0x432: {  	v55 =	vld [tilespmem:$0x1FED0]  }
0x433: {  	v56 =	vld [tilespmem:$0x1FEE0]  }
0x434: {  	[tilespmem:$0x1FFC0] =	vst v58;
	v58 =	vld [tilespmem:$0xE8C0]  }
0x435: {  	v59 =	vld [tilespmem:$0x1FF00]  }
0x436: {  	v57 =	vld [tilespmem:$0x1FEF0]  }
0x437: {  	v60 =	vld [tilespmem:$0x1FF10]  }
0x438: {  	v61 =	vld [tilespmem:$0x1FF20]  }
0x439: {  	[tilespmem:$0x1FFB0] =	vst v58;
	v58 =	vld [tilespmem:$0xE8D0]  }
0x43a: {  	v63 =	vld [tilespmem:$0x1FF40]  }
0x43b: {  	v62 =	vld [tilespmem:$0x1FF30]  }
0x43c: {  	v7 =	vadd.f32 v48, v7;
	v48 =	vld [tilespmem:$0x1FF50]  }
0x43d: {  	v1 =	vadd.f32 v51, v1;
	v51 =	vld [tilespmem:$0x1FF60]  }
0x43e: {  	[tilespmem:$0x1FFD0] =	vst v58;
	v58 =	vld [tilespmem:$0xE8E0]  }
0x43f: {  	v2 =	vadd.f32 v55, v2;
	v55 =	vld [tilespmem:$0x1FF80]  }
0x440: {  	v3 =	vadd.f32 v52, v3;
	v52 =	vld [tilespmem:$0x1FF70]  }
0x441: {  	v7 =	vadd.f32 v56, v7;
	v56 =	vld [tilespmem:$0x1FF90]  }
0x442: {  	v1 =	vadd.f32 v57, v1;
	v57 =	vld [tilespmem:$0x1FFA0]  }
0x443: {  	[tilespmem:$0x1FFE0] =	vst v58;
	v58 =	vld [tilespmem:$0xE8F0]  }
0x444: {  	v2 =	vadd.f32 v60, v2;
	v60 =	vld [tilespmem:$0x1FFC0]  }
0x445: {  	v7 =	vadd.f32 v61, v7;
	v61 =	vld [tilespmem:$0x1FFD0]  }
0x446: {  	v3 =	vadd.f32 v59, v3;
	v2 =	vadd.f32 v48, v2;
	v59 =	vld [tilespmem:$0x1FFB0]  }
0x447: {  	v1 =	vadd.f32 v62, v1;
	v62 =	vld [tilespmem:$0x1FFE0]  }
0x448: {  	v3 =	vadd.f32 v63, v3;
	v2 =	vadd.f32 v56, v2;
	[tilespmem:$0x1FFF0] =	vst v58;
	v58 =	vld [tilespmem:$0xE900]  }
0x449: {  	v7 =	vadd.f32 v51, v7;
	v1 =	vadd.f32 v52, v1;
	v63 =	vld [tilespmem:$0x1FFF0]  }
0x44a: {  	v48 =	vld [tilespmem:$0xEC00];
	v3 =	vadd.f32 v55, v3;
	v2 =	vadd.f32 v61, v2  }
0x44b: {  	v51 =	vld [tilespmem:$0xEC10];
	v7 =	vadd.f32 v57, v7;
	v1 =	vadd.f32 v59, v1  }
0x44c: {  	v55 =	vld [tilespmem:$0xEC30];
	v3 =	vadd.f32 v60, v3;
	v2 =	vadd.f32 v4, v2  }
0x44d: {  	v52 =	vld [tilespmem:$0xEC20];
	v7 =	vadd.f32 v62, v7;
	v1 =	vadd.f32 v58, v1  }
0x44e: {  	v56 =	vld [tilespmem:$0xECC0];
	v2 =	vadd.f32 v18, v2;
	v3 =	vadd.f32 v63, v3  }
0x44f: {  	v57 =	vld [tilespmem:$0xECD0];
	v5 =	vadd.f32 v5, v7;
	v1 =	vadd.f32 v17, v1  }
0x450: {  	v60 =	vld [tilespmem:$0xED00];
	v2 =	vadd.f32 v34, v2;
	v3 =	vadd.f32 v6, v3  }
0x451: {  	v59 =	vld [tilespmem:$0xECF0];
	v5 =	vadd.f32 v21, v5;
	v1 =	vadd.f32 v33, v1  }
0x452: {  	v61 =	vld [tilespmem:$0xED10];
	v2 =	vadd.f32 v50, v2;
	v3 =	vadd.f32 v22, v3  }
0x453: {  	v4 =	vld [tilespmem:$0xEC40];
	v5 =	vadd.f32 v37, v5;
	v1 =	vadd.f32 v49, v1  }
0x454: {  	v18 =	vld [tilespmem:$0xEC80];
	v2 =	vadd.f32 v9, v2;
	v3 =	vadd.f32 v38, v3  }
0x455: {  	v62 =	vld [tilespmem:$0xED20];
	v5 =	vadd.f32 v53, v5;
	v1 =	vadd.f32 v8, v1  }
0x456: {  	v34 =	vld [tilespmem:$0xED50];
	v2 =	vadd.f32 v13, v2;
	v3 =	vadd.f32 v54, v3  }
0x457: {  	v7 =	vld [tilespmem:$0xEC50];
	v5 =	vadd.f32 v10, v5;
	v1 =	vadd.f32 v12, v1  }
0x458: {  	v50 =	vld [tilespmem:$0xECA0];
	v2 =	vadd.f32 v19, v2;
	v3 =	vadd.f32 v11, v3  }
0x459: {  	v58 =	vld [tilespmem:$0xECE0];
	v5 =	vadd.f32 v14, v5;
	v1 =	vadd.f32 v16, v1  }
0x45a: {  	v63 =	vld [tilespmem:$0xED30];
	v2 =	vadd.f32 v25, v2;
	v3 =	vadd.f32 v15, v3  }
0x45b: {  	v17 =	vld [tilespmem:$0xEC70];
	v5 =	vadd.f32 v20, v5;
	v1 =	vadd.f32 v24, v1  }
0x45c: {  	v37 =	vld [tilespmem:$0xED60];
	v2 =	vadd.f32 v29, v2;
	v3 =	vadd.f32 v23, v3  }
0x45d: {  	v6 =	vld [tilespmem:$0xEC60];
	v5 =	vadd.f32 v26, v5;
	v1 =	vadd.f32 v28, v1  }
0x45e: {  	v53 =	vld [tilespmem:$0xECB0];
	v2 =	vadd.f32 v35, v2;
	v3 =	vadd.f32 v27, v3  }
0x45f: {  	v33 =	vld [tilespmem:$0xED40];
	v5 =	vadd.f32 v30, v5;
	v1 =	vadd.f32 v32, v1  }
0x460: {  	v49 =	vld [tilespmem:$0xEC90];
	v2 =	vadd.f32 v41, v2;
	v3 =	vadd.f32 v31, v3  }
0x461: {  	v38 =	vld [tilespmem:$0xED70];
	v5 =	vadd.f32 v36, v5;
	v1 =	vadd.f32 v40, v1  }
0x462: {  	v54 =	vld [tilespmem:$0xEE60];
	v2 =	vadd.f32 v45, v2;
	v3 =	vadd.f32 v39, v3  }
0x463: {  	v41 =	vld [tilespmem:$0xED90];
	v5 =	vadd.f32 v42, v5;
	v1 =	vadd.f32 v44, v1  }
0x464: {  	v45 =	vld [tilespmem:$0xEDD0];
	v2 =	vadd.f32 v51, v2;
	v3 =	vadd.f32 v43, v3  }
0x465: {  	v51 =	vld [tilespmem:$0xEE30];
	v5 =	vadd.f32 v46, v5;
	v1 =	vadd.f32 v48, v1  }
0x466: {  	v42 =	vld [tilespmem:$0xEDA0];
	v2 =	vadd.f32 v7, v2;
	v3 =	vadd.f32 v47, v3  }
0x467: {  	v40 =	vld [tilespmem:$0xED80];
	v5 =	vadd.f32 v52, v5;
	v1 =	vadd.f32 v4, v1  }
0x468: {  	v46 =	vld [tilespmem:$0xEDE0];
	v2 =	vadd.f32 v49, v2;
	v3 =	vadd.f32 v55, v3  }
0x469: {  	v49 =	vld [tilespmem:$0xEE10];
	v5 =	vadd.f32 v6, v5;
	v1 =	vadd.f32 v18, v1  }
0x46a: {  	v44 =	vld [tilespmem:$0xEDC0];
	v3 =	vadd.f32 v17, v3  }
0x46b: {  	v52 =	vld [tilespmem:$0xEE40];
	v5 =	vadd.f32 v50, v5;
	v1 =	vadd.f32 v56, v1  }
0x46c: {  	v43 =	vld [tilespmem:$0xEDB0];
	v2 =	vadd.f32 v57, v2;
	v3 =	vadd.f32 v53, v3  }
0x46d: {  	v57 =	vld [tilespmem:$0xEE90];
	v5 =	vadd.f32 v58, v5;
	v1 =	vadd.f32 v60, v1  }
0x46e: {  	v48 =	vld [tilespmem:$0xEE00];
	v2 =	vadd.f32 v61, v2;
	v3 =	vadd.f32 v59, v3  }
0x46f: {  	v47 =	vld [tilespmem:$0xEDF0];
	v5 =	vadd.f32 v62, v5;
	v1 =	vadd.f32 v33, v1  }
0x470: {  	v61 =	vld [tilespmem:$0xEED0];
	v2 =	vadd.f32 v34, v2;
	v3 =	vadd.f32 v63, v3  }
0x471: {  	v50 =	vld [tilespmem:$0xEE20];
	v5 =	vadd.f32 v37, v5;
	v1 =	vadd.f32 v40, v1  }
0x472: {  	v55 =	vld [tilespmem:$0xEE70];
	v2 =	vadd.f32 v41, v2;
	v3 =	vadd.f32 v38, v3  }
0x473: {  	v53 =	vld [tilespmem:$0xEE50];
	v5 =	vadd.f32 v42, v5;
	v1 =	vadd.f32 v44, v1  }
0x474: {  	v56 =	vld [tilespmem:$0xEE80];
	v2 =	vadd.f32 v45, v2;
	v3 =	vadd.f32 v43, v3  }
0x475: {  	v58 =	vld [tilespmem:$0xEEA0];
	v5 =	vadd.f32 v46, v5;
	v1 =	vadd.f32 v48, v1  }
0x476: {  	v60 =	vld [tilespmem:$0xEEC0];
	v2 =	vadd.f32 v49, v2;
	v3 =	vadd.f32 v47, v3  }
0x477: {  	v59 =	vld [tilespmem:$0xEEB0];
	v5 =	vadd.f32 v50, v5;
	v1 =	vadd.f32 v52, v1  }
0x478: {  	v62 =	vld [tilespmem:$0xEEE0];
	v2 =	vadd.f32 v53, v2;
	v3 =	vadd.f32 v51, v3  }
0x479: {  	v63 =	vld [tilespmem:$0xEEF0];
	v5 =	vadd.f32 v54, v5;
	v1 =	vadd.f32 v56, v1  }
0x47a: {  	v2 =	vadd.f32 v57, v2;
	v3 =	vadd.f32 v55, v3  }
0x47b: {  	v4 =	vadd.f32 v58, v5;
	v1 =	vadd.f32 v60, v1  }
0x47c: {  	v2 =	vadd.f32 v61, v2;
	v3 =	vadd.f32 v59, v3  }
0x47d: {  	v4 =	vadd.f32 v62, v4;
	v1 =	vmul.f32 $1.999999960e-02, v1  }
.Ltmp4:
0x47e: {  	v2 =	vmul.f32 $1.999999960e-02, v2;
	v3 =	vadd.f32 v63, v3;
	(pc) =	sbr.rel @p0 .LBB2_8-.Ltmp4, $4  }
0x47f: {  	[tilespmem:s20+$0x40] =	vst v1;
	v1 =	vmul.f32 $1.999999960e-02, v4  }
0x480: {  	[tilespmem:s20+$0x50] =	vst v2;
	v2 =	vmul.f32 $1.999999960e-02, v3  }
0x481: {  	[tilespmem:s20+$0x60] =	vst v1  }
0x482: {  	[tilespmem:s20+$0x70] =	vst v2  }
.Ltmp5:
0x483: {  	(pc) =	sbr.rel .LBB2_6-.Ltmp5, $4  }
0x484: {  	_ = 	snop  }
0x485: {  	s4 =	sshra.s32 s23, $0x2  }
0x486: {  	s23 =	sadd.s32 $0x380, s23;
	s20 =	sadd.s32 $0x100, s20;
	s4 =	sadd.s32 $0x39A8, s4  }
0x487: {  	[tilespmem:s24], [sflag:$0x8] =	stream.indirect.gather [hbm4b:s3+s31], $0x40, s4, s31, $0xb8;
	[tilespmem:$0x10F00] =	vst v63  }
.LBB2_9:
0x488: {  	_ =	sfence.sel $0x180000  }
0x489: {  	[bflag:$0x0] =	sbarrier.arrive $0xFFFF  }
0x48a: {  	_ =	strace $0x90000047  }
0x48b: {  	s0 =	stileid.u32;
	[bflag:$0x2] =	sbarrier.arrive $0xFFFF  }
0x48c: {  	p0 =	sne.s32 s0, $0x0;
	s0 =	rddreg [dreg:$0x2]  }
0x48d: {  	s0 =	sadd.s32 @!p0 $0x100000, s0  }
0x48e: {  	[sflag:s0] =	ssyncadd.tile.s32 @!p0 $0x1;
	_ =	shalt  }
.Lfunc_end2:
_tile_overlayer_lowered:
.L_overlay_start_2:
0x48f: {  	(tag) =	ssettag $0x2  }
0x490: {  	s0 =	rddreg [dreg:$0x0];
	s2 =	stileid.u32  }
0x491: {  	s1 =	rddreg [dreg:$0x1];
	p0 =	sne.s32 s2, $0x0  }
0x492: {  	s3 =	rddreg [dreg:$0x2];
	[bflag:$0x3] =	sbarrier.arrive $0xFFFF;
	s2 =	simm.s32 @!p0 $0x1C09  }
0x493: {  	[timem:s3], [sflag:s2] =	dma.local @!p0 [hbm:s0], s1  }
0x494: {  	s0 =	simm.s32 @!p0 $0x9  }
0x495: {  	_ =	swait.ge @!p0 [sflag:s0], s1  }
0x496: {  	s1 =	ssub.s32 @!p0 $0x0, s1;
	[sflag:s0] =	ssyncset.done @!p0 $0x0  }
0x497: {  	[sflag:s0] =	ssyncadd.s32 @!p0 s1  }
0x498: {  	[bflag:$0x3] =	sbarrier.arrive $0xFFFF  }
0x499: {  	_ =	shalt  }

</sc_bundles>
